<compile_context>
chip_gen: v7x
topology: tpu7x:2x2x1
jax: 0.10.2.dev20260603
libtpu: 0.0.44.dev20260713+nightly
codegen_flags: <defaults>
</compile_context>

<pallas_src>
import jax
import jax.numpy as jnp
from jax import lax
from jax.experimental import pallas as pl
from jax.experimental.pallas import tpu as pltpu
from jax.experimental.pallas import tpu_sc as plsc

N = 10000
E = 320000
DIN = 128
DH = 32
NCLS = 40

NC = 2
NS = 16
LANES = 16
NW = NC * NS
NPAD = 10240
EPW = 10240
EPAD = NW * EPW
CH = 1280
NCHUNK = EPW // CH
RPT = NPAD // NS


def _sc_mesh():
    return plsc.VectorSubcoreMesh(
        core_axis_name="c", subcore_axis_name="s",
        num_cores=NC, num_subcores=NS)


def _zero_rows(rows_v, nrows, width):
    z = jnp.zeros((LANES,), jnp.float32)
    def body(i, _):
        r4 = pl.multiple_of(i * 4, 4)
        for r in range(4):
            for j in range(width // LANES):
                rows_v[r4 + r, pl.ds(j * LANES, LANES)] = z
        return 0
    lax.fori_loop(0, nrows // 4, body, 0)


def _fill_1d(vec_v, n, value):
    v = jnp.full((LANES,), value, jnp.float32)
    def body(i, _):
        vec_v[pl.ds(pl.multiple_of(i * LANES, LANES), LANES)] = v
        return 0
    lax.fori_loop(0, n // LANES, body, 0)


def _edge_pipeline(y_hbm, src_hbm, dst_hbm, acc_sh, deg_sh,
                   idx_v, rows0, rows1, ones_v, zrow_v,
                   isem, gsem0, gsem1, s):
    c = lax.axis_index("c")
    wid = c * NS + s

    idx_copies = []
    for k in range(NCHUNK):
        base = wid * EPW + k * CH
        idx_copies.append(pltpu.async_copy(
            src_hbm.at[pl.ds(base, CH)], idx_v.at[0].at[k], isem))
        idx_copies.append(pltpu.async_copy(
            dst_hbm.at[pl.ds(base, CH)], idx_v.at[1].at[k], isem))

    _zero_rows(rows0, RPT, DH)
    strip = pl.ds(pl.multiple_of(s * RPT, RPT), RPT)
    pltpu.sync_copy(rows0.at[pl.ds(0, RPT)], acc_sh.at[strip])
    if deg_sh is not None:
        _fill_1d(ones_v, CH, 1.0)
        _fill_1d(zrow_v, RPT, 0.0)
        pltpu.sync_copy(zrow_v, deg_sh.at[strip])
    plsc.subcore_barrier()
    for cp in idx_copies:
        cp.wait()

    bufs = (rows0, rows1)
    gsems = (gsem0, gsem1)
    gathers = [None] * NCHUNK
    gathers[0] = pltpu.async_copy(y_hbm.at[idx_v.at[0].at[0]], bufs[0], gsem0)
    for k in range(NCHUNK):
        p = k % 2
        if k + 1 < NCHUNK:
            gathers[k + 1] = pltpu.async_copy(
                y_hbm.at[idx_v.at[0].at[k + 1]], bufs[1 - p], gsems[1 - p])
        gathers[k].wait()
        pltpu.sync_copy(bufs[p], acc_sh.at[idx_v.at[1].at[k]], add=True)
        if deg_sh is not None:
            pltpu.sync_copy(ones_v, deg_sh.at[idx_v.at[1].at[k]], add=True)
    plsc.subcore_barrier()
    return strip


def _agg_deg_body(y_hbm, src_hbm, dst_hbm, agg_out, deg_out,
                  idx_v, rows0, rows1, ones_v, zrow_v, acc_sh, deg_sh,
                  isem, gsem0, gsem1):
    c = lax.axis_index("c")
    s = lax.axis_index("s")
    strip = _edge_pipeline(y_hbm, src_hbm, dst_hbm, acc_sh, deg_sh,
                           idx_v, rows0, rows1, ones_v, zrow_v,
                           isem, gsem0, gsem1, s)
    pltpu.sync_copy(acc_sh.at[strip], agg_out.at[c, strip])
    pltpu.sync_copy(deg_sh.at[strip], deg_out.at[c, strip])


def _agg_body(y_hbm, src_hbm, dst_hbm, agg_out,
              idx_v, rows0, rows1, acc_sh, isem, gsem0, gsem1):
    c = lax.axis_index("c")
    s = lax.axis_index("s")
    strip = _edge_pipeline(y_hbm, src_hbm, dst_hbm, acc_sh, None,
                           idx_v, rows0, rows1, None, None,
                           isem, gsem0, gsem1, s)
    pltpu.sync_copy(acc_sh.at[strip], agg_out.at[c, strip])


def _agg_deg(y, src_p, dst_p):
    k = pl.kernel(
        _agg_deg_body,
        out_type=(jax.ShapeDtypeStruct((NC, NPAD, DH), jnp.float32),
                  jax.ShapeDtypeStruct((NC, NPAD), jnp.float32)),
        mesh=_sc_mesh(),
        compiler_params=pltpu.CompilerParams(use_tc_tiling_on_sc=False),
        scratch_types=[
            pltpu.VMEM((2, NCHUNK, CH), jnp.int32),
            pltpu.VMEM((CH, DH), jnp.float32),
            pltpu.VMEM((CH, DH), jnp.float32),
            pltpu.VMEM((CH,), jnp.float32),
            pltpu.VMEM((RPT,), jnp.float32),
            pltpu.VMEM_SHARED((NPAD, DH), jnp.float32),
            pltpu.VMEM_SHARED((NPAD,), jnp.float32),
            pltpu.SemaphoreType.DMA,
            pltpu.SemaphoreType.DMA,
            pltpu.SemaphoreType.DMA,
        ])
    return k(y, src_p, dst_p)


def _agg(y, src_p, dst_p):
    k = pl.kernel(
        _agg_body,
        out_type=jax.ShapeDtypeStruct((NC, NPAD, DH), jnp.float32),
        mesh=_sc_mesh(),
        compiler_params=pltpu.CompilerParams(use_tc_tiling_on_sc=False),
        scratch_types=[
            pltpu.VMEM((2, NCHUNK, CH), jnp.int32),
            pltpu.VMEM((CH, DH), jnp.float32),
            pltpu.VMEM((CH, DH), jnp.float32),
            pltpu.VMEM_SHARED((NPAD, DH), jnp.float32),
            pltpu.SemaphoreType.DMA,
            pltpu.SemaphoreType.DMA,
            pltpu.SemaphoreType.DMA,
        ])
    return k(y, src_p, dst_p)


RB = 5000
GRID = N // RB


def _stage_a_kernel(x_ref, ws_ref, wn_ref, s1_ref, y1_ref):
    xb = x_ref[...]
    s1_ref[...] = jnp.dot(xb, ws_ref[...], preferred_element_type=jnp.float32)
    y1_ref[...] = jnp.dot(xb, wn_ref[...], preferred_element_type=jnp.float32)


def _stage_a(x, w_self, w_neigh):
    return pl.pallas_call(
        _stage_a_kernel,
        grid=(GRID,),
        in_specs=[pl.BlockSpec((RB, DIN), lambda i: (i, 0)),
                  pl.BlockSpec((DIN, DH), lambda i: (0, 0)),
                  pl.BlockSpec((DIN, DH), lambda i: (0, 0))],
        out_specs=[pl.BlockSpec((RB, DH), lambda i: (i, 0)),
                   pl.BlockSpec((RB, DH), lambda i: (i, 0))],
        out_shape=[jax.ShapeDtypeStruct((N, DH), jnp.float32)] * 2,
    )(x, w_self, w_neigh)


def _stage_c_kernel(s1_ref, agg_ref, d0_ref, d1_ref, b1_ref, w2s_ref,
                    h_ref, s2_ref, rdeg_ref):
    deg = d0_ref[...] + d1_ref[...]
    rdeg = 1.0 / jnp.maximum(deg, 1.0)
    h = jnp.maximum(
        s1_ref[...] + (agg_ref[0] + agg_ref[1]) * rdeg + b1_ref[...], 0.0)
    h_ref[...] = h
    s2_ref[...] = jnp.dot(h, w2s_ref[...], preferred_element_type=jnp.float32)
    rdeg_ref[...] = rdeg


def _stage_c(s1, aggp, d0, d1, b1, w2_self):
    return pl.pallas_call(
        _stage_c_kernel,
        grid=(GRID,),
        in_specs=[pl.BlockSpec((RB, DH), lambda i: (i, 0)),
                  pl.BlockSpec((NC, RB, DH), lambda i: (0, i, 0)),
                  pl.BlockSpec((RB, 1), lambda i: (i, 0)),
                  pl.BlockSpec((RB, 1), lambda i: (i, 0)),
                  pl.BlockSpec((1, DH), lambda i: (0, 0)),
                  pl.BlockSpec((DH, NCLS), lambda i: (0, 0))],
        out_specs=[pl.BlockSpec((RB, DH), lambda i: (i, 0)),
                   pl.BlockSpec((RB, NCLS), lambda i: (i, 0)),
                   pl.BlockSpec((RB, 1), lambda i: (i, 0))],
        out_shape=[jax.ShapeDtypeStruct((N, DH), jnp.float32),
                   jax.ShapeDtypeStruct((N, NCLS), jnp.float32),
                   jax.ShapeDtypeStruct((N, 1), jnp.float32)],
    )(s1, aggp, d0, d1, b1, w2_self)


def _stage_e_kernel(s2_ref, agg_ref, rdeg_ref, w2n_ref, b2_ref, o_ref):
    mean = (agg_ref[0] + agg_ref[1]) * rdeg_ref[...]
    t = s2_ref[...] + jnp.dot(mean, w2n_ref[...],
                              preferred_element_type=jnp.float32) + b2_ref[...]
    m = jnp.max(t, axis=1, keepdims=True)
    lse = m + jnp.log(jnp.sum(jnp.exp(t - m), axis=1, keepdims=True))
    o_ref[...] = t - lse


def _stage_e(s2, aggp, rdeg, w2_neigh, b2):
    return pl.pallas_call(
        _stage_e_kernel,
        grid=(GRID,),
        in_specs=[pl.BlockSpec((RB, NCLS), lambda i: (i, 0)),
                  pl.BlockSpec((NC, RB, DH), lambda i: (0, i, 0)),
                  pl.BlockSpec((RB, 1), lambda i: (i, 0)),
                  pl.BlockSpec((DH, NCLS), lambda i: (0, 0)),
                  pl.BlockSpec((1, NCLS), lambda i: (0, 0))],
        out_specs=pl.BlockSpec((RB, NCLS), lambda i: (i, 0)),
        out_shape=jax.ShapeDtypeStruct((N, NCLS), jnp.float32),
    )(s2, aggp, rdeg, w2_neigh, b2)


EB = E


def _split_kernel(e_ref, s_ref, d_ref):
    e = e_ref[...]
    s_ref[pl.ds(0, E)] = e[0]
    d_ref[pl.ds(0, E)] = e[1]
    spread = lax.iota(jnp.int32, EPAD - E) % (NPAD - N)
    s_ref[pl.ds(E, EPAD - E)] = spread
    d_ref[pl.ds(E, EPAD - E)] = N + spread


def _split_edges(edge_index):
    return pl.pallas_call(
        _split_kernel,
        grid=(1,),
        in_specs=[pl.BlockSpec((2, E), lambda i: (0, 0))],
        out_specs=[pl.BlockSpec((EPAD,), lambda i: (0,)),
                   pl.BlockSpec((EPAD,), lambda i: (0,))],
        out_shape=[jax.ShapeDtypeStruct((EPAD,), jnp.int32)] * 2,
    )(edge_index)


def kernel(x, edge_index, W1_self, W1_neigh, b1, W2_self, W2_neigh, b2):
    src_p, dst_p = _split_edges(edge_index)

    s1, y1 = _stage_a(x, W1_self, W1_neigh)
    aggp, degp = _agg_deg(y1, src_p, dst_p)
    h, s2, rdeg = _stage_c(s1, aggp, degp[0, :N, None], degp[1, :N, None],
                           b1[None, :], W2_self)
    agg2 = _agg(h, src_p, dst_p)
    return _stage_e(s2, agg2, rdeg, W2_neigh, b2[None, :])

# --- scband reference (transcript-rebuilt; emitter-appended) ---
"""Pipeline reference for scband-graph-sage-35218731827719 (READ-ONLY COPY).

The authoritative reference and input builder live on the scoring server;
editing this copy changes nothing except your own understanding.
"""

import jax, jax.numpy as jnp
import numpy as np

N_NODES = 10000
N_EDGES = 320000
D_IN = 128
D_HID = 32
N_CLASSES = 40


def setup_inputs(seed: int = 0) -> dict:
    key = jax.random.key(seed)
    ks = jax.random.split(key, 8)
    x = jax.random.normal(ks[0], (N_NODES, D_IN), dtype=jnp.float32)
    edge_index = jax.random.randint(ks[1], (2, N_EDGES), 0, N_NODES, dtype=jnp.int64 if jax.config.jax_enable_x64 else jnp.int32).astype(jnp.int32)
    W1_self = jax.random.normal(ks[2], (D_IN, D_HID), dtype=jnp.float32) * (1.0 / np.sqrt(D_IN))
    W1_neigh = jax.random.normal(ks[3], (D_IN, D_HID), dtype=jnp.float32) * (1.0 / np.sqrt(D_IN))
    b1 = jnp.zeros((D_HID,), dtype=jnp.float32)
    W2_self = jax.random.normal(ks[4], (D_HID, N_CLASSES), dtype=jnp.float32) * (1.0 / np.sqrt(D_HID))
    W2_neigh = jax.random.normal(ks[5], (D_HID, N_CLASSES), dtype=jnp.float32) * (1.0 / np.sqrt(D_HID))
    b2 = jnp.zeros((N_CLASSES,), dtype=jnp.float32)
    return {"x": x, "edge_index": edge_index, "W1_self": W1_self, "W1_neigh": W1_neigh, "b1": b1, "W2_self": W2_self, "W2_neigh": W2_neigh, "b2": b2}


def _sage_conv(x, src, dst, n_nodes, W_self, W_neigh, b):
    # SAGEConv (mean aggregator): out = x @ W_self + mean_{j in N(i)} x_j @ W_neigh + b
    msg = jnp.take(x, src, axis=0)                                   # gather: [E, d]
    agg = jax.ops.segment_sum(msg, dst, num_segments=n_nodes)        # scatter-add: [N, d]
    deg = jax.ops.segment_sum(jnp.ones((src.shape[0],), x.dtype), dst, num_segments=n_nodes)
    mean = agg / jnp.clip(deg, 1.0, None)[:, None]
    return x @ W_self + mean @ W_neigh + b


def reference(x, edge_index, W1_self, W1_neigh, b1, W2_self, W2_neigh, b2):
    src = edge_index[0]
    dst = edge_index[1]
    n = x.shape[0]
    h = _sage_conv(x, src, dst, n, W1_self, W1_neigh, b1)
    h = jax.nn.relu(h)
    # dropout(p=0.5) is identity in eval mode (training=False)
    h = _sage_conv(h, src, dst, n, W2_self, W2_neigh, b2)
    return jax.nn.log_softmax(h, axis=1)

if __name__ == "__main__":
    import jax
    _d = setup_inputs()
    print(jax.jit(kernel)(*tuple(_d.values())))

</pallas_src>

<mosaic_0001>
#map = affine_map<(d0, d1) -> (0, 0)>
#map1 = affine_map<(d0, d1) -> (0)>
#map2 = affine_map<(d0, d1) -> (0, 0, 0)>
module attributes {stable_mosaic.version = 14 : i64} {
  func.func @_agg_body(%arg0: i32, %arg1: i32, %arg2: memref<10000x32xf32, #tpu.memory_space<hbm>>, %arg3: memref<327680xi32, #tpu.memory_space<hbm>>, %arg4: memref<327680xi32, #tpu.memory_space<hbm>>, %arg5: memref<2x10240x32xf32, #tpu.memory_space<hbm>>, %arg6: memref<2x8x1280xi32, #tpu.memory_space<vmem>>, %arg7: memref<1280x32xf32, #tpu.memory_space<vmem>>, %arg8: memref<1280x32xf32, #tpu.memory_space<vmem>>, %arg9: memref<10240x32xf32, #tpu.memory_space<vmem_shared>>, %arg10: memref<!tpu.dma_semaphore, #tpu.memory_space<semaphore_mem>>, %arg11: memref<!tpu.dma_semaphore, #tpu.memory_space<semaphore_mem>>, %arg12: memref<!tpu.dma_semaphore, #tpu.memory_space<semaphore_mem>>) attributes {dimension_semantics = [#tpu.dimension_semantics<core_parallel>, #tpu.dimension_semantics<subcore_parallel>], iteration_bounds = array<i64: 2, 16>, scalar_prefetch = 0 : i64, scratch_operands = 7 : i64, tpu.core_type = #tpu.core_type<sc_vector_subcore>, window_params = [{transform_indices = #map}, {transform_indices = #map1}, {transform_indices = #map1}, {transform_indices = #map2}]} {
    %mul3A = arith.constant 16 : i32
    %mul3A_0 = arith.muli %arg0, %mul3A : i32
    %add3A = arith.addi %mul3A_0, %arg1 : i32
    %mul3A_1 = arith.constant 10240 : i32
    %mul3A_2 = arith.muli %add3A, %mul3A_1 : i32
    %add3A_3 = arith.constant 0 : i32
    %add3A_4 = arith.addi %mul3A_2, %add3A_3 : i32
    %dma_start3A = arith.constant 0 : i32
    %dma_start3A_5 = arith.constant 0 : i32
    %dma_start3A_6 = arith.constant 0 : i32
    %dma_start3A_7 = arith.constant 0 : i32
    %dma_start3A_8 = tpu.memref_slice %arg6[%dma_start3A, %dma_start3A_6, %dma_start3A_7] : memref<2x8x1280xi32, #tpu.memory_space<vmem>> -> memref<1x8x1280xi32, #tpu.memory_space<vmem>>
    %dma_start3A_9 = tpu.memref_squeeze %dma_start3A_8 : memref<1x8x1280xi32, #tpu.memory_space<vmem>> -> memref<8x1280xi32, #tpu.memory_space<vmem>>
    %dma_start3A_10 = arith.constant 0 : i32
    %dma_start3A_11 = tpu.memref_slice %dma_start3A_9[%dma_start3A_5, %dma_start3A_10] : memref<8x1280xi32, #tpu.memory_space<vmem>> -> memref<1x1280xi32, #tpu.memory_space<vmem>>
    %dma_start3A_12 = tpu.memref_squeeze %dma_start3A_11 : memref<1x1280xi32, #tpu.memory_space<vmem>> -> memref<1280xi32, #tpu.memory_space<vmem>>
    %dma_start3A_13 = tpu.memref_slice %arg3[%add3A_4] : memref<327680xi32, #tpu.memory_space<hbm>> -> memref<1280xi32, #tpu.memory_space<hbm>>
    %dma_start3A_14 = arith.constant 0 : i32
    %dma_start3A_15 = arith.constant 0 : i32
    %dma_start3A_16 = tpu.memref_slice %arg6[%dma_start3A, %dma_start3A_14, %dma_start3A_15] : memref<2x8x1280xi32, #tpu.memory_space<vmem>> -> memref<1x8x1280xi32, #tpu.memory_space<vmem>>
    %dma_start3A_17 = tpu.memref_squeeze %dma_start3A_16 : memref<1x8x1280xi32, #tpu.memory_space<vmem>> -> memref<8x1280xi32, #tpu.memory_space<vmem>>
    %dma_start3A_18 = arith.constant 0 : i32
    %dma_start3A_19 = tpu.memref_slice %dma_start3A_17[%dma_start3A_5, %dma_start3A_18] : memref<8x1280xi32, #tpu.memory_space<vmem>> -> memref<1x1280xi32, #tpu.memory_space<vmem>>
    %dma_start3A_20 = tpu.memref_squeeze %dma_start3A_19 : memref<1x1280xi32, #tpu.memory_space<vmem>> -> memref<1280xi32, #tpu.memory_space<vmem>>
    %dma_start3A_21 = tpu.memref_slice %arg3[%add3A_4] : memref<327680xi32, #tpu.memory_space<hbm>> -> memref<1280xi32, #tpu.memory_space<hbm>>
    tpu.enqueue_dma source(%dma_start3A_21 : memref<1280xi32, #tpu.memory_space<hbm>>) target(%dma_start3A_20 : memref<1280xi32, #tpu.memory_space<vmem>>) target_semaphore(%arg10 : memref<!tpu.dma_semaphore, #tpu.memory_space<semaphore_mem>>)
    %dma_start3A_22 = arith.constant 1 : i32
    %dma_start3A_23 = arith.constant 0 : i32
    %dma_start3A_24 = arith.constant 0 : i32
    %dma_start3A_25 = arith.constant 0 : i32
    %dma_start3A_26 = tpu.memref_slice %arg6[%dma_start3A_22, %dma_start3A_24, %dma_start3A_25] : memref<2x8x1280xi32, #tpu.memory_space<vmem>> -> memref<1x8x1280xi32, #tpu.memory_space<vmem>>
    %dma_start3A_27 = tpu.memref_squeeze %dma_start3A_26 : memref<1x8x1280xi32, #tpu.memory_space<vmem>> -> memref<8x1280xi32, #tpu.memory_space<vmem>>
    %dma_start3A_28 = arith.constant 0 : i32
    %dma_start3A_29 = tpu.memref_slice %dma_start3A_27[%dma_start3A_23, %dma_start3A_28] : memref<8x1280xi32, #tpu.memory_space<vmem>> -> memref<1x1280xi32, #tpu.memory_space<vmem>>
    %dma_start3A_30 = tpu.memref_squeeze %dma_start3A_29 : memref<1x1280xi32, #tpu.memory_space<vmem>> -> memref<1280xi32, #tpu.memory_space<vmem>>
    %dma_start3A_31 = tpu.memref_slice %arg4[%add3A_4] : memref<327680xi32, #tpu.memory_space<hbm>> -> memref<1280xi32, #tpu.memory_space<hbm>>
    %dma_start3A_32 = arith.constant 0 : i32
    %dma_start3A_33 = arith.constant 0 : i32
    %dma_start3A_34 = tpu.memref_slice %arg6[%dma_start3A_22, %dma_start3A_32, %dma_start3A_33] : memref<2x8x1280xi32, #tpu.memory_space<vmem>> -> memref<1x8x1280xi32, #tpu.memory_space<vmem>>
    %dma_start3A_35 = tpu.memref_squeeze %dma_start3A_34 : memref<1x8x1280xi32, #tpu.memory_space<vmem>> -> memref<8x1280xi32, #tpu.memory_space<vmem>>
    %dma_start3A_36 = arith.constant 0 : i32
    %dma_start3A_37 = tpu.memref_slice %dma_start3A_35[%dma_start3A_23, %dma_start3A_36] : memref<8x1280xi32, #tpu.memory_space<vmem>> -> memref<1x1280xi32, #tpu.memory_space<vmem>>
    %dma_start3A_38 = tpu.memref_squeeze %dma_start3A_37 : memref<1x1280xi32, #tpu.memory_space<vmem>> -> memref<1280xi32, #tpu.memory_space<vmem>>
    %dma_start3A_39 = tpu.memref_slice %arg4[%add3A_4] : memref<327680xi32, #tpu.memory_space<hbm>> -> memref<1280xi32, #tpu.memory_space<hbm>>
    tpu.enqueue_dma source(%dma_start3A_39 : memref<1280xi32, #tpu.memory_space<hbm>>) target(%dma_start3A_38 : memref<1280xi32, #tpu.memory_space<vmem>>) target_semaphore(%arg10 : memref<!tpu.dma_semaphore, #tpu.memory_space<semaphore_mem>>)
    %mul3A_40 = arith.constant 10240 : i32
    %mul3A_41 = arith.muli %add3A, %mul3A_40 : i32
    %add3A_42 = arith.constant 1280 : i32
    %add3A_43 = arith.addi %mul3A_41, %add3A_42 : i32
    %dma_start3A_44 = arith.constant 0 : i32
    %dma_start3A_45 = arith.constant 1 : i32
    %dma_start3A_46 = arith.constant 0 : i32
    %dma_start3A_47 = arith.constant 0 : i32
    %dma_start3A_48 = tpu.memref_slice %arg6[%dma_start3A_44, %dma_start3A_46, %dma_start3A_47] : memref<2x8x1280xi32, #tpu.memory_space<vmem>> -> memref<1x8x1280xi32, #tpu.memory_space<vmem>>
    %dma_start3A_49 = tpu.memref_squeeze %dma_start3A_48 : memref<1x8x1280xi32, #tpu.memory_space<vmem>> -> memref<8x1280xi32, #tpu.memory_space<vmem>>
    %dma_start3A_50 = arith.constant 0 : i32
    %dma_start3A_51 = tpu.memref_slice %dma_start3A_49[%dma_start3A_45, %dma_start3A_50] : memref<8x1280xi32, #tpu.memory_space<vmem>> -> memref<1x1280xi32, #tpu.memory_space<vmem>>
    %dma_start3A_52 = tpu.memref_squeeze %dma_start3A_51 : memref<1x1280xi32, #tpu.memory_space<vmem>> -> memref<1280xi32, #tpu.memory_space<vmem>>
    %dma_start3A_53 = tpu.memref_slice %arg3[%add3A_43] : memref<327680xi32, #tpu.memory_space<hbm>> -> memref<1280xi32, #tpu.memory_space<hbm>>
    %dma_start3A_54 = arith.constant 0 : i32
    %dma_start3A_55 = arith.constant 0 : i32
    %dma_start3A_56 = tpu.memref_slice %arg6[%dma_start3A_44, %dma_start3A_54, %dma_start3A_55] : memref<2x8x1280xi32, #tpu.memory_space<vmem>> -> memref<1x8x1280xi32, #tpu.memory_space<vmem>>
    %dma_start3A_57 = tpu.memref_squeeze %dma_start3A_56 : memref<1x8x1280xi32, #tpu.memory_space<vmem>> -> memref<8x1280xi32, #tpu.memory_space<vmem>>
    %dma_start3A_58 = arith.constant 0 : i32
    %dma_start3A_59 = tpu.memref_slice %dma_start3A_57[%dma_start3A_45, %dma_start3A_58] : memref<8x1280xi32, #tpu.memory_space<vmem>> -> memref<1x1280xi32, #tpu.memory_space<vmem>>
    %dma_start3A_60 = tpu.memref_squeeze %dma_start3A_59 : memref<1x1280xi32, #tpu.memory_space<vmem>> -> memref<1280xi32, #tpu.memory_space<vmem>>
    %dma_start3A_61 = tpu.memref_slice %arg3[%add3A_43] : memref<327680xi32, #tpu.memory_space<hbm>> -> memref<1280xi32, #tpu.memory_space<hbm>>
    tpu.enqueue_dma source(%dma_start3A_61 : memref<1280xi32, #tpu.memory_space<hbm>>) target(%dma_start3A_60 : memref<1280xi32, #tpu.memory_space<vmem>>) target_semaphore(%arg10 : memref<!tpu.dma_semaphore, #tpu.memory_space<semaphore_mem>>)
    %dma_start3A_62 = arith.constant 1 : i32
    %dma_start3A_63 = arith.constant 1 : i32
    %dma_start3A_64 = arith.constant 0 : i32
    %dma_start3A_65 = arith.constant 0 : i32
    %dma_start3A_66 = tpu.memref_slice %arg6[%dma_start3A_62, %dma_start3A_64, %dma_start3A_65] : memref<2x8x1280xi32, #tpu.memory_space<vmem>> -> memref<1x8x1280xi32, #tpu.memory_space<vmem>>
    %dma_start3A_67 = tpu.memref_squeeze %dma_start3A_66 : memref<1x8x1280xi32, #tpu.memory_space<vmem>> -> memref<8x1280xi32, #tpu.memory_space<vmem>>
    %dma_start3A_68 = arith.constant 0 : i32
    %dma_start3A_69 = tpu.memref_slice %dma_start3A_67[%dma_start3A_63, %dma_start3A_68] : memref<8x1280xi32, #tpu.memory_space<vmem>> -> memref<1x1280xi32, #tpu.memory_space<vmem>>
    %dma_start3A_70 = tpu.memref_squeeze %dma_start3A_69 : memref<1x1280xi32, #tpu.memory_space<vmem>> -> memref<1280xi32, #tpu.memory_space<vmem>>
    %dma_start3A_71 = tpu.memref_slice %arg4[%add3A_43] : memref<327680xi32, #tpu.memory_space<hbm>> -> memref<1280xi32, #tpu.memory_space<hbm>>
    %dma_start3A_72 = arith.constant 0 : i32
    %dma_start3A_73 = arith.constant 0 : i32
    %dma_start3A_74 = tpu.memref_slice %arg6[%dma_start3A_62, %dma_start3A_72, %dma_start3A_73] : memref<2x8x1280xi32, #tpu.memory_space<vmem>> -> memref<1x8x1280xi32, #tpu.memory_space<vmem>>
    %dma_start3A_75 = tpu.memref_squeeze %dma_start3A_74 : memref<1x8x1280xi32, #tpu.memory_space<vmem>> -> memref<8x1280xi32, #tpu.memory_space<vmem>>
    %dma_start3A_76 = arith.constant 0 : i32
    %dma_start3A_77 = tpu.memref_slice %dma_start3A_75[%dma_start3A_63, %dma_start3A_76] : memref<8x1280xi32, #tpu.memory_space<vmem>> -> memref<1x1280xi32, #tpu.memory_space<vmem>>
    %dma_start3A_78 = tpu.memref_squeeze %dma_start3A_77 : memref<1x1280xi32, #tpu.memory_space<vmem>> -> memref<1280xi32, #tpu.memory_space<vmem>>
    %dma_start3A_79 = tpu.memref_slice %arg4[%add3A_43] : memref<327680xi32, #tpu.memory_space<hbm>> -> memref<1280xi32, #tpu.memory_space<hbm>>
    tpu.enqueue_dma source(%dma_start3A_79 : memref<1280xi32, #tpu.memory_space<hbm>>) target(%dma_start3A_78 : memref<1280xi32, #tpu.memory_space<vmem>>) target_semaphore(%arg10 : memref<!tpu.dma_semaphore, #tpu.memory_space<semaphore_mem>>)
    %mul3A_80 = arith.constant 10240 : i32
    %mul3A_81 = arith.muli %add3A, %mul3A_80 : i32
    %add3A_82 = arith.constant 2560 : i32
    %add3A_83 = arith.addi %mul3A_81, %add3A_82 : i32
    %dma_start3A_84 = arith.constant 0 : i32
    %dma_start3A_85 = arith.constant 2 : i32
    %dma_start3A_86 = arith.constant 0 : i32
    %dma_start3A_87 = arith.constant 0 : i32
    %dma_start3A_88 = tpu.memref_slice %arg6[%dma_start3A_84, %dma_start3A_86, %dma_start3A_87] : memref<2x8x1280xi32, #tpu.memory_space<vmem>> -> memref<1x8x1280xi32, #tpu.memory_space<vmem>>
    %dma_start3A_89 = tpu.memref_squeeze %dma_start3A_88 : memref<1x8x1280xi32, #tpu.memory_space<vmem>> -> memref<8x1280xi32, #tpu.memory_space<vmem>>
    %dma_start3A_90 = arith.constant 0 : i32
    %dma_start3A_91 = tpu.memref_slice %dma_start3A_89[%dma_start3A_85, %dma_start3A_90] : memref<8x1280xi32, #tpu.memory_space<vmem>> -> memref<1x1280xi32, #tpu.memory_space<vmem>>
    %dma_start3A_92 = tpu.memref_squeeze %dma_start3A_91 : memref<1x1280xi32, #tpu.memory_space<vmem>> -> memref<1280xi32, #tpu.memory_space<vmem>>
    %dma_start3A_93 = tpu.memref_slice %arg3[%add3A_83] : memref<327680xi32, #tpu.memory_space<hbm>> -> memref<1280xi32, #tpu.memory_space<hbm>>
    %dma_start3A_94 = arith.constant 0 : i32
    %dma_start3A_95 = arith.constant 0 : i32
    %dma_start3A_96 = tpu.memref_slice %arg6[%dma_start3A_84, %dma_start3A_94, %dma_start3A_95] : memref<2x8x1280xi32, #tpu.memory_space<vmem>> -> memref<1x8x1280xi32, #tpu.memory_space<vmem>>
    %dma_start3A_97 = tpu.memref_squeeze %dma_start3A_96 : memref<1x8x1280xi32, #tpu.memory_space<vmem>> -> memref<8x1280xi32, #tpu.memory_space<vmem>>
    %dma_start3A_98 = arith.constant 0 : i32
    %dma_start3A_99 = tpu.memref_slice %dma_start3A_97[%dma_start3A_85, %dma_start3A_98] : memref<8x1280xi32, #tpu.memory_space<vmem>> -> memref<1x1280xi32, #tpu.memory_space<vmem>>
    %dma_start3A_100 = tpu.memref_squeeze %dma_start3A_99 : memref<1x1280xi32, #tpu.memory_space<vmem>> -> memref<1280xi32, #tpu.memory_space<vmem>>
    %dma_start3A_101 = tpu.memref_slice %arg3[%add3A_83] : memref<327680xi32, #tpu.memory_space<hbm>> -> memref<1280xi32, #tpu.memory_space<hbm>>
    tpu.enqueue_dma source(%dma_start3A_101 : memref<1280xi32, #tpu.memory_space<hbm>>) target(%dma_start3A_100 : memref<1280xi32, #tpu.memory_space<vmem>>) target_semaphore(%arg10 : memref<!tpu.dma_semaphore, #tpu.memory_space<semaphore_mem>>)
    %dma_start3A_102 = arith.constant 1 : i32
    %dma_start3A_103 = arith.constant 2 : i32
    %dma_start3A_104 = arith.constant 0 : i32
    %dma_start3A_105 = arith.constant 0 : i32
    %dma_start3A_106 = tpu.memref_slice %arg6[%dma_start3A_102, %dma_start3A_104, %dma_start3A_105] : memref<2x8x1280xi32, #tpu.memory_space<vmem>> -> memref<1x8x1280xi32, #tpu.memory_space<vmem>>
    %dma_start3A_107 = tpu.memref_squeeze %dma_start3A_106 : memref<1x8x1280xi32, #tpu.memory_space<vmem>> -> memref<8x1280xi32, #tpu.memory_space<vmem>>
    %dma_start3A_108 = arith.constant 0 : i32
    %dma_start3A_109 = tpu.memref_slice %dma_start3A_107[%dma_start3A_103, %dma_start3A_108] : memref<8x1280xi32, #tpu.memory_space<vmem>> -> memref<1x1280xi32, #tpu.memory_space<vmem>>
    %dma_start3A_110 = tpu.memref_squeeze %dma_start3A_109 : memref<1x1280xi32, #tpu.memory_space<vmem>> -> memref<1280xi32, #tpu.memory_space<vmem>>
    %dma_start3A_111 = tpu.memref_slice %arg4[%add3A_83] : memref<327680xi32, #tpu.memory_space<hbm>> -> memref<1280xi32, #tpu.memory_space<hbm>>
    %dma_start3A_112 = arith.constant 0 : i32
    %dma_start3A_113 = arith.constant 0 : i32
    %dma_start3A_114 = tpu.memref_slice %arg6[%dma_start3A_102, %dma_start3A_112, %dma_start3A_113] : memref<2x8x1280xi32, #tpu.memory_space<vmem>> -> memref<1x8x1280xi32, #tpu.memory_space<vmem>>
    %dma_start3A_115 = tpu.memref_squeeze %dma_start3A_114 : memref<1x8x1280xi32, #tpu.memory_space<vmem>> -> memref<8x1280xi32, #tpu.memory_space<vmem>>
    %dma_start3A_116 = arith.constant 0 : i32
    %dma_start3A_117 = tpu.memref_slice %dma_start3A_115[%dma_start3A_103, %dma_start3A_116] : memref<8x1280xi32, #tpu.memory_space<vmem>> -> memref<1x1280xi32, #tpu.memory_space<vmem>>
    %dma_start3A_118 = tpu.memref_squeeze %dma_start3A_117 : memref<1x1280xi32, #tpu.memory_space<vmem>> -> memref<1280xi32, #tpu.memory_space<vmem>>
    %dma_start3A_119 = tpu.memref_slice %arg4[%add3A_83] : memref<327680xi32, #tpu.memory_space<hbm>> -> memref<1280xi32, #tpu.memory_space<hbm>>
    tpu.enqueue_dma source(%dma_start3A_119 : memref<1280xi32, #tpu.memory_space<hbm>>) target(%dma_start3A_118 : memref<1280xi32, #tpu.memory_space<vmem>>) target_semaphore(%arg10 : memref<!tpu.dma_semaphore, #tpu.memory_space<semaphore_mem>>)
    %mul3A_120 = arith.constant 10240 : i32
    %mul3A_121 = arith.muli %add3A, %mul3A_120 : i32
    %add3A_122 = arith.constant 3840 : i32
    %add3A_123 = arith.addi %mul3A_121, %add3A_122 : i32
    %dma_start3A_124 = arith.constant 0 : i32
    %dma_start3A_125 = arith.constant 3 : i32
    %dma_start3A_126 = arith.constant 0 : i32
    %dma_start3A_127 = arith.constant 0 : i32
    %dma_start3A_128 = tpu.memref_slice %arg6[%dma_start3A_124, %dma_start3A_126, %dma_start3A_127] : memref<2x8x1280xi32, #tpu.memory_space<vmem>> -> memref<1x8x1280xi32, #tpu.memory_space<vmem>>
    %dma_start3A_129 = tpu.memref_squeeze %dma_start3A_128 : memref<1x8x1280xi32, #tpu.memory_space<vmem>> -> memref<8x1280xi32, #tpu.memory_space<vmem>>
    %dma_start3A_130 = arith.constant 0 : i32
    %dma_start3A_131 = tpu.memref_slice %dma_start3A_129[%dma_start3A_125, %dma_start3A_130] : memref<8x1280xi32, #tpu.memory_space<vmem>> -> memref<1x1280xi32, #tpu.memory_space<vmem>>
    %dma_start3A_132 = tpu.memref_squeeze %dma_start3A_131 : memref<1x1280xi32, #tpu.memory_space<vmem>> -> memref<1280xi32, #tpu.memory_space<vmem>>
    %dma_start3A_133 = tpu.memref_slice %arg3[%add3A_123] : memref<327680xi32, #tpu.memory_space<hbm>> -> memref<1280xi32, #tpu.memory_space<hbm>>
    %dma_start3A_134 = arith.constant 0 : i32
    %dma_start3A_135 = arith.constant 0 : i32
    %dma_start3A_136 = tpu.memref_slice %arg6[%dma_start3A_124, %dma_start3A_134, %dma_start3A_135] : memref<2x8x1280xi32, #tpu.memory_space<vmem>> -> memref<1x8x1280xi32, #tpu.memory_space<vmem>>
    %dma_start3A_137 = tpu.memref_squeeze %dma_start3A_136 : memref<1x8x1280xi32, #tpu.memory_space<vmem>> -> memref<8x1280xi32, #tpu.memory_space<vmem>>
    %dma_start3A_138 = arith.constant 0 : i32
    %dma_start3A_139 = tpu.memref_slice %dma_start3A_137[%dma_start3A_125, %dma_start3A_138] : memref<8x1280xi32, #tpu.memory_space<vmem>> -> memref<1x1280xi32, #tpu.memory_space<vmem>>
    %dma_start3A_140 = tpu.memref_squeeze %dma_start3A_139 : memref<1x1280xi32, #tpu.memory_space<vmem>> -> memref<1280xi32, #tpu.memory_space<vmem>>
    %dma_start3A_141 = tpu.memref_slice %arg3[%add3A_123] : memref<327680xi32, #tpu.memory_space<hbm>> -> memref<1280xi32, #tpu.memory_space<hbm>>
    tpu.enqueue_dma source(%dma_start3A_141 : memref<1280xi32, #tpu.memory_space<hbm>>) target(%dma_start3A_140 : memref<1280xi32, #tpu.memory_space<vmem>>) target_semaphore(%arg10 : memref<!tpu.dma_semaphore, #tpu.memory_space<semaphore_mem>>)
    %dma_start3A_142 = arith.constant 1 : i32
    %dma_start3A_143 = arith.constant 3 : i32
    %dma_start3A_144 = arith.constant 0 : i32
    %dma_start3A_145 = arith.constant 0 : i32
    %dma_start3A_146 = tpu.memref_slice %arg6[%dma_start3A_142, %dma_start3A_144, %dma_start3A_145] : memref<2x8x1280xi32, #tpu.memory_space<vmem>> -> memref<1x8x1280xi32, #tpu.memory_space<vmem>>
    %dma_start3A_147 = tpu.memref_squeeze %dma_start3A_146 : memref<1x8x1280xi32, #tpu.memory_space<vmem>> -> memref<8x1280xi32, #tpu.memory_space<vmem>>
    %dma_start3A_148 = arith.constant 0 : i32
    %dma_start3A_149 = tpu.memref_slice %dma_start3A_147[%dma_start3A_143, %dma_start3A_148] : memref<8x1280xi32, #tpu.memory_space<vmem>> -> memref<1x1280xi32, #tpu.memory_space<vmem>>
    %dma_start3A_150 = tpu.memref_squeeze %dma_start3A_149 : memref<1x1280xi32, #tpu.memory_space<vmem>> -> memref<1280xi32, #tpu.memory_space<vmem>>
    %dma_start3A_151 = tpu.memref_slice %arg4[%add3A_123] : memref<327680xi32, #tpu.memory_space<hbm>> -> memref<1280xi32, #tpu.memory_space<hbm>>
    %dma_start3A_152 = arith.constant 0 : i32
    %dma_start3A_153 = arith.constant 0 : i32
    %dma_start3A_154 = tpu.memref_slice %arg6[%dma_start3A_142, %dma_start3A_152, %dma_start3A_153] : memref<2x8x1280xi32, #tpu.memory_space<vmem>> -> memref<1x8x1280xi32, #tpu.memory_space<vmem>>
    %dma_start3A_155 = tpu.memref_squeeze %dma_start3A_154 : memref<1x8x1280xi32, #tpu.memory_space<vmem>> -> memref<8x1280xi32, #tpu.memory_space<vmem>>
    %dma_start3A_156 = arith.constant 0 : i32
    %dma_start3A_157 = tpu.memref_slice %dma_start3A_155[%dma_start3A_143, %dma_start3A_156] : memref<8x1280xi32, #tpu.memory_space<vmem>> -> memref<1x1280xi32, #tpu.memory_space<vmem>>
    %dma_start3A_158 = tpu.memref_squeeze %dma_start3A_157 : memref<1x1280xi32, #tpu.memory_space<vmem>> -> memref<1280xi32, #tpu.memory_space<vmem>>
    %dma_start3A_159 = tpu.memref_slice %arg4[%add3A_123] : memref<327680xi32, #tpu.memory_space<hbm>> -> memref<1280xi32, #tpu.memory_space<hbm>>
    tpu.enqueue_dma source(%dma_start3A_159 : memref<1280xi32, #tpu.memory_space<hbm>>) target(%dma_start3A_158 : memref<1280xi32, #tpu.memory_space<vmem>>) target_semaphore(%arg10 : memref<!tpu.dma_semaphore, #tpu.memory_space<semaphore_mem>>)
    %mul3A_160 = arith.constant 10240 : i32
    %mul3A_161 = arith.muli %add3A, %mul3A_160 : i32
    %add3A_162 = arith.constant 5120 : i32
    %add3A_163 = arith.addi %mul3A_161, %add3A_162 : i32
    %dma_start3A_164 = arith.constant 0 : i32
    %dma_start3A_165 = arith.constant 4 : i32
    %dma_start3A_166 = arith.constant 0 : i32
    %dma_start3A_167 = arith.constant 0 : i32
    %dma_start3A_168 = tpu.memref_slice %arg6[%dma_start3A_164, %dma_start3A_166, %dma_start3A_167] : memref<2x8x1280xi32, #tpu.memory_space<vmem>> -> memref<1x8x1280xi32, #tpu.memory_space<vmem>>
    %dma_start3A_169 = tpu.memref_squeeze %dma_start3A_168 : memref<1x8x1280xi32, #tpu.memory_space<vmem>> -> memref<8x1280xi32, #tpu.memory_space<vmem>>
    %dma_start3A_170 = arith.constant 0 : i32
    %dma_start3A_171 = tpu.memref_slice %dma_start3A_169[%dma_start3A_165, %dma_start3A_170] : memref<8x1280xi32, #tpu.memory_space<vmem>> -> memref<1x1280xi32, #tpu.memory_space<vmem>>
    %dma_start3A_172 = tpu.memref_squeeze %dma_start3A_171 : memref<1x1280xi32, #tpu.memory_space<vmem>> -> memref<1280xi32, #tpu.memory_space<vmem>>
    %dma_start3A_173 = tpu.memref_slice %arg3[%add3A_163] : memref<327680xi32, #tpu.memory_space<hbm>> -> memref<1280xi32, #tpu.memory_space<hbm>>
    %dma_start3A_174 = arith.constant 0 : i32
    %dma_start3A_175 = arith.constant 0 : i32
    %dma_start3A_176 = tpu.memref_slice %arg6[%dma_start3A_164, %dma_start3A_174, %dma_start3A_175] : memref<2x8x1280xi32, #tpu.memory_space<vmem>> -> memref<1x8x1280xi32, #tpu.memory_space<vmem>>
    %dma_start3A_177 = tpu.memref_squeeze %dma_start3A_176 : memref<1x8x1280xi32, #tpu.memory_space<vmem>> -> memref<8x1280xi32, #tpu.memory_space<vmem>>
    %dma_start3A_178 = arith.constant 0 : i32
    %dma_start3A_179 = tpu.memref_slice %dma_start3A_177[%dma_start3A_165, %dma_start3A_178] : memref<8x1280xi32, #tpu.memory_space<vmem>> -> memref<1x1280xi32, #tpu.memory_space<vmem>>
    %dma_start3A_180 = tpu.memref_squeeze %dma_start3A_179 : memref<1x1280xi32, #tpu.memory_space<vmem>> -> memref<1280xi32, #tpu.memory_space<vmem>>
    %dma_start3A_181 = tpu.memref_slice %arg3[%add3A_163] : memref<327680xi32, #tpu.memory_space<hbm>> -> memref<1280xi32, #tpu.memory_space<hbm>>
    tpu.enqueue_dma source(%dma_start3A_181 : memref<1280xi32, #tpu.memory_space<hbm>>) target(%dma_start3A_180 : memref<1280xi32, #tpu.memory_space<vmem>>) target_semaphore(%arg10 : memref<!tpu.dma_semaphore, #tpu.memory_space<semaphore_mem>>)
    %dma_start3A_182 = arith.constant 1 : i32
    %dma_start3A_183 = arith.constant 4 : i32
    %dma_start3A_184 = arith.constant 0 : i32
    %dma_start3A_185 = arith.constant 0 : i32
    %dma_start3A_186 = tpu.memref_slice %arg6[%dma_start3A_182, %dma_start3A_184, %dma_start3A_185] : memref<2x8x1280xi32, #tpu.memory_space<vmem>> -> memref<1x8x1280xi32, #tpu.memory_space<vmem>>
    %dma_start3A_187 = tpu.memref_squeeze %dma_start3A_186 : memref<1x8x1280xi32, #tpu.memory_space<vmem>> -> memref<8x1280xi32, #tpu.memory_space<vmem>>
    %dma_start3A_188 = arith.constant 0 : i32
    %dma_start3A_189 = tpu.memref_slice %dma_start3A_187[%dma_start3A_183, %dma_start3A_188] : memref<8x1280xi32, #tpu.memory_space<vmem>> -> memref<1x1280xi32, #tpu.memory_space<vmem>>
    %dma_start3A_190 = tpu.memref_squeeze %dma_start3A_189 : memref<1x1280xi32, #tpu.memory_space<vmem>> -> memref<1280xi32, #tpu.memory_space<vmem>>
    %dma_start3A_191 = tpu.memref_slice %arg4[%add3A_163] : memref<327680xi32, #tpu.memory_space<hbm>> -> memref<1280xi32, #tpu.memory_space<hbm>>
    %dma_start3A_192 = arith.constant 0 : i32
    %dma_start3A_193 = arith.constant 0 : i32
    %dma_start3A_194 = tpu.memref_slice %arg6[%dma_start3A_182, %dma_start3A_192, %dma_start3A_193] : memref<2x8x1280xi32, #tpu.memory_space<vmem>> -> memref<1x8x1280xi32, #tpu.memory_space<vmem>>
    %dma_start3A_195 = tpu.memref_squeeze %dma_start3A_194 : memref<1x8x1280xi32, #tpu.memory_space<vmem>> -> memref<8x1280xi32, #tpu.memory_space<vmem>>
    %dma_start3A_196 = arith.constant 0 : i32
    %dma_start3A_197 = tpu.memref_slice %dma_start3A_195[%dma_start3A_183, %dma_start3A_196] : memref<8x1280xi32, #tpu.memory_space<vmem>> -> memref<1x1280xi32, #tpu.memory_space<vmem>>
    %dma_start3A_198 = tpu.memref_squeeze %dma_start3A_197 : memref<1x1280xi32, #tpu.memory_space<vmem>> -> memref<1280xi32, #tpu.memory_space<vmem>>
    %dma_start3A_199 = tpu.memref_slice %arg4[%add3A_163] : memref<327680xi32, #tpu.memory_space<hbm>> -> memref<1280xi32, #tpu.memory_space<hbm>>
    tpu.enqueue_dma source(%dma_start3A_199 : memref<1280xi32, #tpu.memory_space<hbm>>) target(%dma_start3A_198 : memref<1280xi32, #tpu.memory_space<vmem>>) target_semaphore(%arg10 : memref<!tpu.dma_semaphore, #tpu.memory_space<semaphore_mem>>)
    %mul3A_200 = arith.constant 10240 : i32
    %mul3A_201 = arith.muli %add3A, %mul3A_200 : i32
    %add3A_202 = arith.constant 6400 : i32
    %add3A_203 = arith.addi %mul3A_201, %add3A_202 : i32
    %dma_start3A_204 = arith.constant 0 : i32
    %dma_start3A_205 = arith.constant 5 : i32
    %dma_start3A_206 = arith.constant 0 : i32
    %dma_start3A_207 = arith.constant 0 : i32
    %dma_start3A_208 = tpu.memref_slice %arg6[%dma_start3A_204, %dma_start3A_206, %dma_start3A_207] : memref<2x8x1280xi32, #tpu.memory_space<vmem>> -> memref<1x8x1280xi32, #tpu.memory_space<vmem>>
    %dma_start3A_209 = tpu.memref_squeeze %dma_start3A_208 : memref<1x8x1280xi32, #tpu.memory_space<vmem>> -> memref<8x1280xi32, #tpu.memory_space<vmem>>
    %dma_start3A_210 = arith.constant 0 : i32
    %dma_start3A_211 = tpu.memref_slice %dma_start3A_209[%dma_start3A_205, %dma_start3A_210] : memref<8x1280xi32, #tpu.memory_space<vmem>> -> memref<1x1280xi32, #tpu.memory_space<vmem>>
    %dma_start3A_212 = tpu.memref_squeeze %dma_start3A_211 : memref<1x1280xi32, #tpu.memory_space<vmem>> -> memref<1280xi32, #tpu.memory_space<vmem>>
    %dma_start3A_213 = tpu.memref_slice %arg3[%add3A_203] : memref<327680xi32, #tpu.memory_space<hbm>> -> memref<1280xi32, #tpu.memory_space<hbm>>
    %dma_start3A_214 = arith.constant 0 : i32
    %dma_start3A_215 = arith.constant 0 : i32
    %dma_start3A_216 = tpu.memref_slice %arg6[%dma_start3A_204, %dma_start3A_214, %dma_start3A_215] : memref<2x8x1280xi32, #tpu.memory_space<vmem>> -> memref<1x8x1280xi32, #tpu.memory_space<vmem>>
    %dma_start3A_217 = tpu.memref_squeeze %dma_start3A_216 : memref<1x8x1280xi32, #tpu.memory_space<vmem>> -> memref<8x1280xi32, #tpu.memory_space<vmem>>
    %dma_start3A_218 = arith.constant 0 : i32
    %dma_start3A_219 = tpu.memref_slice %dma_start3A_217[%dma_start3A_205, %dma_start3A_218] : memref<8x1280xi32, #tpu.memory_space<vmem>> -> memref<1x1280xi32, #tpu.memory_space<vmem>>
    %dma_start3A_220 = tpu.memref_squeeze %dma_start3A_219 : memref<1x1280xi32, #tpu.memory_space<vmem>> -> memref<1280xi32, #tpu.memory_space<vmem>>
    %dma_start3A_221 = tpu.memref_slice %arg3[%add3A_203] : memref<327680xi32, #tpu.memory_space<hbm>> -> memref<1280xi32, #tpu.memory_space<hbm>>
    tpu.enqueue_dma source(%dma_start3A_221 : memref<1280xi32, #tpu.memory_space<hbm>>) target(%dma_start3A_220 : memref<1280xi32, #tpu.memory_space<vmem>>) target_semaphore(%arg10 : memref<!tpu.dma_semaphore, #tpu.memory_space<semaphore_mem>>)
    %dma_start3A_222 = arith.constant 1 : i32
    %dma_start3A_223 = arith.constant 5 : i32
    %dma_start3A_224 = arith.constant 0 : i32
    %dma_start3A_225 = arith.constant 0 : i32
    %dma_start3A_226 = tpu.memref_slice %arg6[%dma_start3A_222, %dma_start3A_224, %dma_start3A_225] : memref<2x8x1280xi32, #tpu.memory_space<vmem>> -> memref<1x8x1280xi32, #tpu.memory_space<vmem>>
    %dma_start3A_227 = tpu.memref_squeeze %dma_start3A_226 : memref<1x8x1280xi32, #tpu.memory_space<vmem>> -> memref<8x1280xi32, #tpu.memory_space<vmem>>
    %dma_start3A_228 = arith.constant 0 : i32
    %dma_start3A_229 = tpu.memref_slice %dma_start3A_227[%dma_start3A_223, %dma_start3A_228] : memref<8x1280xi32, #tpu.memory_space<vmem>> -> memref<1x1280xi32, #tpu.memory_space<vmem>>
    %dma_start3A_230 = tpu.memref_squeeze %dma_start3A_229 : memref<1x1280xi32, #tpu.memory_space<vmem>> -> memref<1280xi32, #tpu.memory_space<vmem>>
    %dma_start3A_231 = tpu.memref_slice %arg4[%add3A_203] : memref<327680xi32, #tpu.memory_space<hbm>> -> memref<1280xi32, #tpu.memory_space<hbm>>
    %dma_start3A_232 = arith.constant 0 : i32
    %dma_start3A_233 = arith.constant 0 : i32
    %dma_start3A_234 = tpu.memref_slice %arg6[%dma_start3A_222, %dma_start3A_232, %dma_start3A_233] : memref<2x8x1280xi32, #tpu.memory_space<vmem>> -> memref<1x8x1280xi32, #tpu.memory_space<vmem>>
    %dma_start3A_235 = tpu.memref_squeeze %dma_start3A_234 : memref<1x8x1280xi32, #tpu.memory_space<vmem>> -> memref<8x1280xi32, #tpu.memory_space<vmem>>
    %dma_start3A_236 = arith.constant 0 : i32
    %dma_start3A_237 = tpu.memref_slice %dma_start3A_235[%dma_start3A_223, %dma_start3A_236] : memref<8x1280xi32, #tpu.memory_space<vmem>> -> memref<1x1280xi32, #tpu.memory_space<vmem>>
    %dma_start3A_238 = tpu.memref_squeeze %dma_start3A_237 : memref<1x1280xi32, #tpu.memory_space<vmem>> -> memref<1280xi32, #tpu.memory_space<vmem>>
    %dma_start3A_239 = tpu.memref_slice %arg4[%add3A_203] : memref<327680xi32, #tpu.memory_space<hbm>> -> memref<1280xi32, #tpu.memory_space<hbm>>
    tpu.enqueue_dma source(%dma_start3A_239 : memref<1280xi32, #tpu.memory_space<hbm>>) target(%dma_start3A_238 : memref<1280xi32, #tpu.memory_space<vmem>>) target_semaphore(%arg10 : memref<!tpu.dma_semaphore, #tpu.memory_space<semaphore_mem>>)
    %mul3A_240 = arith.constant 10240 : i32
    %mul3A_241 = arith.muli %add3A, %mul3A_240 : i32
    %add3A_242 = arith.constant 7680 : i32
    %add3A_243 = arith.addi %mul3A_241, %add3A_242 : i32
    %dma_start3A_244 = arith.constant 0 : i32
    %dma_start3A_245 = arith.constant 6 : i32
    %dma_start3A_246 = arith.constant 0 : i32
    %dma_start3A_247 = arith.constant 0 : i32
    %dma_start3A_248 = tpu.memref_slice %arg6[%dma_start3A_244, %dma_start3A_246, %dma_start3A_247] : memref<2x8x1280xi32, #tpu.memory_space<vmem>> -> memref<1x8x1280xi32, #tpu.memory_space<vmem>>
    %dma_start3A_249 = tpu.memref_squeeze %dma_start3A_248 : memref<1x8x1280xi32, #tpu.memory_space<vmem>> -> memref<8x1280xi32, #tpu.memory_space<vmem>>
    %dma_start3A_250 = arith.constant 0 : i32
    %dma_start3A_251 = tpu.memref_slice %dma_start3A_249[%dma_start3A_245, %dma_start3A_250] : memref<8x1280xi32, #tpu.memory_space<vmem>> -> memref<1x1280xi32, #tpu.memory_space<vmem>>
    %dma_start3A_252 = tpu.memref_squeeze %dma_start3A_251 : memref<1x1280xi32, #tpu.memory_space<vmem>> -> memref<1280xi32, #tpu.memory_space<vmem>>
    %dma_start3A_253 = tpu.memref_slice %arg3[%add3A_243] : memref<327680xi32, #tpu.memory_space<hbm>> -> memref<1280xi32, #tpu.memory_space<hbm>>
    %dma_start3A_254 = arith.constant 0 : i32
    %dma_start3A_255 = arith.constant 0 : i32
    %dma_start3A_256 = tpu.memref_slice %arg6[%dma_start3A_244, %dma_start3A_254, %dma_start3A_255] : memref<2x8x1280xi32, #tpu.memory_space<vmem>> -> memref<1x8x1280xi32, #tpu.memory_space<vmem>>
    %dma_start3A_257 = tpu.memref_squeeze %dma_start3A_256 : memref<1x8x1280xi32, #tpu.memory_space<vmem>> -> memref<8x1280xi32, #tpu.memory_space<vmem>>
    %dma_start3A_258 = arith.constant 0 : i32
    %dma_start3A_259 = tpu.memref_slice %dma_start3A_257[%dma_start3A_245, %dma_start3A_258] : memref<8x1280xi32, #tpu.memory_space<vmem>> -> memref<1x1280xi32, #tpu.memory_space<vmem>>
    %dma_start3A_260 = tpu.memref_squeeze %dma_start3A_259 : memref<1x1280xi32, #tpu.memory_space<vmem>> -> memref<1280xi32, #tpu.memory_space<vmem>>
    %dma_start3A_261 = tpu.memref_slice %arg3[%add3A_243] : memref<327680xi32, #tpu.memory_space<hbm>> -> memref<1280xi32, #tpu.memory_space<hbm>>
    tpu.enqueue_dma source(%dma_start3A_261 : memref<1280xi32, #tpu.memory_space<hbm>>) target(%dma_start3A_260 : memref<1280xi32, #tpu.memory_space<vmem>>) target_semaphore(%arg10 : memref<!tpu.dma_semaphore, #tpu.memory_space<semaphore_mem>>)
    %dma_start3A_262 = arith.constant 1 : i32
    %dma_start3A_263 = arith.constant 6 : i32
    %dma_start3A_264 = arith.constant 0 : i32
    %dma_start3A_265 = arith.constant 0 : i32
    %dma_start3A_266 = tpu.memref_slice %arg6[%dma_start3A_262, %dma_start3A_264, %dma_start3A_265] : memref<2x8x1280xi32, #tpu.memory_space<vmem>> -> memref<1x8x1280xi32, #tpu.memory_space<vmem>>
    %dma_start3A_267 = tpu.memref_squeeze %dma_start3A_266 : memref<1x8x1280xi32, #tpu.memory_space<vmem>> -> memref<8x1280xi32, #tpu.memory_space<vmem>>
    %dma_start3A_268 = arith.constant 0 : i32
    %dma_start3A_269 = tpu.memref_slice %dma_start3A_267[%dma_start3A_263, %dma_start3A_268] : memref<8x1280xi32, #tpu.memory_space<vmem>> -> memref<1x1280xi32, #tpu.memory_space<vmem>>
    %dma_start3A_270 = tpu.memref_squeeze %dma_start3A_269 : memref<1x1280xi32, #tpu.memory_space<vmem>> -> memref<1280xi32, #tpu.memory_space<vmem>>
    %dma_start3A_271 = tpu.memref_slice %arg4[%add3A_243] : memref<327680xi32, #tpu.memory_space<hbm>> -> memref<1280xi32, #tpu.memory_space<hbm>>
    %dma_start3A_272 = arith.constant 0 : i32
    %dma_start3A_273 = arith.constant 0 : i32
    %dma_start3A_274 = tpu.memref_slice %arg6[%dma_start3A_262, %dma_start3A_272, %dma_start3A_273] : memref<2x8x1280xi32, #tpu.memory_space<vmem>> -> memref<1x8x1280xi32, #tpu.memory_space<vmem>>
    %dma_start3A_275 = tpu.memref_squeeze %dma_start3A_274 : memref<1x8x1280xi32, #tpu.memory_space<vmem>> -> memref<8x1280xi32, #tpu.memory_space<vmem>>
    %dma_start3A_276 = arith.constant 0 : i32
    %dma_start3A_277 = tpu.memref_slice %dma_start3A_275[%dma_start3A_263, %dma_start3A_276] : memref<8x1280xi32, #tpu.memory_space<vmem>> -> memref<1x1280xi32, #tpu.memory_space<vmem>>
    %dma_start3A_278 = tpu.memref_squeeze %dma_start3A_277 : memref<1x1280xi32, #tpu.memory_space<vmem>> -> memref<1280xi32, #tpu.memory_space<vmem>>
    %dma_start3A_279 = tpu.memref_slice %arg4[%add3A_243] : memref<327680xi32, #tpu.memory_space<hbm>> -> memref<1280xi32, #tpu.memory_space<hbm>>
    tpu.enqueue_dma source(%dma_start3A_279 : memref<1280xi32, #tpu.memory_space<hbm>>) target(%dma_start3A_278 : memref<1280xi32, #tpu.memory_space<vmem>>) target_semaphore(%arg10 : memref<!tpu.dma_semaphore, #tpu.memory_space<semaphore_mem>>)
    %mul3A_280 = arith.constant 10240 : i32
    %mul3A_281 = arith.muli %add3A, %mul3A_280 : i32
    %add3A_282 = arith.constant 8960 : i32
    %add3A_283 = arith.addi %mul3A_281, %add3A_282 : i32
    %dma_start3A_284 = arith.constant 0 : i32
    %dma_start3A_285 = arith.constant 7 : i32
    %dma_start3A_286 = arith.constant 0 : i32
    %dma_start3A_287 = arith.constant 0 : i32
    %dma_start3A_288 = tpu.memref_slice %arg6[%dma_start3A_284, %dma_start3A_286, %dma_start3A_287] : memref<2x8x1280xi32, #tpu.memory_space<vmem>> -> memref<1x8x1280xi32, #tpu.memory_space<vmem>>
    %dma_start3A_289 = tpu.memref_squeeze %dma_start3A_288 : memref<1x8x1280xi32, #tpu.memory_space<vmem>> -> memref<8x1280xi32, #tpu.memory_space<vmem>>
    %dma_start3A_290 = arith.constant 0 : i32
    %dma_start3A_291 = tpu.memref_slice %dma_start3A_289[%dma_start3A_285, %dma_start3A_290] : memref<8x1280xi32, #tpu.memory_space<vmem>> -> memref<1x1280xi32, #tpu.memory_space<vmem>>
    %dma_start3A_292 = tpu.memref_squeeze %dma_start3A_291 : memref<1x1280xi32, #tpu.memory_space<vmem>> -> memref<1280xi32, #tpu.memory_space<vmem>>
    %dma_start3A_293 = tpu.memref_slice %arg3[%add3A_283] : memref<327680xi32, #tpu.memory_space<hbm>> -> memref<1280xi32, #tpu.memory_space<hbm>>
    %dma_start3A_294 = arith.constant 0 : i32
    %dma_start3A_295 = arith.constant 0 : i32
    %dma_start3A_296 = tpu.memref_slice %arg6[%dma_start3A_284, %dma_start3A_294, %dma_start3A_295] : memref<2x8x1280xi32, #tpu.memory_space<vmem>> -> memref<1x8x1280xi32, #tpu.memory_space<vmem>>
    %dma_start3A_297 = tpu.memref_squeeze %dma_start3A_296 : memref<1x8x1280xi32, #tpu.memory_space<vmem>> -> memref<8x1280xi32, #tpu.memory_space<vmem>>
    %dma_start3A_298 = arith.constant 0 : i32
    %dma_start3A_299 = tpu.memref_slice %dma_start3A_297[%dma_start3A_285, %dma_start3A_298] : memref<8x1280xi32, #tpu.memory_space<vmem>> -> memref<1x1280xi32, #tpu.memory_space<vmem>>
    %dma_start3A_300 = tpu.memref_squeeze %dma_start3A_299 : memref<1x1280xi32, #tpu.memory_space<vmem>> -> memref<1280xi32, #tpu.memory_space<vmem>>
    %dma_start3A_301 = tpu.memref_slice %arg3[%add3A_283] : memref<327680xi32, #tpu.memory_space<hbm>> -> memref<1280xi32, #tpu.memory_space<hbm>>
    tpu.enqueue_dma source(%dma_start3A_301 : memref<1280xi32, #tpu.memory_space<hbm>>) target(%dma_start3A_300 : memref<1280xi32, #tpu.memory_space<vmem>>) target_semaphore(%arg10 : memref<!tpu.dma_semaphore, #tpu.memory_space<semaphore_mem>>)
    %dma_start3A_302 = arith.constant 1 : i32
    %dma_start3A_303 = arith.constant 7 : i32
    %dma_start3A_304 = arith.constant 0 : i32
    %dma_start3A_305 = arith.constant 0 : i32
    %dma_start3A_306 = tpu.memref_slice %arg6[%dma_start3A_302, %dma_start3A_304, %dma_start3A_305] : memref<2x8x1280xi32, #tpu.memory_space<vmem>> -> memref<1x8x1280xi32, #tpu.memory_space<vmem>>
    %dma_start3A_307 = tpu.memref_squeeze %dma_start3A_306 : memref<1x8x1280xi32, #tpu.memory_space<vmem>> -> memref<8x1280xi32, #tpu.memory_space<vmem>>
    %dma_start3A_308 = arith.constant 0 : i32
    %dma_start3A_309 = tpu.memref_slice %dma_start3A_307[%dma_start3A_303, %dma_start3A_308] : memref<8x1280xi32, #tpu.memory_space<vmem>> -> memref<1x1280xi32, #tpu.memory_space<vmem>>
    %dma_start3A_310 = tpu.memref_squeeze %dma_start3A_309 : memref<1x1280xi32, #tpu.memory_space<vmem>> -> memref<1280xi32, #tpu.memory_space<vmem>>
    %dma_start3A_311 = tpu.memref_slice %arg4[%add3A_283] : memref<327680xi32, #tpu.memory_space<hbm>> -> memref<1280xi32, #tpu.memory_space<hbm>>
    %dma_start3A_312 = arith.constant 0 : i32
    %dma_start3A_313 = arith.constant 0 : i32
    %dma_start3A_314 = tpu.memref_slice %arg6[%dma_start3A_302, %dma_start3A_312, %dma_start3A_313] : memref<2x8x1280xi32, #tpu.memory_space<vmem>> -> memref<1x8x1280xi32, #tpu.memory_space<vmem>>
    %dma_start3A_315 = tpu.memref_squeeze %dma_start3A_314 : memref<1x8x1280xi32, #tpu.memory_space<vmem>> -> memref<8x1280xi32, #tpu.memory_space<vmem>>
    %dma_start3A_316 = arith.constant 0 : i32
    %dma_start3A_317 = tpu.memref_slice %dma_start3A_315[%dma_start3A_303, %dma_start3A_316] : memref<8x1280xi32, #tpu.memory_space<vmem>> -> memref<1x1280xi32, #tpu.memory_space<vmem>>
    %dma_start3A_318 = tpu.memref_squeeze %dma_start3A_317 : memref<1x1280xi32, #tpu.memory_space<vmem>> -> memref<1280xi32, #tpu.memory_space<vmem>>
    %dma_start3A_319 = tpu.memref_slice %arg4[%add3A_283] : memref<327680xi32, #tpu.memory_space<hbm>> -> memref<1280xi32, #tpu.memory_space<hbm>>
    tpu.enqueue_dma source(%dma_start3A_319 : memref<1280xi32, #tpu.memory_space<hbm>>) target(%dma_start3A_318 : memref<1280xi32, #tpu.memory_space<vmem>>) target_semaphore(%arg10 : memref<!tpu.dma_semaphore, #tpu.memory_space<semaphore_mem>>)
    %broadcast_in_dim3A = arith.constant 0.000000e+00 : f32
    %broadcast_in_dim3A_320 = vector.broadcast %broadcast_in_dim3A : f32 to vector<16xf32>
    %scan3A = arith.constant 0 : i32
    %scan3A_321 = arith.constant 0 : i32
    %scan3A_322 = arith.constant 160 : i32
    %scan3A_323 = arith.addi %scan3A_321, %scan3A_322 : i32
    %scan3A_324 = arith.constant 1 : i32
    %scan3A_325 = scf.for %scan3A_824 = %scan3A_321 to %scan3A_323 step %scan3A_324 iter_args(%scan3A_825 = %scan3A) -> (i32)  : i32 {
      %mul3A_826 = arith.constant 4 : i32
      %mul3A_827 = arith.muli %scan3A_824, %mul3A_826 : i32
      %multiple_of3A_828 = tpu.assume_multiple %mul3A_827, 4 : i32
      %add3A_829 = arith.constant 0 : i32
      %add3A_830 = arith.addi %multiple_of3A_828, %add3A_829 : i32
      %swap3A = arith.index_cast %add3A_830 : i32 to index
      %swap3A_831 = arith.constant 0 : index
      %swap3A_832 = tpu.vector_load %arg7[%swap3A, %swap3A_831] {strides = array<i32>} : memref<1280x32xf32, #tpu.memory_space<vmem>>, vector<1x16xf32>,
      %swap3A_833 = vector.shape_cast %swap3A_832 : vector<1x16xf32> to vector<16xf32>
      %swap3A_834 = vector.shape_cast %broadcast_in_dim3A_320 : vector<16xf32> to vector<1x16xf32>
      tpu.vector_store %arg7[%swap3A, %swap3A_831], %swap3A_834 {strides = array<i32>} : memref<1280x32xf32, #tpu.memory_space<vmem>>, vector<1x16xf32>,
      %add3A_835 = arith.constant 0 : i32
      %add3A_836 = arith.addi %multiple_of3A_828, %add3A_835 : i32
      %swap3A_837 = arith.index_cast %add3A_836 : i32 to index
      %swap3A_838 = arith.constant 16 : index
      %swap3A_839 = tpu.vector_load %arg7[%swap3A_837, %swap3A_838] {strides = array<i32>} : memref<1280x32xf32, #tpu.memory_space<vmem>>, vector<1x16xf32>,
      %swap3A_840 = vector.shape_cast %swap3A_839 : vector<1x16xf32> to vector<16xf32>
      %swap3A_841 = vector.shape_cast %broadcast_in_dim3A_320 : vector<16xf32> to vector<1x16xf32>
      tpu.vector_store %arg7[%swap3A_837, %swap3A_838], %swap3A_841 {strides = array<i32>} : memref<1280x32xf32, #tpu.memory_space<vmem>>, vector<1x16xf32>,
      %add3A_842 = arith.constant 1 : i32
      %add3A_843 = arith.addi %multiple_of3A_828, %add3A_842 : i32
      %swap3A_844 = arith.index_cast %add3A_843 : i32 to index
      %swap3A_845 = arith.constant 0 : index
      %swap3A_846 = tpu.vector_load %arg7[%swap3A_844, %swap3A_845] {strides = array<i32>} : memref<1280x32xf32, #tpu.memory_space<vmem>>, vector<1x16xf32>,
      %swap3A_847 = vector.shape_cast %swap3A_846 : vector<1x16xf32> to vector<16xf32>
      %swap3A_848 = vector.shape_cast %broadcast_in_dim3A_320 : vector<16xf32> to vector<1x16xf32>
      tpu.vector_store %arg7[%swap3A_844, %swap3A_845], %swap3A_848 {strides = array<i32>} : memref<1280x32xf32, #tpu.memory_space<vmem>>, vector<1x16xf32>,
      %add3A_849 = arith.constant 1 : i32
      %add3A_850 = arith.addi %multiple_of3A_828, %add3A_849 : i32
      %swap3A_851 = arith.index_cast %add3A_850 : i32 to index
      %swap3A_852 = arith.constant 16 : index
      %swap3A_853 = tpu.vector_load %arg7[%swap3A_851, %swap3A_852] {strides = array<i32>} : memref<1280x32xf32, #tpu.memory_space<vmem>>, vector<1x16xf32>,
      %swap3A_854 = vector.shape_cast %swap3A_853 : vector<1x16xf32> to vector<16xf32>
      %swap3A_855 = vector.shape_cast %broadcast_in_dim3A_320 : vector<16xf32> to vector<1x16xf32>
      tpu.vector_store %arg7[%swap3A_851, %swap3A_852], %swap3A_855 {strides = array<i32>} : memref<1280x32xf32, #tpu.memory_space<vmem>>, vector<1x16xf32>,
      %add3A_856 = arith.constant 2 : i32
      %add3A_857 = arith.addi %multiple_of3A_828, %add3A_856 : i32
      %swap3A_858 = arith.index_cast %add3A_857 : i32 to index
      %swap3A_859 = arith.constant 0 : index
      %swap3A_860 = tpu.vector_load %arg7[%swap3A_858, %swap3A_859] {strides = array<i32>} : memref<1280x32xf32, #tpu.memory_space<vmem>>, vector<1x16xf32>,
      %swap3A_861 = vector.shape_cast %swap3A_860 : vector<1x16xf32> to vector<16xf32>
      %swap3A_862 = vector.shape_cast %broadcast_in_dim3A_320 : vector<16xf32> to vector<1x16xf32>
      tpu.vector_store %arg7[%swap3A_858, %swap3A_859], %swap3A_862 {strides = array<i32>} : memref<1280x32xf32, #tpu.memory_space<vmem>>, vector<1x16xf32>,
      %add3A_863 = arith.constant 2 : i32
      %add3A_864 = arith.addi %multiple_of3A_828, %add3A_863 : i32
      %swap3A_865 = arith.index_cast %add3A_864 : i32 to index
      %swap3A_866 = arith.constant 16 : index
      %swap3A_867 = tpu.vector_load %arg7[%swap3A_865, %swap3A_866] {strides = array<i32>} : memref<1280x32xf32, #tpu.memory_space<vmem>>, vector<1x16xf32>,
      %swap3A_868 = vector.shape_cast %swap3A_867 : vector<1x16xf32> to vector<16xf32>
      %swap3A_869 = vector.shape_cast %broadcast_in_dim3A_320 : vector<16xf32> to vector<1x16xf32>
      tpu.vector_store %arg7[%swap3A_865, %swap3A_866], %swap3A_869 {strides = array<i32>} : memref<1280x32xf32, #tpu.memory_space<vmem>>, vector<1x16xf32>,
      %add3A_870 = arith.constant 3 : i32
      %add3A_871 = arith.addi %multiple_of3A_828, %add3A_870 : i32
      %swap3A_872 = arith.index_cast %add3A_871 : i32 to index
      %swap3A_873 = arith.constant 0 : index
      %swap3A_874 = tpu.vector_load %arg7[%swap3A_872, %swap3A_873] {strides = array<i32>} : memref<1280x32xf32, #tpu.memory_space<vmem>>, vector<1x16xf32>,
      %swap3A_875 = vector.shape_cast %swap3A_874 : vector<1x16xf32> to vector<16xf32>
      %swap3A_876 = vector.shape_cast %broadcast_in_dim3A_320 : vector<16xf32> to vector<1x16xf32>
      tpu.vector_store %arg7[%swap3A_872, %swap3A_873], %swap3A_876 {strides = array<i32>} : memref<1280x32xf32, #tpu.memory_space<vmem>>, vector<1x16xf32>,
      %add3A_877 = arith.constant 3 : i32
      %add3A_878 = arith.addi %multiple_of3A_828, %add3A_877 : i32
      %swap3A_879 = arith.index_cast %add3A_878 : i32 to index
      %swap3A_880 = arith.constant 16 : index
      %swap3A_881 = tpu.vector_load %arg7[%swap3A_879, %swap3A_880] {strides = array<i32>} : memref<1280x32xf32, #tpu.memory_space<vmem>>, vector<1x16xf32>,
      %swap3A_882 = vector.shape_cast %swap3A_881 : vector<1x16xf32> to vector<16xf32>
      %swap3A_883 = vector.shape_cast %broadcast_in_dim3A_320 : vector<16xf32> to vector<1x16xf32>
      tpu.vector_store %arg7[%swap3A_879, %swap3A_880], %swap3A_883 {strides = array<i32>} : memref<1280x32xf32, #tpu.memory_space<vmem>>, vector<1x16xf32>,
      %scan3A_884 = arith.constant 0 : i32
      scf.yield %scan3A_884 : i32
    }
    %scan3A_326 = arith.constant 160 : i32
    %mul3A_327 = arith.constant 640 : i32
    %mul3A_328 = arith.muli %arg1, %mul3A_327 : i32
    %multiple_of3A = tpu.assume_multiple %mul3A_328, 640 : i32
    "tpu.region"() ({
      %run_scoped3A_824 = tpu.sem_alloc : memref<!tpu.dma_semaphore, #tpu.memory_space<semaphore_mem>>
      %dma_start3A_825 = arith.constant 0 : i32
      %dma_start3A_826 = arith.constant 0 : i32
      %dma_start3A_827 = tpu.memref_slice %arg7[%dma_start3A_825, %dma_start3A_826] : memref<1280x32xf32, #tpu.memory_space<vmem>> -> memref<640x32xf32, #tpu.memory_space<vmem>>
      %dma_start3A_828 = arith.constant 0 : i32
      %dma_start3A_829 = tpu.memref_slice %arg9[%multiple_of3A, %dma_start3A_828] : memref<10240x32xf32, #tpu.memory_space<vmem_shared>> -> memref<640x32xf32, #tpu.memory_space<vmem_shared>>
      %dma_start3A_830 = arith.constant 0 : i32
      %dma_start3A_831 = tpu.memref_slice %arg9[%multiple_of3A, %dma_start3A_830] : memref<10240x32xf32, #tpu.memory_space<vmem_shared>> -> memref<640x32xf32, #tpu.memory_space<vmem_shared>>
      %dma_start3A_832 = arith.constant 0 : i32
      %dma_start3A_833 = arith.constant 0 : i32
      %dma_start3A_834 = tpu.memref_slice %arg7[%dma_start3A_832, %dma_start3A_833] : memref<1280x32xf32, #tpu.memory_space<vmem>> -> memref<640x32xf32, #tpu.memory_space<vmem>>
      tpu.enqueue_dma source(%dma_start3A_834 : memref<640x32xf32, #tpu.memory_space<vmem>>) target(%dma_start3A_831 : memref<640x32xf32, #tpu.memory_space<vmem_shared>>) target_semaphore(%run_scoped3A_824 : memref<!tpu.dma_semaphore, #tpu.memory_space<semaphore_mem>>)
      %dma_wait3A_835 = arith.constant 0 : i32
      %dma_wait3A_836 = arith.constant 0 : i32
      %dma_wait3A_837 = tpu.memref_slice %arg7[%dma_wait3A_835, %dma_wait3A_836] : memref<1280x32xf32, #tpu.memory_space<vmem>> -> memref<640x32xf32, #tpu.memory_space<vmem>>
      %dma_wait3A_838 = arith.constant 0 : i32
      %dma_wait3A_839 = tpu.memref_slice %arg9[%multiple_of3A, %dma_wait3A_838] : memref<10240x32xf32, #tpu.memory_space<vmem_shared>> -> memref<640x32xf32, #tpu.memory_space<vmem_shared>>
      %dma_wait3A_840 = arith.constant 0 : i32
      %dma_wait3A_841 = tpu.memref_slice %arg9[%multiple_of3A, %dma_wait3A_840] : memref<10240x32xf32, #tpu.memory_space<vmem_shared>> -> memref<640x32xf32, #tpu.memory_space<vmem_shared>>
      %dma_wait3A_842 = arith.constant 0 : i32
      %dma_wait3A_843 = arith.constant 0 : i32
      %dma_wait3A_844 = tpu.memref_slice %arg7[%dma_wait3A_842, %dma_wait3A_843] : memref<1280x32xf32, #tpu.memory_space<vmem>> -> memref<640x32xf32, #tpu.memory_space<vmem>>
      tpu.wait_dma2 semaphore(%run_scoped3A_824 : memref<!tpu.dma_semaphore, #tpu.memory_space<semaphore_mem>>) src(%dma_wait3A_844 : memref<640x32xf32, #tpu.memory_space<vmem>>) dst(%dma_wait3A_841 : memref<640x32xf32, #tpu.memory_space<vmem_shared>>)
      tpu.yield
    }) : () -> ()
    %barrier3A = arith.constant 0 : index
    tpu.barrier barrier_id(%barrier3A)
    %dma_wait3A = arith.constant 0 : i32
    %dma_wait3A_329 = arith.constant 0 : i32
    %dma_wait3A_330 = arith.constant 0 : i32
    %dma_wait3A_331 = arith.constant 0 : i32
    %dma_wait3A_332 = tpu.memref_slice %arg6[%dma_wait3A, %dma_wait3A_330, %dma_wait3A_331] : memref<2x8x1280xi32, #tpu.memory_space<vmem>> -> memref<1x8x1280xi32, #tpu.memory_space<vmem>>
    %dma_wait3A_333 = tpu.memref_squeeze %dma_wait3A_332 : memref<1x8x1280xi32, #tpu.memory_space<vmem>> -> memref<8x1280xi32, #tpu.memory_space<vmem>>
    %dma_wait3A_334 = arith.constant 0 : i32
    %dma_wait3A_335 = tpu.memref_slice %dma_wait3A_333[%dma_wait3A_329, %dma_wait3A_334] : memref<8x1280xi32, #tpu.memory_space<vmem>> -> memref<1x1280xi32, #tpu.memory_space<vmem>>
    %dma_wait3A_336 = tpu.memref_squeeze %dma_wait3A_335 : memref<1x1280xi32, #tpu.memory_space<vmem>> -> memref<1280xi32, #tpu.memory_space<vmem>>
    %dma_wait3A_337 = tpu.memref_slice %arg3[%add3A_4] : memref<327680xi32, #tpu.memory_space<hbm>> -> memref<1280xi32, #tpu.memory_space<hbm>>
    %dma_wait3A_338 = arith.constant 0 : i32
    %dma_wait3A_339 = arith.constant 0 : i32
    %dma_wait3A_340 = tpu.memref_slice %arg6[%dma_wait3A, %dma_wait3A_338, %dma_wait3A_339] : memref<2x8x1280xi32, #tpu.memory_space<vmem>> -> memref<1x8x1280xi32, #tpu.memory_space<vmem>>
    %dma_wait3A_341 = tpu.memref_squeeze %dma_wait3A_340 : memref<1x8x1280xi32, #tpu.memory_space<vmem>> -> memref<8x1280xi32, #tpu.memory_space<vmem>>
    %dma_wait3A_342 = arith.constant 0 : i32
    %dma_wait3A_343 = tpu.memref_slice %dma_wait3A_341[%dma_wait3A_329, %dma_wait3A_342] : memref<8x1280xi32, #tpu.memory_space<vmem>> -> memref<1x1280xi32, #tpu.memory_space<vmem>>
    %dma_wait3A_344 = tpu.memref_squeeze %dma_wait3A_343 : memref<1x1280xi32, #tpu.memory_space<vmem>> -> memref<1280xi32, #tpu.memory_space<vmem>>
    %dma_wait3A_345 = tpu.memref_slice %arg3[%add3A_4] : memref<327680xi32, #tpu.memory_space<hbm>> -> memref<1280xi32, #tpu.memory_space<hbm>>
    tpu.wait_dma2 semaphore(%arg10 : memref<!tpu.dma_semaphore, #tpu.memory_space<semaphore_mem>>) src(%dma_wait3A_345 : memref<1280xi32, #tpu.memory_space<hbm>>) dst(%dma_wait3A_344 : memref<1280xi32, #tpu.memory_space<vmem>>)
    %dma_wait3A_346 = arith.constant 1 : i32
    %dma_wait3A_347 = arith.constant 0 : i32
    %dma_wait3A_348 = arith.constant 0 : i32
    %dma_wait3A_349 = arith.constant 0 : i32
    %dma_wait3A_350 = tpu.memref_slice %arg6[%dma_wait3A_346, %dma_wait3A_348, %dma_wait3A_349] : memref<2x8x1280xi32, #tpu.memory_space<vmem>> -> memref<1x8x1280xi32, #tpu.memory_space<vmem>>
    %dma_wait3A_351 = tpu.memref_squeeze %dma_wait3A_350 : memref<1x8x1280xi32, #tpu.memory_space<vmem>> -> memref<8x1280xi32, #tpu.memory_space<vmem>>
    %dma_wait3A_352 = arith.constant 0 : i32
    %dma_wait3A_353 = tpu.memref_slice %dma_wait3A_351[%dma_wait3A_347, %dma_wait3A_352] : memref<8x1280xi32, #tpu.memory_space<vmem>> -> memref<1x1280xi32, #tpu.memory_space<vmem>>
    %dma_wait3A_354 = tpu.memref_squeeze %dma_wait3A_353 : memref<1x1280xi32, #tpu.memory_space<vmem>> -> memref<1280xi32, #tpu.memory_space<vmem>>
    %dma_wait3A_355 = tpu.memref_slice %arg4[%add3A_4] : memref<327680xi32, #tpu.memory_space<hbm>> -> memref<1280xi32, #tpu.memory_space<hbm>>
    %dma_wait3A_356 = arith.constant 0 : i32
    %dma_wait3A_357 = arith.constant 0 : i32
    %dma_wait3A_358 = tpu.memref_slice %arg6[%dma_wait3A_346, %dma_wait3A_356, %dma_wait3A_357] : memref<2x8x1280xi32, #tpu.memory_space<vmem>> -> memref<1x8x1280xi32, #tpu.memory_space<vmem>>
    %dma_wait3A_359 = tpu.memref_squeeze %dma_wait3A_358 : memref<1x8x1280xi32, #tpu.memory_space<vmem>> -> memref<8x1280xi32, #tpu.memory_space<vmem>>
    %dma_wait3A_360 = arith.constant 0 : i32
    %dma_wait3A_361 = tpu.memref_slice %dma_wait3A_359[%dma_wait3A_347, %dma_wait3A_360] : memref<8x1280xi32, #tpu.memory_space<vmem>> -> memref<1x1280xi32, #tpu.memory_space<vmem>>
    %dma_wait3A_362 = tpu.memref_squeeze %dma_wait3A_361 : memref<1x1280xi32, #tpu.memory_space<vmem>> -> memref<1280xi32, #tpu.memory_space<vmem>>
    %dma_wait3A_363 = tpu.memref_slice %arg4[%add3A_4] : memref<327680xi32, #tpu.memory_space<hbm>> -> memref<1280xi32, #tpu.memory_space<hbm>>
    tpu.wait_dma2 semaphore(%arg10 : memref<!tpu.dma_semaphore, #tpu.memory_space<semaphore_mem>>) src(%dma_wait3A_363 : memref<1280xi32, #tpu.memory_space<hbm>>) dst(%dma_wait3A_362 : memref<1280xi32, #tpu.memory_space<vmem>>)
    %dma_wait3A_364 = arith.constant 0 : i32
    %dma_wait3A_365 = arith.constant 1 : i32
    %dma_wait3A_366 = arith.constant 0 : i32
    %dma_wait3A_367 = arith.constant 0 : i32
    %dma_wait3A_368 = tpu.memref_slice %arg6[%dma_wait3A_364, %dma_wait3A_366, %dma_wait3A_367] : memref<2x8x1280xi32, #tpu.memory_space<vmem>> -> memref<1x8x1280xi32, #tpu.memory_space<vmem>>
    %dma_wait3A_369 = tpu.memref_squeeze %dma_wait3A_368 : memref<1x8x1280xi32, #tpu.memory_space<vmem>> -> memref<8x1280xi32, #tpu.memory_space<vmem>>
    %dma_wait3A_370 = arith.constant 0 : i32
    %dma_wait3A_371 = tpu.memref_slice %dma_wait3A_369[%dma_wait3A_365, %dma_wait3A_370] : memref<8x1280xi32, #tpu.memory_space<vmem>> -> memref<1x1280xi32, #tpu.memory_space<vmem>>
    %dma_wait3A_372 = tpu.memref_squeeze %dma_wait3A_371 : memref<1x1280xi32, #tpu.memory_space<vmem>> -> memref<1280xi32, #tpu.memory_space<vmem>>
    %dma_wait3A_373 = tpu.memref_slice %arg3[%add3A_43] : memref<327680xi32, #tpu.memory_space<hbm>> -> memref<1280xi32, #tpu.memory_space<hbm>>
    %dma_wait3A_374 = arith.constant 0 : i32
    %dma_wait3A_375 = arith.constant 0 : i32
    %dma_wait3A_376 = tpu.memref_slice %arg6[%dma_wait3A_364, %dma_wait3A_374, %dma_wait3A_375] : memref<2x8x1280xi32, #tpu.memory_space<vmem>> -> memref<1x8x1280xi32, #tpu.memory_space<vmem>>
    %dma_wait3A_377 = tpu.memref_squeeze %dma_wait3A_376 : memref<1x8x1280xi32, #tpu.memory_space<vmem>> -> memref<8x1280xi32, #tpu.memory_space<vmem>>
    %dma_wait3A_378 = arith.constant 0 : i32
    %dma_wait3A_379 = tpu.memref_slice %dma_wait3A_377[%dma_wait3A_365, %dma_wait3A_378] : memref<8x1280xi32, #tpu.memory_space<vmem>> -> memref<1x1280xi32, #tpu.memory_space<vmem>>
    %dma_wait3A_380 = tpu.memref_squeeze %dma_wait3A_379 : memref<1x1280xi32, #tpu.memory_space<vmem>> -> memref<1280xi32, #tpu.memory_space<vmem>>
    %dma_wait3A_381 = tpu.memref_slice %arg3[%add3A_43] : memref<327680xi32, #tpu.memory_space<hbm>> -> memref<1280xi32, #tpu.memory_space<hbm>>
    tpu.wait_dma2 semaphore(%arg10 : memref<!tpu.dma_semaphore, #tpu.memory_space<semaphore_mem>>) src(%dma_wait3A_381 : memref<1280xi32, #tpu.memory_space<hbm>>) dst(%dma_wait3A_380 : memref<1280xi32, #tpu.memory_space<vmem>>)
    %dma_wait3A_382 = arith.constant 1 : i32
    %dma_wait3A_383 = arith.constant 1 : i32
    %dma_wait3A_384 = arith.constant 0 : i32
    %dma_wait3A_385 = arith.constant 0 : i32
    %dma_wait3A_386 = tpu.memref_slice %arg6[%dma_wait3A_382, %dma_wait3A_384, %dma_wait3A_385] : memref<2x8x1280xi32, #tpu.memory_space<vmem>> -> memref<1x8x1280xi32, #tpu.memory_space<vmem>>
    %dma_wait3A_387 = tpu.memref_squeeze %dma_wait3A_386 : memref<1x8x1280xi32, #tpu.memory_space<vmem>> -> memref<8x1280xi32, #tpu.memory_space<vmem>>
    %dma_wait3A_388 = arith.constant 0 : i32
    %dma_wait3A_389 = tpu.memref_slice %dma_wait3A_387[%dma_wait3A_383, %dma_wait3A_388] : memref<8x1280xi32, #tpu.memory_space<vmem>> -> memref<1x1280xi32, #tpu.memory_space<vmem>>
    %dma_wait3A_390 = tpu.memref_squeeze %dma_wait3A_389 : memref<1x1280xi32, #tpu.memory_space<vmem>> -> memref<1280xi32, #tpu.memory_space<vmem>>
    %dma_wait3A_391 = tpu.memref_slice %arg4[%add3A_43] : memref<327680xi32, #tpu.memory_space<hbm>> -> memref<1280xi32, #tpu.memory_space<hbm>>
    %dma_wait3A_392 = arith.constant 0 : i32
    %dma_wait3A_393 = arith.constant 0 : i32
    %dma_wait3A_394 = tpu.memref_slice %arg6[%dma_wait3A_382, %dma_wait3A_392, %dma_wait3A_393] : memref<2x8x1280xi32, #tpu.memory_space<vmem>> -> memref<1x8x1280xi32, #tpu.memory_space<vmem>>
    %dma_wait3A_395 = tpu.memref_squeeze %dma_wait3A_394 : memref<1x8x1280xi32, #tpu.memory_space<vmem>> -> memref<8x1280xi32, #tpu.memory_space<vmem>>
    %dma_wait3A_396 = arith.constant 0 : i32
    %dma_wait3A_397 = tpu.memref_slice %dma_wait3A_395[%dma_wait3A_383, %dma_wait3A_396] : memref<8x1280xi32, #tpu.memory_space<vmem>> -> memref<1x1280xi32, #tpu.memory_space<vmem>>
    %dma_wait3A_398 = tpu.memref_squeeze %dma_wait3A_397 : memref<1x1280xi32, #tpu.memory_space<vmem>> -> memref<1280xi32, #tpu.memory_space<vmem>>
    %dma_wait3A_399 = tpu.memref_slice %arg4[%add3A_43] : memref<327680xi32, #tpu.memory_space<hbm>> -> memref<1280xi32, #tpu.memory_space<hbm>>
    tpu.wait_dma2 semaphore(%arg10 : memref<!tpu.dma_semaphore, #tpu.memory_space<semaphore_mem>>) src(%dma_wait3A_399 : memref<1280xi32, #tpu.memory_space<hbm>>) dst(%dma_wait3A_398 : memref<1280xi32, #tpu.memory_space<vmem>>)
    %dma_wait3A_400 = arith.constant 0 : i32
    %dma_wait3A_401 = arith.constant 2 : i32
    %dma_wait3A_402 = arith.constant 0 : i32
    %dma_wait3A_403 = arith.constant 0 : i32
    %dma_wait3A_404 = tpu.memref_slice %arg6[%dma_wait3A_400, %dma_wait3A_402, %dma_wait3A_403] : memref<2x8x1280xi32, #tpu.memory_space<vmem>> -> memref<1x8x1280xi32, #tpu.memory_space<vmem>>
    %dma_wait3A_405 = tpu.memref_squeeze %dma_wait3A_404 : memref<1x8x1280xi32, #tpu.memory_space<vmem>> -> memref<8x1280xi32, #tpu.memory_space<vmem>>
    %dma_wait3A_406 = arith.constant 0 : i32
    %dma_wait3A_407 = tpu.memref_slice %dma_wait3A_405[%dma_wait3A_401, %dma_wait3A_406] : memref<8x1280xi32, #tpu.memory_space<vmem>> -> memref<1x1280xi32, #tpu.memory_space<vmem>>
    %dma_wait3A_408 = tpu.memref_squeeze %dma_wait3A_407 : memref<1x1280xi32, #tpu.memory_space<vmem>> -> memref<1280xi32, #tpu.memory_space<vmem>>
    %dma_wait3A_409 = tpu.memref_slice %arg3[%add3A_83] : memref<327680xi32, #tpu.memory_space<hbm>> -> memref<1280xi32, #tpu.memory_space<hbm>>
    %dma_wait3A_410 = arith.constant 0 : i32
    %dma_wait3A_411 = arith.constant 0 : i32
    %dma_wait3A_412 = tpu.memref_slice %arg6[%dma_wait3A_400, %dma_wait3A_410, %dma_wait3A_411] : memref<2x8x1280xi32, #tpu.memory_space<vmem>> -> memref<1x8x1280xi32, #tpu.memory_space<vmem>>
    %dma_wait3A_413 = tpu.memref_squeeze %dma_wait3A_412 : memref<1x8x1280xi32, #tpu.memory_space<vmem>> -> memref<8x1280xi32, #tpu.memory_space<vmem>>
    %dma_wait3A_414 = arith.constant 0 : i32
    %dma_wait3A_415 = tpu.memref_slice %dma_wait3A_413[%dma_wait3A_401, %dma_wait3A_414] : memref<8x1280xi32, #tpu.memory_space<vmem>> -> memref<1x1280xi32, #tpu.memory_space<vmem>>
    %dma_wait3A_416 = tpu.memref_squeeze %dma_wait3A_415 : memref<1x1280xi32, #tpu.memory_space<vmem>> -> memref<1280xi32, #tpu.memory_space<vmem>>
    %dma_wait3A_417 = tpu.memref_slice %arg3[%add3A_83] : memref<327680xi32, #tpu.memory_space<hbm>> -> memref<1280xi32, #tpu.memory_space<hbm>>
    tpu.wait_dma2 semaphore(%arg10 : memref<!tpu.dma_semaphore, #tpu.memory_space<semaphore_mem>>) src(%dma_wait3A_417 : memref<1280xi32, #tpu.memory_space<hbm>>) dst(%dma_wait3A_416 : memref<1280xi32, #tpu.memory_space<vmem>>)
    %dma_wait3A_418 = arith.constant 1 : i32
    %dma_wait3A_419 = arith.constant 2 : i32
    %dma_wait3A_420 = arith.constant 0 : i32
    %dma_wait3A_421 = arith.constant 0 : i32
    %dma_wait3A_422 = tpu.memref_slice %arg6[%dma_wait3A_418, %dma_wait3A_420, %dma_wait3A_421] : memref<2x8x1280xi32, #tpu.memory_space<vmem>> -> memref<1x8x1280xi32, #tpu.memory_space<vmem>>
    %dma_wait3A_423 = tpu.memref_squeeze %dma_wait3A_422 : memref<1x8x1280xi32, #tpu.memory_space<vmem>> -> memref<8x1280xi32, #tpu.memory_space<vmem>>
    %dma_wait3A_424 = arith.constant 0 : i32
    %dma_wait3A_425 = tpu.memref_slice %dma_wait3A_423[%dma_wait3A_419, %dma_wait3A_424] : memref<8x1280xi32, #tpu.memory_space<vmem>> -> memref<1x1280xi32, #tpu.memory_space<vmem>>
    %dma_wait3A_426 = tpu.memref_squeeze %dma_wait3A_425 : memref<1x1280xi32, #tpu.memory_space<vmem>> -> memref<1280xi32, #tpu.memory_space<vmem>>
    %dma_wait3A_427 = tpu.memref_slice %arg4[%add3A_83] : memref<327680xi32, #tpu.memory_space<hbm>> -> memref<1280xi32, #tpu.memory_space<hbm>>
    %dma_wait3A_428 = arith.constant 0 : i32
    %dma_wait3A_429 = arith.constant 0 : i32
    %dma_wait3A_430 = tpu.memref_slice %arg6[%dma_wait3A_418, %dma_wait3A_428, %dma_wait3A_429] : memref<2x8x1280xi32, #tpu.memory_space<vmem>> -> memref<1x8x1280xi32, #tpu.memory_space<vmem>>
    %dma_wait3A_431 = tpu.memref_squeeze %dma_wait3A_430 : memref<1x8x1280xi32, #tpu.memory_space<vmem>> -> memref<8x1280xi32, #tpu.memory_space<vmem>>
    %dma_wait3A_432 = arith.constant 0 : i32
    %dma_wait3A_433 = tpu.memref_slice %dma_wait3A_431[%dma_wait3A_419, %dma_wait3A_432] : memref<8x1280xi32, #tpu.memory_space<vmem>> -> memref<1x1280xi32, #tpu.memory_space<vmem>>
    %dma_wait3A_434 = tpu.memref_squeeze %dma_wait3A_433 : memref<1x1280xi32, #tpu.memory_space<vmem>> -> memref<1280xi32, #tpu.memory_space<vmem>>
    %dma_wait3A_435 = tpu.memref_slice %arg4[%add3A_83] : memref<327680xi32, #tpu.memory_space<hbm>> -> memref<1280xi32, #tpu.memory_space<hbm>>
    tpu.wait_dma2 semaphore(%arg10 : memref<!tpu.dma_semaphore, #tpu.memory_space<semaphore_mem>>) src(%dma_wait3A_435 : memref<1280xi32, #tpu.memory_space<hbm>>) dst(%dma_wait3A_434 : memref<1280xi32, #tpu.memory_space<vmem>>)
    %dma_wait3A_436 = arith.constant 0 : i32
    %dma_wait3A_437 = arith.constant 3 : i32
    %dma_wait3A_438 = arith.constant 0 : i32
    %dma_wait3A_439 = arith.constant 0 : i32
    %dma_wait3A_440 = tpu.memref_slice %arg6[%dma_wait3A_436, %dma_wait3A_438, %dma_wait3A_439] : memref<2x8x1280xi32, #tpu.memory_space<vmem>> -> memref<1x8x1280xi32, #tpu.memory_space<vmem>>
    %dma_wait3A_441 = tpu.memref_squeeze %dma_wait3A_440 : memref<1x8x1280xi32, #tpu.memory_space<vmem>> -> memref<8x1280xi32, #tpu.memory_space<vmem>>
    %dma_wait3A_442 = arith.constant 0 : i32
    %dma_wait3A_443 = tpu.memref_slice %dma_wait3A_441[%dma_wait3A_437, %dma_wait3A_442] : memref<8x1280xi32, #tpu.memory_space<vmem>> -> memref<1x1280xi32, #tpu.memory_space<vmem>>
    %dma_wait3A_444 = tpu.memref_squeeze %dma_wait3A_443 : memref<1x1280xi32, #tpu.memory_space<vmem>> -> memref<1280xi32, #tpu.memory_space<vmem>>
    %dma_wait3A_445 = tpu.memref_slice %arg3[%add3A_123] : memref<327680xi32, #tpu.memory_space<hbm>> -> memref<1280xi32, #tpu.memory_space<hbm>>
    %dma_wait3A_446 = arith.constant 0 : i32
    %dma_wait3A_447 = arith.constant 0 : i32
    %dma_wait3A_448 = tpu.memref_slice %arg6[%dma_wait3A_436, %dma_wait3A_446, %dma_wait3A_447] : memref<2x8x1280xi32, #tpu.memory_space<vmem>> -> memref<1x8x1280xi32, #tpu.memory_space<vmem>>
    %dma_wait3A_449 = tpu.memref_squeeze %dma_wait3A_448 : memref<1x8x1280xi32, #tpu.memory_space<vmem>> -> memref<8x1280xi32, #tpu.memory_space<vmem>>
    %dma_wait3A_450 = arith.constant 0 : i32
    %dma_wait3A_451 = tpu.memref_slice %dma_wait3A_449[%dma_wait3A_437, %dma_wait3A_450] : memref<8x1280xi32, #tpu.memory_space<vmem>> -> memref<1x1280xi32, #tpu.memory_space<vmem>>
    %dma_wait3A_452 = tpu.memref_squeeze %dma_wait3A_451 : memref<1x1280xi32, #tpu.memory_space<vmem>> -> memref<1280xi32, #tpu.memory_space<vmem>>
    %dma_wait3A_453 = tpu.memref_slice %arg3[%add3A_123] : memref<327680xi32, #tpu.memory_space<hbm>> -> memref<1280xi32, #tpu.memory_space<hbm>>
    tpu.wait_dma2 semaphore(%arg10 : memref<!tpu.dma_semaphore, #tpu.memory_space<semaphore_mem>>) src(%dma_wait3A_453 : memref<1280xi32, #tpu.memory_space<hbm>>) dst(%dma_wait3A_452 : memref<1280xi32, #tpu.memory_space<vmem>>)
    %dma_wait3A_454 = arith.constant 1 : i32
    %dma_wait3A_455 = arith.constant 3 : i32
    %dma_wait3A_456 = arith.constant 0 : i32
    %dma_wait3A_457 = arith.constant 0 : i32
    %dma_wait3A_458 = tpu.memref_slice %arg6[%dma_wait3A_454, %dma_wait3A_456, %dma_wait3A_457] : memref<2x8x1280xi32, #tpu.memory_space<vmem>> -> memref<1x8x1280xi32, #tpu.memory_space<vmem>>
    %dma_wait3A_459 = tpu.memref_squeeze %dma_wait3A_458 : memref<1x8x1280xi32, #tpu.memory_space<vmem>> -> memref<8x1280xi32, #tpu.memory_space<vmem>>
    %dma_wait3A_460 = arith.constant 0 : i32
    %dma_wait3A_461 = tpu.memref_slice %dma_wait3A_459[%dma_wait3A_455, %dma_wait3A_460] : memref<8x1280xi32, #tpu.memory_space<vmem>> -> memref<1x1280xi32, #tpu.memory_space<vmem>>
    %dma_wait3A_462 = tpu.memref_squeeze %dma_wait3A_461 : memref<1x1280xi32, #tpu.memory_space<vmem>> -> memref<1280xi32, #tpu.memory_space<vmem>>
    %dma_wait3A_463 = tpu.memref_slice %arg4[%add3A_123] : memref<327680xi32, #tpu.memory_space<hbm>> -> memref<1280xi32, #tpu.memory_space<hbm>>
    %dma_wait3A_464 = arith.constant 0 : i32
    %dma_wait3A_465 = arith.constant 0 : i32
    %dma_wait3A_466 = tpu.memref_slice %arg6[%dma_wait3A_454, %dma_wait3A_464, %dma_wait3A_465] : memref<2x8x1280xi32, #tpu.memory_space<vmem>> -> memref<1x8x1280xi32, #tpu.memory_space<vmem>>
    %dma_wait3A_467 = tpu.memref_squeeze %dma_wait3A_466 : memref<1x8x1280xi32, #tpu.memory_space<vmem>> -> memref<8x1280xi32, #tpu.memory_space<vmem>>
    %dma_wait3A_468 = arith.constant 0 : i32
    %dma_wait3A_469 = tpu.memref_slice %dma_wait3A_467[%dma_wait3A_455, %dma_wait3A_468] : memref<8x1280xi32, #tpu.memory_space<vmem>> -> memref<1x1280xi32, #tpu.memory_space<vmem>>
    %dma_wait3A_470 = tpu.memref_squeeze %dma_wait3A_469 : memref<1x1280xi32, #tpu.memory_space<vmem>> -> memref<1280xi32, #tpu.memory_space<vmem>>
    %dma_wait3A_471 = tpu.memref_slice %arg4[%add3A_123] : memref<327680xi32, #tpu.memory_space<hbm>> -> memref<1280xi32, #tpu.memory_space<hbm>>
    tpu.wait_dma2 semaphore(%arg10 : memref<!tpu.dma_semaphore, #tpu.memory_space<semaphore_mem>>) src(%dma_wait3A_471 : memref<1280xi32, #tpu.memory_space<hbm>>) dst(%dma_wait3A_470 : memref<1280xi32, #tpu.memory_space<vmem>>)
    %dma_wait3A_472 = arith.constant 0 : i32
    %dma_wait3A_473 = arith.constant 4 : i32
    %dma_wait3A_474 = arith.constant 0 : i32
    %dma_wait3A_475 = arith.constant 0 : i32
    %dma_wait3A_476 = tpu.memref_slice %arg6[%dma_wait3A_472, %dma_wait3A_474, %dma_wait3A_475] : memref<2x8x1280xi32, #tpu.memory_space<vmem>> -> memref<1x8x1280xi32, #tpu.memory_space<vmem>>
    %dma_wait3A_477 = tpu.memref_squeeze %dma_wait3A_476 : memref<1x8x1280xi32, #tpu.memory_space<vmem>> -> memref<8x1280xi32, #tpu.memory_space<vmem>>
    %dma_wait3A_478 = arith.constant 0 : i32
    %dma_wait3A_479 = tpu.memref_slice %dma_wait3A_477[%dma_wait3A_473, %dma_wait3A_478] : memref<8x1280xi32, #tpu.memory_space<vmem>> -> memref<1x1280xi32, #tpu.memory_space<vmem>>
    %dma_wait3A_480 = tpu.memref_squeeze %dma_wait3A_479 : memref<1x1280xi32, #tpu.memory_space<vmem>> -> memref<1280xi32, #tpu.memory_space<vmem>>
    %dma_wait3A_481 = tpu.memref_slice %arg3[%add3A_163] : memref<327680xi32, #tpu.memory_space<hbm>> -> memref<1280xi32, #tpu.memory_space<hbm>>
    %dma_wait3A_482 = arith.constant 0 : i32
    %dma_wait3A_483 = arith.constant 0 : i32
    %dma_wait3A_484 = tpu.memref_slice %arg6[%dma_wait3A_472, %dma_wait3A_482, %dma_wait3A_483] : memref<2x8x1280xi32, #tpu.memory_space<vmem>> -> memref<1x8x1280xi32, #tpu.memory_space<vmem>>
    %dma_wait3A_485 = tpu.memref_squeeze %dma_wait3A_484 : memref<1x8x1280xi32, #tpu.memory_space<vmem>> -> memref<8x1280xi32, #tpu.memory_space<vmem>>
    %dma_wait3A_486 = arith.constant 0 : i32
    %dma_wait3A_487 = tpu.memref_slice %dma_wait3A_485[%dma_wait3A_473, %dma_wait3A_486] : memref<8x1280xi32, #tpu.memory_space<vmem>> -> memref<1x1280xi32, #tpu.memory_space<vmem>>
    %dma_wait3A_488 = tpu.memref_squeeze %dma_wait3A_487 : memref<1x1280xi32, #tpu.memory_space<vmem>> -> memref<1280xi32, #tpu.memory_space<vmem>>
    %dma_wait3A_489 = tpu.memref_slice %arg3[%add3A_163] : memref<327680xi32, #tpu.memory_space<hbm>> -> memref<1280xi32, #tpu.memory_space<hbm>>
    tpu.wait_dma2 semaphore(%arg10 : memref<!tpu.dma_semaphore, #tpu.memory_space<semaphore_mem>>) src(%dma_wait3A_489 : memref<1280xi32, #tpu.memory_space<hbm>>) dst(%dma_wait3A_488 : memref<1280xi32, #tpu.memory_space<vmem>>)
    %dma_wait3A_490 = arith.constant 1 : i32
    %dma_wait3A_491 = arith.constant 4 : i32
    %dma_wait3A_492 = arith.constant 0 : i32
    %dma_wait3A_493 = arith.constant 0 : i32
    %dma_wait3A_494 = tpu.memref_slice %arg6[%dma_wait3A_490, %dma_wait3A_492, %dma_wait3A_493] : memref<2x8x1280xi32, #tpu.memory_space<vmem>> -> memref<1x8x1280xi32, #tpu.memory_space<vmem>>
    %dma_wait3A_495 = tpu.memref_squeeze %dma_wait3A_494 : memref<1x8x1280xi32, #tpu.memory_space<vmem>> -> memref<8x1280xi32, #tpu.memory_space<vmem>>
    %dma_wait3A_496 = arith.constant 0 : i32
    %dma_wait3A_497 = tpu.memref_slice %dma_wait3A_495[%dma_wait3A_491, %dma_wait3A_496] : memref<8x1280xi32, #tpu.memory_space<vmem>> -> memref<1x1280xi32, #tpu.memory_space<vmem>>
    %dma_wait3A_498 = tpu.memref_squeeze %dma_wait3A_497 : memref<1x1280xi32, #tpu.memory_space<vmem>> -> memref<1280xi32, #tpu.memory_space<vmem>>
    %dma_wait3A_499 = tpu.memref_slice %arg4[%add3A_163] : memref<327680xi32, #tpu.memory_space<hbm>> -> memref<1280xi32, #tpu.memory_space<hbm>>
    %dma_wait3A_500 = arith.constant 0 : i32
    %dma_wait3A_501 = arith.constant 0 : i32
    %dma_wait3A_502 = tpu.memref_slice %arg6[%dma_wait3A_490, %dma_wait3A_500, %dma_wait3A_501] : memref<2x8x1280xi32, #tpu.memory_space<vmem>> -> memref<1x8x1280xi32, #tpu.memory_space<vmem>>
    %dma_wait3A_503 = tpu.memref_squeeze %dma_wait3A_502 : memref<1x8x1280xi32, #tpu.memory_space<vmem>> -> memref<8x1280xi32, #tpu.memory_space<vmem>>
    %dma_wait3A_504 = arith.constant 0 : i32
    %dma_wait3A_505 = tpu.memref_slice %dma_wait3A_503[%dma_wait3A_491, %dma_wait3A_504] : memref<8x1280xi32, #tpu.memory_space<vmem>> -> memref<1x1280xi32, #tpu.memory_space<vmem>>
    %dma_wait3A_506 = tpu.memref_squeeze %dma_wait3A_505 : memref<1x1280xi32, #tpu.memory_space<vmem>> -> memref<1280xi32, #tpu.memory_space<vmem>>
    %dma_wait3A_507 = tpu.memref_slice %arg4[%add3A_163] : memref<327680xi32, #tpu.memory_space<hbm>> -> memref<1280xi32, #tpu.memory_space<hbm>>
    tpu.wait_dma2 semaphore(%arg10 : memref<!tpu.dma_semaphore, #tpu.memory_space<semaphore_mem>>) src(%dma_wait3A_507 : memref<1280xi32, #tpu.memory_space<hbm>>) dst(%dma_wait3A_506 : memref<1280xi32, #tpu.memory_space<vmem>>)
    %dma_wait3A_508 = arith.constant 0 : i32
    %dma_wait3A_509 = arith.constant 5 : i32
    %dma_wait3A_510 = arith.constant 0 : i32
    %dma_wait3A_511 = arith.constant 0 : i32
    %dma_wait3A_512 = tpu.memref_slice %arg6[%dma_wait3A_508, %dma_wait3A_510, %dma_wait3A_511] : memref<2x8x1280xi32, #tpu.memory_space<vmem>> -> memref<1x8x1280xi32, #tpu.memory_space<vmem>>
    %dma_wait3A_513 = tpu.memref_squeeze %dma_wait3A_512 : memref<1x8x1280xi32, #tpu.memory_space<vmem>> -> memref<8x1280xi32, #tpu.memory_space<vmem>>
    %dma_wait3A_514 = arith.constant 0 : i32
    %dma_wait3A_515 = tpu.memref_slice %dma_wait3A_513[%dma_wait3A_509, %dma_wait3A_514] : memref<8x1280xi32, #tpu.memory_space<vmem>> -> memref<1x1280xi32, #tpu.memory_space<vmem>>
    %dma_wait3A_516 = tpu.memref_squeeze %dma_wait3A_515 : memref<1x1280xi32, #tpu.memory_space<vmem>> -> memref<1280xi32, #tpu.memory_space<vmem>>
    %dma_wait3A_517 = tpu.memref_slice %arg3[%add3A_203] : memref<327680xi32, #tpu.memory_space<hbm>> -> memref<1280xi32, #tpu.memory_space<hbm>>
    %dma_wait3A_518 = arith.constant 0 : i32
    %dma_wait3A_519 = arith.constant 0 : i32
    %dma_wait3A_520 = tpu.memref_slice %arg6[%dma_wait3A_508, %dma_wait3A_518, %dma_wait3A_519] : memref<2x8x1280xi32, #tpu.memory_space<vmem>> -> memref<1x8x1280xi32, #tpu.memory_space<vmem>>
    %dma_wait3A_521 = tpu.memref_squeeze %dma_wait3A_520 : memref<1x8x1280xi32, #tpu.memory_space<vmem>> -> memref<8x1280xi32, #tpu.memory_space<vmem>>
    %dma_wait3A_522 = arith.constant 0 : i32
    %dma_wait3A_523 = tpu.memref_slice %dma_wait3A_521[%dma_wait3A_509, %dma_wait3A_522] : memref<8x1280xi32, #tpu.memory_space<vmem>> -> memref<1x1280xi32, #tpu.memory_space<vmem>>
    %dma_wait3A_524 = tpu.memref_squeeze %dma_wait3A_523 : memref<1x1280xi32, #tpu.memory_space<vmem>> -> memref<1280xi32, #tpu.memory_space<vmem>>
    %dma_wait3A_525 = tpu.memref_slice %arg3[%add3A_203] : memref<327680xi32, #tpu.memory_space<hbm>> -> memref<1280xi32, #tpu.memory_space<hbm>>
    tpu.wait_dma2 semaphore(%arg10 : memref<!tpu.dma_semaphore, #tpu.memory_space<semaphore_mem>>) src(%dma_wait3A_525 : memref<1280xi32, #tpu.memory_space<hbm>>) dst(%dma_wait3A_524 : memref<1280xi32, #tpu.memory_space<vmem>>)
    %dma_wait3A_526 = arith.constant 1 : i32
    %dma_wait3A_527 = arith.constant 5 : i32
    %dma_wait3A_528 = arith.constant 0 : i32
    %dma_wait3A_529 = arith.constant 0 : i32
    %dma_wait3A_530 = tpu.memref_slice %arg6[%dma_wait3A_526, %dma_wait3A_528, %dma_wait3A_529] : memref<2x8x1280xi32, #tpu.memory_space<vmem>> -> memref<1x8x1280xi32, #tpu.memory_space<vmem>>
    %dma_wait3A_531 = tpu.memref_squeeze %dma_wait3A_530 : memref<1x8x1280xi32, #tpu.memory_space<vmem>> -> memref<8x1280xi32, #tpu.memory_space<vmem>>
    %dma_wait3A_532 = arith.constant 0 : i32
    %dma_wait3A_533 = tpu.memref_slice %dma_wait3A_531[%dma_wait3A_527, %dma_wait3A_532] : memref<8x1280xi32, #tpu.memory_space<vmem>> -> memref<1x1280xi32, #tpu.memory_space<vmem>>
    %dma_wait3A_534 = tpu.memref_squeeze %dma_wait3A_533 : memref<1x1280xi32, #tpu.memory_space<vmem>> -> memref<1280xi32, #tpu.memory_space<vmem>>
    %dma_wait3A_535 = tpu.memref_slice %arg4[%add3A_203] : memref<327680xi32, #tpu.memory_space<hbm>> -> memref<1280xi32, #tpu.memory_space<hbm>>
    %dma_wait3A_536 = arith.constant 0 : i32
    %dma_wait3A_537 = arith.constant 0 : i32
    %dma_wait3A_538 = tpu.memref_slice %arg6[%dma_wait3A_526, %dma_wait3A_536, %dma_wait3A_537] : memref<2x8x1280xi32, #tpu.memory_space<vmem>> -> memref<1x8x1280xi32, #tpu.memory_space<vmem>>
    %dma_wait3A_539 = tpu.memref_squeeze %dma_wait3A_538 : memref<1x8x1280xi32, #tpu.memory_space<vmem>> -> memref<8x1280xi32, #tpu.memory_space<vmem>>
    %dma_wait3A_540 = arith.constant 0 : i32
    %dma_wait3A_541 = tpu.memref_slice %dma_wait3A_539[%dma_wait3A_527, %dma_wait3A_540] : memref<8x1280xi32, #tpu.memory_space<vmem>> -> memref<1x1280xi32, #tpu.memory_space<vmem>>
    %dma_wait3A_542 = tpu.memref_squeeze %dma_wait3A_541 : memref<1x1280xi32, #tpu.memory_space<vmem>> -> memref<1280xi32, #tpu.memory_space<vmem>>
    %dma_wait3A_543 = tpu.memref_slice %arg4[%add3A_203] : memref<327680xi32, #tpu.memory_space<hbm>> -> memref<1280xi32, #tpu.memory_space<hbm>>
    tpu.wait_dma2 semaphore(%arg10 : memref<!tpu.dma_semaphore, #tpu.memory_space<semaphore_mem>>) src(%dma_wait3A_543 : memref<1280xi32, #tpu.memory_space<hbm>>) dst(%dma_wait3A_542 : memref<1280xi32, #tpu.memory_space<vmem>>)
    %dma_wait3A_544 = arith.constant 0 : i32
    %dma_wait3A_545 = arith.constant 6 : i32
    %dma_wait3A_546 = arith.constant 0 : i32
    %dma_wait3A_547 = arith.constant 0 : i32
    %dma_wait3A_548 = tpu.memref_slice %arg6[%dma_wait3A_544, %dma_wait3A_546, %dma_wait3A_547] : memref<2x8x1280xi32, #tpu.memory_space<vmem>> -> memref<1x8x1280xi32, #tpu.memory_space<vmem>>
    %dma_wait3A_549 = tpu.memref_squeeze %dma_wait3A_548 : memref<1x8x1280xi32, #tpu.memory_space<vmem>> -> memref<8x1280xi32, #tpu.memory_space<vmem>>
    %dma_wait3A_550 = arith.constant 0 : i32
    %dma_wait3A_551 = tpu.memref_slice %dma_wait3A_549[%dma_wait3A_545, %dma_wait3A_550] : memref<8x1280xi32, #tpu.memory_space<vmem>> -> memref<1x1280xi32, #tpu.memory_space<vmem>>
    %dma_wait3A_552 = tpu.memref_squeeze %dma_wait3A_551 : memref<1x1280xi32, #tpu.memory_space<vmem>> -> memref<1280xi32, #tpu.memory_space<vmem>>
    %dma_wait3A_553 = tpu.memref_slice %arg3[%add3A_243] : memref<327680xi32, #tpu.memory_space<hbm>> -> memref<1280xi32, #tpu.memory_space<hbm>>
    %dma_wait3A_554 = arith.constant 0 : i32
    %dma_wait3A_555 = arith.constant 0 : i32
    %dma_wait3A_556 = tpu.memref_slice %arg6[%dma_wait3A_544, %dma_wait3A_554, %dma_wait3A_555] : memref<2x8x1280xi32, #tpu.memory_space<vmem>> -> memref<1x8x1280xi32, #tpu.memory_space<vmem>>
    %dma_wait3A_557 = tpu.memref_squeeze %dma_wait3A_556 : memref<1x8x1280xi32, #tpu.memory_space<vmem>> -> memref<8x1280xi32, #tpu.memory_space<vmem>>
    %dma_wait3A_558 = arith.constant 0 : i32
    %dma_wait3A_559 = tpu.memref_slice %dma_wait3A_557[%dma_wait3A_545, %dma_wait3A_558] : memref<8x1280xi32, #tpu.memory_space<vmem>> -> memref<1x1280xi32, #tpu.memory_space<vmem>>
    %dma_wait3A_560 = tpu.memref_squeeze %dma_wait3A_559 : memref<1x1280xi32, #tpu.memory_space<vmem>> -> memref<1280xi32, #tpu.memory_space<vmem>>
    %dma_wait3A_561 = tpu.memref_slice %arg3[%add3A_243] : memref<327680xi32, #tpu.memory_space<hbm>> -> memref<1280xi32, #tpu.memory_space<hbm>>
    tpu.wait_dma2 semaphore(%arg10 : memref<!tpu.dma_semaphore, #tpu.memory_space<semaphore_mem>>) src(%dma_wait3A_561 : memref<1280xi32, #tpu.memory_space<hbm>>) dst(%dma_wait3A_560 : memref<1280xi32, #tpu.memory_space<vmem>>)
    %dma_wait3A_562 = arith.constant 1 : i32
    %dma_wait3A_563 = arith.constant 6 : i32
    %dma_wait3A_564 = arith.constant 0 : i32
    %dma_wait3A_565 = arith.constant 0 : i32
    %dma_wait3A_566 = tpu.memref_slice %arg6[%dma_wait3A_562, %dma_wait3A_564, %dma_wait3A_565] : memref<2x8x1280xi32, #tpu.memory_space<vmem>> -> memref<1x8x1280xi32, #tpu.memory_space<vmem>>
    %dma_wait3A_567 = tpu.memref_squeeze %dma_wait3A_566 : memref<1x8x1280xi32, #tpu.memory_space<vmem>> -> memref<8x1280xi32, #tpu.memory_space<vmem>>
    %dma_wait3A_568 = arith.constant 0 : i32
    %dma_wait3A_569 = tpu.memref_slice %dma_wait3A_567[%dma_wait3A_563, %dma_wait3A_568] : memref<8x1280xi32, #tpu.memory_space<vmem>> -> memref<1x1280xi32, #tpu.memory_space<vmem>>
    %dma_wait3A_570 = tpu.memref_squeeze %dma_wait3A_569 : memref<1x1280xi32, #tpu.memory_space<vmem>> -> memref<1280xi32, #tpu.memory_space<vmem>>
    %dma_wait3A_571 = tpu.memref_slice %arg4[%add3A_243] : memref<327680xi32, #tpu.memory_space<hbm>> -> memref<1280xi32, #tpu.memory_space<hbm>>
    %dma_wait3A_572 = arith.constant 0 : i32
    %dma_wait3A_573 = arith.constant 0 : i32
    %dma_wait3A_574 = tpu.memref_slice %arg6[%dma_wait3A_562, %dma_wait3A_572, %dma_wait3A_573] : memref<2x8x1280xi32, #tpu.memory_space<vmem>> -> memref<1x8x1280xi32, #tpu.memory_space<vmem>>
    %dma_wait3A_575 = tpu.memref_squeeze %dma_wait3A_574 : memref<1x8x1280xi32, #tpu.memory_space<vmem>> -> memref<8x1280xi32, #tpu.memory_space<vmem>>
    %dma_wait3A_576 = arith.constant 0 : i32
    %dma_wait3A_577 = tpu.memref_slice %dma_wait3A_575[%dma_wait3A_563, %dma_wait3A_576] : memref<8x1280xi32, #tpu.memory_space<vmem>> -> memref<1x1280xi32, #tpu.memory_space<vmem>>
    %dma_wait3A_578 = tpu.memref_squeeze %dma_wait3A_577 : memref<1x1280xi32, #tpu.memory_space<vmem>> -> memref<1280xi32, #tpu.memory_space<vmem>>
    %dma_wait3A_579 = tpu.memref_slice %arg4[%add3A_243] : memref<327680xi32, #tpu.memory_space<hbm>> -> memref<1280xi32, #tpu.memory_space<hbm>>
    tpu.wait_dma2 semaphore(%arg10 : memref<!tpu.dma_semaphore, #tpu.memory_space<semaphore_mem>>) src(%dma_wait3A_579 : memref<1280xi32, #tpu.memory_space<hbm>>) dst(%dma_wait3A_578 : memref<1280xi32, #tpu.memory_space<vmem>>)
    %dma_wait3A_580 = arith.constant 0 : i32
    %dma_wait3A_581 = arith.constant 7 : i32
    %dma_wait3A_582 = arith.constant 0 : i32
    %dma_wait3A_583 = arith.constant 0 : i32
    %dma_wait3A_584 = tpu.memref_slice %arg6[%dma_wait3A_580, %dma_wait3A_582, %dma_wait3A_583] : memref<2x8x1280xi32, #tpu.memory_space<vmem>> -> memref<1x8x1280xi32, #tpu.memory_space<vmem>>
    %dma_wait3A_585 = tpu.memref_squeeze %dma_wait3A_584 : memref<1x8x1280xi32, #tpu.memory_space<vmem>> -> memref<8x1280xi32, #tpu.memory_space<vmem>>
    %dma_wait3A_586 = arith.constant 0 : i32
    %dma_wait3A_587 = tpu.memref_slice %dma_wait3A_585[%dma_wait3A_581, %dma_wait3A_586] : memref<8x1280xi32, #tpu.memory_space<vmem>> -> memref<1x1280xi32, #tpu.memory_space<vmem>>
    %dma_wait3A_588 = tpu.memref_squeeze %dma_wait3A_587 : memref<1x1280xi32, #tpu.memory_space<vmem>> -> memref<1280xi32, #tpu.memory_space<vmem>>
    %dma_wait3A_589 = tpu.memref_slice %arg3[%add3A_283] : memref<327680xi32, #tpu.memory_space<hbm>> -> memref<1280xi32, #tpu.memory_space<hbm>>
    %dma_wait3A_590 = arith.constant 0 : i32
    %dma_wait3A_591 = arith.constant 0 : i32
    %dma_wait3A_592 = tpu.memref_slice %arg6[%dma_wait3A_580, %dma_wait3A_590, %dma_wait3A_591] : memref<2x8x1280xi32, #tpu.memory_space<vmem>> -> memref<1x8x1280xi32, #tpu.memory_space<vmem>>
    %dma_wait3A_593 = tpu.memref_squeeze %dma_wait3A_592 : memref<1x8x1280xi32, #tpu.memory_space<vmem>> -> memref<8x1280xi32, #tpu.memory_space<vmem>>
    %dma_wait3A_594 = arith.constant 0 : i32
    %dma_wait3A_595 = tpu.memref_slice %dma_wait3A_593[%dma_wait3A_581, %dma_wait3A_594] : memref<8x1280xi32, #tpu.memory_space<vmem>> -> memref<1x1280xi32, #tpu.memory_space<vmem>>
    %dma_wait3A_596 = tpu.memref_squeeze %dma_wait3A_595 : memref<1x1280xi32, #tpu.memory_space<vmem>> -> memref<1280xi32, #tpu.memory_space<vmem>>
    %dma_wait3A_597 = tpu.memref_slice %arg3[%add3A_283] : memref<327680xi32, #tpu.memory_space<hbm>> -> memref<1280xi32, #tpu.memory_space<hbm>>
    tpu.wait_dma2 semaphore(%arg10 : memref<!tpu.dma_semaphore, #tpu.memory_space<semaphore_mem>>) src(%dma_wait3A_597 : memref<1280xi32, #tpu.memory_space<hbm>>) dst(%dma_wait3A_596 : memref<1280xi32, #tpu.memory_space<vmem>>)
    %dma_wait3A_598 = arith.constant 1 : i32
    %dma_wait3A_599 = arith.constant 7 : i32
    %dma_wait3A_600 = arith.constant 0 : i32
    %dma_wait3A_601 = arith.constant 0 : i32
    %dma_wait3A_602 = tpu.memref_slice %arg6[%dma_wait3A_598, %dma_wait3A_600, %dma_wait3A_601] : memref<2x8x1280xi32, #tpu.memory_space<vmem>> -> memref<1x8x1280xi32, #tpu.memory_space<vmem>>
    %dma_wait3A_603 = tpu.memref_squeeze %dma_wait3A_602 : memref<1x8x1280xi32, #tpu.memory_space<vmem>> -> memref<8x1280xi32, #tpu.memory_space<vmem>>
    %dma_wait3A_604 = arith.constant 0 : i32
    %dma_wait3A_605 = tpu.memref_slice %dma_wait3A_603[%dma_wait3A_599, %dma_wait3A_604] : memref<8x1280xi32, #tpu.memory_space<vmem>> -> memref<1x1280xi32, #tpu.memory_space<vmem>>
    %dma_wait3A_606 = tpu.memref_squeeze %dma_wait3A_605 : memref<1x1280xi32, #tpu.memory_space<vmem>> -> memref<1280xi32, #tpu.memory_space<vmem>>
    %dma_wait3A_607 = tpu.memref_slice %arg4[%add3A_283] : memref<327680xi32, #tpu.memory_space<hbm>> -> memref<1280xi32, #tpu.memory_space<hbm>>
    %dma_wait3A_608 = arith.constant 0 : i32
    %dma_wait3A_609 = arith.constant 0 : i32
    %dma_wait3A_610 = tpu.memref_slice %arg6[%dma_wait3A_598, %dma_wait3A_608, %dma_wait3A_609] : memref<2x8x1280xi32, #tpu.memory_space<vmem>> -> memref<1x8x1280xi32, #tpu.memory_space<vmem>>
    %dma_wait3A_611 = tpu.memref_squeeze %dma_wait3A_610 : memref<1x8x1280xi32, #tpu.memory_space<vmem>> -> memref<8x1280xi32, #tpu.memory_space<vmem>>
    %dma_wait3A_612 = arith.constant 0 : i32
    %dma_wait3A_613 = tpu.memref_slice %dma_wait3A_611[%dma_wait3A_599, %dma_wait3A_612] : memref<8x1280xi32, #tpu.memory_space<vmem>> -> memref<1x1280xi32, #tpu.memory_space<vmem>>
    %dma_wait3A_614 = tpu.memref_squeeze %dma_wait3A_613 : memref<1x1280xi32, #tpu.memory_space<vmem>> -> memref<1280xi32, #tpu.memory_space<vmem>>
    %dma_wait3A_615 = tpu.memref_slice %arg4[%add3A_283] : memref<327680xi32, #tpu.memory_space<hbm>> -> memref<1280xi32, #tpu.memory_space<hbm>>
    tpu.wait_dma2 semaphore(%arg10 : memref<!tpu.dma_semaphore, #tpu.memory_space<semaphore_mem>>) src(%dma_wait3A_615 : memref<1280xi32, #tpu.memory_space<hbm>>) dst(%dma_wait3A_614 : memref<1280xi32, #tpu.memory_space<vmem>>)
    %dma_start3A_616 = arith.constant 0 : i32
    %dma_start3A_617 = arith.constant 0 : i32
    %dma_start3A_618 = arith.constant 0 : i32
    %dma_start3A_619 = arith.constant 0 : i32
    %dma_start3A_620 = tpu.memref_slice %arg6[%dma_start3A_616, %dma_start3A_618, %dma_start3A_619] : memref<2x8x1280xi32, #tpu.memory_space<vmem>> -> memref<1x8x1280xi32, #tpu.memory_space<vmem>>
    %dma_start3A_621 = tpu.memref_squeeze %dma_start3A_620 : memref<1x8x1280xi32, #tpu.memory_space<vmem>> -> memref<8x1280xi32, #tpu.memory_space<vmem>>
    %dma_start3A_622 = arith.constant 0 : i32
    %dma_start3A_623 = tpu.memref_slice %dma_start3A_621[%dma_start3A_617, %dma_start3A_622] : memref<8x1280xi32, #tpu.memory_space<vmem>> -> memref<1x1280xi32, #tpu.memory_space<vmem>>
    %dma_start3A_624 = tpu.memref_squeeze %dma_start3A_623 : memref<1x1280xi32, #tpu.memory_space<vmem>> -> memref<1280xi32, #tpu.memory_space<vmem>>
    %dma_start3A_625 = arith.constant 0 : i32
    %dma_start3A_626 = arith.constant 0 : i32
    %dma_start3A_627 = tpu.memref_slice %arg2[%dma_start3A_625, %dma_start3A_626] : memref<10000x32xf32, #tpu.memory_space<hbm>> -> memref<10000x32xf32, #tpu.memory_space<hbm>>
    tpu.enqueue_indirect_dma source(%dma_start3A_627 : memref<10000x32xf32, #tpu.memory_space<hbm>>) target(%arg7 : memref<1280x32xf32, #tpu.memory_space<vmem>>) offsets(%dma_start3A_624 : memref<1280xi32, #tpu.memory_space<vmem>>) semaphore(%arg11 : memref<!tpu.dma_semaphore, #tpu.memory_space<semaphore_mem>>)
    %dma_start3A_628 = arith.constant 0 : i32
    %dma_start3A_629 = arith.constant 1 : i32
    %dma_start3A_630 = arith.constant 0 : i32
    %dma_start3A_631 = arith.constant 0 : i32
    %dma_start3A_632 = tpu.memref_slice %arg6[%dma_start3A_628, %dma_start3A_630, %dma_start3A_631] : memref<2x8x1280xi32, #tpu.memory_space<vmem>> -> memref<1x8x1280xi32, #tpu.memory_space<vmem>>
    %dma_start3A_633 = tpu.memref_squeeze %dma_start3A_632 : memref<1x8x1280xi32, #tpu.memory_space<vmem>> -> memref<8x1280xi32, #tpu.memory_space<vmem>>
    %dma_start3A_634 = arith.constant 0 : i32
    %dma_start3A_635 = tpu.memref_slice %dma_start3A_633[%dma_start3A_629, %dma_start3A_634] : memref<8x1280xi32, #tpu.memory_space<vmem>> -> memref<1x1280xi32, #tpu.memory_space<vmem>>
    %dma_start3A_636 = tpu.memref_squeeze %dma_start3A_635 : memref<1x1280xi32, #tpu.memory_space<vmem>> -> memref<1280xi32, #tpu.memory_space<vmem>>
    %dma_start3A_637 = arith.constant 0 : i32
    %dma_start3A_638 = arith.constant 0 : i32
    %dma_start3A_639 = tpu.memref_slice %arg2[%dma_start3A_637, %dma_start3A_638] : memref<10000x32xf32, #tpu.memory_space<hbm>> -> memref<10000x32xf32, #tpu.memory_space<hbm>>
    tpu.enqueue_indirect_dma source(%dma_start3A_639 : memref<10000x32xf32, #tpu.memory_space<hbm>>) target(%arg8 : memref<1280x32xf32, #tpu.memory_space<vmem>>) offsets(%dma_start3A_636 : memref<1280xi32, #tpu.memory_space<vmem>>) semaphore(%arg12 : memref<!tpu.dma_semaphore, #tpu.memory_space<semaphore_mem>>)
    %dma_wait3A_640 = arith.constant 0 : i32
    %dma_wait3A_641 = arith.constant 0 : i32
    %dma_wait3A_642 = arith.constant 0 : i32
    %dma_wait3A_643 = arith.constant 0 : i32
    %dma_wait3A_644 = tpu.memref_slice %arg6[%dma_wait3A_640, %dma_wait3A_642, %dma_wait3A_643] : memref<2x8x1280xi32, #tpu.memory_space<vmem>> -> memref<1x8x1280xi32, #tpu.memory_space<vmem>>
    %dma_wait3A_645 = tpu.memref_squeeze %dma_wait3A_644 : memref<1x8x1280xi32, #tpu.memory_space<vmem>> -> memref<8x1280xi32, #tpu.memory_space<vmem>>
    %dma_wait3A_646 = arith.constant 0 : i32
    %dma_wait3A_647 = tpu.memref_slice %dma_wait3A_645[%dma_wait3A_641, %dma_wait3A_646] : memref<8x1280xi32, #tpu.memory_space<vmem>> -> memref<1x1280xi32, #tpu.memory_space<vmem>>
    %dma_wait3A_648 = tpu.memref_squeeze %dma_wait3A_647 : memref<1x1280xi32, #tpu.memory_space<vmem>> -> memref<1280xi32, #tpu.memory_space<vmem>>
    %dma_wait3A_649 = arith.constant 0 : i32
    %dma_wait3A_650 = arith.constant 0 : i32
    %dma_wait3A_651 = tpu.memref_slice %arg2[%dma_wait3A_649, %dma_wait3A_650] : memref<10000x32xf32, #tpu.memory_space<hbm>> -> memref<10000x32xf32, #tpu.memory_space<hbm>>
    tpu.wait_indirect_dma semaphore(%arg11 : memref<!tpu.dma_semaphore, #tpu.memory_space<semaphore_mem>>) src(%dma_wait3A_651 : memref<10000x32xf32, #tpu.memory_space<hbm>>) dst(%arg7 : memref<1280x32xf32, #tpu.memory_space<vmem>>)
    %run_scoped3A = arith.constant 1 : i32
    %run_scoped3A_652 = arith.constant 0 : i32
    "tpu.region"() ({
      %run_scoped3A_824 = tpu.sem_alloc : memref<!tpu.dma_semaphore, #tpu.memory_space<semaphore_mem>>
      %dma_start3A_825 = arith.constant 0 : i32
      %dma_start3A_826 = arith.constant 0 : i32
      %dma_start3A_827 = tpu.memref_slice %arg6[%run_scoped3A, %dma_start3A_825, %dma_start3A_826] : memref<2x8x1280xi32, #tpu.memory_space<vmem>> -> memref<1x8x1280xi32, #tpu.memory_space<vmem>>
      %dma_start3A_828 = tpu.memref_squeeze %dma_start3A_827 : memref<1x8x1280xi32, #tpu.memory_space<vmem>> -> memref<8x1280xi32, #tpu.memory_space<vmem>>
      %dma_start3A_829 = arith.constant 0 : i32
      %dma_start3A_830 = tpu.memref_slice %dma_start3A_828[%run_scoped3A_652, %dma_start3A_829] : memref<8x1280xi32, #tpu.memory_space<vmem>> -> memref<1x1280xi32, #tpu.memory_space<vmem>>
      %dma_start3A_831 = tpu.memref_squeeze %dma_start3A_830 : memref<1x1280xi32, #tpu.memory_space<vmem>> -> memref<1280xi32, #tpu.memory_space<vmem>>
      %dma_start3A_832 = arith.constant 0 : i32
      %dma_start3A_833 = arith.constant 0 : i32
      %dma_start3A_834 = tpu.memref_slice %arg9[%dma_start3A_832, %dma_start3A_833] : memref<10240x32xf32, #tpu.memory_space<vmem_shared>> -> memref<10240x32xf32, #tpu.memory_space<vmem_shared>>
      tpu.enqueue_indirect_dma source(%arg7 : memref<1280x32xf32, #tpu.memory_space<vmem>>) target(%dma_start3A_834 : memref<10240x32xf32, #tpu.memory_space<vmem_shared>>) offsets(%dma_start3A_831 : memref<1280xi32, #tpu.memory_space<vmem>>) semaphore(%run_scoped3A_824 : memref<!tpu.dma_semaphore, #tpu.memory_space<semaphore_mem>>) {add = true}
      %dma_wait3A_835 = arith.constant 0 : i32
      %dma_wait3A_836 = arith.constant 0 : i32
      %dma_wait3A_837 = tpu.memref_slice %arg6[%run_scoped3A, %dma_wait3A_835, %dma_wait3A_836] : memref<2x8x1280xi32, #tpu.memory_space<vmem>> -> memref<1x8x1280xi32, #tpu.memory_space<vmem>>
      %dma_wait3A_838 = tpu.memref_squeeze %dma_wait3A_837 : memref<1x8x1280xi32, #tpu.memory_space<vmem>> -> memref<8x1280xi32, #tpu.memory_space<vmem>>
      %dma_wait3A_839 = arith.constant 0 : i32
      %dma_wait3A_840 = tpu.memref_slice %dma_wait3A_838[%run_scoped3A_652, %dma_wait3A_839] : memref<8x1280xi32, #tpu.memory_space<vmem>> -> memref<1x1280xi32, #tpu.memory_space<vmem>>
      %dma_wait3A_841 = tpu.memref_squeeze %dma_wait3A_840 : memref<1x1280xi32, #tpu.memory_space<vmem>> -> memref<1280xi32, #tpu.memory_space<vmem>>
      %dma_wait3A_842 = arith.constant 0 : i32
      %dma_wait3A_843 = arith.constant 0 : i32
      %dma_wait3A_844 = tpu.memref_slice %arg9[%dma_wait3A_842, %dma_wait3A_843] : memref<10240x32xf32, #tpu.memory_space<vmem_shared>> -> memref<10240x32xf32, #tpu.memory_space<vmem_shared>>
      tpu.wait_indirect_dma semaphore(%run_scoped3A_824 : memref<!tpu.dma_semaphore, #tpu.memory_space<semaphore_mem>>) src(%arg7 : memref<1280x32xf32, #tpu.memory_space<vmem>>) dst(%dma_wait3A_844 : memref<10240x32xf32, #tpu.memory_space<vmem_shared>>)
      tpu.yield
    }) : () -> ()
    %dma_start3A_653 = arith.constant 0 : i32
    %dma_start3A_654 = arith.constant 2 : i32
    %dma_start3A_655 = arith.constant 0 : i32
    %dma_start3A_656 = arith.constant 0 : i32
    %dma_start3A_657 = tpu.memref_slice %arg6[%dma_start3A_653, %dma_start3A_655, %dma_start3A_656] : memref<2x8x1280xi32, #tpu.memory_space<vmem>> -> memref<1x8x1280xi32, #tpu.memory_space<vmem>>
    %dma_start3A_658 = tpu.memref_squeeze %dma_start3A_657 : memref<1x8x1280xi32, #tpu.memory_space<vmem>> -> memref<8x1280xi32, #tpu.memory_space<vmem>>
    %dma_start3A_659 = arith.constant 0 : i32
    %dma_start3A_660 = tpu.memref_slice %dma_start3A_658[%dma_start3A_654, %dma_start3A_659] : memref<8x1280xi32, #tpu.memory_space<vmem>> -> memref<1x1280xi32, #tpu.memory_space<vmem>>
    %dma_start3A_661 = tpu.memref_squeeze %dma_start3A_660 : memref<1x1280xi32, #tpu.memory_space<vmem>> -> memref<1280xi32, #tpu.memory_space<vmem>>
    %dma_start3A_662 = arith.constant 0 : i32
    %dma_start3A_663 = arith.constant 0 : i32
    %dma_start3A_664 = tpu.memref_slice %arg2[%dma_start3A_662, %dma_start3A_663] : memref<10000x32xf32, #tpu.memory_space<hbm>> -> memref<10000x32xf32, #tpu.memory_space<hbm>>
    tpu.enqueue_indirect_dma source(%dma_start3A_664 : memref<10000x32xf32, #tpu.memory_space<hbm>>) target(%arg7 : memref<1280x32xf32, #tpu.memory_space<vmem>>) offsets(%dma_start3A_661 : memref<1280xi32, #tpu.memory_space<vmem>>) semaphore(%arg11 : memref<!tpu.dma_semaphore, #tpu.memory_space<semaphore_mem>>)
    %dma_wait3A_665 = arith.constant 0 : i32
    %dma_wait3A_666 = arith.constant 1 : i32
    %dma_wait3A_667 = arith.constant 0 : i32
    %dma_wait3A_668 = arith.constant 0 : i32
    %dma_wait3A_669 = tpu.memref_slice %arg6[%dma_wait3A_665, %dma_wait3A_667, %dma_wait3A_668] : memref<2x8x1280xi32, #tpu.memory_space<vmem>> -> memref<1x8x1280xi32, #tpu.memory_space<vmem>>
    %dma_wait3A_670 = tpu.memref_squeeze %dma_wait3A_669 : memref<1x8x1280xi32, #tpu.memory_space<vmem>> -> memref<8x1280xi32, #tpu.memory_space<vmem>>
    %dma_wait3A_671 = arith.constant 0 : i32
    %dma_wait3A_672 = tpu.memref_slice %dma_wait3A_670[%dma_wait3A_666, %dma_wait3A_671] : memref<8x1280xi32, #tpu.memory_space<vmem>> -> memref<1x1280xi32, #tpu.memory_space<vmem>>
    %dma_wait3A_673 = tpu.memref_squeeze %dma_wait3A_672 : memref<1x1280xi32, #tpu.memory_space<vmem>> -> memref<1280xi32, #tpu.memory_space<vmem>>
    %dma_wait3A_674 = arith.constant 0 : i32
    %dma_wait3A_675 = arith.constant 0 : i32
    %dma_wait3A_676 = tpu.memref_slice %arg2[%dma_wait3A_674, %dma_wait3A_675] : memref<10000x32xf32, #tpu.memory_space<hbm>> -> memref<10000x32xf32, #tpu.memory_space<hbm>>
    tpu.wait_indirect_dma semaphore(%arg12 : memref<!tpu.dma_semaphore, #tpu.memory_space<semaphore_mem>>) src(%dma_wait3A_676 : memref<10000x32xf32, #tpu.memory_space<hbm>>) dst(%arg8 : memref<1280x32xf32, #tpu.memory_space<vmem>>)
    %run_scoped3A_677 = arith.constant 1 : i32
    %run_scoped3A_678 = arith.constant 1 : i32
    "tpu.region"() ({
      %run_scoped3A_824 = tpu.sem_alloc : memref<!tpu.dma_semaphore, #tpu.memory_space<semaphore_mem>>
      %dma_start3A_825 = arith.constant 0 : i32
      %dma_start3A_826 = arith.constant 0 : i32
      %dma_start3A_827 = tpu.memref_slice %arg6[%run_scoped3A_677, %dma_start3A_825, %dma_start3A_826] : memref<2x8x1280xi32, #tpu.memory_space<vmem>> -> memref<1x8x1280xi32, #tpu.memory_space<vmem>>
      %dma_start3A_828 = tpu.memref_squeeze %dma_start3A_827 : memref<1x8x1280xi32, #tpu.memory_space<vmem>> -> memref<8x1280xi32, #tpu.memory_space<vmem>>
      %dma_start3A_829 = arith.constant 0 : i32
      %dma_start3A_830 = tpu.memref_slice %dma_start3A_828[%run_scoped3A_678, %dma_start3A_829] : memref<8x1280xi32, #tpu.memory_space<vmem>> -> memref<1x1280xi32, #tpu.memory_space<vmem>>
      %dma_start3A_831 = tpu.memref_squeeze %dma_start3A_830 : memref<1x1280xi32, #tpu.memory_space<vmem>> -> memref<1280xi32, #tpu.memory_space<vmem>>
      %dma_start3A_832 = arith.constant 0 : i32
      %dma_start3A_833 = arith.constant 0 : i32
      %dma_start3A_834 = tpu.memref_slice %arg9[%dma_start3A_832, %dma_start3A_833] : memref<10240x32xf32, #tpu.memory_space<vmem_shared>> -> memref<10240x32xf32, #tpu.memory_space<vmem_shared>>
      tpu.enqueue_indirect_dma source(%arg8 : memref<1280x32xf32, #tpu.memory_space<vmem>>) target(%dma_start3A_834 : memref<10240x32xf32, #tpu.memory_space<vmem_shared>>) offsets(%dma_start3A_831 : memref<1280xi32, #tpu.memory_space<vmem>>) semaphore(%run_scoped3A_824 : memref<!tpu.dma_semaphore, #tpu.memory_space<semaphore_mem>>) {add = true}
      %dma_wait3A_835 = arith.constant 0 : i32
      %dma_wait3A_836 = arith.constant 0 : i32
      %dma_wait3A_837 = tpu.memref_slice %arg6[%run_scoped3A_677, %dma_wait3A_835, %dma_wait3A_836] : memref<2x8x1280xi32, #tpu.memory_space<vmem>> -> memref<1x8x1280xi32, #tpu.memory_space<vmem>>
      %dma_wait3A_838 = tpu.memref_squeeze %dma_wait3A_837 : memref<1x8x1280xi32, #tpu.memory_space<vmem>> -> memref<8x1280xi32, #tpu.memory_space<vmem>>
      %dma_wait3A_839 = arith.constant 0 : i32
      %dma_wait3A_840 = tpu.memref_slice %dma_wait3A_838[%run_scoped3A_678, %dma_wait3A_839] : memref<8x1280xi32, #tpu.memory_space<vmem>> -> memref<1x1280xi32, #tpu.memory_space<vmem>>
      %dma_wait3A_841 = tpu.memref_squeeze %dma_wait3A_840 : memref<1x1280xi32, #tpu.memory_space<vmem>> -> memref<1280xi32, #tpu.memory_space<vmem>>
      %dma_wait3A_842 = arith.constant 0 : i32
      %dma_wait3A_843 = arith.constant 0 : i32
      %dma_wait3A_844 = tpu.memref_slice %arg9[%dma_wait3A_842, %dma_wait3A_843] : memref<10240x32xf32, #tpu.memory_space<vmem_shared>> -> memref<10240x32xf32, #tpu.memory_space<vmem_shared>>
      tpu.wait_indirect_dma semaphore(%run_scoped3A_824 : memref<!tpu.dma_semaphore, #tpu.memory_space<semaphore_mem>>) src(%arg8 : memref<1280x32xf32, #tpu.memory_space<vmem>>) dst(%dma_wait3A_844 : memref<10240x32xf32, #tpu.memory_space<vmem_shared>>)
      tpu.yield
    }) : () -> ()
    %dma_start3A_679 = arith.constant 0 : i32
    %dma_start3A_680 = arith.constant 3 : i32
    %dma_start3A_681 = arith.constant 0 : i32
    %dma_start3A_682 = arith.constant 0 : i32
    %dma_start3A_683 = tpu.memref_slice %arg6[%dma_start3A_679, %dma_start3A_681, %dma_start3A_682] : memref<2x8x1280xi32, #tpu.memory_space<vmem>> -> memref<1x8x1280xi32, #tpu.memory_space<vmem>>
    %dma_start3A_684 = tpu.memref_squeeze %dma_start3A_683 : memref<1x8x1280xi32, #tpu.memory_space<vmem>> -> memref<8x1280xi32, #tpu.memory_space<vmem>>
    %dma_start3A_685 = arith.constant 0 : i32
    %dma_start3A_686 = tpu.memref_slice %dma_start3A_684[%dma_start3A_680, %dma_start3A_685] : memref<8x1280xi32, #tpu.memory_space<vmem>> -> memref<1x1280xi32, #tpu.memory_space<vmem>>
    %dma_start3A_687 = tpu.memref_squeeze %dma_start3A_686 : memref<1x1280xi32, #tpu.memory_space<vmem>> -> memref<1280xi32, #tpu.memory_space<vmem>>
    %dma_start3A_688 = arith.constant 0 : i32
    %dma_start3A_689 = arith.constant 0 : i32
    %dma_start3A_690 = tpu.memref_slice %arg2[%dma_start3A_688, %dma_start3A_689] : memref<10000x32xf32, #tpu.memory_space<hbm>> -> memref<10000x32xf32, #tpu.memory_space<hbm>>
    tpu.enqueue_indirect_dma source(%dma_start3A_690 : memref<10000x32xf32, #tpu.memory_space<hbm>>) target(%arg8 : memref<1280x32xf32, #tpu.memory_space<vmem>>) offsets(%dma_start3A_687 : memref<1280xi32, #tpu.memory_space<vmem>>) semaphore(%arg12 : memref<!tpu.dma_semaphore, #tpu.memory_space<semaphore_mem>>)
    %dma_wait3A_691 = arith.constant 0 : i32
    %dma_wait3A_692 = arith.constant 2 : i32
    %dma_wait3A_693 = arith.constant 0 : i32
    %dma_wait3A_694 = arith.constant 0 : i32
    %dma_wait3A_695 = tpu.memref_slice %arg6[%dma_wait3A_691, %dma_wait3A_693, %dma_wait3A_694] : memref<2x8x1280xi32, #tpu.memory_space<vmem>> -> memref<1x8x1280xi32, #tpu.memory_space<vmem>>
    %dma_wait3A_696 = tpu.memref_squeeze %dma_wait3A_695 : memref<1x8x1280xi32, #tpu.memory_space<vmem>> -> memref<8x1280xi32, #tpu.memory_space<vmem>>
    %dma_wait3A_697 = arith.constant 0 : i32
    %dma_wait3A_698 = tpu.memref_slice %dma_wait3A_696[%dma_wait3A_692, %dma_wait3A_697] : memref<8x1280xi32, #tpu.memory_space<vmem>> -> memref<1x1280xi32, #tpu.memory_space<vmem>>
    %dma_wait3A_699 = tpu.memref_squeeze %dma_wait3A_698 : memref<1x1280xi32, #tpu.memory_space<vmem>> -> memref<1280xi32, #tpu.memory_space<vmem>>
    %dma_wait3A_700 = arith.constant 0 : i32
    %dma_wait3A_701 = arith.constant 0 : i32
    %dma_wait3A_702 = tpu.memref_slice %arg2[%dma_wait3A_700, %dma_wait3A_701] : memref<10000x32xf32, #tpu.memory_space<hbm>> -> memref<10000x32xf32, #tpu.memory_space<hbm>>
    tpu.wait_indirect_dma semaphore(%arg11 : memref<!tpu.dma_semaphore, #tpu.memory_space<semaphore_mem>>) src(%dma_wait3A_702 : memref<10000x32xf32, #tpu.memory_space<hbm>>) dst(%arg7 : memref<1280x32xf32, #tpu.memory_space<vmem>>)
    %run_scoped3A_703 = arith.constant 1 : i32
    %run_scoped3A_704 = arith.constant 2 : i32
    "tpu.region"() ({
      %run_scoped3A_824 = tpu.sem_alloc : memref<!tpu.dma_semaphore, #tpu.memory_space<semaphore_mem>>
      %dma_start3A_825 = arith.constant 0 : i32
      %dma_start3A_826 = arith.constant 0 : i32
      %dma_start3A_827 = tpu.memref_slice %arg6[%run_scoped3A_703, %dma_start3A_825, %dma_start3A_826] : memref<2x8x1280xi32, #tpu.memory_space<vmem>> -> memref<1x8x1280xi32, #tpu.memory_space<vmem>>
      %dma_start3A_828 = tpu.memref_squeeze %dma_start3A_827 : memref<1x8x1280xi32, #tpu.memory_space<vmem>> -> memref<8x1280xi32, #tpu.memory_space<vmem>>
      %dma_start3A_829 = arith.constant 0 : i32
      %dma_start3A_830 = tpu.memref_slice %dma_start3A_828[%run_scoped3A_704, %dma_start3A_829] : memref<8x1280xi32, #tpu.memory_space<vmem>> -> memref<1x1280xi32, #tpu.memory_space<vmem>>
      %dma_start3A_831 = tpu.memref_squeeze %dma_start3A_830 : memref<1x1280xi32, #tpu.memory_space<vmem>> -> memref<1280xi32, #tpu.memory_space<vmem>>
      %dma_start3A_832 = arith.constant 0 : i32
      %dma_start3A_833 = arith.constant 0 : i32
      %dma_start3A_834 = tpu.memref_slice %arg9[%dma_start3A_832, %dma_start3A_833] : memref<10240x32xf32, #tpu.memory_space<vmem_shared>> -> memref<10240x32xf32, #tpu.memory_space<vmem_shared>>
      tpu.enqueue_indirect_dma source(%arg7 : memref<1280x32xf32, #tpu.memory_space<vmem>>) target(%dma_start3A_834 : memref<10240x32xf32, #tpu.memory_space<vmem_shared>>) offsets(%dma_start3A_831 : memref<1280xi32, #tpu.memory_space<vmem>>) semaphore(%run_scoped3A_824 : memref<!tpu.dma_semaphore, #tpu.memory_space<semaphore_mem>>) {add = true}
      %dma_wait3A_835 = arith.constant 0 : i32
      %dma_wait3A_836 = arith.constant 0 : i32
      %dma_wait3A_837 = tpu.memref_slice %arg6[%run_scoped3A_703, %dma_wait3A_835, %dma_wait3A_836] : memref<2x8x1280xi32, #tpu.memory_space<vmem>> -> memref<1x8x1280xi32, #tpu.memory_space<vmem>>
      %dma_wait3A_838 = tpu.memref_squeeze %dma_wait3A_837 : memref<1x8x1280xi32, #tpu.memory_space<vmem>> -> memref<8x1280xi32, #tpu.memory_space<vmem>>
      %dma_wait3A_839 = arith.constant 0 : i32
      %dma_wait3A_840 = tpu.memref_slice %dma_wait3A_838[%run_scoped3A_704, %dma_wait3A_839] : memref<8x1280xi32, #tpu.memory_space<vmem>> -> memref<1x1280xi32, #tpu.memory_space<vmem>>
      %dma_wait3A_841 = tpu.memref_squeeze %dma_wait3A_840 : memref<1x1280xi32, #tpu.memory_space<vmem>> -> memref<1280xi32, #tpu.memory_space<vmem>>
      %dma_wait3A_842 = arith.constant 0 : i32
      %dma_wait3A_843 = arith.constant 0 : i32
      %dma_wait3A_844 = tpu.memref_slice %arg9[%dma_wait3A_842, %dma_wait3A_843] : memref<10240x32xf32, #tpu.memory_space<vmem_shared>> -> memref<10240x32xf32, #tpu.memory_space<vmem_shared>>
      tpu.wait_indirect_dma semaphore(%run_scoped3A_824 : memref<!tpu.dma_semaphore, #tpu.memory_space<semaphore_mem>>) src(%arg7 : memref<1280x32xf32, #tpu.memory_space<vmem>>) dst(%dma_wait3A_844 : memref<10240x32xf32, #tpu.memory_space<vmem_shared>>)
      tpu.yield
    }) : () -> ()
    %dma_start3A_705 = arith.constant 0 : i32
    %dma_start3A_706 = arith.constant 4 : i32
    %dma_start3A_707 = arith.constant 0 : i32
    %dma_start3A_708 = arith.constant 0 : i32
    %dma_start3A_709 = tpu.memref_slice %arg6[%dma_start3A_705, %dma_start3A_707, %dma_start3A_708] : memref<2x8x1280xi32, #tpu.memory_space<vmem>> -> memref<1x8x1280xi32, #tpu.memory_space<vmem>>
    %dma_start3A_710 = tpu.memref_squeeze %dma_start3A_709 : memref<1x8x1280xi32, #tpu.memory_space<vmem>> -> memref<8x1280xi32, #tpu.memory_space<vmem>>
    %dma_start3A_711 = arith.constant 0 : i32
    %dma_start3A_712 = tpu.memref_slice %dma_start3A_710[%dma_start3A_706, %dma_start3A_711] : memref<8x1280xi32, #tpu.memory_space<vmem>> -> memref<1x1280xi32, #tpu.memory_space<vmem>>
    %dma_start3A_713 = tpu.memref_squeeze %dma_start3A_712 : memref<1x1280xi32, #tpu.memory_space<vmem>> -> memref<1280xi32, #tpu.memory_space<vmem>>
    %dma_start3A_714 = arith.constant 0 : i32
    %dma_start3A_715 = arith.constant 0 : i32
    %dma_start3A_716 = tpu.memref_slice %arg2[%dma_start3A_714, %dma_start3A_715] : memref<10000x32xf32, #tpu.memory_space<hbm>> -> memref<10000x32xf32, #tpu.memory_space<hbm>>
    tpu.enqueue_indirect_dma source(%dma_start3A_716 : memref<10000x32xf32, #tpu.memory_space<hbm>>) target(%arg7 : memref<1280x32xf32, #tpu.memory_space<vmem>>) offsets(%dma_start3A_713 : memref<1280xi32, #tpu.memory_space<vmem>>) semaphore(%arg11 : memref<!tpu.dma_semaphore, #tpu.memory_space<semaphore_mem>>)
    %dma_wait3A_717 = arith.constant 0 : i32
    %dma_wait3A_718 = arith.constant 3 : i32
    %dma_wait3A_719 = arith.constant 0 : i32
    %dma_wait3A_720 = arith.constant 0 : i32
    %dma_wait3A_721 = tpu.memref_slice %arg6[%dma_wait3A_717, %dma_wait3A_719, %dma_wait3A_720] : memref<2x8x1280xi32, #tpu.memory_space<vmem>> -> memref<1x8x1280xi32, #tpu.memory_space<vmem>>
    %dma_wait3A_722 = tpu.memref_squeeze %dma_wait3A_721 : memref<1x8x1280xi32, #tpu.memory_space<vmem>> -> memref<8x1280xi32, #tpu.memory_space<vmem>>
    %dma_wait3A_723 = arith.constant 0 : i32
    %dma_wait3A_724 = tpu.memref_slice %dma_wait3A_722[%dma_wait3A_718, %dma_wait3A_723] : memref<8x1280xi32, #tpu.memory_space<vmem>> -> memref<1x1280xi32, #tpu.memory_space<vmem>>
    %dma_wait3A_725 = tpu.memref_squeeze %dma_wait3A_724 : memref<1x1280xi32, #tpu.memory_space<vmem>> -> memref<1280xi32, #tpu.memory_space<vmem>>
    %dma_wait3A_726 = arith.constant 0 : i32
    %dma_wait3A_727 = arith.constant 0 : i32
    %dma_wait3A_728 = tpu.memref_slice %arg2[%dma_wait3A_726, %dma_wait3A_727] : memref<10000x32xf32, #tpu.memory_space<hbm>> -> memref<10000x32xf32, #tpu.memory_space<hbm>>
    tpu.wait_indirect_dma semaphore(%arg12 : memref<!tpu.dma_semaphore, #tpu.memory_space<semaphore_mem>>) src(%dma_wait3A_728 : memref<10000x32xf32, #tpu.memory_space<hbm>>) dst(%arg8 : memref<1280x32xf32, #tpu.memory_space<vmem>>)
    %run_scoped3A_729 = arith.constant 1 : i32
    %run_scoped3A_730 = arith.constant 3 : i32
    "tpu.region"() ({
      %run_scoped3A_824 = tpu.sem_alloc : memref<!tpu.dma_semaphore, #tpu.memory_space<semaphore_mem>>
      %dma_start3A_825 = arith.constant 0 : i32
      %dma_start3A_826 = arith.constant 0 : i32
      %dma_start3A_827 = tpu.memref_slice %arg6[%run_scoped3A_729, %dma_start3A_825, %dma_start3A_826] : memref<2x8x1280xi32, #tpu.memory_space<vmem>> -> memref<1x8x1280xi32, #tpu.memory_space<vmem>>
      %dma_start3A_828 = tpu.memref_squeeze %dma_start3A_827 : memref<1x8x1280xi32, #tpu.memory_space<vmem>> -> memref<8x1280xi32, #tpu.memory_space<vmem>>
      %dma_start3A_829 = arith.constant 0 : i32
      %dma_start3A_830 = tpu.memref_slice %dma_start3A_828[%run_scoped3A_730, %dma_start3A_829] : memref<8x1280xi32, #tpu.memory_space<vmem>> -> memref<1x1280xi32, #tpu.memory_space<vmem>>
      %dma_start3A_831 = tpu.memref_squeeze %dma_start3A_830 : memref<1x1280xi32, #tpu.memory_space<vmem>> -> memref<1280xi32, #tpu.memory_space<vmem>>
      %dma_start3A_832 = arith.constant 0 : i32
      %dma_start3A_833 = arith.constant 0 : i32
      %dma_start3A_834 = tpu.memref_slice %arg9[%dma_start3A_832, %dma_start3A_833] : memref<10240x32xf32, #tpu.memory_space<vmem_shared>> -> memref<10240x32xf32, #tpu.memory_space<vmem_shared>>
      tpu.enqueue_indirect_dma source(%arg8 : memref<1280x32xf32, #tpu.memory_space<vmem>>) target(%dma_start3A_834 : memref<10240x32xf32, #tpu.memory_space<vmem_shared>>) offsets(%dma_start3A_831 : memref<1280xi32, #tpu.memory_space<vmem>>) semaphore(%run_scoped3A_824 : memref<!tpu.dma_semaphore, #tpu.memory_space<semaphore_mem>>) {add = true}
      %dma_wait3A_835 = arith.constant 0 : i32
      %dma_wait3A_836 = arith.constant 0 : i32
      %dma_wait3A_837 = tpu.memref_slice %arg6[%run_scoped3A_729, %dma_wait3A_835, %dma_wait3A_836] : memref<2x8x1280xi32, #tpu.memory_space<vmem>> -> memref<1x8x1280xi32, #tpu.memory_space<vmem>>
      %dma_wait3A_838 = tpu.memref_squeeze %dma_wait3A_837 : memref<1x8x1280xi32, #tpu.memory_space<vmem>> -> memref<8x1280xi32, #tpu.memory_space<vmem>>
      %dma_wait3A_839 = arith.constant 0 : i32
      %dma_wait3A_840 = tpu.memref_slice %dma_wait3A_838[%run_scoped3A_730, %dma_wait3A_839] : memref<8x1280xi32, #tpu.memory_space<vmem>> -> memref<1x1280xi32, #tpu.memory_space<vmem>>
      %dma_wait3A_841 = tpu.memref_squeeze %dma_wait3A_840 : memref<1x1280xi32, #tpu.memory_space<vmem>> -> memref<1280xi32, #tpu.memory_space<vmem>>
      %dma_wait3A_842 = arith.constant 0 : i32
      %dma_wait3A_843 = arith.constant 0 : i32
      %dma_wait3A_844 = tpu.memref_slice %arg9[%dma_wait3A_842, %dma_wait3A_843] : memref<10240x32xf32, #tpu.memory_space<vmem_shared>> -> memref<10240x32xf32, #tpu.memory_space<vmem_shared>>
      tpu.wait_indirect_dma semaphore(%run_scoped3A_824 : memref<!tpu.dma_semaphore, #tpu.memory_space<semaphore_mem>>) src(%arg8 : memref<1280x32xf32, #tpu.memory_space<vmem>>) dst(%dma_wait3A_844 : memref<10240x32xf32, #tpu.memory_space<vmem_shared>>)
      tpu.yield
    }) : () -> ()
    %dma_start3A_731 = arith.constant 0 : i32
    %dma_start3A_732 = arith.constant 5 : i32
    %dma_start3A_733 = arith.constant 0 : i32
    %dma_start3A_734 = arith.constant 0 : i32
    %dma_start3A_735 = tpu.memref_slice %arg6[%dma_start3A_731, %dma_start3A_733, %dma_start3A_734] : memref<2x8x1280xi32, #tpu.memory_space<vmem>> -> memref<1x8x1280xi32, #tpu.memory_space<vmem>>
    %dma_start3A_736 = tpu.memref_squeeze %dma_start3A_735 : memref<1x8x1280xi32, #tpu.memory_space<vmem>> -> memref<8x1280xi32, #tpu.memory_space<vmem>>
    %dma_start3A_737 = arith.constant 0 : i32
    %dma_start3A_738 = tpu.memref_slice %dma_start3A_736[%dma_start3A_732, %dma_start3A_737] : memref<8x1280xi32, #tpu.memory_space<vmem>> -> memref<1x1280xi32, #tpu.memory_space<vmem>>
    %dma_start3A_739 = tpu.memref_squeeze %dma_start3A_738 : memref<1x1280xi32, #tpu.memory_space<vmem>> -> memref<1280xi32, #tpu.memory_space<vmem>>
    %dma_start3A_740 = arith.constant 0 : i32
    %dma_start3A_741 = arith.constant 0 : i32
    %dma_start3A_742 = tpu.memref_slice %arg2[%dma_start3A_740, %dma_start3A_741] : memref<10000x32xf32, #tpu.memory_space<hbm>> -> memref<10000x32xf32, #tpu.memory_space<hbm>>
    tpu.enqueue_indirect_dma source(%dma_start3A_742 : memref<10000x32xf32, #tpu.memory_space<hbm>>) target(%arg8 : memref<1280x32xf32, #tpu.memory_space<vmem>>) offsets(%dma_start3A_739 : memref<1280xi32, #tpu.memory_space<vmem>>) semaphore(%arg12 : memref<!tpu.dma_semaphore, #tpu.memory_space<semaphore_mem>>)
    %dma_wait3A_743 = arith.constant 0 : i32
    %dma_wait3A_744 = arith.constant 4 : i32
    %dma_wait3A_745 = arith.constant 0 : i32
    %dma_wait3A_746 = arith.constant 0 : i32
    %dma_wait3A_747 = tpu.memref_slice %arg6[%dma_wait3A_743, %dma_wait3A_745, %dma_wait3A_746] : memref<2x8x1280xi32, #tpu.memory_space<vmem>> -> memref<1x8x1280xi32, #tpu.memory_space<vmem>>
    %dma_wait3A_748 = tpu.memref_squeeze %dma_wait3A_747 : memref<1x8x1280xi32, #tpu.memory_space<vmem>> -> memref<8x1280xi32, #tpu.memory_space<vmem>>
    %dma_wait3A_749 = arith.constant 0 : i32
    %dma_wait3A_750 = tpu.memref_slice %dma_wait3A_748[%dma_wait3A_744, %dma_wait3A_749] : memref<8x1280xi32, #tpu.memory_space<vmem>> -> memref<1x1280xi32, #tpu.memory_space<vmem>>
    %dma_wait3A_751 = tpu.memref_squeeze %dma_wait3A_750 : memref<1x1280xi32, #tpu.memory_space<vmem>> -> memref<1280xi32, #tpu.memory_space<vmem>>
    %dma_wait3A_752 = arith.constant 0 : i32
    %dma_wait3A_753 = arith.constant 0 : i32
    %dma_wait3A_754 = tpu.memref_slice %arg2[%dma_wait3A_752, %dma_wait3A_753] : memref<10000x32xf32, #tpu.memory_space<hbm>> -> memref<10000x32xf32, #tpu.memory_space<hbm>>
    tpu.wait_indirect_dma semaphore(%arg11 : memref<!tpu.dma_semaphore, #tpu.memory_space<semaphore_mem>>) src(%dma_wait3A_754 : memref<10000x32xf32, #tpu.memory_space<hbm>>) dst(%arg7 : memref<1280x32xf32, #tpu.memory_space<vmem>>)
    %run_scoped3A_755 = arith.constant 1 : i32
    %run_scoped3A_756 = arith.constant 4 : i32
    "tpu.region"() ({
      %run_scoped3A_824 = tpu.sem_alloc : memref<!tpu.dma_semaphore, #tpu.memory_space<semaphore_mem>>
      %dma_start3A_825 = arith.constant 0 : i32
      %dma_start3A_826 = arith.constant 0 : i32
      %dma_start3A_827 = tpu.memref_slice %arg6[%run_scoped3A_755, %dma_start3A_825, %dma_start3A_826] : memref<2x8x1280xi32, #tpu.memory_space<vmem>> -> memref<1x8x1280xi32, #tpu.memory_space<vmem>>
      %dma_start3A_828 = tpu.memref_squeeze %dma_start3A_827 : memref<1x8x1280xi32, #tpu.memory_space<vmem>> -> memref<8x1280xi32, #tpu.memory_space<vmem>>
      %dma_start3A_829 = arith.constant 0 : i32
      %dma_start3A_830 = tpu.memref_slice %dma_start3A_828[%run_scoped3A_756, %dma_start3A_829] : memref<8x1280xi32, #tpu.memory_space<vmem>> -> memref<1x1280xi32, #tpu.memory_space<vmem>>
      %dma_start3A_831 = tpu.memref_squeeze %dma_start3A_830 : memref<1x1280xi32, #tpu.memory_space<vmem>> -> memref<1280xi32, #tpu.memory_space<vmem>>
      %dma_start3A_832 = arith.constant 0 : i32
      %dma_start3A_833 = arith.constant 0 : i32
      %dma_start3A_834 = tpu.memref_slice %arg9[%dma_start3A_832, %dma_start3A_833] : memref<10240x32xf32, #tpu.memory_space<vmem_shared>> -> memref<10240x32xf32, #tpu.memory_space<vmem_shared>>
      tpu.enqueue_indirect_dma source(%arg7 : memref<1280x32xf32, #tpu.memory_space<vmem>>) target(%dma_start3A_834 : memref<10240x32xf32, #tpu.memory_space<vmem_shared>>) offsets(%dma_start3A_831 : memref<1280xi32, #tpu.memory_space<vmem>>) semaphore(%run_scoped3A_824 : memref<!tpu.dma_semaphore, #tpu.memory_space<semaphore_mem>>) {add = true}
      %dma_wait3A_835 = arith.constant 0 : i32
      %dma_wait3A_836 = arith.constant 0 : i32
      %dma_wait3A_837 = tpu.memref_slice %arg6[%run_scoped3A_755, %dma_wait3A_835, %dma_wait3A_836] : memref<2x8x1280xi32, #tpu.memory_space<vmem>> -> memref<1x8x1280xi32, #tpu.memory_space<vmem>>
      %dma_wait3A_838 = tpu.memref_squeeze %dma_wait3A_837 : memref<1x8x1280xi32, #tpu.memory_space<vmem>> -> memref<8x1280xi32, #tpu.memory_space<vmem>>
      %dma_wait3A_839 = arith.constant 0 : i32
      %dma_wait3A_840 = tpu.memref_slice %dma_wait3A_838[%run_scoped3A_756, %dma_wait3A_839] : memref<8x1280xi32, #tpu.memory_space<vmem>> -> memref<1x1280xi32, #tpu.memory_space<vmem>>
      %dma_wait3A_841 = tpu.memref_squeeze %dma_wait3A_840 : memref<1x1280xi32, #tpu.memory_space<vmem>> -> memref<1280xi32, #tpu.memory_space<vmem>>
      %dma_wait3A_842 = arith.constant 0 : i32
      %dma_wait3A_843 = arith.constant 0 : i32
      %dma_wait3A_844 = tpu.memref_slice %arg9[%dma_wait3A_842, %dma_wait3A_843] : memref<10240x32xf32, #tpu.memory_space<vmem_shared>> -> memref<10240x32xf32, #tpu.memory_space<vmem_shared>>
      tpu.wait_indirect_dma semaphore(%run_scoped3A_824 : memref<!tpu.dma_semaphore, #tpu.memory_space<semaphore_mem>>) src(%arg7 : memref<1280x32xf32, #tpu.memory_space<vmem>>) dst(%dma_wait3A_844 : memref<10240x32xf32, #tpu.memory_space<vmem_shared>>)
      tpu.yield
    }) : () -> ()
    %dma_start3A_757 = arith.constant 0 : i32
    %dma_start3A_758 = arith.constant 6 : i32
    %dma_start3A_759 = arith.constant 0 : i32
    %dma_start3A_760 = arith.constant 0 : i32
    %dma_start3A_761 = tpu.memref_slice %arg6[%dma_start3A_757, %dma_start3A_759, %dma_start3A_760] : memref<2x8x1280xi32, #tpu.memory_space<vmem>> -> memref<1x8x1280xi32, #tpu.memory_space<vmem>>
    %dma_start3A_762 = tpu.memref_squeeze %dma_start3A_761 : memref<1x8x1280xi32, #tpu.memory_space<vmem>> -> memref<8x1280xi32, #tpu.memory_space<vmem>>
    %dma_start3A_763 = arith.constant 0 : i32
    %dma_start3A_764 = tpu.memref_slice %dma_start3A_762[%dma_start3A_758, %dma_start3A_763] : memref<8x1280xi32, #tpu.memory_space<vmem>> -> memref<1x1280xi32, #tpu.memory_space<vmem>>
    %dma_start3A_765 = tpu.memref_squeeze %dma_start3A_764 : memref<1x1280xi32, #tpu.memory_space<vmem>> -> memref<1280xi32, #tpu.memory_space<vmem>>
    %dma_start3A_766 = arith.constant 0 : i32
    %dma_start3A_767 = arith.constant 0 : i32
    %dma_start3A_768 = tpu.memref_slice %arg2[%dma_start3A_766, %dma_start3A_767] : memref<10000x32xf32, #tpu.memory_space<hbm>> -> memref<10000x32xf32, #tpu.memory_space<hbm>>
    tpu.enqueue_indirect_dma source(%dma_start3A_768 : memref<10000x32xf32, #tpu.memory_space<hbm>>) target(%arg7 : memref<1280x32xf32, #tpu.memory_space<vmem>>) offsets(%dma_start3A_765 : memref<1280xi32, #tpu.memory_space<vmem>>) semaphore(%arg11 : memref<!tpu.dma_semaphore, #tpu.memory_space<semaphore_mem>>)
    %dma_wait3A_769 = arith.constant 0 : i32
    %dma_wait3A_770 = arith.constant 5 : i32
    %dma_wait3A_771 = arith.constant 0 : i32
    %dma_wait3A_772 = arith.constant 0 : i32
    %dma_wait3A_773 = tpu.memref_slice %arg6[%dma_wait3A_769, %dma_wait3A_771, %dma_wait3A_772] : memref<2x8x1280xi32, #tpu.memory_space<vmem>> -> memref<1x8x1280xi32, #tpu.memory_space<vmem>>
    %dma_wait3A_774 = tpu.memref_squeeze %dma_wait3A_773 : memref<1x8x1280xi32, #tpu.memory_space<vmem>> -> memref<8x1280xi32, #tpu.memory_space<vmem>>
    %dma_wait3A_775 = arith.constant 0 : i32
    %dma_wait3A_776 = tpu.memref_slice %dma_wait3A_774[%dma_wait3A_770, %dma_wait3A_775] : memref<8x1280xi32, #tpu.memory_space<vmem>> -> memref<1x1280xi32, #tpu.memory_space<vmem>>
    %dma_wait3A_777 = tpu.memref_squeeze %dma_wait3A_776 : memref<1x1280xi32, #tpu.memory_space<vmem>> -> memref<1280xi32, #tpu.memory_space<vmem>>
    %dma_wait3A_778 = arith.constant 0 : i32
    %dma_wait3A_779 = arith.constant 0 : i32
    %dma_wait3A_780 = tpu.memref_slice %arg2[%dma_wait3A_778, %dma_wait3A_779] : memref<10000x32xf32, #tpu.memory_space<hbm>> -> memref<10000x32xf32, #tpu.memory_space<hbm>>
    tpu.wait_indirect_dma semaphore(%arg12 : memref<!tpu.dma_semaphore, #tpu.memory_space<semaphore_mem>>) src(%dma_wait3A_780 : memref<10000x32xf32, #tpu.memory_space<hbm>>) dst(%arg8 : memref<1280x32xf32, #tpu.memory_space<vmem>>)
    %run_scoped3A_781 = arith.constant 1 : i32
    %run_scoped3A_782 = arith.constant 5 : i32
    "tpu.region"() ({
      %run_scoped3A_824 = tpu.sem_alloc : memref<!tpu.dma_semaphore, #tpu.memory_space<semaphore_mem>>
      %dma_start3A_825 = arith.constant 0 : i32
      %dma_start3A_826 = arith.constant 0 : i32
      %dma_start3A_827 = tpu.memref_slice %arg6[%run_scoped3A_781, %dma_start3A_825, %dma_start3A_826] : memref<2x8x1280xi32, #tpu.memory_space<vmem>> -> memref<1x8x1280xi32, #tpu.memory_space<vmem>>
      %dma_start3A_828 = tpu.memref_squeeze %dma_start3A_827 : memref<1x8x1280xi32, #tpu.memory_space<vmem>> -> memref<8x1280xi32, #tpu.memory_space<vmem>>
      %dma_start3A_829 = arith.constant 0 : i32
      %dma_start3A_830 = tpu.memref_slice %dma_start3A_828[%run_scoped3A_782, %dma_start3A_829] : memref<8x1280xi32, #tpu.memory_space<vmem>> -> memref<1x1280xi32, #tpu.memory_space<vmem>>
      %dma_start3A_831 = tpu.memref_squeeze %dma_start3A_830 : memref<1x1280xi32, #tpu.memory_space<vmem>> -> memref<1280xi32, #tpu.memory_space<vmem>>
      %dma_start3A_832 = arith.constant 0 : i32
      %dma_start3A_833 = arith.constant 0 : i32
      %dma_start3A_834 = tpu.memref_slice %arg9[%dma_start3A_832, %dma_start3A_833] : memref<10240x32xf32, #tpu.memory_space<vmem_shared>> -> memref<10240x32xf32, #tpu.memory_space<vmem_shared>>
      tpu.enqueue_indirect_dma source(%arg8 : memref<1280x32xf32, #tpu.memory_space<vmem>>) target(%dma_start3A_834 : memref<10240x32xf32, #tpu.memory_space<vmem_shared>>) offsets(%dma_start3A_831 : memref<1280xi32, #tpu.memory_space<vmem>>) semaphore(%run_scoped3A_824 : memref<!tpu.dma_semaphore, #tpu.memory_space<semaphore_mem>>) {add = true}
      %dma_wait3A_835 = arith.constant 0 : i32
      %dma_wait3A_836 = arith.constant 0 : i32
      %dma_wait3A_837 = tpu.memref_slice %arg6[%run_scoped3A_781, %dma_wait3A_835, %dma_wait3A_836] : memref<2x8x1280xi32, #tpu.memory_space<vmem>> -> memref<1x8x1280xi32, #tpu.memory_space<vmem>>
      %dma_wait3A_838 = tpu.memref_squeeze %dma_wait3A_837 : memref<1x8x1280xi32, #tpu.memory_space<vmem>> -> memref<8x1280xi32, #tpu.memory_space<vmem>>
      %dma_wait3A_839 = arith.constant 0 : i32
      %dma_wait3A_840 = tpu.memref_slice %dma_wait3A_838[%run_scoped3A_782, %dma_wait3A_839] : memref<8x1280xi32, #tpu.memory_space<vmem>> -> memref<1x1280xi32, #tpu.memory_space<vmem>>
      %dma_wait3A_841 = tpu.memref_squeeze %dma_wait3A_840 : memref<1x1280xi32, #tpu.memory_space<vmem>> -> memref<1280xi32, #tpu.memory_space<vmem>>
      %dma_wait3A_842 = arith.constant 0 : i32
      %dma_wait3A_843 = arith.constant 0 : i32
      %dma_wait3A_844 = tpu.memref_slice %arg9[%dma_wait3A_842, %dma_wait3A_843] : memref<10240x32xf32, #tpu.memory_space<vmem_shared>> -> memref<10240x32xf32, #tpu.memory_space<vmem_shared>>
      tpu.wait_indirect_dma semaphore(%run_scoped3A_824 : memref<!tpu.dma_semaphore, #tpu.memory_space<semaphore_mem>>) src(%arg8 : memref<1280x32xf32, #tpu.memory_space<vmem>>) dst(%dma_wait3A_844 : memref<10240x32xf32, #tpu.memory_space<vmem_shared>>)
      tpu.yield
    }) : () -> ()
    %dma_start3A_783 = arith.constant 0 : i32
    %dma_start3A_784 = arith.constant 7 : i32
    %dma_start3A_785 = arith.constant 0 : i32
    %dma_start3A_786 = arith.constant 0 : i32
    %dma_start3A_787 = tpu.memref_slice %arg6[%dma_start3A_783, %dma_start3A_785, %dma_start3A_786] : memref<2x8x1280xi32, #tpu.memory_space<vmem>> -> memref<1x8x1280xi32, #tpu.memory_space<vmem>>
    %dma_start3A_788 = tpu.memref_squeeze %dma_start3A_787 : memref<1x8x1280xi32, #tpu.memory_space<vmem>> -> memref<8x1280xi32, #tpu.memory_space<vmem>>
    %dma_start3A_789 = arith.constant 0 : i32
    %dma_start3A_790 = tpu.memref_slice %dma_start3A_788[%dma_start3A_784, %dma_start3A_789] : memref<8x1280xi32, #tpu.memory_space<vmem>> -> memref<1x1280xi32, #tpu.memory_space<vmem>>
    %dma_start3A_791 = tpu.memref_squeeze %dma_start3A_790 : memref<1x1280xi32, #tpu.memory_space<vmem>> -> memref<1280xi32, #tpu.memory_space<vmem>>
    %dma_start3A_792 = arith.constant 0 : i32
    %dma_start3A_793 = arith.constant 0 : i32
    %dma_start3A_794 = tpu.memref_slice %arg2[%dma_start3A_792, %dma_start3A_793] : memref<10000x32xf32, #tpu.memory_space<hbm>> -> memref<10000x32xf32, #tpu.memory_space<hbm>>
    tpu.enqueue_indirect_dma source(%dma_start3A_794 : memref<10000x32xf32, #tpu.memory_space<hbm>>) target(%arg8 : memref<1280x32xf32, #tpu.memory_space<vmem>>) offsets(%dma_start3A_791 : memref<1280xi32, #tpu.memory_space<vmem>>) semaphore(%arg12 : memref<!tpu.dma_semaphore, #tpu.memory_space<semaphore_mem>>)
    %dma_wait3A_795 = arith.constant 0 : i32
    %dma_wait3A_796 = arith.constant 6 : i32
    %dma_wait3A_797 = arith.constant 0 : i32
    %dma_wait3A_798 = arith.constant 0 : i32
    %dma_wait3A_799 = tpu.memref_slice %arg6[%dma_wait3A_795, %dma_wait3A_797, %dma_wait3A_798] : memref<2x8x1280xi32, #tpu.memory_space<vmem>> -> memref<1x8x1280xi32, #tpu.memory_space<vmem>>
    %dma_wait3A_800 = tpu.memref_squeeze %dma_wait3A_799 : memref<1x8x1280xi32, #tpu.memory_space<vmem>> -> memref<8x1280xi32, #tpu.memory_space<vmem>>
    %dma_wait3A_801 = arith.constant 0 : i32
    %dma_wait3A_802 = tpu.memref_slice %dma_wait3A_800[%dma_wait3A_796, %dma_wait3A_801] : memref<8x1280xi32, #tpu.memory_space<vmem>> -> memref<1x1280xi32, #tpu.memory_space<vmem>>
    %dma_wait3A_803 = tpu.memref_squeeze %dma_wait3A_802 : memref<1x1280xi32, #tpu.memory_space<vmem>> -> memref<1280xi32, #tpu.memory_space<vmem>>
    %dma_wait3A_804 = arith.constant 0 : i32
    %dma_wait3A_805 = arith.constant 0 : i32
    %dma_wait3A_806 = tpu.memref_slice %arg2[%dma_wait3A_804, %dma_wait3A_805] : memref<10000x32xf32, #tpu.memory_space<hbm>> -> memref<10000x32xf32, #tpu.memory_space<hbm>>
    tpu.wait_indirect_dma semaphore(%arg11 : memref<!tpu.dma_semaphore, #tpu.memory_space<semaphore_mem>>) src(%dma_wait3A_806 : memref<10000x32xf32, #tpu.memory_space<hbm>>) dst(%arg7 : memref<1280x32xf32, #tpu.memory_space<vmem>>)
    %run_scoped3A_807 = arith.constant 1 : i32
    %run_scoped3A_808 = arith.constant 6 : i32
    "tpu.region"() ({
      %run_scoped3A_824 = tpu.sem_alloc : memref<!tpu.dma_semaphore, #tpu.memory_space<semaphore_mem>>
      %dma_start3A_825 = arith.constant 0 : i32
      %dma_start3A_826 = arith.constant 0 : i32
      %dma_start3A_827 = tpu.memref_slice %arg6[%run_scoped3A_807, %dma_start3A_825, %dma_start3A_826] : memref<2x8x1280xi32, #tpu.memory_space<vmem>> -> memref<1x8x1280xi32, #tpu.memory_space<vmem>>
      %dma_start3A_828 = tpu.memref_squeeze %dma_start3A_827 : memref<1x8x1280xi32, #tpu.memory_space<vmem>> -> memref<8x1280xi32, #tpu.memory_space<vmem>>
      %dma_start3A_829 = arith.constant 0 : i32
      %dma_start3A_830 = tpu.memref_slice %dma_start3A_828[%run_scoped3A_808, %dma_start3A_829] : memref<8x1280xi32, #tpu.memory_space<vmem>> -> memref<1x1280xi32, #tpu.memory_space<vmem>>
      %dma_start3A_831 = tpu.memref_squeeze %dma_start3A_830 : memref<1x1280xi32, #tpu.memory_space<vmem>> -> memref<1280xi32, #tpu.memory_space<vmem>>
      %dma_start3A_832 = arith.constant 0 : i32
      %dma_start3A_833 = arith.constant 0 : i32
      %dma_start3A_834 = tpu.memref_slice %arg9[%dma_start3A_832, %dma_start3A_833] : memref<10240x32xf32, #tpu.memory_space<vmem_shared>> -> memref<10240x32xf32, #tpu.memory_space<vmem_shared>>
      tpu.enqueue_indirect_dma source(%arg7 : memref<1280x32xf32, #tpu.memory_space<vmem>>) target(%dma_start3A_834 : memref<10240x32xf32, #tpu.memory_space<vmem_shared>>) offsets(%dma_start3A_831 : memref<1280xi32, #tpu.memory_space<vmem>>) semaphore(%run_scoped3A_824 : memref<!tpu.dma_semaphore, #tpu.memory_space<semaphore_mem>>) {add = true}
      %dma_wait3A_835 = arith.constant 0 : i32
      %dma_wait3A_836 = arith.constant 0 : i32
      %dma_wait3A_837 = tpu.memref_slice %arg6[%run_scoped3A_807, %dma_wait3A_835, %dma_wait3A_836] : memref<2x8x1280xi32, #tpu.memory_space<vmem>> -> memref<1x8x1280xi32, #tpu.memory_space<vmem>>
      %dma_wait3A_838 = tpu.memref_squeeze %dma_wait3A_837 : memref<1x8x1280xi32, #tpu.memory_space<vmem>> -> memref<8x1280xi32, #tpu.memory_space<vmem>>
      %dma_wait3A_839 = arith.constant 0 : i32
      %dma_wait3A_840 = tpu.memref_slice %dma_wait3A_838[%run_scoped3A_808, %dma_wait3A_839] : memref<8x1280xi32, #tpu.memory_space<vmem>> -> memref<1x1280xi32, #tpu.memory_space<vmem>>
      %dma_wait3A_841 = tpu.memref_squeeze %dma_wait3A_840 : memref<1x1280xi32, #tpu.memory_space<vmem>> -> memref<1280xi32, #tpu.memory_space<vmem>>
      %dma_wait3A_842 = arith.constant 0 : i32
      %dma_wait3A_843 = arith.constant 0 : i32
      %dma_wait3A_844 = tpu.memref_slice %arg9[%dma_wait3A_842, %dma_wait3A_843] : memref<10240x32xf32, #tpu.memory_space<vmem_shared>> -> memref<10240x32xf32, #tpu.memory_space<vmem_shared>>
      tpu.wait_indirect_dma semaphore(%run_scoped3A_824 : memref<!tpu.dma_semaphore, #tpu.memory_space<semaphore_mem>>) src(%arg7 : memref<1280x32xf32, #tpu.memory_space<vmem>>) dst(%dma_wait3A_844 : memref<10240x32xf32, #tpu.memory_space<vmem_shared>>)
      tpu.yield
    }) : () -> ()
    %dma_wait3A_809 = arith.constant 0 : i32
    %dma_wait3A_810 = arith.constant 7 : i32
    %dma_wait3A_811 = arith.constant 0 : i32
    %dma_wait3A_812 = arith.constant 0 : i32
    %dma_wait3A_813 = tpu.memref_slice %arg6[%dma_wait3A_809, %dma_wait3A_811, %dma_wait3A_812] : memref<2x8x1280xi32, #tpu.memory_space<vmem>> -> memref<1x8x1280xi32, #tpu.memory_space<vmem>>
    %dma_wait3A_814 = tpu.memref_squeeze %dma_wait3A_813 : memref<1x8x1280xi32, #tpu.memory_space<vmem>> -> memref<8x1280xi32, #tpu.memory_space<vmem>>
    %dma_wait3A_815 = arith.constant 0 : i32
    %dma_wait3A_816 = tpu.memref_slice %dma_wait3A_814[%dma_wait3A_810, %dma_wait3A_815] : memref<8x1280xi32, #tpu.memory_space<vmem>> -> memref<1x1280xi32, #tpu.memory_space<vmem>>
    %dma_wait3A_817 = tpu.memref_squeeze %dma_wait3A_816 : memref<1x1280xi32, #tpu.memory_space<vmem>> -> memref<1280xi32, #tpu.memory_space<vmem>>
    %dma_wait3A_818 = arith.constant 0 : i32
    %dma_wait3A_819 = arith.constant 0 : i32
    %dma_wait3A_820 = tpu.memref_slice %arg2[%dma_wait3A_818, %dma_wait3A_819] : memref<10000x32xf32, #tpu.memory_space<hbm>> -> memref<10000x32xf32, #tpu.memory_space<hbm>>
    tpu.wait_indirect_dma semaphore(%arg12 : memref<!tpu.dma_semaphore, #tpu.memory_space<semaphore_mem>>) src(%dma_wait3A_820 : memref<10000x32xf32, #tpu.memory_space<hbm>>) dst(%arg8 : memref<1280x32xf32, #tpu.memory_space<vmem>>)
    %run_scoped3A_821 = arith.constant 1 : i32
    %run_scoped3A_822 = arith.constant 7 : i32
    "tpu.region"() ({
      %run_scoped3A_824 = tpu.sem_alloc : memref<!tpu.dma_semaphore, #tpu.memory_space<semaphore_mem>>
      %dma_start3A_825 = arith.constant 0 : i32
      %dma_start3A_826 = arith.constant 0 : i32
      %dma_start3A_827 = tpu.memref_slice %arg6[%run_scoped3A_821, %dma_start3A_825, %dma_start3A_826] : memref<2x8x1280xi32, #tpu.memory_space<vmem>> -> memref<1x8x1280xi32, #tpu.memory_space<vmem>>
      %dma_start3A_828 = tpu.memref_squeeze %dma_start3A_827 : memref<1x8x1280xi32, #tpu.memory_space<vmem>> -> memref<8x1280xi32, #tpu.memory_space<vmem>>
      %dma_start3A_829 = arith.constant 0 : i32
      %dma_start3A_830 = tpu.memref_slice %dma_start3A_828[%run_scoped3A_822, %dma_start3A_829] : memref<8x1280xi32, #tpu.memory_space<vmem>> -> memref<1x1280xi32, #tpu.memory_space<vmem>>
      %dma_start3A_831 = tpu.memref_squeeze %dma_start3A_830 : memref<1x1280xi32, #tpu.memory_space<vmem>> -> memref<1280xi32, #tpu.memory_space<vmem>>
      %dma_start3A_832 = arith.constant 0 : i32
      %dma_start3A_833 = arith.constant 0 : i32
      %dma_start3A_834 = tpu.memref_slice %arg9[%dma_start3A_832, %dma_start3A_833] : memref<10240x32xf32, #tpu.memory_space<vmem_shared>> -> memref<10240x32xf32, #tpu.memory_space<vmem_shared>>
      tpu.enqueue_indirect_dma source(%arg8 : memref<1280x32xf32, #tpu.memory_space<vmem>>) target(%dma_start3A_834 : memref<10240x32xf32, #tpu.memory_space<vmem_shared>>) offsets(%dma_start3A_831 : memref<1280xi32, #tpu.memory_space<vmem>>) semaphore(%run_scoped3A_824 : memref<!tpu.dma_semaphore, #tpu.memory_space<semaphore_mem>>) {add = true}
      %dma_wait3A_835 = arith.constant 0 : i32
      %dma_wait3A_836 = arith.constant 0 : i32
      %dma_wait3A_837 = tpu.memref_slice %arg6[%run_scoped3A_821, %dma_wait3A_835, %dma_wait3A_836] : memref<2x8x1280xi32, #tpu.memory_space<vmem>> -> memref<1x8x1280xi32, #tpu.memory_space<vmem>>
      %dma_wait3A_838 = tpu.memref_squeeze %dma_wait3A_837 : memref<1x8x1280xi32, #tpu.memory_space<vmem>> -> memref<8x1280xi32, #tpu.memory_space<vmem>>
      %dma_wait3A_839 = arith.constant 0 : i32
      %dma_wait3A_840 = tpu.memref_slice %dma_wait3A_838[%run_scoped3A_822, %dma_wait3A_839] : memref<8x1280xi32, #tpu.memory_space<vmem>> -> memref<1x1280xi32, #tpu.memory_space<vmem>>
      %dma_wait3A_841 = tpu.memref_squeeze %dma_wait3A_840 : memref<1x1280xi32, #tpu.memory_space<vmem>> -> memref<1280xi32, #tpu.memory_space<vmem>>
      %dma_wait3A_842 = arith.constant 0 : i32
      %dma_wait3A_843 = arith.constant 0 : i32
      %dma_wait3A_844 = tpu.memref_slice %arg9[%dma_wait3A_842, %dma_wait3A_843] : memref<10240x32xf32, #tpu.memory_space<vmem_shared>> -> memref<10240x32xf32, #tpu.memory_space<vmem_shared>>
      tpu.wait_indirect_dma semaphore(%run_scoped3A_824 : memref<!tpu.dma_semaphore, #tpu.memory_space<semaphore_mem>>) src(%arg8 : memref<1280x32xf32, #tpu.memory_space<vmem>>) dst(%dma_wait3A_844 : memref<10240x32xf32, #tpu.memory_space<vmem_shared>>)
      tpu.yield
    }) : () -> ()
    %barrier3A_823 = arith.constant 0 : index
    tpu.barrier barrier_id(%barrier3A_823)
    "tpu.region"() ({
      %run_scoped3A_824 = tpu.sem_alloc : memref<!tpu.dma_semaphore, #tpu.memory_space<semaphore_mem>>
      %dma_start3A_825 = arith.constant 0 : i32
      %dma_start3A_826 = tpu.memref_slice %arg5[%arg0, %multiple_of3A, %dma_start3A_825] : memref<2x10240x32xf32, #tpu.memory_space<hbm>> -> memref<1x640x32xf32, #tpu.memory_space<hbm>>
      %dma_start3A_827 = tpu.memref_squeeze %dma_start3A_826 : memref<1x640x32xf32, #tpu.memory_space<hbm>> -> memref<640x32xf32, #tpu.memory_space<hbm>>
      %dma_start3A_828 = arith.constant 0 : i32
      %dma_start3A_829 = tpu.memref_slice %arg9[%multiple_of3A, %dma_start3A_828] : memref<10240x32xf32, #tpu.memory_space<vmem_shared>> -> memref<640x32xf32, #tpu.memory_space<vmem_shared>>
      tpu.enqueue_dma source(%dma_start3A_829 : memref<640x32xf32, #tpu.memory_space<vmem_shared>>) target(%dma_start3A_827 : memref<640x32xf32, #tpu.memory_space<hbm>>) target_semaphore(%run_scoped3A_824 : memref<!tpu.dma_semaphore, #tpu.memory_space<semaphore_mem>>)
      %dma_wait3A_830 = arith.constant 0 : i32
      %dma_wait3A_831 = tpu.memref_slice %arg5[%arg0, %multiple_of3A, %dma_wait3A_830] : memref<2x10240x32xf32, #tpu.memory_space<hbm>> -> memref<1x640x32xf32, #tpu.memory_space<hbm>>
      %dma_wait3A_832 = tpu.memref_squeeze %dma_wait3A_831 : memref<1x640x32xf32, #tpu.memory_space<hbm>> -> memref<640x32xf32, #tpu.memory_space<hbm>>
      %dma_wait3A_833 = arith.constant 0 : i32
      %dma_wait3A_834 = tpu.memref_slice %arg9[%multiple_of3A, %dma_wait3A_833] : memref<10240x32xf32, #tpu.memory_space<vmem_shared>> -> memref<640x32xf32, #tpu.memory_space<vmem_shared>>
      tpu.wait_dma2 semaphore(%run_scoped3A_824 : memref<!tpu.dma_semaphore, #tpu.memory_space<semaphore_mem>>) src(%dma_wait3A_834 : memref<640x32xf32, #tpu.memory_space<vmem_shared>>) dst(%dma_wait3A_832 : memref<640x32xf32, #tpu.memory_space<hbm>>)
      tpu.yield
    }) : () -> ()
    return
  }
}

#map = affine_map<(d0, d1) -> (0, 0)>
#map1 = affine_map<(d0, d1) -> (0)>
#map2 = affine_map<(d0, d1) -> (0, 0, 0)>
module attributes {stable_mosaic.version = 14 : i64} {
  func.func @_agg_deg_body(%arg0: i32, %arg1: i32, %arg2: memref<10000x32xf32, #tpu.memory_space<hbm>>, %arg3: memref<327680xi32, #tpu.memory_space<hbm>>, %arg4: memref<327680xi32, #tpu.memory_space<hbm>>, %arg5: memref<2x10240x32xf32, #tpu.memory_space<hbm>>, %arg6: memref<2x10240xf32, #tpu.memory_space<hbm>>, %arg7: memref<2x8x1280xi32, #tpu.memory_space<vmem>>, %arg8: memref<1280x32xf32, #tpu.memory_space<vmem>>, %arg9: memref<1280x32xf32, #tpu.memory_space<vmem>>, %arg10: memref<1280xf32, #tpu.memory_space<vmem>>, %arg11: memref<640xf32, #tpu.memory_space<vmem>>, %arg12: memref<10240x32xf32, #tpu.memory_space<vmem_shared>>, %arg13: memref<10240xf32, #tpu.memory_space<vmem_shared>>, %arg14: memref<!tpu.dma_semaphore, #tpu.memory_space<semaphore_mem>>, %arg15: memref<!tpu.dma_semaphore, #tpu.memory_space<semaphore_mem>>, %arg16: memref<!tpu.dma_semaphore, #tpu.memory_space<semaphore_mem>>) attributes {dimension_semantics = [#tpu.dimension_semantics<core_parallel>, #tpu.dimension_semantics<subcore_parallel>], iteration_bounds = array<i64: 2, 16>, scalar_prefetch = 0 : i64, scratch_operands = 10 : i64, tpu.core_type = #tpu.core_type<sc_vector_subcore>, window_params = [{transform_indices = #map}, {transform_indices = #map1}, {transform_indices = #map1}, {transform_indices = #map2}, {transform_indices = #map}]} {
    %mul3A = arith.constant 16 : i32
    %mul3A_0 = arith.muli %arg0, %mul3A : i32
    %add3A = arith.addi %mul3A_0, %arg1 : i32
    %mul3A_1 = arith.constant 10240 : i32
    %mul3A_2 = arith.muli %add3A, %mul3A_1 : i32
    %add3A_3 = arith.constant 0 : i32
    %add3A_4 = arith.addi %mul3A_2, %add3A_3 : i32
    %dma_start3A = arith.constant 0 : i32
    %dma_start3A_5 = arith.constant 0 : i32
    %dma_start3A_6 = arith.constant 0 : i32
    %dma_start3A_7 = arith.constant 0 : i32
    %dma_start3A_8 = tpu.memref_slice %arg7[%dma_start3A, %dma_start3A_6, %dma_start3A_7] : memref<2x8x1280xi32, #tpu.memory_space<vmem>> -> memref<1x8x1280xi32, #tpu.memory_space<vmem>>
    %dma_start3A_9 = tpu.memref_squeeze %dma_start3A_8 : memref<1x8x1280xi32, #tpu.memory_space<vmem>> -> memref<8x1280xi32, #tpu.memory_space<vmem>>
    %dma_start3A_10 = arith.constant 0 : i32
    %dma_start3A_11 = tpu.memref_slice %dma_start3A_9[%dma_start3A_5, %dma_start3A_10] : memref<8x1280xi32, #tpu.memory_space<vmem>> -> memref<1x1280xi32, #tpu.memory_space<vmem>>
    %dma_start3A_12 = tpu.memref_squeeze %dma_start3A_11 : memref<1x1280xi32, #tpu.memory_space<vmem>> -> memref<1280xi32, #tpu.memory_space<vmem>>
    %dma_start3A_13 = tpu.memref_slice %arg3[%add3A_4] : memref<327680xi32, #tpu.memory_space<hbm>> -> memref<1280xi32, #tpu.memory_space<hbm>>
    %dma_start3A_14 = arith.constant 0 : i32
    %dma_start3A_15 = arith.constant 0 : i32
    %dma_start3A_16 = tpu.memref_slice %arg7[%dma_start3A, %dma_start3A_14, %dma_start3A_15] : memref<2x8x1280xi32, #tpu.memory_space<vmem>> -> memref<1x8x1280xi32, #tpu.memory_space<vmem>>
    %dma_start3A_17 = tpu.memref_squeeze %dma_start3A_16 : memref<1x8x1280xi32, #tpu.memory_space<vmem>> -> memref<8x1280xi32, #tpu.memory_space<vmem>>
    %dma_start3A_18 = arith.constant 0 : i32
    %dma_start3A_19 = tpu.memref_slice %dma_start3A_17[%dma_start3A_5, %dma_start3A_18] : memref<8x1280xi32, #tpu.memory_space<vmem>> -> memref<1x1280xi32, #tpu.memory_space<vmem>>
    %dma_start3A_20 = tpu.memref_squeeze %dma_start3A_19 : memref<1x1280xi32, #tpu.memory_space<vmem>> -> memref<1280xi32, #tpu.memory_space<vmem>>
    %dma_start3A_21 = tpu.memref_slice %arg3[%add3A_4] : memref<327680xi32, #tpu.memory_space<hbm>> -> memref<1280xi32, #tpu.memory_space<hbm>>
    tpu.enqueue_dma source(%dma_start3A_21 : memref<1280xi32, #tpu.memory_space<hbm>>) target(%dma_start3A_20 : memref<1280xi32, #tpu.memory_space<vmem>>) target_semaphore(%arg14 : memref<!tpu.dma_semaphore, #tpu.memory_space<semaphore_mem>>)
    %dma_start3A_22 = arith.constant 1 : i32
    %dma_start3A_23 = arith.constant 0 : i32
    %dma_start3A_24 = arith.constant 0 : i32
    %dma_start3A_25 = arith.constant 0 : i32
    %dma_start3A_26 = tpu.memref_slice %arg7[%dma_start3A_22, %dma_start3A_24, %dma_start3A_25] : memref<2x8x1280xi32, #tpu.memory_space<vmem>> -> memref<1x8x1280xi32, #tpu.memory_space<vmem>>
    %dma_start3A_27 = tpu.memref_squeeze %dma_start3A_26 : memref<1x8x1280xi32, #tpu.memory_space<vmem>> -> memref<8x1280xi32, #tpu.memory_space<vmem>>
    %dma_start3A_28 = arith.constant 0 : i32
    %dma_start3A_29 = tpu.memref_slice %dma_start3A_27[%dma_start3A_23, %dma_start3A_28] : memref<8x1280xi32, #tpu.memory_space<vmem>> -> memref<1x1280xi32, #tpu.memory_space<vmem>>
    %dma_start3A_30 = tpu.memref_squeeze %dma_start3A_29 : memref<1x1280xi32, #tpu.memory_space<vmem>> -> memref<1280xi32, #tpu.memory_space<vmem>>
    %dma_start3A_31 = tpu.memref_slice %arg4[%add3A_4] : memref<327680xi32, #tpu.memory_space<hbm>> -> memref<1280xi32, #tpu.memory_space<hbm>>
    %dma_start3A_32 = arith.constant 0 : i32
    %dma_start3A_33 = arith.constant 0 : i32
    %dma_start3A_34 = tpu.memref_slice %arg7[%dma_start3A_22, %dma_start3A_32, %dma_start3A_33] : memref<2x8x1280xi32, #tpu.memory_space<vmem>> -> memref<1x8x1280xi32, #tpu.memory_space<vmem>>
    %dma_start3A_35 = tpu.memref_squeeze %dma_start3A_34 : memref<1x8x1280xi32, #tpu.memory_space<vmem>> -> memref<8x1280xi32, #tpu.memory_space<vmem>>
    %dma_start3A_36 = arith.constant 0 : i32
    %dma_start3A_37 = tpu.memref_slice %dma_start3A_35[%dma_start3A_23, %dma_start3A_36] : memref<8x1280xi32, #tpu.memory_space<vmem>> -> memref<1x1280xi32, #tpu.memory_space<vmem>>
    %dma_start3A_38 = tpu.memref_squeeze %dma_start3A_37 : memref<1x1280xi32, #tpu.memory_space<vmem>> -> memref<1280xi32, #tpu.memory_space<vmem>>
    %dma_start3A_39 = tpu.memref_slice %arg4[%add3A_4] : memref<327680xi32, #tpu.memory_space<hbm>> -> memref<1280xi32, #tpu.memory_space<hbm>>
    tpu.enqueue_dma source(%dma_start3A_39 : memref<1280xi32, #tpu.memory_space<hbm>>) target(%dma_start3A_38 : memref<1280xi32, #tpu.memory_space<vmem>>) target_semaphore(%arg14 : memref<!tpu.dma_semaphore, #tpu.memory_space<semaphore_mem>>)
    %mul3A_40 = arith.constant 10240 : i32
    %mul3A_41 = arith.muli %add3A, %mul3A_40 : i32
    %add3A_42 = arith.constant 1280 : i32
    %add3A_43 = arith.addi %mul3A_41, %add3A_42 : i32
    %dma_start3A_44 = arith.constant 0 : i32
    %dma_start3A_45 = arith.constant 1 : i32
    %dma_start3A_46 = arith.constant 0 : i32
    %dma_start3A_47 = arith.constant 0 : i32
    %dma_start3A_48 = tpu.memref_slice %arg7[%dma_start3A_44, %dma_start3A_46, %dma_start3A_47] : memref<2x8x1280xi32, #tpu.memory_space<vmem>> -> memref<1x8x1280xi32, #tpu.memory_space<vmem>>
    %dma_start3A_49 = tpu.memref_squeeze %dma_start3A_48 : memref<1x8x1280xi32, #tpu.memory_space<vmem>> -> memref<8x1280xi32, #tpu.memory_space<vmem>>
    %dma_start3A_50 = arith.constant 0 : i32
    %dma_start3A_51 = tpu.memref_slice %dma_start3A_49[%dma_start3A_45, %dma_start3A_50] : memref<8x1280xi32, #tpu.memory_space<vmem>> -> memref<1x1280xi32, #tpu.memory_space<vmem>>
    %dma_start3A_52 = tpu.memref_squeeze %dma_start3A_51 : memref<1x1280xi32, #tpu.memory_space<vmem>> -> memref<1280xi32, #tpu.memory_space<vmem>>
    %dma_start3A_53 = tpu.memref_slice %arg3[%add3A_43] : memref<327680xi32, #tpu.memory_space<hbm>> -> memref<1280xi32, #tpu.memory_space<hbm>>
    %dma_start3A_54 = arith.constant 0 : i32
    %dma_start3A_55 = arith.constant 0 : i32
    %dma_start3A_56 = tpu.memref_slice %arg7[%dma_start3A_44, %dma_start3A_54, %dma_start3A_55] : memref<2x8x1280xi32, #tpu.memory_space<vmem>> -> memref<1x8x1280xi32, #tpu.memory_space<vmem>>
    %dma_start3A_57 = tpu.memref_squeeze %dma_start3A_56 : memref<1x8x1280xi32, #tpu.memory_space<vmem>> -> memref<8x1280xi32, #tpu.memory_space<vmem>>
    %dma_start3A_58 = arith.constant 0 : i32
    %dma_start3A_59 = tpu.memref_slice %dma_start3A_57[%dma_start3A_45, %dma_start3A_58] : memref<8x1280xi32, #tpu.memory_space<vmem>> -> memref<1x1280xi32, #tpu.memory_space<vmem>>
    %dma_start3A_60 = tpu.memref_squeeze %dma_start3A_59 : memref<1x1280xi32, #tpu.memory_space<vmem>> -> memref<1280xi32, #tpu.memory_space<vmem>>
    %dma_start3A_61 = tpu.memref_slice %arg3[%add3A_43] : memref<327680xi32, #tpu.memory_space<hbm>> -> memref<1280xi32, #tpu.memory_space<hbm>>
    tpu.enqueue_dma source(%dma_start3A_61 : memref<1280xi32, #tpu.memory_space<hbm>>) target(%dma_start3A_60 : memref<1280xi32, #tpu.memory_space<vmem>>) target_semaphore(%arg14 : memref<!tpu.dma_semaphore, #tpu.memory_space<semaphore_mem>>)
    %dma_start3A_62 = arith.constant 1 : i32
    %dma_start3A_63 = arith.constant 1 : i32
    %dma_start3A_64 = arith.constant 0 : i32
    %dma_start3A_65 = arith.constant 0 : i32
    %dma_start3A_66 = tpu.memref_slice %arg7[%dma_start3A_62, %dma_start3A_64, %dma_start3A_65] : memref<2x8x1280xi32, #tpu.memory_space<vmem>> -> memref<1x8x1280xi32, #tpu.memory_space<vmem>>
    %dma_start3A_67 = tpu.memref_squeeze %dma_start3A_66 : memref<1x8x1280xi32, #tpu.memory_space<vmem>> -> memref<8x1280xi32, #tpu.memory_space<vmem>>
    %dma_start3A_68 = arith.constant 0 : i32
    %dma_start3A_69 = tpu.memref_slice %dma_start3A_67[%dma_start3A_63, %dma_start3A_68] : memref<8x1280xi32, #tpu.memory_space<vmem>> -> memref<1x1280xi32, #tpu.memory_space<vmem>>
    %dma_start3A_70 = tpu.memref_squeeze %dma_start3A_69 : memref<1x1280xi32, #tpu.memory_space<vmem>> -> memref<1280xi32, #tpu.memory_space<vmem>>
    %dma_start3A_71 = tpu.memref_slice %arg4[%add3A_43] : memref<327680xi32, #tpu.memory_space<hbm>> -> memref<1280xi32, #tpu.memory_space<hbm>>
    %dma_start3A_72 = arith.constant 0 : i32
    %dma_start3A_73 = arith.constant 0 : i32
    %dma_start3A_74 = tpu.memref_slice %arg7[%dma_start3A_62, %dma_start3A_72, %dma_start3A_73] : memref<2x8x1280xi32, #tpu.memory_space<vmem>> -> memref<1x8x1280xi32, #tpu.memory_space<vmem>>
    %dma_start3A_75 = tpu.memref_squeeze %dma_start3A_74 : memref<1x8x1280xi32, #tpu.memory_space<vmem>> -> memref<8x1280xi32, #tpu.memory_space<vmem>>
    %dma_start3A_76 = arith.constant 0 : i32
    %dma_start3A_77 = tpu.memref_slice %dma_start3A_75[%dma_start3A_63, %dma_start3A_76] : memref<8x1280xi32, #tpu.memory_space<vmem>> -> memref<1x1280xi32, #tpu.memory_space<vmem>>
    %dma_start3A_78 = tpu.memref_squeeze %dma_start3A_77 : memref<1x1280xi32, #tpu.memory_space<vmem>> -> memref<1280xi32, #tpu.memory_space<vmem>>
    %dma_start3A_79 = tpu.memref_slice %arg4[%add3A_43] : memref<327680xi32, #tpu.memory_space<hbm>> -> memref<1280xi32, #tpu.memory_space<hbm>>
    tpu.enqueue_dma source(%dma_start3A_79 : memref<1280xi32, #tpu.memory_space<hbm>>) target(%dma_start3A_78 : memref<1280xi32, #tpu.memory_space<vmem>>) target_semaphore(%arg14 : memref<!tpu.dma_semaphore, #tpu.memory_space<semaphore_mem>>)
    %mul3A_80 = arith.constant 10240 : i32
    %mul3A_81 = arith.muli %add3A, %mul3A_80 : i32
    %add3A_82 = arith.constant 2560 : i32
    %add3A_83 = arith.addi %mul3A_81, %add3A_82 : i32
    %dma_start3A_84 = arith.constant 0 : i32
    %dma_start3A_85 = arith.constant 2 : i32
    %dma_start3A_86 = arith.constant 0 : i32
    %dma_start3A_87 = arith.constant 0 : i32
    %dma_start3A_88 = tpu.memref_slice %arg7[%dma_start3A_84, %dma_start3A_86, %dma_start3A_87] : memref<2x8x1280xi32, #tpu.memory_space<vmem>> -> memref<1x8x1280xi32, #tpu.memory_space<vmem>>
    %dma_start3A_89 = tpu.memref_squeeze %dma_start3A_88 : memref<1x8x1280xi32, #tpu.memory_space<vmem>> -> memref<8x1280xi32, #tpu.memory_space<vmem>>
    %dma_start3A_90 = arith.constant 0 : i32
    %dma_start3A_91 = tpu.memref_slice %dma_start3A_89[%dma_start3A_85, %dma_start3A_90] : memref<8x1280xi32, #tpu.memory_space<vmem>> -> memref<1x1280xi32, #tpu.memory_space<vmem>>
    %dma_start3A_92 = tpu.memref_squeeze %dma_start3A_91 : memref<1x1280xi32, #tpu.memory_space<vmem>> -> memref<1280xi32, #tpu.memory_space<vmem>>
    %dma_start3A_93 = tpu.memref_slice %arg3[%add3A_83] : memref<327680xi32, #tpu.memory_space<hbm>> -> memref<1280xi32, #tpu.memory_space<hbm>>
    %dma_start3A_94 = arith.constant 0 : i32
    %dma_start3A_95 = arith.constant 0 : i32
    %dma_start3A_96 = tpu.memref_slice %arg7[%dma_start3A_84, %dma_start3A_94, %dma_start3A_95] : memref<2x8x1280xi32, #tpu.memory_space<vmem>> -> memref<1x8x1280xi32, #tpu.memory_space<vmem>>
    %dma_start3A_97 = tpu.memref_squeeze %dma_start3A_96 : memref<1x8x1280xi32, #tpu.memory_space<vmem>> -> memref<8x1280xi32, #tpu.memory_space<vmem>>
    %dma_start3A_98 = arith.constant 0 : i32
    %dma_start3A_99 = tpu.memref_slice %dma_start3A_97[%dma_start3A_85, %dma_start3A_98] : memref<8x1280xi32, #tpu.memory_space<vmem>> -> memref<1x1280xi32, #tpu.memory_space<vmem>>
    %dma_start3A_100 = tpu.memref_squeeze %dma_start3A_99 : memref<1x1280xi32, #tpu.memory_space<vmem>> -> memref<1280xi32, #tpu.memory_space<vmem>>
    %dma_start3A_101 = tpu.memref_slice %arg3[%add3A_83] : memref<327680xi32, #tpu.memory_space<hbm>> -> memref<1280xi32, #tpu.memory_space<hbm>>
    tpu.enqueue_dma source(%dma_start3A_101 : memref<1280xi32, #tpu.memory_space<hbm>>) target(%dma_start3A_100 : memref<1280xi32, #tpu.memory_space<vmem>>) target_semaphore(%arg14 : memref<!tpu.dma_semaphore, #tpu.memory_space<semaphore_mem>>)
    %dma_start3A_102 = arith.constant 1 : i32
    %dma_start3A_103 = arith.constant 2 : i32
    %dma_start3A_104 = arith.constant 0 : i32
    %dma_start3A_105 = arith.constant 0 : i32
    %dma_start3A_106 = tpu.memref_slice %arg7[%dma_start3A_102, %dma_start3A_104, %dma_start3A_105] : memref<2x8x1280xi32, #tpu.memory_space<vmem>> -> memref<1x8x1280xi32, #tpu.memory_space<vmem>>
    %dma_start3A_107 = tpu.memref_squeeze %dma_start3A_106 : memref<1x8x1280xi32, #tpu.memory_space<vmem>> -> memref<8x1280xi32, #tpu.memory_space<vmem>>
    %dma_start3A_108 = arith.constant 0 : i32
    %dma_start3A_109 = tpu.memref_slice %dma_start3A_107[%dma_start3A_103, %dma_start3A_108] : memref<8x1280xi32, #tpu.memory_space<vmem>> -> memref<1x1280xi32, #tpu.memory_space<vmem>>
    %dma_start3A_110 = tpu.memref_squeeze %dma_start3A_109 : memref<1x1280xi32, #tpu.memory_space<vmem>> -> memref<1280xi32, #tpu.memory_space<vmem>>
    %dma_start3A_111 = tpu.memref_slice %arg4[%add3A_83] : memref<327680xi32, #tpu.memory_space<hbm>> -> memref<1280xi32, #tpu.memory_space<hbm>>
    %dma_start3A_112 = arith.constant 0 : i32
    %dma_start3A_113 = arith.constant 0 : i32
    %dma_start3A_114 = tpu.memref_slice %arg7[%dma_start3A_102, %dma_start3A_112, %dma_start3A_113] : memref<2x8x1280xi32, #tpu.memory_space<vmem>> -> memref<1x8x1280xi32, #tpu.memory_space<vmem>>
    %dma_start3A_115 = tpu.memref_squeeze %dma_start3A_114 : memref<1x8x1280xi32, #tpu.memory_space<vmem>> -> memref<8x1280xi32, #tpu.memory_space<vmem>>
    %dma_start3A_116 = arith.constant 0 : i32
    %dma_start3A_117 = tpu.memref_slice %dma_start3A_115[%dma_start3A_103, %dma_start3A_116] : memref<8x1280xi32, #tpu.memory_space<vmem>> -> memref<1x1280xi32, #tpu.memory_space<vmem>>
    %dma_start3A_118 = tpu.memref_squeeze %dma_start3A_117 : memref<1x1280xi32, #tpu.memory_space<vmem>> -> memref<1280xi32, #tpu.memory_space<vmem>>
    %dma_start3A_119 = tpu.memref_slice %arg4[%add3A_83] : memref<327680xi32, #tpu.memory_space<hbm>> -> memref<1280xi32, #tpu.memory_space<hbm>>
    tpu.enqueue_dma source(%dma_start3A_119 : memref<1280xi32, #tpu.memory_space<hbm>>) target(%dma_start3A_118 : memref<1280xi32, #tpu.memory_space<vmem>>) target_semaphore(%arg14 : memref<!tpu.dma_semaphore, #tpu.memory_space<semaphore_mem>>)
    %mul3A_120 = arith.constant 10240 : i32
    %mul3A_121 = arith.muli %add3A, %mul3A_120 : i32
    %add3A_122 = arith.constant 3840 : i32
    %add3A_123 = arith.addi %mul3A_121, %add3A_122 : i32
    %dma_start3A_124 = arith.constant 0 : i32
    %dma_start3A_125 = arith.constant 3 : i32
    %dma_start3A_126 = arith.constant 0 : i32
    %dma_start3A_127 = arith.constant 0 : i32
    %dma_start3A_128 = tpu.memref_slice %arg7[%dma_start3A_124, %dma_start3A_126, %dma_start3A_127] : memref<2x8x1280xi32, #tpu.memory_space<vmem>> -> memref<1x8x1280xi32, #tpu.memory_space<vmem>>
    %dma_start3A_129 = tpu.memref_squeeze %dma_start3A_128 : memref<1x8x1280xi32, #tpu.memory_space<vmem>> -> memref<8x1280xi32, #tpu.memory_space<vmem>>
    %dma_start3A_130 = arith.constant 0 : i32
    %dma_start3A_131 = tpu.memref_slice %dma_start3A_129[%dma_start3A_125, %dma_start3A_130] : memref<8x1280xi32, #tpu.memory_space<vmem>> -> memref<1x1280xi32, #tpu.memory_space<vmem>>
    %dma_start3A_132 = tpu.memref_squeeze %dma_start3A_131 : memref<1x1280xi32, #tpu.memory_space<vmem>> -> memref<1280xi32, #tpu.memory_space<vmem>>
    %dma_start3A_133 = tpu.memref_slice %arg3[%add3A_123] : memref<327680xi32, #tpu.memory_space<hbm>> -> memref<1280xi32, #tpu.memory_space<hbm>>
    %dma_start3A_134 = arith.constant 0 : i32
    %dma_start3A_135 = arith.constant 0 : i32
    %dma_start3A_136 = tpu.memref_slice %arg7[%dma_start3A_124, %dma_start3A_134, %dma_start3A_135] : memref<2x8x1280xi32, #tpu.memory_space<vmem>> -> memref<1x8x1280xi32, #tpu.memory_space<vmem>>
    %dma_start3A_137 = tpu.memref_squeeze %dma_start3A_136 : memref<1x8x1280xi32, #tpu.memory_space<vmem>> -> memref<8x1280xi32, #tpu.memory_space<vmem>>
    %dma_start3A_138 = arith.constant 0 : i32
    %dma_start3A_139 = tpu.memref_slice %dma_start3A_137[%dma_start3A_125, %dma_start3A_138] : memref<8x1280xi32, #tpu.memory_space<vmem>> -> memref<1x1280xi32, #tpu.memory_space<vmem>>
    %dma_start3A_140 = tpu.memref_squeeze %dma_start3A_139 : memref<1x1280xi32, #tpu.memory_space<vmem>> -> memref<1280xi32, #tpu.memory_space<vmem>>
    %dma_start3A_141 = tpu.memref_slice %arg3[%add3A_123] : memref<327680xi32, #tpu.memory_space<hbm>> -> memref<1280xi32, #tpu.memory_space<hbm>>
    tpu.enqueue_dma source(%dma_start3A_141 : memref<1280xi32, #tpu.memory_space<hbm>>) target(%dma_start3A_140 : memref<1280xi32, #tpu.memory_space<vmem>>) target_semaphore(%arg14 : memref<!tpu.dma_semaphore, #tpu.memory_space<semaphore_mem>>)
    %dma_start3A_142 = arith.constant 1 : i32
    %dma_start3A_143 = arith.constant 3 : i32
    %dma_start3A_144 = arith.constant 0 : i32
    %dma_start3A_145 = arith.constant 0 : i32
    %dma_start3A_146 = tpu.memref_slice %arg7[%dma_start3A_142, %dma_start3A_144, %dma_start3A_145] : memref<2x8x1280xi32, #tpu.memory_space<vmem>> -> memref<1x8x1280xi32, #tpu.memory_space<vmem>>
    %dma_start3A_147 = tpu.memref_squeeze %dma_start3A_146 : memref<1x8x1280xi32, #tpu.memory_space<vmem>> -> memref<8x1280xi32, #tpu.memory_space<vmem>>
    %dma_start3A_148 = arith.constant 0 : i32
    %dma_start3A_149 = tpu.memref_slice %dma_start3A_147[%dma_start3A_143, %dma_start3A_148] : memref<8x1280xi32, #tpu.memory_space<vmem>> -> memref<1x1280xi32, #tpu.memory_space<vmem>>
    %dma_start3A_150 = tpu.memref_squeeze %dma_start3A_149 : memref<1x1280xi32, #tpu.memory_space<vmem>> -> memref<1280xi32, #tpu.memory_space<vmem>>
    %dma_start3A_151 = tpu.memref_slice %arg4[%add3A_123] : memref<327680xi32, #tpu.memory_space<hbm>> -> memref<1280xi32, #tpu.memory_space<hbm>>
    %dma_start3A_152 = arith.constant 0 : i32
    %dma_start3A_153 = arith.constant 0 : i32
    %dma_start3A_154 = tpu.memref_slice %arg7[%dma_start3A_142, %dma_start3A_152, %dma_start3A_153] : memref<2x8x1280xi32, #tpu.memory_space<vmem>> -> memref<1x8x1280xi32, #tpu.memory_space<vmem>>
    %dma_start3A_155 = tpu.memref_squeeze %dma_start3A_154 : memref<1x8x1280xi32, #tpu.memory_space<vmem>> -> memref<8x1280xi32, #tpu.memory_space<vmem>>
    %dma_start3A_156 = arith.constant 0 : i32
    %dma_start3A_157 = tpu.memref_slice %dma_start3A_155[%dma_start3A_143, %dma_start3A_156] : memref<8x1280xi32, #tpu.memory_space<vmem>> -> memref<1x1280xi32, #tpu.memory_space<vmem>>
    %dma_start3A_158 = tpu.memref_squeeze %dma_start3A_157 : memref<1x1280xi32, #tpu.memory_space<vmem>> -> memref<1280xi32, #tpu.memory_space<vmem>>
    %dma_start3A_159 = tpu.memref_slice %arg4[%add3A_123] : memref<327680xi32, #tpu.memory_space<hbm>> -> memref<1280xi32, #tpu.memory_space<hbm>>
    tpu.enqueue_dma source(%dma_start3A_159 : memref<1280xi32, #tpu.memory_space<hbm>>) target(%dma_start3A_158 : memref<1280xi32, #tpu.memory_space<vmem>>) target_semaphore(%arg14 : memref<!tpu.dma_semaphore, #tpu.memory_space<semaphore_mem>>)
    %mul3A_160 = arith.constant 10240 : i32
    %mul3A_161 = arith.muli %add3A, %mul3A_160 : i32
    %add3A_162 = arith.constant 5120 : i32
    %add3A_163 = arith.addi %mul3A_161, %add3A_162 : i32
    %dma_start3A_164 = arith.constant 0 : i32
    %dma_start3A_165 = arith.constant 4 : i32
    %dma_start3A_166 = arith.constant 0 : i32
    %dma_start3A_167 = arith.constant 0 : i32
    %dma_start3A_168 = tpu.memref_slice %arg7[%dma_start3A_164, %dma_start3A_166, %dma_start3A_167] : memref<2x8x1280xi32, #tpu.memory_space<vmem>> -> memref<1x8x1280xi32, #tpu.memory_space<vmem>>
    %dma_start3A_169 = tpu.memref_squeeze %dma_start3A_168 : memref<1x8x1280xi32, #tpu.memory_space<vmem>> -> memref<8x1280xi32, #tpu.memory_space<vmem>>
    %dma_start3A_170 = arith.constant 0 : i32
    %dma_start3A_171 = tpu.memref_slice %dma_start3A_169[%dma_start3A_165, %dma_start3A_170] : memref<8x1280xi32, #tpu.memory_space<vmem>> -> memref<1x1280xi32, #tpu.memory_space<vmem>>
    %dma_start3A_172 = tpu.memref_squeeze %dma_start3A_171 : memref<1x1280xi32, #tpu.memory_space<vmem>> -> memref<1280xi32, #tpu.memory_space<vmem>>
    %dma_start3A_173 = tpu.memref_slice %arg3[%add3A_163] : memref<327680xi32, #tpu.memory_space<hbm>> -> memref<1280xi32, #tpu.memory_space<hbm>>
    %dma_start3A_174 = arith.constant 0 : i32
    %dma_start3A_175 = arith.constant 0 : i32
    %dma_start3A_176 = tpu.memref_slice %arg7[%dma_start3A_164, %dma_start3A_174, %dma_start3A_175] : memref<2x8x1280xi32, #tpu.memory_space<vmem>> -> memref<1x8x1280xi32, #tpu.memory_space<vmem>>
    %dma_start3A_177 = tpu.memref_squeeze %dma_start3A_176 : memref<1x8x1280xi32, #tpu.memory_space<vmem>> -> memref<8x1280xi32, #tpu.memory_space<vmem>>
    %dma_start3A_178 = arith.constant 0 : i32
    %dma_start3A_179 = tpu.memref_slice %dma_start3A_177[%dma_start3A_165, %dma_start3A_178] : memref<8x1280xi32, #tpu.memory_space<vmem>> -> memref<1x1280xi32, #tpu.memory_space<vmem>>
    %dma_start3A_180 = tpu.memref_squeeze %dma_start3A_179 : memref<1x1280xi32, #tpu.memory_space<vmem>> -> memref<1280xi32, #tpu.memory_space<vmem>>
    %dma_start3A_181 = tpu.memref_slice %arg3[%add3A_163] : memref<327680xi32, #tpu.memory_space<hbm>> -> memref<1280xi32, #tpu.memory_space<hbm>>
    tpu.enqueue_dma source(%dma_start3A_181 : memref<1280xi32, #tpu.memory_space<hbm>>) target(%dma_start3A_180 : memref<1280xi32, #tpu.memory_space<vmem>>) target_semaphore(%arg14 : memref<!tpu.dma_semaphore, #tpu.memory_space<semaphore_mem>>)
    %dma_start3A_182 = arith.constant 1 : i32
    %dma_start3A_183 = arith.constant 4 : i32
    %dma_start3A_184 = arith.constant 0 : i32
    %dma_start3A_185 = arith.constant 0 : i32
    %dma_start3A_186 = tpu.memref_slice %arg7[%dma_start3A_182, %dma_start3A_184, %dma_start3A_185] : memref<2x8x1280xi32, #tpu.memory_space<vmem>> -> memref<1x8x1280xi32, #tpu.memory_space<vmem>>
    %dma_start3A_187 = tpu.memref_squeeze %dma_start3A_186 : memref<1x8x1280xi32, #tpu.memory_space<vmem>> -> memref<8x1280xi32, #tpu.memory_space<vmem>>
    %dma_start3A_188 = arith.constant 0 : i32
    %dma_start3A_189 = tpu.memref_slice %dma_start3A_187[%dma_start3A_183, %dma_start3A_188] : memref<8x1280xi32, #tpu.memory_space<vmem>> -> memref<1x1280xi32, #tpu.memory_space<vmem>>
    %dma_start3A_190 = tpu.memref_squeeze %dma_start3A_189 : memref<1x1280xi32, #tpu.memory_space<vmem>> -> memref<1280xi32, #tpu.memory_space<vmem>>
    %dma_start3A_191 = tpu.memref_slice %arg4[%add3A_163] : memref<327680xi32, #tpu.memory_space<hbm>> -> memref<1280xi32, #tpu.memory_space<hbm>>
    %dma_start3A_192 = arith.constant 0 : i32
    %dma_start3A_193 = arith.constant 0 : i32
    %dma_start3A_194 = tpu.memref_slice %arg7[%dma_start3A_182, %dma_start3A_192, %dma_start3A_193] : memref<2x8x1280xi32, #tpu.memory_space<vmem>> -> memref<1x8x1280xi32, #tpu.memory_space<vmem>>
    %dma_start3A_195 = tpu.memref_squeeze %dma_start3A_194 : memref<1x8x1280xi32, #tpu.memory_space<vmem>> -> memref<8x1280xi32, #tpu.memory_space<vmem>>
    %dma_start3A_196 = arith.constant 0 : i32
    %dma_start3A_197 = tpu.memref_slice %dma_start3A_195[%dma_start3A_183, %dma_start3A_196] : memref<8x1280xi32, #tpu.memory_space<vmem>> -> memref<1x1280xi32, #tpu.memory_space<vmem>>
    %dma_start3A_198 = tpu.memref_squeeze %dma_start3A_197 : memref<1x1280xi32, #tpu.memory_space<vmem>> -> memref<1280xi32, #tpu.memory_space<vmem>>
    %dma_start3A_199 = tpu.memref_slice %arg4[%add3A_163] : memref<327680xi32, #tpu.memory_space<hbm>> -> memref<1280xi32, #tpu.memory_space<hbm>>
    tpu.enqueue_dma source(%dma_start3A_199 : memref<1280xi32, #tpu.memory_space<hbm>>) target(%dma_start3A_198 : memref<1280xi32, #tpu.memory_space<vmem>>) target_semaphore(%arg14 : memref<!tpu.dma_semaphore, #tpu.memory_space<semaphore_mem>>)
    %mul3A_200 = arith.constant 10240 : i32
    %mul3A_201 = arith.muli %add3A, %mul3A_200 : i32
    %add3A_202 = arith.constant 6400 : i32
    %add3A_203 = arith.addi %mul3A_201, %add3A_202 : i32
    %dma_start3A_204 = arith.constant 0 : i32
    %dma_start3A_205 = arith.constant 5 : i32
    %dma_start3A_206 = arith.constant 0 : i32
    %dma_start3A_207 = arith.constant 0 : i32
    %dma_start3A_208 = tpu.memref_slice %arg7[%dma_start3A_204, %dma_start3A_206, %dma_start3A_207] : memref<2x8x1280xi32, #tpu.memory_space<vmem>> -> memref<1x8x1280xi32, #tpu.memory_space<vmem>>
    %dma_start3A_209 = tpu.memref_squeeze %dma_start3A_208 : memref<1x8x1280xi32, #tpu.memory_space<vmem>> -> memref<8x1280xi32, #tpu.memory_space<vmem>>
    %dma_start3A_210 = arith.constant 0 : i32
    %dma_start3A_211 = tpu.memref_slice %dma_start3A_209[%dma_start3A_205, %dma_start3A_210] : memref<8x1280xi32, #tpu.memory_space<vmem>> -> memref<1x1280xi32, #tpu.memory_space<vmem>>
    %dma_start3A_212 = tpu.memref_squeeze %dma_start3A_211 : memref<1x1280xi32, #tpu.memory_space<vmem>> -> memref<1280xi32, #tpu.memory_space<vmem>>
    %dma_start3A_213 = tpu.memref_slice %arg3[%add3A_203] : memref<327680xi32, #tpu.memory_space<hbm>> -> memref<1280xi32, #tpu.memory_space<hbm>>
    %dma_start3A_214 = arith.constant 0 : i32
    %dma_start3A_215 = arith.constant 0 : i32
    %dma_start3A_216 = tpu.memref_slice %arg7[%dma_start3A_204, %dma_start3A_214, %dma_start3A_215] : memref<2x8x1280xi32, #tpu.memory_space<vmem>> -> memref<1x8x1280xi32, #tpu.memory_space<vmem>>
    %dma_start3A_217 = tpu.memref_squeeze %dma_start3A_216 : memref<1x8x1280xi32, #tpu.memory_space<vmem>> -> memref<8x1280xi32, #tpu.memory_space<vmem>>
    %dma_start3A_218 = arith.constant 0 : i32
    %dma_start3A_219 = tpu.memref_slice %dma_start3A_217[%dma_start3A_205, %dma_start3A_218] : memref<8x1280xi32, #tpu.memory_space<vmem>> -> memref<1x1280xi32, #tpu.memory_space<vmem>>
    %dma_start3A_220 = tpu.memref_squeeze %dma_start3A_219 : memref<1x1280xi32, #tpu.memory_space<vmem>> -> memref<1280xi32, #tpu.memory_space<vmem>>
    %dma_start3A_221 = tpu.memref_slice %arg3[%add3A_203] : memref<327680xi32, #tpu.memory_space<hbm>> -> memref<1280xi32, #tpu.memory_space<hbm>>
    tpu.enqueue_dma source(%dma_start3A_221 : memref<1280xi32, #tpu.memory_space<hbm>>) target(%dma_start3A_220 : memref<1280xi32, #tpu.memory_space<vmem>>) target_semaphore(%arg14 : memref<!tpu.dma_semaphore, #tpu.memory_space<semaphore_mem>>)
    %dma_start3A_222 = arith.constant 1 : i32
    %dma_start3A_223 = arith.constant 5 : i32
    %dma_start3A_224 = arith.constant 0 : i32
    %dma_start3A_225 = arith.constant 0 : i32
    %dma_start3A_226 = tpu.memref_slice %arg7[%dma_start3A_222, %dma_start3A_224, %dma_start3A_225] : memref<2x8x1280xi32, #tpu.memory_space<vmem>> -> memref<1x8x1280xi32, #tpu.memory_space<vmem>>
    %dma_start3A_227 = tpu.memref_squeeze %dma_start3A_226 : memref<1x8x1280xi32, #tpu.memory_space<vmem>> -> memref<8x1280xi32, #tpu.memory_space<vmem>>
    %dma_start3A_228 = arith.constant 0 : i32
    %dma_start3A_229 = tpu.memref_slice %dma_start3A_227[%dma_start3A_223, %dma_start3A_228] : memref<8x1280xi32, #tpu.memory_space<vmem>> -> memref<1x1280xi32, #tpu.memory_space<vmem>>
    %dma_start3A_230 = tpu.memref_squeeze %dma_start3A_229 : memref<1x1280xi32, #tpu.memory_space<vmem>> -> memref<1280xi32, #tpu.memory_space<vmem>>
    %dma_start3A_231 = tpu.memref_slice %arg4[%add3A_203] : memref<327680xi32, #tpu.memory_space<hbm>> -> memref<1280xi32, #tpu.memory_space<hbm>>
    %dma_start3A_232 = arith.constant 0 : i32
    %dma_start3A_233 = arith.constant 0 : i32
    %dma_start3A_234 = tpu.memref_slice %arg7[%dma_start3A_222, %dma_start3A_232, %dma_start3A_233] : memref<2x8x1280xi32, #tpu.memory_space<vmem>> -> memref<1x8x1280xi32, #tpu.memory_space<vmem>>
    %dma_start3A_235 = tpu.memref_squeeze %dma_start3A_234 : memref<1x8x1280xi32, #tpu.memory_space<vmem>> -> memref<8x1280xi32, #tpu.memory_space<vmem>>
    %dma_start3A_236 = arith.constant 0 : i32
    %dma_start3A_237 = tpu.memref_slice %dma_start3A_235[%dma_start3A_223, %dma_start3A_236] : memref<8x1280xi32, #tpu.memory_space<vmem>> -> memref<1x1280xi32, #tpu.memory_space<vmem>>
    %dma_start3A_238 = tpu.memref_squeeze %dma_start3A_237 : memref<1x1280xi32, #tpu.memory_space<vmem>> -> memref<1280xi32, #tpu.memory_space<vmem>>
    %dma_start3A_239 = tpu.memref_slice %arg4[%add3A_203] : memref<327680xi32, #tpu.memory_space<hbm>> -> memref<1280xi32, #tpu.memory_space<hbm>>
    tpu.enqueue_dma source(%dma_start3A_239 : memref<1280xi32, #tpu.memory_space<hbm>>) target(%dma_start3A_238 : memref<1280xi32, #tpu.memory_space<vmem>>) target_semaphore(%arg14 : memref<!tpu.dma_semaphore, #tpu.memory_space<semaphore_mem>>)
    %mul3A_240 = arith.constant 10240 : i32
    %mul3A_241 = arith.muli %add3A, %mul3A_240 : i32
    %add3A_242 = arith.constant 7680 : i32
    %add3A_243 = arith.addi %mul3A_241, %add3A_242 : i32
    %dma_start3A_244 = arith.constant 0 : i32
    %dma_start3A_245 = arith.constant 6 : i32
    %dma_start3A_246 = arith.constant 0 : i32
    %dma_start3A_247 = arith.constant 0 : i32
    %dma_start3A_248 = tpu.memref_slice %arg7[%dma_start3A_244, %dma_start3A_246, %dma_start3A_247] : memref<2x8x1280xi32, #tpu.memory_space<vmem>> -> memref<1x8x1280xi32, #tpu.memory_space<vmem>>
    %dma_start3A_249 = tpu.memref_squeeze %dma_start3A_248 : memref<1x8x1280xi32, #tpu.memory_space<vmem>> -> memref<8x1280xi32, #tpu.memory_space<vmem>>
    %dma_start3A_250 = arith.constant 0 : i32
    %dma_start3A_251 = tpu.memref_slice %dma_start3A_249[%dma_start3A_245, %dma_start3A_250] : memref<8x1280xi32, #tpu.memory_space<vmem>> -> memref<1x1280xi32, #tpu.memory_space<vmem>>
    %dma_start3A_252 = tpu.memref_squeeze %dma_start3A_251 : memref<1x1280xi32, #tpu.memory_space<vmem>> -> memref<1280xi32, #tpu.memory_space<vmem>>
    %dma_start3A_253 = tpu.memref_slice %arg3[%add3A_243] : memref<327680xi32, #tpu.memory_space<hbm>> -> memref<1280xi32, #tpu.memory_space<hbm>>
    %dma_start3A_254 = arith.constant 0 : i32
    %dma_start3A_255 = arith.constant 0 : i32
    %dma_start3A_256 = tpu.memref_slice %arg7[%dma_start3A_244, %dma_start3A_254, %dma_start3A_255] : memref<2x8x1280xi32, #tpu.memory_space<vmem>> -> memref<1x8x1280xi32, #tpu.memory_space<vmem>>
    %dma_start3A_257 = tpu.memref_squeeze %dma_start3A_256 : memref<1x8x1280xi32, #tpu.memory_space<vmem>> -> memref<8x1280xi32, #tpu.memory_space<vmem>>
    %dma_start3A_258 = arith.constant 0 : i32
    %dma_start3A_259 = tpu.memref_slice %dma_start3A_257[%dma_start3A_245, %dma_start3A_258] : memref<8x1280xi32, #tpu.memory_space<vmem>> -> memref<1x1280xi32, #tpu.memory_space<vmem>>
    %dma_start3A_260 = tpu.memref_squeeze %dma_start3A_259 : memref<1x1280xi32, #tpu.memory_space<vmem>> -> memref<1280xi32, #tpu.memory_space<vmem>>
    %dma_start3A_261 = tpu.memref_slice %arg3[%add3A_243] : memref<327680xi32, #tpu.memory_space<hbm>> -> memref<1280xi32, #tpu.memory_space<hbm>>
    tpu.enqueue_dma source(%dma_start3A_261 : memref<1280xi32, #tpu.memory_space<hbm>>) target(%dma_start3A_260 : memref<1280xi32, #tpu.memory_space<vmem>>) target_semaphore(%arg14 : memref<!tpu.dma_semaphore, #tpu.memory_space<semaphore_mem>>)
    %dma_start3A_262 = arith.constant 1 : i32
    %dma_start3A_263 = arith.constant 6 : i32
    %dma_start3A_264 = arith.constant 0 : i32
    %dma_start3A_265 = arith.constant 0 : i32
    %dma_start3A_266 = tpu.memref_slice %arg7[%dma_start3A_262, %dma_start3A_264, %dma_start3A_265] : memref<2x8x1280xi32, #tpu.memory_space<vmem>> -> memref<1x8x1280xi32, #tpu.memory_space<vmem>>
    %dma_start3A_267 = tpu.memref_squeeze %dma_start3A_266 : memref<1x8x1280xi32, #tpu.memory_space<vmem>> -> memref<8x1280xi32, #tpu.memory_space<vmem>>
    %dma_start3A_268 = arith.constant 0 : i32
    %dma_start3A_269 = tpu.memref_slice %dma_start3A_267[%dma_start3A_263, %dma_start3A_268] : memref<8x1280xi32, #tpu.memory_space<vmem>> -> memref<1x1280xi32, #tpu.memory_space<vmem>>
    %dma_start3A_270 = tpu.memref_squeeze %dma_start3A_269 : memref<1x1280xi32, #tpu.memory_space<vmem>> -> memref<1280xi32, #tpu.memory_space<vmem>>
    %dma_start3A_271 = tpu.memref_slice %arg4[%add3A_243] : memref<327680xi32, #tpu.memory_space<hbm>> -> memref<1280xi32, #tpu.memory_space<hbm>>
    %dma_start3A_272 = arith.constant 0 : i32
    %dma_start3A_273 = arith.constant 0 : i32
    %dma_start3A_274 = tpu.memref_slice %arg7[%dma_start3A_262, %dma_start3A_272, %dma_start3A_273] : memref<2x8x1280xi32, #tpu.memory_space<vmem>> -> memref<1x8x1280xi32, #tpu.memory_space<vmem>>
    %dma_start3A_275 = tpu.memref_squeeze %dma_start3A_274 : memref<1x8x1280xi32, #tpu.memory_space<vmem>> -> memref<8x1280xi32, #tpu.memory_space<vmem>>
    %dma_start3A_276 = arith.constant 0 : i32
    %dma_start3A_277 = tpu.memref_slice %dma_start3A_275[%dma_start3A_263, %dma_start3A_276] : memref<8x1280xi32, #tpu.memory_space<vmem>> -> memref<1x1280xi32, #tpu.memory_space<vmem>>
    %dma_start3A_278 = tpu.memref_squeeze %dma_start3A_277 : memref<1x1280xi32, #tpu.memory_space<vmem>> -> memref<1280xi32, #tpu.memory_space<vmem>>
    %dma_start3A_279 = tpu.memref_slice %arg4[%add3A_243] : memref<327680xi32, #tpu.memory_space<hbm>> -> memref<1280xi32, #tpu.memory_space<hbm>>
    tpu.enqueue_dma source(%dma_start3A_279 : memref<1280xi32, #tpu.memory_space<hbm>>) target(%dma_start3A_278 : memref<1280xi32, #tpu.memory_space<vmem>>) target_semaphore(%arg14 : memref<!tpu.dma_semaphore, #tpu.memory_space<semaphore_mem>>)
    %mul3A_280 = arith.constant 10240 : i32
    %mul3A_281 = arith.muli %add3A, %mul3A_280 : i32
    %add3A_282 = arith.constant 8960 : i32
    %add3A_283 = arith.addi %mul3A_281, %add3A_282 : i32
    %dma_start3A_284 = arith.constant 0 : i32
    %dma_start3A_285 = arith.constant 7 : i32
    %dma_start3A_286 = arith.constant 0 : i32
    %dma_start3A_287 = arith.constant 0 : i32
    %dma_start3A_288 = tpu.memref_slice %arg7[%dma_start3A_284, %dma_start3A_286, %dma_start3A_287] : memref<2x8x1280xi32, #tpu.memory_space<vmem>> -> memref<1x8x1280xi32, #tpu.memory_space<vmem>>
    %dma_start3A_289 = tpu.memref_squeeze %dma_start3A_288 : memref<1x8x1280xi32, #tpu.memory_space<vmem>> -> memref<8x1280xi32, #tpu.memory_space<vmem>>
    %dma_start3A_290 = arith.constant 0 : i32
    %dma_start3A_291 = tpu.memref_slice %dma_start3A_289[%dma_start3A_285, %dma_start3A_290] : memref<8x1280xi32, #tpu.memory_space<vmem>> -> memref<1x1280xi32, #tpu.memory_space<vmem>>
    %dma_start3A_292 = tpu.memref_squeeze %dma_start3A_291 : memref<1x1280xi32, #tpu.memory_space<vmem>> -> memref<1280xi32, #tpu.memory_space<vmem>>
    %dma_start3A_293 = tpu.memref_slice %arg3[%add3A_283] : memref<327680xi32, #tpu.memory_space<hbm>> -> memref<1280xi32, #tpu.memory_space<hbm>>
    %dma_start3A_294 = arith.constant 0 : i32
    %dma_start3A_295 = arith.constant 0 : i32
    %dma_start3A_296 = tpu.memref_slice %arg7[%dma_start3A_284, %dma_start3A_294, %dma_start3A_295] : memref<2x8x1280xi32, #tpu.memory_space<vmem>> -> memref<1x8x1280xi32, #tpu.memory_space<vmem>>
    %dma_start3A_297 = tpu.memref_squeeze %dma_start3A_296 : memref<1x8x1280xi32, #tpu.memory_space<vmem>> -> memref<8x1280xi32, #tpu.memory_space<vmem>>
    %dma_start3A_298 = arith.constant 0 : i32
    %dma_start3A_299 = tpu.memref_slice %dma_start3A_297[%dma_start3A_285, %dma_start3A_298] : memref<8x1280xi32, #tpu.memory_space<vmem>> -> memref<1x1280xi32, #tpu.memory_space<vmem>>
    %dma_start3A_300 = tpu.memref_squeeze %dma_start3A_299 : memref<1x1280xi32, #tpu.memory_space<vmem>> -> memref<1280xi32, #tpu.memory_space<vmem>>
    %dma_start3A_301 = tpu.memref_slice %arg3[%add3A_283] : memref<327680xi32, #tpu.memory_space<hbm>> -> memref<1280xi32, #tpu.memory_space<hbm>>
    tpu.enqueue_dma source(%dma_start3A_301 : memref<1280xi32, #tpu.memory_space<hbm>>) target(%dma_start3A_300 : memref<1280xi32, #tpu.memory_space<vmem>>) target_semaphore(%arg14 : memref<!tpu.dma_semaphore, #tpu.memory_space<semaphore_mem>>)
    %dma_start3A_302 = arith.constant 1 : i32
    %dma_start3A_303 = arith.constant 7 : i32
    %dma_start3A_304 = arith.constant 0 : i32
    %dma_start3A_305 = arith.constant 0 : i32
    %dma_start3A_306 = tpu.memref_slice %arg7[%dma_start3A_302, %dma_start3A_304, %dma_start3A_305] : memref<2x8x1280xi32, #tpu.memory_space<vmem>> -> memref<1x8x1280xi32, #tpu.memory_space<vmem>>
    %dma_start3A_307 = tpu.memref_squeeze %dma_start3A_306 : memref<1x8x1280xi32, #tpu.memory_space<vmem>> -> memref<8x1280xi32, #tpu.memory_space<vmem>>
    %dma_start3A_308 = arith.constant 0 : i32
    %dma_start3A_309 = tpu.memref_slice %dma_start3A_307[%dma_start3A_303, %dma_start3A_308] : memref<8x1280xi32, #tpu.memory_space<vmem>> -> memref<1x1280xi32, #tpu.memory_space<vmem>>
    %dma_start3A_310 = tpu.memref_squeeze %dma_start3A_309 : memref<1x1280xi32, #tpu.memory_space<vmem>> -> memref<1280xi32, #tpu.memory_space<vmem>>
    %dma_start3A_311 = tpu.memref_slice %arg4[%add3A_283] : memref<327680xi32, #tpu.memory_space<hbm>> -> memref<1280xi32, #tpu.memory_space<hbm>>
    %dma_start3A_312 = arith.constant 0 : i32
    %dma_start3A_313 = arith.constant 0 : i32
    %dma_start3A_314 = tpu.memref_slice %arg7[%dma_start3A_302, %dma_start3A_312, %dma_start3A_313] : memref<2x8x1280xi32, #tpu.memory_space<vmem>> -> memref<1x8x1280xi32, #tpu.memory_space<vmem>>
    %dma_start3A_315 = tpu.memref_squeeze %dma_start3A_314 : memref<1x8x1280xi32, #tpu.memory_space<vmem>> -> memref<8x1280xi32, #tpu.memory_space<vmem>>
    %dma_start3A_316 = arith.constant 0 : i32
    %dma_start3A_317 = tpu.memref_slice %dma_start3A_315[%dma_start3A_303, %dma_start3A_316] : memref<8x1280xi32, #tpu.memory_space<vmem>> -> memref<1x1280xi32, #tpu.memory_space<vmem>>
    %dma_start3A_318 = tpu.memref_squeeze %dma_start3A_317 : memref<1x1280xi32, #tpu.memory_space<vmem>> -> memref<1280xi32, #tpu.memory_space<vmem>>
    %dma_start3A_319 = tpu.memref_slice %arg4[%add3A_283] : memref<327680xi32, #tpu.memory_space<hbm>> -> memref<1280xi32, #tpu.memory_space<hbm>>
    tpu.enqueue_dma source(%dma_start3A_319 : memref<1280xi32, #tpu.memory_space<hbm>>) target(%dma_start3A_318 : memref<1280xi32, #tpu.memory_space<vmem>>) target_semaphore(%arg14 : memref<!tpu.dma_semaphore, #tpu.memory_space<semaphore_mem>>)
    %broadcast_in_dim3A = arith.constant 0.000000e+00 : f32
    %broadcast_in_dim3A_320 = vector.broadcast %broadcast_in_dim3A : f32 to vector<16xf32>
    %scan3A = arith.constant 0 : i32
    %scan3A_321 = arith.constant 0 : i32
    %scan3A_322 = arith.constant 160 : i32
    %scan3A_323 = arith.addi %scan3A_321, %scan3A_322 : i32
    %scan3A_324 = arith.constant 1 : i32
    %scan3A_325 = scf.for %scan3A_858 = %scan3A_321 to %scan3A_323 step %scan3A_324 iter_args(%scan3A_859 = %scan3A) -> (i32)  : i32 {
      %mul3A_860 = arith.constant 4 : i32
      %mul3A_861 = arith.muli %scan3A_858, %mul3A_860 : i32
      %multiple_of3A_862 = tpu.assume_multiple %mul3A_861, 4 : i32
      %add3A_863 = arith.constant 0 : i32
      %add3A_864 = arith.addi %multiple_of3A_862, %add3A_863 : i32
      %swap3A = arith.index_cast %add3A_864 : i32 to index
      %swap3A_865 = arith.constant 0 : index
      %swap3A_866 = tpu.vector_load %arg8[%swap3A, %swap3A_865] {strides = array<i32>} : memref<1280x32xf32, #tpu.memory_space<vmem>>, vector<1x16xf32>,
      %swap3A_867 = vector.shape_cast %swap3A_866 : vector<1x16xf32> to vector<16xf32>
      %swap3A_868 = vector.shape_cast %broadcast_in_dim3A_320 : vector<16xf32> to vector<1x16xf32>
      tpu.vector_store %arg8[%swap3A, %swap3A_865], %swap3A_868 {strides = array<i32>} : memref<1280x32xf32, #tpu.memory_space<vmem>>, vector<1x16xf32>,
      %add3A_869 = arith.constant 0 : i32
      %add3A_870 = arith.addi %multiple_of3A_862, %add3A_869 : i32
      %swap3A_871 = arith.index_cast %add3A_870 : i32 to index
      %swap3A_872 = arith.constant 16 : index
      %swap3A_873 = tpu.vector_load %arg8[%swap3A_871, %swap3A_872] {strides = array<i32>} : memref<1280x32xf32, #tpu.memory_space<vmem>>, vector<1x16xf32>,
      %swap3A_874 = vector.shape_cast %swap3A_873 : vector<1x16xf32> to vector<16xf32>
      %swap3A_875 = vector.shape_cast %broadcast_in_dim3A_320 : vector<16xf32> to vector<1x16xf32>
      tpu.vector_store %arg8[%swap3A_871, %swap3A_872], %swap3A_875 {strides = array<i32>} : memref<1280x32xf32, #tpu.memory_space<vmem>>, vector<1x16xf32>,
      %add3A_876 = arith.constant 1 : i32
      %add3A_877 = arith.addi %multiple_of3A_862, %add3A_876 : i32
      %swap3A_878 = arith.index_cast %add3A_877 : i32 to index
      %swap3A_879 = arith.constant 0 : index
      %swap3A_880 = tpu.vector_load %arg8[%swap3A_878, %swap3A_879] {strides = array<i32>} : memref<1280x32xf32, #tpu.memory_space<vmem>>, vector<1x16xf32>,
      %swap3A_881 = vector.shape_cast %swap3A_880 : vector<1x16xf32> to vector<16xf32>
      %swap3A_882 = vector.shape_cast %broadcast_in_dim3A_320 : vector<16xf32> to vector<1x16xf32>
      tpu.vector_store %arg8[%swap3A_878, %swap3A_879], %swap3A_882 {strides = array<i32>} : memref<1280x32xf32, #tpu.memory_space<vmem>>, vector<1x16xf32>,
      %add3A_883 = arith.constant 1 : i32
      %add3A_884 = arith.addi %multiple_of3A_862, %add3A_883 : i32
      %swap3A_885 = arith.index_cast %add3A_884 : i32 to index
      %swap3A_886 = arith.constant 16 : index
      %swap3A_887 = tpu.vector_load %arg8[%swap3A_885, %swap3A_886] {strides = array<i32>} : memref<1280x32xf32, #tpu.memory_space<vmem>>, vector<1x16xf32>,
      %swap3A_888 = vector.shape_cast %swap3A_887 : vector<1x16xf32> to vector<16xf32>
      %swap3A_889 = vector.shape_cast %broadcast_in_dim3A_320 : vector<16xf32> to vector<1x16xf32>
      tpu.vector_store %arg8[%swap3A_885, %swap3A_886], %swap3A_889 {strides = array<i32>} : memref<1280x32xf32, #tpu.memory_space<vmem>>, vector<1x16xf32>,
      %add3A_890 = arith.constant 2 : i32
      %add3A_891 = arith.addi %multiple_of3A_862, %add3A_890 : i32
      %swap3A_892 = arith.index_cast %add3A_891 : i32 to index
      %swap3A_893 = arith.constant 0 : index
      %swap3A_894 = tpu.vector_load %arg8[%swap3A_892, %swap3A_893] {strides = array<i32>} : memref<1280x32xf32, #tpu.memory_space<vmem>>, vector<1x16xf32>,
      %swap3A_895 = vector.shape_cast %swap3A_894 : vector<1x16xf32> to vector<16xf32>
      %swap3A_896 = vector.shape_cast %broadcast_in_dim3A_320 : vector<16xf32> to vector<1x16xf32>
      tpu.vector_store %arg8[%swap3A_892, %swap3A_893], %swap3A_896 {strides = array<i32>} : memref<1280x32xf32, #tpu.memory_space<vmem>>, vector<1x16xf32>,
      %add3A_897 = arith.constant 2 : i32
      %add3A_898 = arith.addi %multiple_of3A_862, %add3A_897 : i32
      %swap3A_899 = arith.index_cast %add3A_898 : i32 to index
      %swap3A_900 = arith.constant 16 : index
      %swap3A_901 = tpu.vector_load %arg8[%swap3A_899, %swap3A_900] {strides = array<i32>} : memref<1280x32xf32, #tpu.memory_space<vmem>>, vector<1x16xf32>,
      %swap3A_902 = vector.shape_cast %swap3A_901 : vector<1x16xf32> to vector<16xf32>
      %swap3A_903 = vector.shape_cast %broadcast_in_dim3A_320 : vector<16xf32> to vector<1x16xf32>
      tpu.vector_store %arg8[%swap3A_899, %swap3A_900], %swap3A_903 {strides = array<i32>} : memref<1280x32xf32, #tpu.memory_space<vmem>>, vector<1x16xf32>,
      %add3A_904 = arith.constant 3 : i32
      %add3A_905 = arith.addi %multiple_of3A_862, %add3A_904 : i32
      %swap3A_906 = arith.index_cast %add3A_905 : i32 to index
      %swap3A_907 = arith.constant 0 : index
      %swap3A_908 = tpu.vector_load %arg8[%swap3A_906, %swap3A_907] {strides = array<i32>} : memref<1280x32xf32, #tpu.memory_space<vmem>>, vector<1x16xf32>,
      %swap3A_909 = vector.shape_cast %swap3A_908 : vector<1x16xf32> to vector<16xf32>
      %swap3A_910 = vector.shape_cast %broadcast_in_dim3A_320 : vector<16xf32> to vector<1x16xf32>
      tpu.vector_store %arg8[%swap3A_906, %swap3A_907], %swap3A_910 {strides = array<i32>} : memref<1280x32xf32, #tpu.memory_space<vmem>>, vector<1x16xf32>,
      %add3A_911 = arith.constant 3 : i32
      %add3A_912 = arith.addi %multiple_of3A_862, %add3A_911 : i32
      %swap3A_913 = arith.index_cast %add3A_912 : i32 to index
      %swap3A_914 = arith.constant 16 : index
      %swap3A_915 = tpu.vector_load %arg8[%swap3A_913, %swap3A_914] {strides = array<i32>} : memref<1280x32xf32, #tpu.memory_space<vmem>>, vector<1x16xf32>,
      %swap3A_916 = vector.shape_cast %swap3A_915 : vector<1x16xf32> to vector<16xf32>
      %swap3A_917 = vector.shape_cast %broadcast_in_dim3A_320 : vector<16xf32> to vector<1x16xf32>
      tpu.vector_store %arg8[%swap3A_913, %swap3A_914], %swap3A_917 {strides = array<i32>} : memref<1280x32xf32, #tpu.memory_space<vmem>>, vector<1x16xf32>,
      %scan3A_918 = arith.constant 0 : i32
      scf.yield %scan3A_918 : i32
    }
    %scan3A_326 = arith.constant 160 : i32
    %mul3A_327 = arith.constant 640 : i32
    %mul3A_328 = arith.muli %arg1, %mul3A_327 : i32
    %multiple_of3A = tpu.assume_multiple %mul3A_328, 640 : i32
    "tpu.region"() ({
      %run_scoped3A_858 = tpu.sem_alloc : memref<!tpu.dma_semaphore, #tpu.memory_space<semaphore_mem>>
      %dma_start3A_859 = arith.constant 0 : i32
      %dma_start3A_860 = arith.constant 0 : i32
      %dma_start3A_861 = tpu.memref_slice %arg8[%dma_start3A_859, %dma_start3A_860] : memref<1280x32xf32, #tpu.memory_space<vmem>> -> memref<640x32xf32, #tpu.memory_space<vmem>>
      %dma_start3A_862 = arith.constant 0 : i32
      %dma_start3A_863 = tpu.memref_slice %arg12[%multiple_of3A, %dma_start3A_862] : memref<10240x32xf32, #tpu.memory_space<vmem_shared>> -> memref<640x32xf32, #tpu.memory_space<vmem_shared>>
      %dma_start3A_864 = arith.constant 0 : i32
      %dma_start3A_865 = tpu.memref_slice %arg12[%multiple_of3A, %dma_start3A_864] : memref<10240x32xf32, #tpu.memory_space<vmem_shared>> -> memref<640x32xf32, #tpu.memory_space<vmem_shared>>
      %dma_start3A_866 = arith.constant 0 : i32
      %dma_start3A_867 = arith.constant 0 : i32
      %dma_start3A_868 = tpu.memref_slice %arg8[%dma_start3A_866, %dma_start3A_867] : memref<1280x32xf32, #tpu.memory_space<vmem>> -> memref<640x32xf32, #tpu.memory_space<vmem>>
      tpu.enqueue_dma source(%dma_start3A_868 : memref<640x32xf32, #tpu.memory_space<vmem>>) target(%dma_start3A_865 : memref<640x32xf32, #tpu.memory_space<vmem_shared>>) target_semaphore(%run_scoped3A_858 : memref<!tpu.dma_semaphore, #tpu.memory_space<semaphore_mem>>)
      %dma_wait3A_869 = arith.constant 0 : i32
      %dma_wait3A_870 = arith.constant 0 : i32
      %dma_wait3A_871 = tpu.memref_slice %arg8[%dma_wait3A_869, %dma_wait3A_870] : memref<1280x32xf32, #tpu.memory_space<vmem>> -> memref<640x32xf32, #tpu.memory_space<vmem>>
      %dma_wait3A_872 = arith.constant 0 : i32
      %dma_wait3A_873 = tpu.memref_slice %arg12[%multiple_of3A, %dma_wait3A_872] : memref<10240x32xf32, #tpu.memory_space<vmem_shared>> -> memref<640x32xf32, #tpu.memory_space<vmem_shared>>
      %dma_wait3A_874 = arith.constant 0 : i32
      %dma_wait3A_875 = tpu.memref_slice %arg12[%multiple_of3A, %dma_wait3A_874] : memref<10240x32xf32, #tpu.memory_space<vmem_shared>> -> memref<640x32xf32, #tpu.memory_space<vmem_shared>>
      %dma_wait3A_876 = arith.constant 0 : i32
      %dma_wait3A_877 = arith.constant 0 : i32
      %dma_wait3A_878 = tpu.memref_slice %arg8[%dma_wait3A_876, %dma_wait3A_877] : memref<1280x32xf32, #tpu.memory_space<vmem>> -> memref<640x32xf32, #tpu.memory_space<vmem>>
      tpu.wait_dma2 semaphore(%run_scoped3A_858 : memref<!tpu.dma_semaphore, #tpu.memory_space<semaphore_mem>>) src(%dma_wait3A_878 : memref<640x32xf32, #tpu.memory_space<vmem>>) dst(%dma_wait3A_875 : memref<640x32xf32, #tpu.memory_space<vmem_shared>>)
      tpu.yield
    }) : () -> ()
    %broadcast_in_dim3A_329 = arith.constant 1.000000e+00 : f32
    %broadcast_in_dim3A_330 = vector.broadcast %broadcast_in_dim3A_329 : f32 to vector<16xf32>
    %scan3A_331 = arith.constant 0 : i32
    %scan3A_332 = arith.constant 0 : i32
    %scan3A_333 = arith.constant 80 : i32
    %scan3A_334 = arith.addi %scan3A_332, %scan3A_333 : i32
    %scan3A_335 = arith.constant 1 : i32
    %scan3A_336 = scf.for %scan3A_858 = %scan3A_332 to %scan3A_334 step %scan3A_335 iter_args(%scan3A_859 = %scan3A_331) -> (i32)  : i32 {
      %mul3A_860 = arith.constant 16 : i32
      %mul3A_861 = arith.muli %scan3A_858, %mul3A_860 : i32
      %multiple_of3A_862 = tpu.assume_multiple %mul3A_861, 16 : i32
      %swap3A = arith.index_cast %multiple_of3A_862 : i32 to index
      %swap3A_863 = tpu.vector_load %arg10[%swap3A] {strides = array<i32>} : memref<1280xf32, #tpu.memory_space<vmem>>, vector<16xf32>,
      %swap3A_864 = vector.shape_cast %swap3A_863 : vector<16xf32> to vector<16xf32>
      %swap3A_865 = vector.shape_cast %broadcast_in_dim3A_330 : vector<16xf32> to vector<16xf32>
      tpu.vector_store %arg10[%swap3A], %swap3A_865 {strides = array<i32>} : memref<1280xf32, #tpu.memory_space<vmem>>, vector<16xf32>,
      %scan3A_866 = arith.constant 0 : i32
      scf.yield %scan3A_866 : i32
    }
    %scan3A_337 = arith.constant 80 : i32
    %broadcast_in_dim3A_338 = arith.constant 0.000000e+00 : f32
    %broadcast_in_dim3A_339 = vector.broadcast %broadcast_in_dim3A_338 : f32 to vector<16xf32>
    %scan3A_340 = arith.constant 0 : i32
    %scan3A_341 = arith.constant 0 : i32
    %scan3A_342 = arith.constant 40 : i32
    %scan3A_343 = arith.addi %scan3A_341, %scan3A_342 : i32
    %scan3A_344 = arith.constant 1 : i32
    %scan3A_345 = scf.for %scan3A_858 = %scan3A_341 to %scan3A_343 step %scan3A_344 iter_args(%scan3A_859 = %scan3A_340) -> (i32)  : i32 {
      %mul3A_860 = arith.constant 16 : i32
      %mul3A_861 = arith.muli %scan3A_858, %mul3A_860 : i32
      %multiple_of3A_862 = tpu.assume_multiple %mul3A_861, 16 : i32
      %swap3A = arith.index_cast %multiple_of3A_862 : i32 to index
      %swap3A_863 = tpu.vector_load %arg11[%swap3A] {strides = array<i32>} : memref<640xf32, #tpu.memory_space<vmem>>, vector<16xf32>,
      %swap3A_864 = vector.shape_cast %swap3A_863 : vector<16xf32> to vector<16xf32>
      %swap3A_865 = vector.shape_cast %broadcast_in_dim3A_339 : vector<16xf32> to vector<16xf32>
      tpu.vector_store %arg11[%swap3A], %swap3A_865 {strides = array<i32>} : memref<640xf32, #tpu.memory_space<vmem>>, vector<16xf32>,
      %scan3A_866 = arith.constant 0 : i32
      scf.yield %scan3A_866 : i32
    }
    %scan3A_346 = arith.constant 40 : i32
    "tpu.region"() ({
      %run_scoped3A_858 = tpu.sem_alloc : memref<!tpu.dma_semaphore, #tpu.memory_space<semaphore_mem>>
      %dma_start3A_859 = tpu.memref_slice %arg13[%multiple_of3A] : memref<10240xf32, #tpu.memory_space<vmem_shared>> -> memref<640xf32, #tpu.memory_space<vmem_shared>>
      %dma_start3A_860 = tpu.memref_slice %arg13[%multiple_of3A] : memref<10240xf32, #tpu.memory_space<vmem_shared>> -> memref<640xf32, #tpu.memory_space<vmem_shared>>
      tpu.enqueue_dma source(%arg11 : memref<640xf32, #tpu.memory_space<vmem>>) target(%dma_start3A_860 : memref<640xf32, #tpu.memory_space<vmem_shared>>) target_semaphore(%run_scoped3A_858 : memref<!tpu.dma_semaphore, #tpu.memory_space<semaphore_mem>>)
      %dma_wait3A_861 = tpu.memref_slice %arg13[%multiple_of3A] : memref<10240xf32, #tpu.memory_space<vmem_shared>> -> memref<640xf32, #tpu.memory_space<vmem_shared>>
      %dma_wait3A_862 = tpu.memref_slice %arg13[%multiple_of3A] : memref<10240xf32, #tpu.memory_space<vmem_shared>> -> memref<640xf32, #tpu.memory_space<vmem_shared>>
      tpu.wait_dma2 semaphore(%run_scoped3A_858 : memref<!tpu.dma_semaphore, #tpu.memory_space<semaphore_mem>>) src(%arg11 : memref<640xf32, #tpu.memory_space<vmem>>) dst(%dma_wait3A_862 : memref<640xf32, #tpu.memory_space<vmem_shared>>)
      tpu.yield
    }) : () -> ()
    %barrier3A = arith.constant 0 : index
    tpu.barrier barrier_id(%barrier3A)
    %dma_wait3A = arith.constant 0 : i32
    %dma_wait3A_347 = arith.constant 0 : i32
    %dma_wait3A_348 = arith.constant 0 : i32
    %dma_wait3A_349 = arith.constant 0 : i32
    %dma_wait3A_350 = tpu.memref_slice %arg7[%dma_wait3A, %dma_wait3A_348, %dma_wait3A_349] : memref<2x8x1280xi32, #tpu.memory_space<vmem>> -> memref<1x8x1280xi32, #tpu.memory_space<vmem>>
    %dma_wait3A_351 = tpu.memref_squeeze %dma_wait3A_350 : memref<1x8x1280xi32, #tpu.memory_space<vmem>> -> memref<8x1280xi32, #tpu.memory_space<vmem>>
    %dma_wait3A_352 = arith.constant 0 : i32
    %dma_wait3A_353 = tpu.memref_slice %dma_wait3A_351[%dma_wait3A_347, %dma_wait3A_352] : memref<8x1280xi32, #tpu.memory_space<vmem>> -> memref<1x1280xi32, #tpu.memory_space<vmem>>
    %dma_wait3A_354 = tpu.memref_squeeze %dma_wait3A_353 : memref<1x1280xi32, #tpu.memory_space<vmem>> -> memref<1280xi32, #tpu.memory_space<vmem>>
    %dma_wait3A_355 = tpu.memref_slice %arg3[%add3A_4] : memref<327680xi32, #tpu.memory_space<hbm>> -> memref<1280xi32, #tpu.memory_space<hbm>>
    %dma_wait3A_356 = arith.constant 0 : i32
    %dma_wait3A_357 = arith.constant 0 : i32
    %dma_wait3A_358 = tpu.memref_slice %arg7[%dma_wait3A, %dma_wait3A_356, %dma_wait3A_357] : memref<2x8x1280xi32, #tpu.memory_space<vmem>> -> memref<1x8x1280xi32, #tpu.memory_space<vmem>>
    %dma_wait3A_359 = tpu.memref_squeeze %dma_wait3A_358 : memref<1x8x1280xi32, #tpu.memory_space<vmem>> -> memref<8x1280xi32, #tpu.memory_space<vmem>>
    %dma_wait3A_360 = arith.constant 0 : i32
    %dma_wait3A_361 = tpu.memref_slice %dma_wait3A_359[%dma_wait3A_347, %dma_wait3A_360] : memref<8x1280xi32, #tpu.memory_space<vmem>> -> memref<1x1280xi32, #tpu.memory_space<vmem>>
    %dma_wait3A_362 = tpu.memref_squeeze %dma_wait3A_361 : memref<1x1280xi32, #tpu.memory_space<vmem>> -> memref<1280xi32, #tpu.memory_space<vmem>>
    %dma_wait3A_363 = tpu.memref_slice %arg3[%add3A_4] : memref<327680xi32, #tpu.memory_space<hbm>> -> memref<1280xi32, #tpu.memory_space<hbm>>
    tpu.wait_dma2 semaphore(%arg14 : memref<!tpu.dma_semaphore, #tpu.memory_space<semaphore_mem>>) src(%dma_wait3A_363 : memref<1280xi32, #tpu.memory_space<hbm>>) dst(%dma_wait3A_362 : memref<1280xi32, #tpu.memory_space<vmem>>)
    %dma_wait3A_364 = arith.constant 1 : i32
    %dma_wait3A_365 = arith.constant 0 : i32
    %dma_wait3A_366 = arith.constant 0 : i32
    %dma_wait3A_367 = arith.constant 0 : i32
    %dma_wait3A_368 = tpu.memref_slice %arg7[%dma_wait3A_364, %dma_wait3A_366, %dma_wait3A_367] : memref<2x8x1280xi32, #tpu.memory_space<vmem>> -> memref<1x8x1280xi32, #tpu.memory_space<vmem>>
    %dma_wait3A_369 = tpu.memref_squeeze %dma_wait3A_368 : memref<1x8x1280xi32, #tpu.memory_space<vmem>> -> memref<8x1280xi32, #tpu.memory_space<vmem>>
    %dma_wait3A_370 = arith.constant 0 : i32
    %dma_wait3A_371 = tpu.memref_slice %dma_wait3A_369[%dma_wait3A_365, %dma_wait3A_370] : memref<8x1280xi32, #tpu.memory_space<vmem>> -> memref<1x1280xi32, #tpu.memory_space<vmem>>
    %dma_wait3A_372 = tpu.memref_squeeze %dma_wait3A_371 : memref<1x1280xi32, #tpu.memory_space<vmem>> -> memref<1280xi32, #tpu.memory_space<vmem>>
    %dma_wait3A_373 = tpu.memref_slice %arg4[%add3A_4] : memref<327680xi32, #tpu.memory_space<hbm>> -> memref<1280xi32, #tpu.memory_space<hbm>>
    %dma_wait3A_374 = arith.constant 0 : i32
    %dma_wait3A_375 = arith.constant 0 : i32
    %dma_wait3A_376 = tpu.memref_slice %arg7[%dma_wait3A_364, %dma_wait3A_374, %dma_wait3A_375] : memref<2x8x1280xi32, #tpu.memory_space<vmem>> -> memref<1x8x1280xi32, #tpu.memory_space<vmem>>
    %dma_wait3A_377 = tpu.memref_squeeze %dma_wait3A_376 : memref<1x8x1280xi32, #tpu.memory_space<vmem>> -> memref<8x1280xi32, #tpu.memory_space<vmem>>
    %dma_wait3A_378 = arith.constant 0 : i32
    %dma_wait3A_379 = tpu.memref_slice %dma_wait3A_377[%dma_wait3A_365, %dma_wait3A_378] : memref<8x1280xi32, #tpu.memory_space<vmem>> -> memref<1x1280xi32, #tpu.memory_space<vmem>>
    %dma_wait3A_380 = tpu.memref_squeeze %dma_wait3A_379 : memref<1x1280xi32, #tpu.memory_space<vmem>> -> memref<1280xi32, #tpu.memory_space<vmem>>
    %dma_wait3A_381 = tpu.memref_slice %arg4[%add3A_4] : memref<327680xi32, #tpu.memory_space<hbm>> -> memref<1280xi32, #tpu.memory_space<hbm>>
    tpu.wait_dma2 semaphore(%arg14 : memref<!tpu.dma_semaphore, #tpu.memory_space<semaphore_mem>>) src(%dma_wait3A_381 : memref<1280xi32, #tpu.memory_space<hbm>>) dst(%dma_wait3A_380 : memref<1280xi32, #tpu.memory_space<vmem>>)
    %dma_wait3A_382 = arith.constant 0 : i32
    %dma_wait3A_383 = arith.constant 1 : i32
    %dma_wait3A_384 = arith.constant 0 : i32
    %dma_wait3A_385 = arith.constant 0 : i32
    %dma_wait3A_386 = tpu.memref_slice %arg7[%dma_wait3A_382, %dma_wait3A_384, %dma_wait3A_385] : memref<2x8x1280xi32, #tpu.memory_space<vmem>> -> memref<1x8x1280xi32, #tpu.memory_space<vmem>>
    %dma_wait3A_387 = tpu.memref_squeeze %dma_wait3A_386 : memref<1x8x1280xi32, #tpu.memory_space<vmem>> -> memref<8x1280xi32, #tpu.memory_space<vmem>>
    %dma_wait3A_388 = arith.constant 0 : i32
    %dma_wait3A_389 = tpu.memref_slice %dma_wait3A_387[%dma_wait3A_383, %dma_wait3A_388] : memref<8x1280xi32, #tpu.memory_space<vmem>> -> memref<1x1280xi32, #tpu.memory_space<vmem>>
    %dma_wait3A_390 = tpu.memref_squeeze %dma_wait3A_389 : memref<1x1280xi32, #tpu.memory_space<vmem>> -> memref<1280xi32, #tpu.memory_space<vmem>>
    %dma_wait3A_391 = tpu.memref_slice %arg3[%add3A_43] : memref<327680xi32, #tpu.memory_space<hbm>> -> memref<1280xi32, #tpu.memory_space<hbm>>
    %dma_wait3A_392 = arith.constant 0 : i32
    %dma_wait3A_393 = arith.constant 0 : i32
    %dma_wait3A_394 = tpu.memref_slice %arg7[%dma_wait3A_382, %dma_wait3A_392, %dma_wait3A_393] : memref<2x8x1280xi32, #tpu.memory_space<vmem>> -> memref<1x8x1280xi32, #tpu.memory_space<vmem>>
    %dma_wait3A_395 = tpu.memref_squeeze %dma_wait3A_394 : memref<1x8x1280xi32, #tpu.memory_space<vmem>> -> memref<8x1280xi32, #tpu.memory_space<vmem>>
    %dma_wait3A_396 = arith.constant 0 : i32
    %dma_wait3A_397 = tpu.memref_slice %dma_wait3A_395[%dma_wait3A_383, %dma_wait3A_396] : memref<8x1280xi32, #tpu.memory_space<vmem>> -> memref<1x1280xi32, #tpu.memory_space<vmem>>
    %dma_wait3A_398 = tpu.memref_squeeze %dma_wait3A_397 : memref<1x1280xi32, #tpu.memory_space<vmem>> -> memref<1280xi32, #tpu.memory_space<vmem>>
    %dma_wait3A_399 = tpu.memref_slice %arg3[%add3A_43] : memref<327680xi32, #tpu.memory_space<hbm>> -> memref<1280xi32, #tpu.memory_space<hbm>>
    tpu.wait_dma2 semaphore(%arg14 : memref<!tpu.dma_semaphore, #tpu.memory_space<semaphore_mem>>) src(%dma_wait3A_399 : memref<1280xi32, #tpu.memory_space<hbm>>) dst(%dma_wait3A_398 : memref<1280xi32, #tpu.memory_space<vmem>>)
    %dma_wait3A_400 = arith.constant 1 : i32
    %dma_wait3A_401 = arith.constant 1 : i32
    %dma_wait3A_402 = arith.constant 0 : i32
    %dma_wait3A_403 = arith.constant 0 : i32
    %dma_wait3A_404 = tpu.memref_slice %arg7[%dma_wait3A_400, %dma_wait3A_402, %dma_wait3A_403] : memref<2x8x1280xi32, #tpu.memory_space<vmem>> -> memref<1x8x1280xi32, #tpu.memory_space<vmem>>
    %dma_wait3A_405 = tpu.memref_squeeze %dma_wait3A_404 : memref<1x8x1280xi32, #tpu.memory_space<vmem>> -> memref<8x1280xi32, #tpu.memory_space<vmem>>
    %dma_wait3A_406 = arith.constant 0 : i32
    %dma_wait3A_407 = tpu.memref_slice %dma_wait3A_405[%dma_wait3A_401, %dma_wait3A_406] : memref<8x1280xi32, #tpu.memory_space<vmem>> -> memref<1x1280xi32, #tpu.memory_space<vmem>>
    %dma_wait3A_408 = tpu.memref_squeeze %dma_wait3A_407 : memref<1x1280xi32, #tpu.memory_space<vmem>> -> memref<1280xi32, #tpu.memory_space<vmem>>
    %dma_wait3A_409 = tpu.memref_slice %arg4[%add3A_43] : memref<327680xi32, #tpu.memory_space<hbm>> -> memref<1280xi32, #tpu.memory_space<hbm>>
    %dma_wait3A_410 = arith.constant 0 : i32
    %dma_wait3A_411 = arith.constant 0 : i32
    %dma_wait3A_412 = tpu.memref_slice %arg7[%dma_wait3A_400, %dma_wait3A_410, %dma_wait3A_411] : memref<2x8x1280xi32, #tpu.memory_space<vmem>> -> memref<1x8x1280xi32, #tpu.memory_space<vmem>>
    %dma_wait3A_413 = tpu.memref_squeeze %dma_wait3A_412 : memref<1x8x1280xi32, #tpu.memory_space<vmem>> -> memref<8x1280xi32, #tpu.memory_space<vmem>>
    %dma_wait3A_414 = arith.constant 0 : i32
    %dma_wait3A_415 = tpu.memref_slice %dma_wait3A_413[%dma_wait3A_401, %dma_wait3A_414] : memref<8x1280xi32, #tpu.memory_space<vmem>> -> memref<1x1280xi32, #tpu.memory_space<vmem>>
    %dma_wait3A_416 = tpu.memref_squeeze %dma_wait3A_415 : memref<1x1280xi32, #tpu.memory_space<vmem>> -> memref<1280xi32, #tpu.memory_space<vmem>>
    %dma_wait3A_417 = tpu.memref_slice %arg4[%add3A_43] : memref<327680xi32, #tpu.memory_space<hbm>> -> memref<1280xi32, #tpu.memory_space<hbm>>
    tpu.wait_dma2 semaphore(%arg14 : memref<!tpu.dma_semaphore, #tpu.memory_space<semaphore_mem>>) src(%dma_wait3A_417 : memref<1280xi32, #tpu.memory_space<hbm>>) dst(%dma_wait3A_416 : memref<1280xi32, #tpu.memory_space<vmem>>)
    %dma_wait3A_418 = arith.constant 0 : i32
    %dma_wait3A_419 = arith.constant 2 : i32
    %dma_wait3A_420 = arith.constant 0 : i32
    %dma_wait3A_421 = arith.constant 0 : i32
    %dma_wait3A_422 = tpu.memref_slice %arg7[%dma_wait3A_418, %dma_wait3A_420, %dma_wait3A_421] : memref<2x8x1280xi32, #tpu.memory_space<vmem>> -> memref<1x8x1280xi32, #tpu.memory_space<vmem>>
    %dma_wait3A_423 = tpu.memref_squeeze %dma_wait3A_422 : memref<1x8x1280xi32, #tpu.memory_space<vmem>> -> memref<8x1280xi32, #tpu.memory_space<vmem>>
    %dma_wait3A_424 = arith.constant 0 : i32
    %dma_wait3A_425 = tpu.memref_slice %dma_wait3A_423[%dma_wait3A_419, %dma_wait3A_424] : memref<8x1280xi32, #tpu.memory_space<vmem>> -> memref<1x1280xi32, #tpu.memory_space<vmem>>
    %dma_wait3A_426 = tpu.memref_squeeze %dma_wait3A_425 : memref<1x1280xi32, #tpu.memory_space<vmem>> -> memref<1280xi32, #tpu.memory_space<vmem>>
    %dma_wait3A_427 = tpu.memref_slice %arg3[%add3A_83] : memref<327680xi32, #tpu.memory_space<hbm>> -> memref<1280xi32, #tpu.memory_space<hbm>>
    %dma_wait3A_428 = arith.constant 0 : i32
    %dma_wait3A_429 = arith.constant 0 : i32
    %dma_wait3A_430 = tpu.memref_slice %arg7[%dma_wait3A_418, %dma_wait3A_428, %dma_wait3A_429] : memref<2x8x1280xi32, #tpu.memory_space<vmem>> -> memref<1x8x1280xi32, #tpu.memory_space<vmem>>
    %dma_wait3A_431 = tpu.memref_squeeze %dma_wait3A_430 : memref<1x8x1280xi32, #tpu.memory_space<vmem>> -> memref<8x1280xi32, #tpu.memory_space<vmem>>
    %dma_wait3A_432 = arith.constant 0 : i32
    %dma_wait3A_433 = tpu.memref_slice %dma_wait3A_431[%dma_wait3A_419, %dma_wait3A_432] : memref<8x1280xi32, #tpu.memory_space<vmem>> -> memref<1x1280xi32, #tpu.memory_space<vmem>>
    %dma_wait3A_434 = tpu.memref_squeeze %dma_wait3A_433 : memref<1x1280xi32, #tpu.memory_space<vmem>> -> memref<1280xi32, #tpu.memory_space<vmem>>
    %dma_wait3A_435 = tpu.memref_slice %arg3[%add3A_83] : memref<327680xi32, #tpu.memory_space<hbm>> -> memref<1280xi32, #tpu.memory_space<hbm>>
    tpu.wait_dma2 semaphore(%arg14 : memref<!tpu.dma_semaphore, #tpu.memory_space<semaphore_mem>>) src(%dma_wait3A_435 : memref<1280xi32, #tpu.memory_space<hbm>>) dst(%dma_wait3A_434 : memref<1280xi32, #tpu.memory_space<vmem>>)
    %dma_wait3A_436 = arith.constant 1 : i32
    %dma_wait3A_437 = arith.constant 2 : i32
    %dma_wait3A_438 = arith.constant 0 : i32
    %dma_wait3A_439 = arith.constant 0 : i32
    %dma_wait3A_440 = tpu.memref_slice %arg7[%dma_wait3A_436, %dma_wait3A_438, %dma_wait3A_439] : memref<2x8x1280xi32, #tpu.memory_space<vmem>> -> memref<1x8x1280xi32, #tpu.memory_space<vmem>>
    %dma_wait3A_441 = tpu.memref_squeeze %dma_wait3A_440 : memref<1x8x1280xi32, #tpu.memory_space<vmem>> -> memref<8x1280xi32, #tpu.memory_space<vmem>>
    %dma_wait3A_442 = arith.constant 0 : i32
    %dma_wait3A_443 = tpu.memref_slice %dma_wait3A_441[%dma_wait3A_437, %dma_wait3A_442] : memref<8x1280xi32, #tpu.memory_space<vmem>> -> memref<1x1280xi32, #tpu.memory_space<vmem>>
    %dma_wait3A_444 = tpu.memref_squeeze %dma_wait3A_443 : memref<1x1280xi32, #tpu.memory_space<vmem>> -> memref<1280xi32, #tpu.memory_space<vmem>>
    %dma_wait3A_445 = tpu.memref_slice %arg4[%add3A_83] : memref<327680xi32, #tpu.memory_space<hbm>> -> memref<1280xi32, #tpu.memory_space<hbm>>
    %dma_wait3A_446 = arith.constant 0 : i32
    %dma_wait3A_447 = arith.constant 0 : i32
    %dma_wait3A_448 = tpu.memref_slice %arg7[%dma_wait3A_436, %dma_wait3A_446, %dma_wait3A_447] : memref<2x8x1280xi32, #tpu.memory_space<vmem>> -> memref<1x8x1280xi32, #tpu.memory_space<vmem>>
    %dma_wait3A_449 = tpu.memref_squeeze %dma_wait3A_448 : memref<1x8x1280xi32, #tpu.memory_space<vmem>> -> memref<8x1280xi32, #tpu.memory_space<vmem>>
    %dma_wait3A_450 = arith.constant 0 : i32
    %dma_wait3A_451 = tpu.memref_slice %dma_wait3A_449[%dma_wait3A_437, %dma_wait3A_450] : memref<8x1280xi32, #tpu.memory_space<vmem>> -> memref<1x1280xi32, #tpu.memory_space<vmem>>
    %dma_wait3A_452 = tpu.memref_squeeze %dma_wait3A_451 : memref<1x1280xi32, #tpu.memory_space<vmem>> -> memref<1280xi32, #tpu.memory_space<vmem>>
    %dma_wait3A_453 = tpu.memref_slice %arg4[%add3A_83] : memref<327680xi32, #tpu.memory_space<hbm>> -> memref<1280xi32, #tpu.memory_space<hbm>>
    tpu.wait_dma2 semaphore(%arg14 : memref<!tpu.dma_semaphore, #tpu.memory_space<semaphore_mem>>) src(%dma_wait3A_453 : memref<1280xi32, #tpu.memory_space<hbm>>) dst(%dma_wait3A_452 : memref<1280xi32, #tpu.memory_space<vmem>>)
    %dma_wait3A_454 = arith.constant 0 : i32
    %dma_wait3A_455 = arith.constant 3 : i32
    %dma_wait3A_456 = arith.constant 0 : i32
    %dma_wait3A_457 = arith.constant 0 : i32
    %dma_wait3A_458 = tpu.memref_slice %arg7[%dma_wait3A_454, %dma_wait3A_456, %dma_wait3A_457] : memref<2x8x1280xi32, #tpu.memory_space<vmem>> -> memref<1x8x1280xi32, #tpu.memory_space<vmem>>
    %dma_wait3A_459 = tpu.memref_squeeze %dma_wait3A_458 : memref<1x8x1280xi32, #tpu.memory_space<vmem>> -> memref<8x1280xi32, #tpu.memory_space<vmem>>
    %dma_wait3A_460 = arith.constant 0 : i32
    %dma_wait3A_461 = tpu.memref_slice %dma_wait3A_459[%dma_wait3A_455, %dma_wait3A_460] : memref<8x1280xi32, #tpu.memory_space<vmem>> -> memref<1x1280xi32, #tpu.memory_space<vmem>>
    %dma_wait3A_462 = tpu.memref_squeeze %dma_wait3A_461 : memref<1x1280xi32, #tpu.memory_space<vmem>> -> memref<1280xi32, #tpu.memory_space<vmem>>
    %dma_wait3A_463 = tpu.memref_slice %arg3[%add3A_123] : memref<327680xi32, #tpu.memory_space<hbm>> -> memref<1280xi32, #tpu.memory_space<hbm>>
    %dma_wait3A_464 = arith.constant 0 : i32
    %dma_wait3A_465 = arith.constant 0 : i32
    %dma_wait3A_466 = tpu.memref_slice %arg7[%dma_wait3A_454, %dma_wait3A_464, %dma_wait3A_465] : memref<2x8x1280xi32, #tpu.memory_space<vmem>> -> memref<1x8x1280xi32, #tpu.memory_space<vmem>>
    %dma_wait3A_467 = tpu.memref_squeeze %dma_wait3A_466 : memref<1x8x1280xi32, #tpu.memory_space<vmem>> -> memref<8x1280xi32, #tpu.memory_space<vmem>>
    %dma_wait3A_468 = arith.constant 0 : i32
    %dma_wait3A_469 = tpu.memref_slice %dma_wait3A_467[%dma_wait3A_455, %dma_wait3A_468] : memref<8x1280xi32, #tpu.memory_space<vmem>> -> memref<1x1280xi32, #tpu.memory_space<vmem>>
    %dma_wait3A_470 = tpu.memref_squeeze %dma_wait3A_469 : memref<1x1280xi32, #tpu.memory_space<vmem>> -> memref<1280xi32, #tpu.memory_space<vmem>>
    %dma_wait3A_471 = tpu.memref_slice %arg3[%add3A_123] : memref<327680xi32, #tpu.memory_space<hbm>> -> memref<1280xi32, #tpu.memory_space<hbm>>
    tpu.wait_dma2 semaphore(%arg14 : memref<!tpu.dma_semaphore, #tpu.memory_space<semaphore_mem>>) src(%dma_wait3A_471 : memref<1280xi32, #tpu.memory_space<hbm>>) dst(%dma_wait3A_470 : memref<1280xi32, #tpu.memory_space<vmem>>)
    %dma_wait3A_472 = arith.constant 1 : i32
    %dma_wait3A_473 = arith.constant 3 : i32
    %dma_wait3A_474 = arith.constant 0 : i32
    %dma_wait3A_475 = arith.constant 0 : i32
    %dma_wait3A_476 = tpu.memref_slice %arg7[%dma_wait3A_472, %dma_wait3A_474, %dma_wait3A_475] : memref<2x8x1280xi32, #tpu.memory_space<vmem>> -> memref<1x8x1280xi32, #tpu.memory_space<vmem>>
    %dma_wait3A_477 = tpu.memref_squeeze %dma_wait3A_476 : memref<1x8x1280xi32, #tpu.memory_space<vmem>> -> memref<8x1280xi32, #tpu.memory_space<vmem>>
    %dma_wait3A_478 = arith.constant 0 : i32
    %dma_wait3A_479 = tpu.memref_slice %dma_wait3A_477[%dma_wait3A_473, %dma_wait3A_478] : memref<8x1280xi32, #tpu.memory_space<vmem>> -> memref<1x1280xi32, #tpu.memory_space<vmem>>
    %dma_wait3A_480 = tpu.memref_squeeze %dma_wait3A_479 : memref<1x1280xi32, #tpu.memory_space<vmem>> -> memref<1280xi32, #tpu.memory_space<vmem>>
    %dma_wait3A_481 = tpu.memref_slice %arg4[%add3A_123] : memref<327680xi32, #tpu.memory_space<hbm>> -> memref<1280xi32, #tpu.memory_space<hbm>>
    %dma_wait3A_482 = arith.constant 0 : i32
    %dma_wait3A_483 = arith.constant 0 : i32
    %dma_wait3A_484 = tpu.memref_slice %arg7[%dma_wait3A_472, %dma_wait3A_482, %dma_wait3A_483] : memref<2x8x1280xi32, #tpu.memory_space<vmem>> -> memref<1x8x1280xi32, #tpu.memory_space<vmem>>
    %dma_wait3A_485 = tpu.memref_squeeze %dma_wait3A_484 : memref<1x8x1280xi32, #tpu.memory_space<vmem>> -> memref<8x1280xi32, #tpu.memory_space<vmem>>
    %dma_wait3A_486 = arith.constant 0 : i32
    %dma_wait3A_487 = tpu.memref_slice %dma_wait3A_485[%dma_wait3A_473, %dma_wait3A_486] : memref<8x1280xi32, #tpu.memory_space<vmem>> -> memref<1x1280xi32, #tpu.memory_space<vmem>>
    %dma_wait3A_488 = tpu.memref_squeeze %dma_wait3A_487 : memref<1x1280xi32, #tpu.memory_space<vmem>> -> memref<1280xi32, #tpu.memory_space<vmem>>
    %dma_wait3A_489 = tpu.memref_slice %arg4[%add3A_123] : memref<327680xi32, #tpu.memory_space<hbm>> -> memref<1280xi32, #tpu.memory_space<hbm>>
    tpu.wait_dma2 semaphore(%arg14 : memref<!tpu.dma_semaphore, #tpu.memory_space<semaphore_mem>>) src(%dma_wait3A_489 : memref<1280xi32, #tpu.memory_space<hbm>>) dst(%dma_wait3A_488 : memref<1280xi32, #tpu.memory_space<vmem>>)
    %dma_wait3A_490 = arith.constant 0 : i32
    %dma_wait3A_491 = arith.constant 4 : i32
    %dma_wait3A_492 = arith.constant 0 : i32
    %dma_wait3A_493 = arith.constant 0 : i32
    %dma_wait3A_494 = tpu.memref_slice %arg7[%dma_wait3A_490, %dma_wait3A_492, %dma_wait3A_493] : memref<2x8x1280xi32, #tpu.memory_space<vmem>> -> memref<1x8x1280xi32, #tpu.memory_space<vmem>>
    %dma_wait3A_495 = tpu.memref_squeeze %dma_wait3A_494 : memref<1x8x1280xi32, #tpu.memory_space<vmem>> -> memref<8x1280xi32, #tpu.memory_space<vmem>>
    %dma_wait3A_496 = arith.constant 0 : i32
    %dma_wait3A_497 = tpu.memref_slice %dma_wait3A_495[%dma_wait3A_491, %dma_wait3A_496] : memref<8x1280xi32, #tpu.memory_space<vmem>> -> memref<1x1280xi32, #tpu.memory_space<vmem>>
    %dma_wait3A_498 = tpu.memref_squeeze %dma_wait3A_497 : memref<1x1280xi32, #tpu.memory_space<vmem>> -> memref<1280xi32, #tpu.memory_space<vmem>>
    %dma_wait3A_499 = tpu.memref_slice %arg3[%add3A_163] : memref<327680xi32, #tpu.memory_space<hbm>> -> memref<1280xi32, #tpu.memory_space<hbm>>
    %dma_wait3A_500 = arith.constant 0 : i32
    %dma_wait3A_501 = arith.constant 0 : i32
    %dma_wait3A_502 = tpu.memref_slice %arg7[%dma_wait3A_490, %dma_wait3A_500, %dma_wait3A_501] : memref<2x8x1280xi32, #tpu.memory_space<vmem>> -> memref<1x8x1280xi32, #tpu.memory_space<vmem>>
    %dma_wait3A_503 = tpu.memref_squeeze %dma_wait3A_502 : memref<1x8x1280xi32, #tpu.memory_space<vmem>> -> memref<8x1280xi32, #tpu.memory_space<vmem>>
    %dma_wait3A_504 = arith.constant 0 : i32
    %dma_wait3A_505 = tpu.memref_slice %dma_wait3A_503[%dma_wait3A_491, %dma_wait3A_504] : memref<8x1280xi32, #tpu.memory_space<vmem>> -> memref<1x1280xi32, #tpu.memory_space<vmem>>
    %dma_wait3A_506 = tpu.memref_squeeze %dma_wait3A_505 : memref<1x1280xi32, #tpu.memory_space<vmem>> -> memref<1280xi32, #tpu.memory_space<vmem>>
    %dma_wait3A_507 = tpu.memref_slice %arg3[%add3A_163] : memref<327680xi32, #tpu.memory_space<hbm>> -> memref<1280xi32, #tpu.memory_space<hbm>>
    tpu.wait_dma2 semaphore(%arg14 : memref<!tpu.dma_semaphore, #tpu.memory_space<semaphore_mem>>) src(%dma_wait3A_507 : memref<1280xi32, #tpu.memory_space<hbm>>) dst(%dma_wait3A_506 : memref<1280xi32, #tpu.memory_space<vmem>>)
    %dma_wait3A_508 = arith.constant 1 : i32
    %dma_wait3A_509 = arith.constant 4 : i32
    %dma_wait3A_510 = arith.constant 0 : i32
    %dma_wait3A_511 = arith.constant 0 : i32
    %dma_wait3A_512 = tpu.memref_slice %arg7[%dma_wait3A_508, %dma_wait3A_510, %dma_wait3A_511] : memref<2x8x1280xi32, #tpu.memory_space<vmem>> -> memref<1x8x1280xi32, #tpu.memory_space<vmem>>
    %dma_wait3A_513 = tpu.memref_squeeze %dma_wait3A_512 : memref<1x8x1280xi32, #tpu.memory_space<vmem>> -> memref<8x1280xi32, #tpu.memory_space<vmem>>
    %dma_wait3A_514 = arith.constant 0 : i32
    %dma_wait3A_515 = tpu.memref_slice %dma_wait3A_513[%dma_wait3A_509, %dma_wait3A_514] : memref<8x1280xi32, #tpu.memory_space<vmem>> -> memref<1x1280xi32, #tpu.memory_space<vmem>>
    %dma_wait3A_516 = tpu.memref_squeeze %dma_wait3A_515 : memref<1x1280xi32, #tpu.memory_space<vmem>> -> memref<1280xi32, #tpu.memory_space<vmem>>
    %dma_wait3A_517 = tpu.memref_slice %arg4[%add3A_163] : memref<327680xi32, #tpu.memory_space<hbm>> -> memref<1280xi32, #tpu.memory_space<hbm>>
    %dma_wait3A_518 = arith.constant 0 : i32
    %dma_wait3A_519 = arith.constant 0 : i32
    %dma_wait3A_520 = tpu.memref_slice %arg7[%dma_wait3A_508, %dma_wait3A_518, %dma_wait3A_519] : memref<2x8x1280xi32, #tpu.memory_space<vmem>> -> memref<1x8x1280xi32, #tpu.memory_space<vmem>>
    %dma_wait3A_521 = tpu.memref_squeeze %dma_wait3A_520 : memref<1x8x1280xi32, #tpu.memory_space<vmem>> -> memref<8x1280xi32, #tpu.memory_space<vmem>>
    %dma_wait3A_522 = arith.constant 0 : i32
    %dma_wait3A_523 = tpu.memref_slice %dma_wait3A_521[%dma_wait3A_509, %dma_wait3A_522] : memref<8x1280xi32, #tpu.memory_space<vmem>> -> memref<1x1280xi32, #tpu.memory_space<vmem>>
    %dma_wait3A_524 = tpu.memref_squeeze %dma_wait3A_523 : memref<1x1280xi32, #tpu.memory_space<vmem>> -> memref<1280xi32, #tpu.memory_space<vmem>>
    %dma_wait3A_525 = tpu.memref_slice %arg4[%add3A_163] : memref<327680xi32, #tpu.memory_space<hbm>> -> memref<1280xi32, #tpu.memory_space<hbm>>
    tpu.wait_dma2 semaphore(%arg14 : memref<!tpu.dma_semaphore, #tpu.memory_space<semaphore_mem>>) src(%dma_wait3A_525 : memref<1280xi32, #tpu.memory_space<hbm>>) dst(%dma_wait3A_524 : memref<1280xi32, #tpu.memory_space<vmem>>)
    %dma_wait3A_526 = arith.constant 0 : i32
    %dma_wait3A_527 = arith.constant 5 : i32
    %dma_wait3A_528 = arith.constant 0 : i32
    %dma_wait3A_529 = arith.constant 0 : i32
    %dma_wait3A_530 = tpu.memref_slice %arg7[%dma_wait3A_526, %dma_wait3A_528, %dma_wait3A_529] : memref<2x8x1280xi32, #tpu.memory_space<vmem>> -> memref<1x8x1280xi32, #tpu.memory_space<vmem>>
    %dma_wait3A_531 = tpu.memref_squeeze %dma_wait3A_530 : memref<1x8x1280xi32, #tpu.memory_space<vmem>> -> memref<8x1280xi32, #tpu.memory_space<vmem>>
    %dma_wait3A_532 = arith.constant 0 : i32
    %dma_wait3A_533 = tpu.memref_slice %dma_wait3A_531[%dma_wait3A_527, %dma_wait3A_532] : memref<8x1280xi32, #tpu.memory_space<vmem>> -> memref<1x1280xi32, #tpu.memory_space<vmem>>
    %dma_wait3A_534 = tpu.memref_squeeze %dma_wait3A_533 : memref<1x1280xi32, #tpu.memory_space<vmem>> -> memref<1280xi32, #tpu.memory_space<vmem>>
    %dma_wait3A_535 = tpu.memref_slice %arg3[%add3A_203] : memref<327680xi32, #tpu.memory_space<hbm>> -> memref<1280xi32, #tpu.memory_space<hbm>>
    %dma_wait3A_536 = arith.constant 0 : i32
    %dma_wait3A_537 = arith.constant 0 : i32
    %dma_wait3A_538 = tpu.memref_slice %arg7[%dma_wait3A_526, %dma_wait3A_536, %dma_wait3A_537] : memref<2x8x1280xi32, #tpu.memory_space<vmem>> -> memref<1x8x1280xi32, #tpu.memory_space<vmem>>
    %dma_wait3A_539 = tpu.memref_squeeze %dma_wait3A_538 : memref<1x8x1280xi32, #tpu.memory_space<vmem>> -> memref<8x1280xi32, #tpu.memory_space<vmem>>
    %dma_wait3A_540 = arith.constant 0 : i32
    %dma_wait3A_541 = tpu.memref_slice %dma_wait3A_539[%dma_wait3A_527, %dma_wait3A_540] : memref<8x1280xi32, #tpu.memory_space<vmem>> -> memref<1x1280xi32, #tpu.memory_space<vmem>>
    %dma_wait3A_542 = tpu.memref_squeeze %dma_wait3A_541 : memref<1x1280xi32, #tpu.memory_space<vmem>> -> memref<1280xi32, #tpu.memory_space<vmem>>
    %dma_wait3A_543 = tpu.memref_slice %arg3[%add3A_203] : memref<327680xi32, #tpu.memory_space<hbm>> -> memref<1280xi32, #tpu.memory_space<hbm>>
    tpu.wait_dma2 semaphore(%arg14 : memref<!tpu.dma_semaphore, #tpu.memory_space<semaphore_mem>>) src(%dma_wait3A_543 : memref<1280xi32, #tpu.memory_space<hbm>>) dst(%dma_wait3A_542 : memref<1280xi32, #tpu.memory_space<vmem>>)
    %dma_wait3A_544 = arith.constant 1 : i32
    %dma_wait3A_545 = arith.constant 5 : i32
    %dma_wait3A_546 = arith.constant 0 : i32
    %dma_wait3A_547 = arith.constant 0 : i32
    %dma_wait3A_548 = tpu.memref_slice %arg7[%dma_wait3A_544, %dma_wait3A_546, %dma_wait3A_547] : memref<2x8x1280xi32, #tpu.memory_space<vmem>> -> memref<1x8x1280xi32, #tpu.memory_space<vmem>>
    %dma_wait3A_549 = tpu.memref_squeeze %dma_wait3A_548 : memref<1x8x1280xi32, #tpu.memory_space<vmem>> -> memref<8x1280xi32, #tpu.memory_space<vmem>>
    %dma_wait3A_550 = arith.constant 0 : i32
    %dma_wait3A_551 = tpu.memref_slice %dma_wait3A_549[%dma_wait3A_545, %dma_wait3A_550] : memref<8x1280xi32, #tpu.memory_space<vmem>> -> memref<1x1280xi32, #tpu.memory_space<vmem>>
    %dma_wait3A_552 = tpu.memref_squeeze %dma_wait3A_551 : memref<1x1280xi32, #tpu.memory_space<vmem>> -> memref<1280xi32, #tpu.memory_space<vmem>>
    %dma_wait3A_553 = tpu.memref_slice %arg4[%add3A_203] : memref<327680xi32, #tpu.memory_space<hbm>> -> memref<1280xi32, #tpu.memory_space<hbm>>
    %dma_wait3A_554 = arith.constant 0 : i32
    %dma_wait3A_555 = arith.constant 0 : i32
    %dma_wait3A_556 = tpu.memref_slice %arg7[%dma_wait3A_544, %dma_wait3A_554, %dma_wait3A_555] : memref<2x8x1280xi32, #tpu.memory_space<vmem>> -> memref<1x8x1280xi32, #tpu.memory_space<vmem>>
    %dma_wait3A_557 = tpu.memref_squeeze %dma_wait3A_556 : memref<1x8x1280xi32, #tpu.memory_space<vmem>> -> memref<8x1280xi32, #tpu.memory_space<vmem>>
    %dma_wait3A_558 = arith.constant 0 : i32
    %dma_wait3A_559 = tpu.memref_slice %dma_wait3A_557[%dma_wait3A_545, %dma_wait3A_558] : memref<8x1280xi32, #tpu.memory_space<vmem>> -> memref<1x1280xi32, #tpu.memory_space<vmem>>
    %dma_wait3A_560 = tpu.memref_squeeze %dma_wait3A_559 : memref<1x1280xi32, #tpu.memory_space<vmem>> -> memref<1280xi32, #tpu.memory_space<vmem>>
    %dma_wait3A_561 = tpu.memref_slice %arg4[%add3A_203] : memref<327680xi32, #tpu.memory_space<hbm>> -> memref<1280xi32, #tpu.memory_space<hbm>>
    tpu.wait_dma2 semaphore(%arg14 : memref<!tpu.dma_semaphore, #tpu.memory_space<semaphore_mem>>) src(%dma_wait3A_561 : memref<1280xi32, #tpu.memory_space<hbm>>) dst(%dma_wait3A_560 : memref<1280xi32, #tpu.memory_space<vmem>>)
    %dma_wait3A_562 = arith.constant 0 : i32
    %dma_wait3A_563 = arith.constant 6 : i32
    %dma_wait3A_564 = arith.constant 0 : i32
    %dma_wait3A_565 = arith.constant 0 : i32
    %dma_wait3A_566 = tpu.memref_slice %arg7[%dma_wait3A_562, %dma_wait3A_564, %dma_wait3A_565] : memref<2x8x1280xi32, #tpu.memory_space<vmem>> -> memref<1x8x1280xi32, #tpu.memory_space<vmem>>
    %dma_wait3A_567 = tpu.memref_squeeze %dma_wait3A_566 : memref<1x8x1280xi32, #tpu.memory_space<vmem>> -> memref<8x1280xi32, #tpu.memory_space<vmem>>
    %dma_wait3A_568 = arith.constant 0 : i32
    %dma_wait3A_569 = tpu.memref_slice %dma_wait3A_567[%dma_wait3A_563, %dma_wait3A_568] : memref<8x1280xi32, #tpu.memory_space<vmem>> -> memref<1x1280xi32, #tpu.memory_space<vmem>>
    %dma_wait3A_570 = tpu.memref_squeeze %dma_wait3A_569 : memref<1x1280xi32, #tpu.memory_space<vmem>> -> memref<1280xi32, #tpu.memory_space<vmem>>
    %dma_wait3A_571 = tpu.memref_slice %arg3[%add3A_243] : memref<327680xi32, #tpu.memory_space<hbm>> -> memref<1280xi32, #tpu.memory_space<hbm>>
    %dma_wait3A_572 = arith.constant 0 : i32
    %dma_wait3A_573 = arith.constant 0 : i32
    %dma_wait3A_574 = tpu.memref_slice %arg7[%dma_wait3A_562, %dma_wait3A_572, %dma_wait3A_573] : memref<2x8x1280xi32, #tpu.memory_space<vmem>> -> memref<1x8x1280xi32, #tpu.memory_space<vmem>>
    %dma_wait3A_575 = tpu.memref_squeeze %dma_wait3A_574 : memref<1x8x1280xi32, #tpu.memory_space<vmem>> -> memref<8x1280xi32, #tpu.memory_space<vmem>>
    %dma_wait3A_576 = arith.constant 0 : i32
    %dma_wait3A_577 = tpu.memref_slice %dma_wait3A_575[%dma_wait3A_563, %dma_wait3A_576] : memref<8x1280xi32, #tpu.memory_space<vmem>> -> memref<1x1280xi32, #tpu.memory_space<vmem>>
    %dma_wait3A_578 = tpu.memref_squeeze %dma_wait3A_577 : memref<1x1280xi32, #tpu.memory_space<vmem>> -> memref<1280xi32, #tpu.memory_space<vmem>>
    %dma_wait3A_579 = tpu.memref_slice %arg3[%add3A_243] : memref<327680xi32, #tpu.memory_space<hbm>> -> memref<1280xi32, #tpu.memory_space<hbm>>
    tpu.wait_dma2 semaphore(%arg14 : memref<!tpu.dma_semaphore, #tpu.memory_space<semaphore_mem>>) src(%dma_wait3A_579 : memref<1280xi32, #tpu.memory_space<hbm>>) dst(%dma_wait3A_578 : memref<1280xi32, #tpu.memory_space<vmem>>)
    %dma_wait3A_580 = arith.constant 1 : i32
    %dma_wait3A_581 = arith.constant 6 : i32
    %dma_wait3A_582 = arith.constant 0 : i32
    %dma_wait3A_583 = arith.constant 0 : i32
    %dma_wait3A_584 = tpu.memref_slice %arg7[%dma_wait3A_580, %dma_wait3A_582, %dma_wait3A_583] : memref<2x8x1280xi32, #tpu.memory_space<vmem>> -> memref<1x8x1280xi32, #tpu.memory_space<vmem>>
    %dma_wait3A_585 = tpu.memref_squeeze %dma_wait3A_584 : memref<1x8x1280xi32, #tpu.memory_space<vmem>> -> memref<8x1280xi32, #tpu.memory_space<vmem>>
    %dma_wait3A_586 = arith.constant 0 : i32
    %dma_wait3A_587 = tpu.memref_slice %dma_wait3A_585[%dma_wait3A_581, %dma_wait3A_586] : memref<8x1280xi32, #tpu.memory_space<vmem>> -> memref<1x1280xi32, #tpu.memory_space<vmem>>
    %dma_wait3A_588 = tpu.memref_squeeze %dma_wait3A_587 : memref<1x1280xi32, #tpu.memory_space<vmem>> -> memref<1280xi32, #tpu.memory_space<vmem>>
    %dma_wait3A_589 = tpu.memref_slice %arg4[%add3A_243] : memref<327680xi32, #tpu.memory_space<hbm>> -> memref<1280xi32, #tpu.memory_space<hbm>>
    %dma_wait3A_590 = arith.constant 0 : i32
    %dma_wait3A_591 = arith.constant 0 : i32
    %dma_wait3A_592 = tpu.memref_slice %arg7[%dma_wait3A_580, %dma_wait3A_590, %dma_wait3A_591] : memref<2x8x1280xi32, #tpu.memory_space<vmem>> -> memref<1x8x1280xi32, #tpu.memory_space<vmem>>
    %dma_wait3A_593 = tpu.memref_squeeze %dma_wait3A_592 : memref<1x8x1280xi32, #tpu.memory_space<vmem>> -> memref<8x1280xi32, #tpu.memory_space<vmem>>
    %dma_wait3A_594 = arith.constant 0 : i32
    %dma_wait3A_595 = tpu.memref_slice %dma_wait3A_593[%dma_wait3A_581, %dma_wait3A_594] : memref<8x1280xi32, #tpu.memory_space<vmem>> -> memref<1x1280xi32, #tpu.memory_space<vmem>>
    %dma_wait3A_596 = tpu.memref_squeeze %dma_wait3A_595 : memref<1x1280xi32, #tpu.memory_space<vmem>> -> memref<1280xi32, #tpu.memory_space<vmem>>
    %dma_wait3A_597 = tpu.memref_slice %arg4[%add3A_243] : memref<327680xi32, #tpu.memory_space<hbm>> -> memref<1280xi32, #tpu.memory_space<hbm>>
    tpu.wait_dma2 semaphore(%arg14 : memref<!tpu.dma_semaphore, #tpu.memory_space<semaphore_mem>>) src(%dma_wait3A_597 : memref<1280xi32, #tpu.memory_space<hbm>>) dst(%dma_wait3A_596 : memref<1280xi32, #tpu.memory_space<vmem>>)
    %dma_wait3A_598 = arith.constant 0 : i32
    %dma_wait3A_599 = arith.constant 7 : i32
    %dma_wait3A_600 = arith.constant 0 : i32
    %dma_wait3A_601 = arith.constant 0 : i32
    %dma_wait3A_602 = tpu.memref_slice %arg7[%dma_wait3A_598, %dma_wait3A_600, %dma_wait3A_601] : memref<2x8x1280xi32, #tpu.memory_space<vmem>> -> memref<1x8x1280xi32, #tpu.memory_space<vmem>>
    %dma_wait3A_603 = tpu.memref_squeeze %dma_wait3A_602 : memref<1x8x1280xi32, #tpu.memory_space<vmem>> -> memref<8x1280xi32, #tpu.memory_space<vmem>>
    %dma_wait3A_604 = arith.constant 0 : i32
    %dma_wait3A_605 = tpu.memref_slice %dma_wait3A_603[%dma_wait3A_599, %dma_wait3A_604] : memref<8x1280xi32, #tpu.memory_space<vmem>> -> memref<1x1280xi32, #tpu.memory_space<vmem>>
    %dma_wait3A_606 = tpu.memref_squeeze %dma_wait3A_605 : memref<1x1280xi32, #tpu.memory_space<vmem>> -> memref<1280xi32, #tpu.memory_space<vmem>>
    %dma_wait3A_607 = tpu.memref_slice %arg3[%add3A_283] : memref<327680xi32, #tpu.memory_space<hbm>> -> memref<1280xi32, #tpu.memory_space<hbm>>
    %dma_wait3A_608 = arith.constant 0 : i32
    %dma_wait3A_609 = arith.constant 0 : i32
    %dma_wait3A_610 = tpu.memref_slice %arg7[%dma_wait3A_598, %dma_wait3A_608, %dma_wait3A_609] : memref<2x8x1280xi32, #tpu.memory_space<vmem>> -> memref<1x8x1280xi32, #tpu.memory_space<vmem>>
    %dma_wait3A_611 = tpu.memref_squeeze %dma_wait3A_610 : memref<1x8x1280xi32, #tpu.memory_space<vmem>> -> memref<8x1280xi32, #tpu.memory_space<vmem>>
    %dma_wait3A_612 = arith.constant 0 : i32
    %dma_wait3A_613 = tpu.memref_slice %dma_wait3A_611[%dma_wait3A_599, %dma_wait3A_612] : memref<8x1280xi32, #tpu.memory_space<vmem>> -> memref<1x1280xi32, #tpu.memory_space<vmem>>
    %dma_wait3A_614 = tpu.memref_squeeze %dma_wait3A_613 : memref<1x1280xi32, #tpu.memory_space<vmem>> -> memref<1280xi32, #tpu.memory_space<vmem>>
    %dma_wait3A_615 = tpu.memref_slice %arg3[%add3A_283] : memref<327680xi32, #tpu.memory_space<hbm>> -> memref<1280xi32, #tpu.memory_space<hbm>>
    tpu.wait_dma2 semaphore(%arg14 : memref<!tpu.dma_semaphore, #tpu.memory_space<semaphore_mem>>) src(%dma_wait3A_615 : memref<1280xi32, #tpu.memory_space<hbm>>) dst(%dma_wait3A_614 : memref<1280xi32, #tpu.memory_space<vmem>>)
    %dma_wait3A_616 = arith.constant 1 : i32
    %dma_wait3A_617 = arith.constant 7 : i32
    %dma_wait3A_618 = arith.constant 0 : i32
    %dma_wait3A_619 = arith.constant 0 : i32
    %dma_wait3A_620 = tpu.memref_slice %arg7[%dma_wait3A_616, %dma_wait3A_618, %dma_wait3A_619] : memref<2x8x1280xi32, #tpu.memory_space<vmem>> -> memref<1x8x1280xi32, #tpu.memory_space<vmem>>
    %dma_wait3A_621 = tpu.memref_squeeze %dma_wait3A_620 : memref<1x8x1280xi32, #tpu.memory_space<vmem>> -> memref<8x1280xi32, #tpu.memory_space<vmem>>
    %dma_wait3A_622 = arith.constant 0 : i32
    %dma_wait3A_623 = tpu.memref_slice %dma_wait3A_621[%dma_wait3A_617, %dma_wait3A_622] : memref<8x1280xi32, #tpu.memory_space<vmem>> -> memref<1x1280xi32, #tpu.memory_space<vmem>>
    %dma_wait3A_624 = tpu.memref_squeeze %dma_wait3A_623 : memref<1x1280xi32, #tpu.memory_space<vmem>> -> memref<1280xi32, #tpu.memory_space<vmem>>
    %dma_wait3A_625 = tpu.memref_slice %arg4[%add3A_283] : memref<327680xi32, #tpu.memory_space<hbm>> -> memref<1280xi32, #tpu.memory_space<hbm>>
    %dma_wait3A_626 = arith.constant 0 : i32
    %dma_wait3A_627 = arith.constant 0 : i32
    %dma_wait3A_628 = tpu.memref_slice %arg7[%dma_wait3A_616, %dma_wait3A_626, %dma_wait3A_627] : memref<2x8x1280xi32, #tpu.memory_space<vmem>> -> memref<1x8x1280xi32, #tpu.memory_space<vmem>>
    %dma_wait3A_629 = tpu.memref_squeeze %dma_wait3A_628 : memref<1x8x1280xi32, #tpu.memory_space<vmem>> -> memref<8x1280xi32, #tpu.memory_space<vmem>>
    %dma_wait3A_630 = arith.constant 0 : i32
    %dma_wait3A_631 = tpu.memref_slice %dma_wait3A_629[%dma_wait3A_617, %dma_wait3A_630] : memref<8x1280xi32, #tpu.memory_space<vmem>> -> memref<1x1280xi32, #tpu.memory_space<vmem>>
    %dma_wait3A_632 = tpu.memref_squeeze %dma_wait3A_631 : memref<1x1280xi32, #tpu.memory_space<vmem>> -> memref<1280xi32, #tpu.memory_space<vmem>>
    %dma_wait3A_633 = tpu.memref_slice %arg4[%add3A_283] : memref<327680xi32, #tpu.memory_space<hbm>> -> memref<1280xi32, #tpu.memory_space<hbm>>
    tpu.wait_dma2 semaphore(%arg14 : memref<!tpu.dma_semaphore, #tpu.memory_space<semaphore_mem>>) src(%dma_wait3A_633 : memref<1280xi32, #tpu.memory_space<hbm>>) dst(%dma_wait3A_632 : memref<1280xi32, #tpu.memory_space<vmem>>)
    %dma_start3A_634 = arith.constant 0 : i32
    %dma_start3A_635 = arith.constant 0 : i32
    %dma_start3A_636 = arith.constant 0 : i32
    %dma_start3A_637 = arith.constant 0 : i32
    %dma_start3A_638 = tpu.memref_slice %arg7[%dma_start3A_634, %dma_start3A_636, %dma_start3A_637] : memref<2x8x1280xi32, #tpu.memory_space<vmem>> -> memref<1x8x1280xi32, #tpu.memory_space<vmem>>
    %dma_start3A_639 = tpu.memref_squeeze %dma_start3A_638 : memref<1x8x1280xi32, #tpu.memory_space<vmem>> -> memref<8x1280xi32, #tpu.memory_space<vmem>>
    %dma_start3A_640 = arith.constant 0 : i32
    %dma_start3A_641 = tpu.memref_slice %dma_start3A_639[%dma_start3A_635, %dma_start3A_640] : memref<8x1280xi32, #tpu.memory_space<vmem>> -> memref<1x1280xi32, #tpu.memory_space<vmem>>
    %dma_start3A_642 = tpu.memref_squeeze %dma_start3A_641 : memref<1x1280xi32, #tpu.memory_space<vmem>> -> memref<1280xi32, #tpu.memory_space<vmem>>
    %dma_start3A_643 = arith.constant 0 : i32
    %dma_start3A_644 = arith.constant 0 : i32
    %dma_start3A_645 = tpu.memref_slice %arg2[%dma_start3A_643, %dma_start3A_644] : memref<10000x32xf32, #tpu.memory_space<hbm>> -> memref<10000x32xf32, #tpu.memory_space<hbm>>
    tpu.enqueue_indirect_dma source(%dma_start3A_645 : memref<10000x32xf32, #tpu.memory_space<hbm>>) target(%arg8 : memref<1280x32xf32, #tpu.memory_space<vmem>>) offsets(%dma_start3A_642 : memref<1280xi32, #tpu.memory_space<vmem>>) semaphore(%arg15 : memref<!tpu.dma_semaphore, #tpu.memory_space<semaphore_mem>>)
    %dma_start3A_646 = arith.constant 0 : i32
    %dma_start3A_647 = arith.constant 1 : i32
    %dma_start3A_648 = arith.constant 0 : i32
    %dma_start3A_649 = arith.constant 0 : i32
    %dma_start3A_650 = tpu.memref_slice %arg7[%dma_start3A_646, %dma_start3A_648, %dma_start3A_649] : memref<2x8x1280xi32, #tpu.memory_space<vmem>> -> memref<1x8x1280xi32, #tpu.memory_space<vmem>>
    %dma_start3A_651 = tpu.memref_squeeze %dma_start3A_650 : memref<1x8x1280xi32, #tpu.memory_space<vmem>> -> memref<8x1280xi32, #tpu.memory_space<vmem>>
    %dma_start3A_652 = arith.constant 0 : i32
    %dma_start3A_653 = tpu.memref_slice %dma_start3A_651[%dma_start3A_647, %dma_start3A_652] : memref<8x1280xi32, #tpu.memory_space<vmem>> -> memref<1x1280xi32, #tpu.memory_space<vmem>>
    %dma_start3A_654 = tpu.memref_squeeze %dma_start3A_653 : memref<1x1280xi32, #tpu.memory_space<vmem>> -> memref<1280xi32, #tpu.memory_space<vmem>>
    %dma_start3A_655 = arith.constant 0 : i32
    %dma_start3A_656 = arith.constant 0 : i32
    %dma_start3A_657 = tpu.memref_slice %arg2[%dma_start3A_655, %dma_start3A_656] : memref<10000x32xf32, #tpu.memory_space<hbm>> -> memref<10000x32xf32, #tpu.memory_space<hbm>>
    tpu.enqueue_indirect_dma source(%dma_start3A_657 : memref<10000x32xf32, #tpu.memory_space<hbm>>) target(%arg9 : memref<1280x32xf32, #tpu.memory_space<vmem>>) offsets(%dma_start3A_654 : memref<1280xi32, #tpu.memory_space<vmem>>) semaphore(%arg16 : memref<!tpu.dma_semaphore, #tpu.memory_space<semaphore_mem>>)
    %dma_wait3A_658 = arith.constant 0 : i32
    %dma_wait3A_659 = arith.constant 0 : i32
    %dma_wait3A_660 = arith.constant 0 : i32
    %dma_wait3A_661 = arith.constant 0 : i32
    %dma_wait3A_662 = tpu.memref_slice %arg7[%dma_wait3A_658, %dma_wait3A_660, %dma_wait3A_661] : memref<2x8x1280xi32, #tpu.memory_space<vmem>> -> memref<1x8x1280xi32, #tpu.memory_space<vmem>>
    %dma_wait3A_663 = tpu.memref_squeeze %dma_wait3A_662 : memref<1x8x1280xi32, #tpu.memory_space<vmem>> -> memref<8x1280xi32, #tpu.memory_space<vmem>>
    %dma_wait3A_664 = arith.constant 0 : i32
    %dma_wait3A_665 = tpu.memref_slice %dma_wait3A_663[%dma_wait3A_659, %dma_wait3A_664] : memref<8x1280xi32, #tpu.memory_space<vmem>> -> memref<1x1280xi32, #tpu.memory_space<vmem>>
    %dma_wait3A_666 = tpu.memref_squeeze %dma_wait3A_665 : memref<1x1280xi32, #tpu.memory_space<vmem>> -> memref<1280xi32, #tpu.memory_space<vmem>>
    %dma_wait3A_667 = arith.constant 0 : i32
    %dma_wait3A_668 = arith.constant 0 : i32
    %dma_wait3A_669 = tpu.memref_slice %arg2[%dma_wait3A_667, %dma_wait3A_668] : memref<10000x32xf32, #tpu.memory_space<hbm>> -> memref<10000x32xf32, #tpu.memory_space<hbm>>
    tpu.wait_indirect_dma semaphore(%arg15 : memref<!tpu.dma_semaphore, #tpu.memory_space<semaphore_mem>>) src(%dma_wait3A_669 : memref<10000x32xf32, #tpu.memory_space<hbm>>) dst(%arg8 : memref<1280x32xf32, #tpu.memory_space<vmem>>)
    %run_scoped3A = arith.constant 1 : i32
    %run_scoped3A_670 = arith.constant 0 : i32
    "tpu.region"() ({
      %run_scoped3A_858 = tpu.sem_alloc : memref<!tpu.dma_semaphore, #tpu.memory_space<semaphore_mem>>
      %dma_start3A_859 = arith.constant 0 : i32
      %dma_start3A_860 = arith.constant 0 : i32
      %dma_start3A_861 = tpu.memref_slice %arg7[%run_scoped3A, %dma_start3A_859, %dma_start3A_860] : memref<2x8x1280xi32, #tpu.memory_space<vmem>> -> memref<1x8x1280xi32, #tpu.memory_space<vmem>>
      %dma_start3A_862 = tpu.memref_squeeze %dma_start3A_861 : memref<1x8x1280xi32, #tpu.memory_space<vmem>> -> memref<8x1280xi32, #tpu.memory_space<vmem>>
      %dma_start3A_863 = arith.constant 0 : i32
      %dma_start3A_864 = tpu.memref_slice %dma_start3A_862[%run_scoped3A_670, %dma_start3A_863] : memref<8x1280xi32, #tpu.memory_space<vmem>> -> memref<1x1280xi32, #tpu.memory_space<vmem>>
      %dma_start3A_865 = tpu.memref_squeeze %dma_start3A_864 : memref<1x1280xi32, #tpu.memory_space<vmem>> -> memref<1280xi32, #tpu.memory_space<vmem>>
      %dma_start3A_866 = arith.constant 0 : i32
      %dma_start3A_867 = arith.constant 0 : i32
      %dma_start3A_868 = tpu.memref_slice %arg12[%dma_start3A_866, %dma_start3A_867] : memref<10240x32xf32, #tpu.memory_space<vmem_shared>> -> memref<10240x32xf32, #tpu.memory_space<vmem_shared>>
      tpu.enqueue_indirect_dma source(%arg8 : memref<1280x32xf32, #tpu.memory_space<vmem>>) target(%dma_start3A_868 : memref<10240x32xf32, #tpu.memory_space<vmem_shared>>) offsets(%dma_start3A_865 : memref<1280xi32, #tpu.memory_space<vmem>>) semaphore(%run_scoped3A_858 : memref<!tpu.dma_semaphore, #tpu.memory_space<semaphore_mem>>) {add = true}
      %dma_wait3A_869 = arith.constant 0 : i32
      %dma_wait3A_870 = arith.constant 0 : i32
      %dma_wait3A_871 = tpu.memref_slice %arg7[%run_scoped3A, %dma_wait3A_869, %dma_wait3A_870] : memref<2x8x1280xi32, #tpu.memory_space<vmem>> -> memref<1x8x1280xi32, #tpu.memory_space<vmem>>
      %dma_wait3A_872 = tpu.memref_squeeze %dma_wait3A_871 : memref<1x8x1280xi32, #tpu.memory_space<vmem>> -> memref<8x1280xi32, #tpu.memory_space<vmem>>
      %dma_wait3A_873 = arith.constant 0 : i32
      %dma_wait3A_874 = tpu.memref_slice %dma_wait3A_872[%run_scoped3A_670, %dma_wait3A_873] : memref<8x1280xi32, #tpu.memory_space<vmem>> -> memref<1x1280xi32, #tpu.memory_space<vmem>>
      %dma_wait3A_875 = tpu.memref_squeeze %dma_wait3A_874 : memref<1x1280xi32, #tpu.memory_space<vmem>> -> memref<1280xi32, #tpu.memory_space<vmem>>
      %dma_wait3A_876 = arith.constant 0 : i32
      %dma_wait3A_877 = arith.constant 0 : i32
      %dma_wait3A_878 = tpu.memref_slice %arg12[%dma_wait3A_876, %dma_wait3A_877] : memref<10240x32xf32, #tpu.memory_space<vmem_shared>> -> memref<10240x32xf32, #tpu.memory_space<vmem_shared>>
      tpu.wait_indirect_dma semaphore(%run_scoped3A_858 : memref<!tpu.dma_semaphore, #tpu.memory_space<semaphore_mem>>) src(%arg8 : memref<1280x32xf32, #tpu.memory_space<vmem>>) dst(%dma_wait3A_878 : memref<10240x32xf32, #tpu.memory_space<vmem_shared>>)
      tpu.yield
    }) : () -> ()
    %run_scoped3A_671 = arith.constant 1 : i32
    %run_scoped3A_672 = arith.constant 0 : i32
    "tpu.region"() ({
      %run_scoped3A_858 = tpu.sem_alloc : memref<!tpu.dma_semaphore, #tpu.memory_space<semaphore_mem>>
      %dma_start3A_859 = arith.constant 0 : i32
      %dma_start3A_860 = arith.constant 0 : i32
      %dma_start3A_861 = tpu.memref_slice %arg7[%run_scoped3A_671, %dma_start3A_859, %dma_start3A_860] : memref<2x8x1280xi32, #tpu.memory_space<vmem>> -> memref<1x8x1280xi32, #tpu.memory_space<vmem>>
      %dma_start3A_862 = tpu.memref_squeeze %dma_start3A_861 : memref<1x8x1280xi32, #tpu.memory_space<vmem>> -> memref<8x1280xi32, #tpu.memory_space<vmem>>
      %dma_start3A_863 = arith.constant 0 : i32
      %dma_start3A_864 = tpu.memref_slice %dma_start3A_862[%run_scoped3A_672, %dma_start3A_863] : memref<8x1280xi32, #tpu.memory_space<vmem>> -> memref<1x1280xi32, #tpu.memory_space<vmem>>
      %dma_start3A_865 = tpu.memref_squeeze %dma_start3A_864 : memref<1x1280xi32, #tpu.memory_space<vmem>> -> memref<1280xi32, #tpu.memory_space<vmem>>
      %dma_start3A_866 = arith.constant 0 : i32
      %dma_start3A_867 = tpu.memref_slice %arg13[%dma_start3A_866] : memref<10240xf32, #tpu.memory_space<vmem_shared>> -> memref<10240xf32, #tpu.memory_space<vmem_shared>>
      tpu.enqueue_indirect_dma source(%arg10 : memref<1280xf32, #tpu.memory_space<vmem>>) target(%dma_start3A_867 : memref<10240xf32, #tpu.memory_space<vmem_shared>>) offsets(%dma_start3A_865 : memref<1280xi32, #tpu.memory_space<vmem>>) semaphore(%run_scoped3A_858 : memref<!tpu.dma_semaphore, #tpu.memory_space<semaphore_mem>>) {add = true}
      %dma_wait3A_868 = arith.constant 0 : i32
      %dma_wait3A_869 = arith.constant 0 : i32
      %dma_wait3A_870 = tpu.memref_slice %arg7[%run_scoped3A_671, %dma_wait3A_868, %dma_wait3A_869] : memref<2x8x1280xi32, #tpu.memory_space<vmem>> -> memref<1x8x1280xi32, #tpu.memory_space<vmem>>
      %dma_wait3A_871 = tpu.memref_squeeze %dma_wait3A_870 : memref<1x8x1280xi32, #tpu.memory_space<vmem>> -> memref<8x1280xi32, #tpu.memory_space<vmem>>
      %dma_wait3A_872 = arith.constant 0 : i32
      %dma_wait3A_873 = tpu.memref_slice %dma_wait3A_871[%run_scoped3A_672, %dma_wait3A_872] : memref<8x1280xi32, #tpu.memory_space<vmem>> -> memref<1x1280xi32, #tpu.memory_space<vmem>>
      %dma_wait3A_874 = tpu.memref_squeeze %dma_wait3A_873 : memref<1x1280xi32, #tpu.memory_space<vmem>> -> memref<1280xi32, #tpu.memory_space<vmem>>
      %dma_wait3A_875 = arith.constant 0 : i32
      %dma_wait3A_876 = tpu.memref_slice %arg13[%dma_wait3A_875] : memref<10240xf32, #tpu.memory_space<vmem_shared>> -> memref<10240xf32, #tpu.memory_space<vmem_shared>>
      tpu.wait_indirect_dma semaphore(%run_scoped3A_858 : memref<!tpu.dma_semaphore, #tpu.memory_space<semaphore_mem>>) src(%arg10 : memref<1280xf32, #tpu.memory_space<vmem>>) dst(%dma_wait3A_876 : memref<10240xf32, #tpu.memory_space<vmem_shared>>)
      tpu.yield
    }) : () -> ()
    %dma_start3A_673 = arith.constant 0 : i32
    %dma_start3A_674 = arith.constant 2 : i32
    %dma_start3A_675 = arith.constant 0 : i32
    %dma_start3A_676 = arith.constant 0 : i32
    %dma_start3A_677 = tpu.memref_slice %arg7[%dma_start3A_673, %dma_start3A_675, %dma_start3A_676] : memref<2x8x1280xi32, #tpu.memory_space<vmem>> -> memref<1x8x1280xi32, #tpu.memory_space<vmem>>
    %dma_start3A_678 = tpu.memref_squeeze %dma_start3A_677 : memref<1x8x1280xi32, #tpu.memory_space<vmem>> -> memref<8x1280xi32, #tpu.memory_space<vmem>>
    %dma_start3A_679 = arith.constant 0 : i32
    %dma_start3A_680 = tpu.memref_slice %dma_start3A_678[%dma_start3A_674, %dma_start3A_679] : memref<8x1280xi32, #tpu.memory_space<vmem>> -> memref<1x1280xi32, #tpu.memory_space<vmem>>
    %dma_start3A_681 = tpu.memref_squeeze %dma_start3A_680 : memref<1x1280xi32, #tpu.memory_space<vmem>> -> memref<1280xi32, #tpu.memory_space<vmem>>
    %dma_start3A_682 = arith.constant 0 : i32
    %dma_start3A_683 = arith.constant 0 : i32
    %dma_start3A_684 = tpu.memref_slice %arg2[%dma_start3A_682, %dma_start3A_683] : memref<10000x32xf32, #tpu.memory_space<hbm>> -> memref<10000x32xf32, #tpu.memory_space<hbm>>
    tpu.enqueue_indirect_dma source(%dma_start3A_684 : memref<10000x32xf32, #tpu.memory_space<hbm>>) target(%arg8 : memref<1280x32xf32, #tpu.memory_space<vmem>>) offsets(%dma_start3A_681 : memref<1280xi32, #tpu.memory_space<vmem>>) semaphore(%arg15 : memref<!tpu.dma_semaphore, #tpu.memory_space<semaphore_mem>>)
    %dma_wait3A_685 = arith.constant 0 : i32
    %dma_wait3A_686 = arith.constant 1 : i32
    %dma_wait3A_687 = arith.constant 0 : i32
    %dma_wait3A_688 = arith.constant 0 : i32
    %dma_wait3A_689 = tpu.memref_slice %arg7[%dma_wait3A_685, %dma_wait3A_687, %dma_wait3A_688] : memref<2x8x1280xi32, #tpu.memory_space<vmem>> -> memref<1x8x1280xi32, #tpu.memory_space<vmem>>
    %dma_wait3A_690 = tpu.memref_squeeze %dma_wait3A_689 : memref<1x8x1280xi32, #tpu.memory_space<vmem>> -> memref<8x1280xi32, #tpu.memory_space<vmem>>
    %dma_wait3A_691 = arith.constant 0 : i32
    %dma_wait3A_692 = tpu.memref_slice %dma_wait3A_690[%dma_wait3A_686, %dma_wait3A_691] : memref<8x1280xi32, #tpu.memory_space<vmem>> -> memref<1x1280xi32, #tpu.memory_space<vmem>>
    %dma_wait3A_693 = tpu.memref_squeeze %dma_wait3A_692 : memref<1x1280xi32, #tpu.memory_space<vmem>> -> memref<1280xi32, #tpu.memory_space<vmem>>
    %dma_wait3A_694 = arith.constant 0 : i32
    %dma_wait3A_695 = arith.constant 0 : i32
    %dma_wait3A_696 = tpu.memref_slice %arg2[%dma_wait3A_694, %dma_wait3A_695] : memref<10000x32xf32, #tpu.memory_space<hbm>> -> memref<10000x32xf32, #tpu.memory_space<hbm>>
    tpu.wait_indirect_dma semaphore(%arg16 : memref<!tpu.dma_semaphore, #tpu.memory_space<semaphore_mem>>) src(%dma_wait3A_696 : memref<10000x32xf32, #tpu.memory_space<hbm>>) dst(%arg9 : memref<1280x32xf32, #tpu.memory_space<vmem>>)
    %run_scoped3A_697 = arith.constant 1 : i32
    %run_scoped3A_698 = arith.constant 1 : i32
    "tpu.region"() ({
      %run_scoped3A_858 = tpu.sem_alloc : memref<!tpu.dma_semaphore, #tpu.memory_space<semaphore_mem>>
      %dma_start3A_859 = arith.constant 0 : i32
      %dma_start3A_860 = arith.constant 0 : i32
      %dma_start3A_861 = tpu.memref_slice %arg7[%run_scoped3A_697, %dma_start3A_859, %dma_start3A_860] : memref<2x8x1280xi32, #tpu.memory_space<vmem>> -> memref<1x8x1280xi32, #tpu.memory_space<vmem>>
      %dma_start3A_862 = tpu.memref_squeeze %dma_start3A_861 : memref<1x8x1280xi32, #tpu.memory_space<vmem>> -> memref<8x1280xi32, #tpu.memory_space<vmem>>
      %dma_start3A_863 = arith.constant 0 : i32
      %dma_start3A_864 = tpu.memref_slice %dma_start3A_862[%run_scoped3A_698, %dma_start3A_863] : memref<8x1280xi32, #tpu.memory_space<vmem>> -> memref<1x1280xi32, #tpu.memory_space<vmem>>
      %dma_start3A_865 = tpu.memref_squeeze %dma_start3A_864 : memref<1x1280xi32, #tpu.memory_space<vmem>> -> memref<1280xi32, #tpu.memory_space<vmem>>
      %dma_start3A_866 = arith.constant 0 : i32
      %dma_start3A_867 = arith.constant 0 : i32
      %dma_start3A_868 = tpu.memref_slice %arg12[%dma_start3A_866, %dma_start3A_867] : memref<10240x32xf32, #tpu.memory_space<vmem_shared>> -> memref<10240x32xf32, #tpu.memory_space<vmem_shared>>
      tpu.enqueue_indirect_dma source(%arg9 : memref<1280x32xf32, #tpu.memory_space<vmem>>) target(%dma_start3A_868 : memref<10240x32xf32, #tpu.memory_space<vmem_shared>>) offsets(%dma_start3A_865 : memref<1280xi32, #tpu.memory_space<vmem>>) semaphore(%run_scoped3A_858 : memref<!tpu.dma_semaphore, #tpu.memory_space<semaphore_mem>>) {add = true}
      %dma_wait3A_869 = arith.constant 0 : i32
      %dma_wait3A_870 = arith.constant 0 : i32
      %dma_wait3A_871 = tpu.memref_slice %arg7[%run_scoped3A_697, %dma_wait3A_869, %dma_wait3A_870] : memref<2x8x1280xi32, #tpu.memory_space<vmem>> -> memref<1x8x1280xi32, #tpu.memory_space<vmem>>
      %dma_wait3A_872 = tpu.memref_squeeze %dma_wait3A_871 : memref<1x8x1280xi32, #tpu.memory_space<vmem>> -> memref<8x1280xi32, #tpu.memory_space<vmem>>
      %dma_wait3A_873 = arith.constant 0 : i32
      %dma_wait3A_874 = tpu.memref_slice %dma_wait3A_872[%run_scoped3A_698, %dma_wait3A_873] : memref<8x1280xi32, #tpu.memory_space<vmem>> -> memref<1x1280xi32, #tpu.memory_space<vmem>>
      %dma_wait3A_875 = tpu.memref_squeeze %dma_wait3A_874 : memref<1x1280xi32, #tpu.memory_space<vmem>> -> memref<1280xi32, #tpu.memory_space<vmem>>
      %dma_wait3A_876 = arith.constant 0 : i32
      %dma_wait3A_877 = arith.constant 0 : i32
      %dma_wait3A_878 = tpu.memref_slice %arg12[%dma_wait3A_876, %dma_wait3A_877] : memref<10240x32xf32, #tpu.memory_space<vmem_shared>> -> memref<10240x32xf32, #tpu.memory_space<vmem_shared>>
      tpu.wait_indirect_dma semaphore(%run_scoped3A_858 : memref<!tpu.dma_semaphore, #tpu.memory_space<semaphore_mem>>) src(%arg9 : memref<1280x32xf32, #tpu.memory_space<vmem>>) dst(%dma_wait3A_878 : memref<10240x32xf32, #tpu.memory_space<vmem_shared>>)
      tpu.yield
    }) : () -> ()
    %run_scoped3A_699 = arith.constant 1 : i32
    %run_scoped3A_700 = arith.constant 1 : i32
    "tpu.region"() ({
      %run_scoped3A_858 = tpu.sem_alloc : memref<!tpu.dma_semaphore, #tpu.memory_space<semaphore_mem>>
      %dma_start3A_859 = arith.constant 0 : i32
      %dma_start3A_860 = arith.constant 0 : i32
      %dma_start3A_861 = tpu.memref_slice %arg7[%run_scoped3A_699, %dma_start3A_859, %dma_start3A_860] : memref<2x8x1280xi32, #tpu.memory_space<vmem>> -> memref<1x8x1280xi32, #tpu.memory_space<vmem>>
      %dma_start3A_862 = tpu.memref_squeeze %dma_start3A_861 : memref<1x8x1280xi32, #tpu.memory_space<vmem>> -> memref<8x1280xi32, #tpu.memory_space<vmem>>
      %dma_start3A_863 = arith.constant 0 : i32
      %dma_start3A_864 = tpu.memref_slice %dma_start3A_862[%run_scoped3A_700, %dma_start3A_863] : memref<8x1280xi32, #tpu.memory_space<vmem>> -> memref<1x1280xi32, #tpu.memory_space<vmem>>
      %dma_start3A_865 = tpu.memref_squeeze %dma_start3A_864 : memref<1x1280xi32, #tpu.memory_space<vmem>> -> memref<1280xi32, #tpu.memory_space<vmem>>
      %dma_start3A_866 = arith.constant 0 : i32
      %dma_start3A_867 = tpu.memref_slice %arg13[%dma_start3A_866] : memref<10240xf32, #tpu.memory_space<vmem_shared>> -> memref<10240xf32, #tpu.memory_space<vmem_shared>>
      tpu.enqueue_indirect_dma source(%arg10 : memref<1280xf32, #tpu.memory_space<vmem>>) target(%dma_start3A_867 : memref<10240xf32, #tpu.memory_space<vmem_shared>>) offsets(%dma_start3A_865 : memref<1280xi32, #tpu.memory_space<vmem>>) semaphore(%run_scoped3A_858 : memref<!tpu.dma_semaphore, #tpu.memory_space<semaphore_mem>>) {add = true}
      %dma_wait3A_868 = arith.constant 0 : i32
      %dma_wait3A_869 = arith.constant 0 : i32
      %dma_wait3A_870 = tpu.memref_slice %arg7[%run_scoped3A_699, %dma_wait3A_868, %dma_wait3A_869] : memref<2x8x1280xi32, #tpu.memory_space<vmem>> -> memref<1x8x1280xi32, #tpu.memory_space<vmem>>
      %dma_wait3A_871 = tpu.memref_squeeze %dma_wait3A_870 : memref<1x8x1280xi32, #tpu.memory_space<vmem>> -> memref<8x1280xi32, #tpu.memory_space<vmem>>
      %dma_wait3A_872 = arith.constant 0 : i32
      %dma_wait3A_873 = tpu.memref_slice %dma_wait3A_871[%run_scoped3A_700, %dma_wait3A_872] : memref<8x1280xi32, #tpu.memory_space<vmem>> -> memref<1x1280xi32, #tpu.memory_space<vmem>>
      %dma_wait3A_874 = tpu.memref_squeeze %dma_wait3A_873 : memref<1x1280xi32, #tpu.memory_space<vmem>> -> memref<1280xi32, #tpu.memory_space<vmem>>
      %dma_wait3A_875 = arith.constant 0 : i32
      %dma_wait3A_876 = tpu.memref_slice %arg13[%dma_wait3A_875] : memref<10240xf32, #tpu.memory_space<vmem_shared>> -> memref<10240xf32, #tpu.memory_space<vmem_shared>>
      tpu.wait_indirect_dma semaphore(%run_scoped3A_858 : memref<!tpu.dma_semaphore, #tpu.memory_space<semaphore_mem>>) src(%arg10 : memref<1280xf32, #tpu.memory_space<vmem>>) dst(%dma_wait3A_876 : memref<10240xf32, #tpu.memory_space<vmem_shared>>)
      tpu.yield
    }) : () -> ()
    %dma_start3A_701 = arith.constant 0 : i32
    %dma_start3A_702 = arith.constant 3 : i32
    %dma_start3A_703 = arith.constant 0 : i32
    %dma_start3A_704 = arith.constant 0 : i32
    %dma_start3A_705 = tpu.memref_slice %arg7[%dma_start3A_701, %dma_start3A_703, %dma_start3A_704] : memref<2x8x1280xi32, #tpu.memory_space<vmem>> -> memref<1x8x1280xi32, #tpu.memory_space<vmem>>
    %dma_start3A_706 = tpu.memref_squeeze %dma_start3A_705 : memref<1x8x1280xi32, #tpu.memory_space<vmem>> -> memref<8x1280xi32, #tpu.memory_space<vmem>>
    %dma_start3A_707 = arith.constant 0 : i32
    %dma_start3A_708 = tpu.memref_slice %dma_start3A_706[%dma_start3A_702, %dma_start3A_707] : memref<8x1280xi32, #tpu.memory_space<vmem>> -> memref<1x1280xi32, #tpu.memory_space<vmem>>
    %dma_start3A_709 = tpu.memref_squeeze %dma_start3A_708 : memref<1x1280xi32, #tpu.memory_space<vmem>> -> memref<1280xi32, #tpu.memory_space<vmem>>
    %dma_start3A_710 = arith.constant 0 : i32
    %dma_start3A_711 = arith.constant 0 : i32
    %dma_start3A_712 = tpu.memref_slice %arg2[%dma_start3A_710, %dma_start3A_711] : memref<10000x32xf32, #tpu.memory_space<hbm>> -> memref<10000x32xf32, #tpu.memory_space<hbm>>
    tpu.enqueue_indirect_dma source(%dma_start3A_712 : memref<10000x32xf32, #tpu.memory_space<hbm>>) target(%arg9 : memref<1280x32xf32, #tpu.memory_space<vmem>>) offsets(%dma_start3A_709 : memref<1280xi32, #tpu.memory_space<vmem>>) semaphore(%arg16 : memref<!tpu.dma_semaphore, #tpu.memory_space<semaphore_mem>>)
    %dma_wait3A_713 = arith.constant 0 : i32
    %dma_wait3A_714 = arith.constant 2 : i32
    %dma_wait3A_715 = arith.constant 0 : i32
    %dma_wait3A_716 = arith.constant 0 : i32
    %dma_wait3A_717 = tpu.memref_slice %arg7[%dma_wait3A_713, %dma_wait3A_715, %dma_wait3A_716] : memref<2x8x1280xi32, #tpu.memory_space<vmem>> -> memref<1x8x1280xi32, #tpu.memory_space<vmem>>
    %dma_wait3A_718 = tpu.memref_squeeze %dma_wait3A_717 : memref<1x8x1280xi32, #tpu.memory_space<vmem>> -> memref<8x1280xi32, #tpu.memory_space<vmem>>
    %dma_wait3A_719 = arith.constant 0 : i32
    %dma_wait3A_720 = tpu.memref_slice %dma_wait3A_718[%dma_wait3A_714, %dma_wait3A_719] : memref<8x1280xi32, #tpu.memory_space<vmem>> -> memref<1x1280xi32, #tpu.memory_space<vmem>>
    %dma_wait3A_721 = tpu.memref_squeeze %dma_wait3A_720 : memref<1x1280xi32, #tpu.memory_space<vmem>> -> memref<1280xi32, #tpu.memory_space<vmem>>
    %dma_wait3A_722 = arith.constant 0 : i32
    %dma_wait3A_723 = arith.constant 0 : i32
    %dma_wait3A_724 = tpu.memref_slice %arg2[%dma_wait3A_722, %dma_wait3A_723] : memref<10000x32xf32, #tpu.memory_space<hbm>> -> memref<10000x32xf32, #tpu.memory_space<hbm>>
    tpu.wait_indirect_dma semaphore(%arg15 : memref<!tpu.dma_semaphore, #tpu.memory_space<semaphore_mem>>) src(%dma_wait3A_724 : memref<10000x32xf32, #tpu.memory_space<hbm>>) dst(%arg8 : memref<1280x32xf32, #tpu.memory_space<vmem>>)
    %run_scoped3A_725 = arith.constant 1 : i32
    %run_scoped3A_726 = arith.constant 2 : i32
    "tpu.region"() ({
      %run_scoped3A_858 = tpu.sem_alloc : memref<!tpu.dma_semaphore, #tpu.memory_space<semaphore_mem>>
      %dma_start3A_859 = arith.constant 0 : i32
      %dma_start3A_860 = arith.constant 0 : i32
      %dma_start3A_861 = tpu.memref_slice %arg7[%run_scoped3A_725, %dma_start3A_859, %dma_start3A_860] : memref<2x8x1280xi32, #tpu.memory_space<vmem>> -> memref<1x8x1280xi32, #tpu.memory_space<vmem>>
      %dma_start3A_862 = tpu.memref_squeeze %dma_start3A_861 : memref<1x8x1280xi32, #tpu.memory_space<vmem>> -> memref<8x1280xi32, #tpu.memory_space<vmem>>
      %dma_start3A_863 = arith.constant 0 : i32
      %dma_start3A_864 = tpu.memref_slice %dma_start3A_862[%run_scoped3A_726, %dma_start3A_863] : memref<8x1280xi32, #tpu.memory_space<vmem>> -> memref<1x1280xi32, #tpu.memory_space<vmem>>
      %dma_start3A_865 = tpu.memref_squeeze %dma_start3A_864 : memref<1x1280xi32, #tpu.memory_space<vmem>> -> memref<1280xi32, #tpu.memory_space<vmem>>
      %dma_start3A_866 = arith.constant 0 : i32
      %dma_start3A_867 = arith.constant 0 : i32
      %dma_start3A_868 = tpu.memref_slice %arg12[%dma_start3A_866, %dma_start3A_867] : memref<10240x32xf32, #tpu.memory_space<vmem_shared>> -> memref<10240x32xf32, #tpu.memory_space<vmem_shared>>
      tpu.enqueue_indirect_dma source(%arg8 : memref<1280x32xf32, #tpu.memory_space<vmem>>) target(%dma_start3A_868 : memref<10240x32xf32, #tpu.memory_space<vmem_shared>>) offsets(%dma_start3A_865 : memref<1280xi32, #tpu.memory_space<vmem>>) semaphore(%run_scoped3A_858 : memref<!tpu.dma_semaphore, #tpu.memory_space<semaphore_mem>>) {add = true}
      %dma_wait3A_869 = arith.constant 0 : i32
      %dma_wait3A_870 = arith.constant 0 : i32
      %dma_wait3A_871 = tpu.memref_slice %arg7[%run_scoped3A_725, %dma_wait3A_869, %dma_wait3A_870] : memref<2x8x1280xi32, #tpu.memory_space<vmem>> -> memref<1x8x1280xi32, #tpu.memory_space<vmem>>
      %dma_wait3A_872 = tpu.memref_squeeze %dma_wait3A_871 : memref<1x8x1280xi32, #tpu.memory_space<vmem>> -> memref<8x1280xi32, #tpu.memory_space<vmem>>
      %dma_wait3A_873 = arith.constant 0 : i32
      %dma_wait3A_874 = tpu.memref_slice %dma_wait3A_872[%run_scoped3A_726, %dma_wait3A_873] : memref<8x1280xi32, #tpu.memory_space<vmem>> -> memref<1x1280xi32, #tpu.memory_space<vmem>>
      %dma_wait3A_875 = tpu.memref_squeeze %dma_wait3A_874 : memref<1x1280xi32, #tpu.memory_space<vmem>> -> memref<1280xi32, #tpu.memory_space<vmem>>
      %dma_wait3A_876 = arith.constant 0 : i32
      %dma_wait3A_877 = arith.constant 0 : i32
      %dma_wait3A_878 = tpu.memref_slice %arg12[%dma_wait3A_876, %dma_wait3A_877] : memref<10240x32xf32, #tpu.memory_space<vmem_shared>> -> memref<10240x32xf32, #tpu.memory_space<vmem_shared>>
      tpu.wait_indirect_dma semaphore(%run_scoped3A_858 : memref<!tpu.dma_semaphore, #tpu.memory_space<semaphore_mem>>) src(%arg8 : memref<1280x32xf32, #tpu.memory_space<vmem>>) dst(%dma_wait3A_878 : memref<10240x32xf32, #tpu.memory_space<vmem_shared>>)
      tpu.yield
    }) : () -> ()
    %run_scoped3A_727 = arith.constant 1 : i32
    %run_scoped3A_728 = arith.constant 2 : i32
    "tpu.region"() ({
      %run_scoped3A_858 = tpu.sem_alloc : memref<!tpu.dma_semaphore, #tpu.memory_space<semaphore_mem>>
      %dma_start3A_859 = arith.constant 0 : i32
      %dma_start3A_860 = arith.constant 0 : i32
      %dma_start3A_861 = tpu.memref_slice %arg7[%run_scoped3A_727, %dma_start3A_859, %dma_start3A_860] : memref<2x8x1280xi32, #tpu.memory_space<vmem>> -> memref<1x8x1280xi32, #tpu.memory_space<vmem>>
      %dma_start3A_862 = tpu.memref_squeeze %dma_start3A_861 : memref<1x8x1280xi32, #tpu.memory_space<vmem>> -> memref<8x1280xi32, #tpu.memory_space<vmem>>
      %dma_start3A_863 = arith.constant 0 : i32
      %dma_start3A_864 = tpu.memref_slice %dma_start3A_862[%run_scoped3A_728, %dma_start3A_863] : memref<8x1280xi32, #tpu.memory_space<vmem>> -> memref<1x1280xi32, #tpu.memory_space<vmem>>
      %dma_start3A_865 = tpu.memref_squeeze %dma_start3A_864 : memref<1x1280xi32, #tpu.memory_space<vmem>> -> memref<1280xi32, #tpu.memory_space<vmem>>
      %dma_start3A_866 = arith.constant 0 : i32
      %dma_start3A_867 = tpu.memref_slice %arg13[%dma_start3A_866] : memref<10240xf32, #tpu.memory_space<vmem_shared>> -> memref<10240xf32, #tpu.memory_space<vmem_shared>>
      tpu.enqueue_indirect_dma source(%arg10 : memref<1280xf32, #tpu.memory_space<vmem>>) target(%dma_start3A_867 : memref<10240xf32, #tpu.memory_space<vmem_shared>>) offsets(%dma_start3A_865 : memref<1280xi32, #tpu.memory_space<vmem>>) semaphore(%run_scoped3A_858 : memref<!tpu.dma_semaphore, #tpu.memory_space<semaphore_mem>>) {add = true}
      %dma_wait3A_868 = arith.constant 0 : i32
      %dma_wait3A_869 = arith.constant 0 : i32
      %dma_wait3A_870 = tpu.memref_slice %arg7[%run_scoped3A_727, %dma_wait3A_868, %dma_wait3A_869] : memref<2x8x1280xi32, #tpu.memory_space<vmem>> -> memref<1x8x1280xi32, #tpu.memory_space<vmem>>
      %dma_wait3A_871 = tpu.memref_squeeze %dma_wait3A_870 : memref<1x8x1280xi32, #tpu.memory_space<vmem>> -> memref<8x1280xi32, #tpu.memory_space<vmem>>
      %dma_wait3A_872 = arith.constant 0 : i32
      %dma_wait3A_873 = tpu.memref_slice %dma_wait3A_871[%run_scoped3A_728, %dma_wait3A_872] : memref<8x1280xi32, #tpu.memory_space<vmem>> -> memref<1x1280xi32, #tpu.memory_space<vmem>>
      %dma_wait3A_874 = tpu.memref_squeeze %dma_wait3A_873 : memref<1x1280xi32, #tpu.memory_space<vmem>> -> memref<1280xi32, #tpu.memory_space<vmem>>
      %dma_wait3A_875 = arith.constant 0 : i32
      %dma_wait3A_876 = tpu.memref_slice %arg13[%dma_wait3A_875] : memref<10240xf32, #tpu.memory_space<vmem_shared>> -> memref<10240xf32, #tpu.memory_space<vmem_shared>>
      tpu.wait_indirect_dma semaphore(%run_scoped3A_858 : memref<!tpu.dma_semaphore, #tpu.memory_space<semaphore_mem>>) src(%arg10 : memref<1280xf32, #tpu.memory_space<vmem>>) dst(%dma_wait3A_876 : memref<10240xf32, #tpu.memory_space<vmem_shared>>)
      tpu.yield
    }) : () -> ()
    %dma_start3A_729 = arith.constant 0 : i32
    %dma_start3A_730 = arith.constant 4 : i32
    %dma_start3A_731 = arith.constant 0 : i32
    %dma_start3A_732 = arith.constant 0 : i32
    %dma_start3A_733 = tpu.memref_slice %arg7[%dma_start3A_729, %dma_start3A_731, %dma_start3A_732] : memref<2x8x1280xi32, #tpu.memory_space<vmem>> -> memref<1x8x1280xi32, #tpu.memory_space<vmem>>
    %dma_start3A_734 = tpu.memref_squeeze %dma_start3A_733 : memref<1x8x1280xi32, #tpu.memory_space<vmem>> -> memref<8x1280xi32, #tpu.memory_space<vmem>>
    %dma_start3A_735 = arith.constant 0 : i32
    %dma_start3A_736 = tpu.memref_slice %dma_start3A_734[%dma_start3A_730, %dma_start3A_735] : memref<8x1280xi32, #tpu.memory_space<vmem>> -> memref<1x1280xi32, #tpu.memory_space<vmem>>
    %dma_start3A_737 = tpu.memref_squeeze %dma_start3A_736 : memref<1x1280xi32, #tpu.memory_space<vmem>> -> memref<1280xi32, #tpu.memory_space<vmem>>
    %dma_start3A_738 = arith.constant 0 : i32
    %dma_start3A_739 = arith.constant 0 : i32
    %dma_start3A_740 = tpu.memref_slice %arg2[%dma_start3A_738, %dma_start3A_739] : memref<10000x32xf32, #tpu.memory_space<hbm>> -> memref<10000x32xf32, #tpu.memory_space<hbm>>
    tpu.enqueue_indirect_dma source(%dma_start3A_740 : memref<10000x32xf32, #tpu.memory_space<hbm>>) target(%arg8 : memref<1280x32xf32, #tpu.memory_space<vmem>>) offsets(%dma_start3A_737 : memref<1280xi32, #tpu.memory_space<vmem>>) semaphore(%arg15 : memref<!tpu.dma_semaphore, #tpu.memory_space<semaphore_mem>>)
    %dma_wait3A_741 = arith.constant 0 : i32
    %dma_wait3A_742 = arith.constant 3 : i32
    %dma_wait3A_743 = arith.constant 0 : i32
    %dma_wait3A_744 = arith.constant 0 : i32
    %dma_wait3A_745 = tpu.memref_slice %arg7[%dma_wait3A_741, %dma_wait3A_743, %dma_wait3A_744] : memref<2x8x1280xi32, #tpu.memory_space<vmem>> -> memref<1x8x1280xi32, #tpu.memory_space<vmem>>
    %dma_wait3A_746 = tpu.memref_squeeze %dma_wait3A_745 : memref<1x8x1280xi32, #tpu.memory_space<vmem>> -> memref<8x1280xi32, #tpu.memory_space<vmem>>
    %dma_wait3A_747 = arith.constant 0 : i32
    %dma_wait3A_748 = tpu.memref_slice %dma_wait3A_746[%dma_wait3A_742, %dma_wait3A_747] : memref<8x1280xi32, #tpu.memory_space<vmem>> -> memref<1x1280xi32, #tpu.memory_space<vmem>>
    %dma_wait3A_749 = tpu.memref_squeeze %dma_wait3A_748 : memref<1x1280xi32, #tpu.memory_space<vmem>> -> memref<1280xi32, #tpu.memory_space<vmem>>
    %dma_wait3A_750 = arith.constant 0 : i32
    %dma_wait3A_751 = arith.constant 0 : i32
    %dma_wait3A_752 = tpu.memref_slice %arg2[%dma_wait3A_750, %dma_wait3A_751] : memref<10000x32xf32, #tpu.memory_space<hbm>> -> memref<10000x32xf32, #tpu.memory_space<hbm>>
    tpu.wait_indirect_dma semaphore(%arg16 : memref<!tpu.dma_semaphore, #tpu.memory_space<semaphore_mem>>) src(%dma_wait3A_752 : memref<10000x32xf32, #tpu.memory_space<hbm>>) dst(%arg9 : memref<1280x32xf32, #tpu.memory_space<vmem>>)
    %run_scoped3A_753 = arith.constant 1 : i32
    %run_scoped3A_754 = arith.constant 3 : i32
    "tpu.region"() ({
      %run_scoped3A_858 = tpu.sem_alloc : memref<!tpu.dma_semaphore, #tpu.memory_space<semaphore_mem>>
      %dma_start3A_859 = arith.constant 0 : i32
      %dma_start3A_860 = arith.constant 0 : i32
      %dma_start3A_861 = tpu.memref_slice %arg7[%run_scoped3A_753, %dma_start3A_859, %dma_start3A_860] : memref<2x8x1280xi32, #tpu.memory_space<vmem>> -> memref<1x8x1280xi32, #tpu.memory_space<vmem>>
      %dma_start3A_862 = tpu.memref_squeeze %dma_start3A_861 : memref<1x8x1280xi32, #tpu.memory_space<vmem>> -> memref<8x1280xi32, #tpu.memory_space<vmem>>
      %dma_start3A_863 = arith.constant 0 : i32
      %dma_start3A_864 = tpu.memref_slice %dma_start3A_862[%run_scoped3A_754, %dma_start3A_863] : memref<8x1280xi32, #tpu.memory_space<vmem>> -> memref<1x1280xi32, #tpu.memory_space<vmem>>
      %dma_start3A_865 = tpu.memref_squeeze %dma_start3A_864 : memref<1x1280xi32, #tpu.memory_space<vmem>> -> memref<1280xi32, #tpu.memory_space<vmem>>
      %dma_start3A_866 = arith.constant 0 : i32
      %dma_start3A_867 = arith.constant 0 : i32
      %dma_start3A_868 = tpu.memref_slice %arg12[%dma_start3A_866, %dma_start3A_867] : memref<10240x32xf32, #tpu.memory_space<vmem_shared>> -> memref<10240x32xf32, #tpu.memory_space<vmem_shared>>
      tpu.enqueue_indirect_dma source(%arg9 : memref<1280x32xf32, #tpu.memory_space<vmem>>) target(%dma_start3A_868 : memref<10240x32xf32, #tpu.memory_space<vmem_shared>>) offsets(%dma_start3A_865 : memref<1280xi32, #tpu.memory_space<vmem>>) semaphore(%run_scoped3A_858 : memref<!tpu.dma_semaphore, #tpu.memory_space<semaphore_mem>>) {add = true}
      %dma_wait3A_869 = arith.constant 0 : i32
      %dma_wait3A_870 = arith.constant 0 : i32
      %dma_wait3A_871 = tpu.memref_slice %arg7[%run_scoped3A_753, %dma_wait3A_869, %dma_wait3A_870] : memref<2x8x1280xi32, #tpu.memory_space<vmem>> -> memref<1x8x1280xi32, #tpu.memory_space<vmem>>
      %dma_wait3A_872 = tpu.memref_squeeze %dma_wait3A_871 : memref<1x8x1280xi32, #tpu.memory_space<vmem>> -> memref<8x1280xi32, #tpu.memory_space<vmem>>
      %dma_wait3A_873 = arith.constant 0 : i32
      %dma_wait3A_874 = tpu.memref_slice %dma_wait3A_872[%run_scoped3A_754, %dma_wait3A_873] : memref<8x1280xi32, #tpu.memory_space<vmem>> -> memref<1x1280xi32, #tpu.memory_space<vmem>>
      %dma_wait3A_875 = tpu.memref_squeeze %dma_wait3A_874 : memref<1x1280xi32, #tpu.memory_space<vmem>> -> memref<1280xi32, #tpu.memory_space<vmem>>
      %dma_wait3A_876 = arith.constant 0 : i32
      %dma_wait3A_877 = arith.constant 0 : i32
      %dma_wait3A_878 = tpu.memref_slice %arg12[%dma_wait3A_876, %dma_wait3A_877] : memref<10240x32xf32, #tpu.memory_space<vmem_shared>> -> memref<10240x32xf32, #tpu.memory_space<vmem_shared>>
      tpu.wait_indirect_dma semaphore(%run_scoped3A_858 : memref<!tpu.dma_semaphore, #tpu.memory_space<semaphore_mem>>) src(%arg9 : memref<1280x32xf32, #tpu.memory_space<vmem>>) dst(%dma_wait3A_878 : memref<10240x32xf32, #tpu.memory_space<vmem_shared>>)
      tpu.yield
    }) : () -> ()
    %run_scoped3A_755 = arith.constant 1 : i32
    %run_scoped3A_756 = arith.constant 3 : i32
    "tpu.region"() ({
      %run_scoped3A_858 = tpu.sem_alloc : memref<!tpu.dma_semaphore, #tpu.memory_space<semaphore_mem>>
      %dma_start3A_859 = arith.constant 0 : i32
      %dma_start3A_860 = arith.constant 0 : i32
      %dma_start3A_861 = tpu.memref_slice %arg7[%run_scoped3A_755, %dma_start3A_859, %dma_start3A_860] : memref<2x8x1280xi32, #tpu.memory_space<vmem>> -> memref<1x8x1280xi32, #tpu.memory_space<vmem>>
      %dma_start3A_862 = tpu.memref_squeeze %dma_start3A_861 : memref<1x8x1280xi32, #tpu.memory_space<vmem>> -> memref<8x1280xi32, #tpu.memory_space<vmem>>
      %dma_start3A_863 = arith.constant 0 : i32
      %dma_start3A_864 = tpu.memref_slice %dma_start3A_862[%run_scoped3A_756, %dma_start3A_863] : memref<8x1280xi32, #tpu.memory_space<vmem>> -> memref<1x1280xi32, #tpu.memory_space<vmem>>
      %dma_start3A_865 = tpu.memref_squeeze %dma_start3A_864 : memref<1x1280xi32, #tpu.memory_space<vmem>> -> memref<1280xi32, #tpu.memory_space<vmem>>
      %dma_start3A_866 = arith.constant 0 : i32
      %dma_start3A_867 = tpu.memref_slice %arg13[%dma_start3A_866] : memref<10240xf32, #tpu.memory_space<vmem_shared>> -> memref<10240xf32, #tpu.memory_space<vmem_shared>>
      tpu.enqueue_indirect_dma source(%arg10 : memref<1280xf32, #tpu.memory_space<vmem>>) target(%dma_start3A_867 : memref<10240xf32, #tpu.memory_space<vmem_shared>>) offsets(%dma_start3A_865 : memref<1280xi32, #tpu.memory_space<vmem>>) semaphore(%run_scoped3A_858 : memref<!tpu.dma_semaphore, #tpu.memory_space<semaphore_mem>>) {add = true}
      %dma_wait3A_868 = arith.constant 0 : i32
      %dma_wait3A_869 = arith.constant 0 : i32
      %dma_wait3A_870 = tpu.memref_slice %arg7[%run_scoped3A_755, %dma_wait3A_868, %dma_wait3A_869] : memref<2x8x1280xi32, #tpu.memory_space<vmem>> -> memref<1x8x1280xi32, #tpu.memory_space<vmem>>
      %dma_wait3A_871 = tpu.memref_squeeze %dma_wait3A_870 : memref<1x8x1280xi32, #tpu.memory_space<vmem>> -> memref<8x1280xi32, #tpu.memory_space<vmem>>
      %dma_wait3A_872 = arith.constant 0 : i32
      %dma_wait3A_873 = tpu.memref_slice %dma_wait3A_871[%run_scoped3A_756, %dma_wait3A_872] : memref<8x1280xi32, #tpu.memory_space<vmem>> -> memref<1x1280xi32, #tpu.memory_space<vmem>>
      %dma_wait3A_874 = tpu.memref_squeeze %dma_wait3A_873 : memref<1x1280xi32, #tpu.memory_space<vmem>> -> memref<1280xi32, #tpu.memory_space<vmem>>
      %dma_wait3A_875 = arith.constant 0 : i32
      %dma_wait3A_876 = tpu.memref_slice %arg13[%dma_wait3A_875] : memref<10240xf32, #tpu.memory_space<vmem_shared>> -> memref<10240xf32, #tpu.memory_space<vmem_shared>>
      tpu.wait_indirect_dma semaphore(%run_scoped3A_858 : memref<!tpu.dma_semaphore, #tpu.memory_space<semaphore_mem>>) src(%arg10 : memref<1280xf32, #tpu.memory_space<vmem>>) dst(%dma_wait3A_876 : memref<10240xf32, #tpu.memory_space<vmem_shared>>)
      tpu.yield
    }) : () -> ()
    %dma_start3A_757 = arith.constant 0 : i32
    %dma_start3A_758 = arith.constant 5 : i32
    %dma_start3A_759 = arith.constant 0 : i32
    %dma_start3A_760 = arith.constant 0 : i32
    %dma_start3A_761 = tpu.memref_slice %arg7[%dma_start3A_757, %dma_start3A_759, %dma_start3A_760] : memref<2x8x1280xi32, #tpu.memory_space<vmem>> -> memref<1x8x1280xi32, #tpu.memory_space<vmem>>
    %dma_start3A_762 = tpu.memref_squeeze %dma_start3A_761 : memref<1x8x1280xi32, #tpu.memory_space<vmem>> -> memref<8x1280xi32, #tpu.memory_space<vmem>>
    %dma_start3A_763 = arith.constant 0 : i32
    %dma_start3A_764 = tpu.memref_slice %dma_start3A_762[%dma_start3A_758, %dma_start3A_763] : memref<8x1280xi32, #tpu.memory_space<vmem>> -> memref<1x1280xi32, #tpu.memory_space<vmem>>
    %dma_start3A_765 = tpu.memref_squeeze %dma_start3A_764 : memref<1x1280xi32, #tpu.memory_space<vmem>> -> memref<1280xi32, #tpu.memory_space<vmem>>
    %dma_start3A_766 = arith.constant 0 : i32
    %dma_start3A_767 = arith.constant 0 : i32
    %dma_start3A_768 = tpu.memref_slice %arg2[%dma_start3A_766, %dma_start3A_767] : memref<10000x32xf32, #tpu.memory_space<hbm>> -> memref<10000x32xf32, #tpu.memory_space<hbm>>
    tpu.enqueue_indirect_dma source(%dma_start3A_768 : memref<10000x32xf32, #tpu.memory_space<hbm>>) target(%arg9 : memref<1280x32xf32, #tpu.memory_space<vmem>>) offsets(%dma_start3A_765 : memref<1280xi32, #tpu.memory_space<vmem>>) semaphore(%arg16 : memref<!tpu.dma_semaphore, #tpu.memory_space<semaphore_mem>>)
    %dma_wait3A_769 = arith.constant 0 : i32
    %dma_wait3A_770 = arith.constant 4 : i32
    %dma_wait3A_771 = arith.constant 0 : i32
    %dma_wait3A_772 = arith.constant 0 : i32
    %dma_wait3A_773 = tpu.memref_slice %arg7[%dma_wait3A_769, %dma_wait3A_771, %dma_wait3A_772] : memref<2x8x1280xi32, #tpu.memory_space<vmem>> -> memref<1x8x1280xi32, #tpu.memory_space<vmem>>
    %dma_wait3A_774 = tpu.memref_squeeze %dma_wait3A_773 : memref<1x8x1280xi32, #tpu.memory_space<vmem>> -> memref<8x1280xi32, #tpu.memory_space<vmem>>
    %dma_wait3A_775 = arith.constant 0 : i32
    %dma_wait3A_776 = tpu.memref_slice %dma_wait3A_774[%dma_wait3A_770, %dma_wait3A_775] : memref<8x1280xi32, #tpu.memory_space<vmem>> -> memref<1x1280xi32, #tpu.memory_space<vmem>>
    %dma_wait3A_777 = tpu.memref_squeeze %dma_wait3A_776 : memref<1x1280xi32, #tpu.memory_space<vmem>> -> memref<1280xi32, #tpu.memory_space<vmem>>
    %dma_wait3A_778 = arith.constant 0 : i32
    %dma_wait3A_779 = arith.constant 0 : i32
    %dma_wait3A_780 = tpu.memref_slice %arg2[%dma_wait3A_778, %dma_wait3A_779] : memref<10000x32xf32, #tpu.memory_space<hbm>> -> memref<10000x32xf32, #tpu.memory_space<hbm>>
    tpu.wait_indirect_dma semaphore(%arg15 : memref<!tpu.dma_semaphore, #tpu.memory_space<semaphore_mem>>) src(%dma_wait3A_780 : memref<10000x32xf32, #tpu.memory_space<hbm>>) dst(%arg8 : memref<1280x32xf32, #tpu.memory_space<vmem>>)
    %run_scoped3A_781 = arith.constant 1 : i32
    %run_scoped3A_782 = arith.constant 4 : i32
    "tpu.region"() ({
      %run_scoped3A_858 = tpu.sem_alloc : memref<!tpu.dma_semaphore, #tpu.memory_space<semaphore_mem>>
      %dma_start3A_859 = arith.constant 0 : i32
      %dma_start3A_860 = arith.constant 0 : i32
      %dma_start3A_861 = tpu.memref_slice %arg7[%run_scoped3A_781, %dma_start3A_859, %dma_start3A_860] : memref<2x8x1280xi32, #tpu.memory_space<vmem>> -> memref<1x8x1280xi32, #tpu.memory_space<vmem>>
      %dma_start3A_862 = tpu.memref_squeeze %dma_start3A_861 : memref<1x8x1280xi32, #tpu.memory_space<vmem>> -> memref<8x1280xi32, #tpu.memory_space<vmem>>
      %dma_start3A_863 = arith.constant 0 : i32
      %dma_start3A_864 = tpu.memref_slice %dma_start3A_862[%run_scoped3A_782, %dma_start3A_863] : memref<8x1280xi32, #tpu.memory_space<vmem>> -> memref<1x1280xi32, #tpu.memory_space<vmem>>
      %dma_start3A_865 = tpu.memref_squeeze %dma_start3A_864 : memref<1x1280xi32, #tpu.memory_space<vmem>> -> memref<1280xi32, #tpu.memory_space<vmem>>
      %dma_start3A_866 = arith.constant 0 : i32
      %dma_start3A_867 = arith.constant 0 : i32
      %dma_start3A_868 = tpu.memref_slice %arg12[%dma_start3A_866, %dma_start3A_867] : memref<10240x32xf32, #tpu.memory_space<vmem_shared>> -> memref<10240x32xf32, #tpu.memory_space<vmem_shared>>
      tpu.enqueue_indirect_dma source(%arg8 : memref<1280x32xf32, #tpu.memory_space<vmem>>) target(%dma_start3A_868 : memref<10240x32xf32, #tpu.memory_space<vmem_shared>>) offsets(%dma_start3A_865 : memref<1280xi32, #tpu.memory_space<vmem>>) semaphore(%run_scoped3A_858 : memref<!tpu.dma_semaphore, #tpu.memory_space<semaphore_mem>>) {add = true}
      %dma_wait3A_869 = arith.constant 0 : i32
      %dma_wait3A_870 = arith.constant 0 : i32
      %dma_wait3A_871 = tpu.memref_slice %arg7[%run_scoped3A_781, %dma_wait3A_869, %dma_wait3A_870] : memref<2x8x1280xi32, #tpu.memory_space<vmem>> -> memref<1x8x1280xi32, #tpu.memory_space<vmem>>
      %dma_wait3A_872 = tpu.memref_squeeze %dma_wait3A_871 : memref<1x8x1280xi32, #tpu.memory_space<vmem>> -> memref<8x1280xi32, #tpu.memory_space<vmem>>
      %dma_wait3A_873 = arith.constant 0 : i32
      %dma_wait3A_874 = tpu.memref_slice %dma_wait3A_872[%run_scoped3A_782, %dma_wait3A_873] : memref<8x1280xi32, #tpu.memory_space<vmem>> -> memref<1x1280xi32, #tpu.memory_space<vmem>>
      %dma_wait3A_875 = tpu.memref_squeeze %dma_wait3A_874 : memref<1x1280xi32, #tpu.memory_space<vmem>> -> memref<1280xi32, #tpu.memory_space<vmem>>
      %dma_wait3A_876 = arith.constant 0 : i32
      %dma_wait3A_877 = arith.constant 0 : i32
      %dma_wait3A_878 = tpu.memref_slice %arg12[%dma_wait3A_876, %dma_wait3A_877] : memref<10240x32xf32, #tpu.memory_space<vmem_shared>> -> memref<10240x32xf32, #tpu.memory_space<vmem_shared>>
      tpu.wait_indirect_dma semaphore(%run_scoped3A_858 : memref<!tpu.dma_semaphore, #tpu.memory_space<semaphore_mem>>) src(%arg8 : memref<1280x32xf32, #tpu.memory_space<vmem>>) dst(%dma_wait3A_878 : memref<10240x32xf32, #tpu.memory_space<vmem_shared>>)
      tpu.yield
    }) : () -> ()
    %run_scoped3A_783 = arith.constant 1 : i32
    %run_scoped3A_784 = arith.constant 4 : i32
    "tpu.region"() ({
      %run_scoped3A_858 = tpu.sem_alloc : memref<!tpu.dma_semaphore, #tpu.memory_space<semaphore_mem>>
      %dma_start3A_859 = arith.constant 0 : i32
      %dma_start3A_860 = arith.constant 0 : i32
      %dma_start3A_861 = tpu.memref_slice %arg7[%run_scoped3A_783, %dma_start3A_859, %dma_start3A_860] : memref<2x8x1280xi32, #tpu.memory_space<vmem>> -> memref<1x8x1280xi32, #tpu.memory_space<vmem>>
      %dma_start3A_862 = tpu.memref_squeeze %dma_start3A_861 : memref<1x8x1280xi32, #tpu.memory_space<vmem>> -> memref<8x1280xi32, #tpu.memory_space<vmem>>
      %dma_start3A_863 = arith.constant 0 : i32
      %dma_start3A_864 = tpu.memref_slice %dma_start3A_862[%run_scoped3A_784, %dma_start3A_863] : memref<8x1280xi32, #tpu.memory_space<vmem>> -> memref<1x1280xi32, #tpu.memory_space<vmem>>
      %dma_start3A_865 = tpu.memref_squeeze %dma_start3A_864 : memref<1x1280xi32, #tpu.memory_space<vmem>> -> memref<1280xi32, #tpu.memory_space<vmem>>
      %dma_start3A_866 = arith.constant 0 : i32
      %dma_start3A_867 = tpu.memref_slice %arg13[%dma_start3A_866] : memref<10240xf32, #tpu.memory_space<vmem_shared>> -> memref<10240xf32, #tpu.memory_space<vmem_shared>>
      tpu.enqueue_indirect_dma source(%arg10 : memref<1280xf32, #tpu.memory_space<vmem>>) target(%dma_start3A_867 : memref<10240xf32, #tpu.memory_space<vmem_shared>>) offsets(%dma_start3A_865 : memref<1280xi32, #tpu.memory_space<vmem>>) semaphore(%run_scoped3A_858 : memref<!tpu.dma_semaphore, #tpu.memory_space<semaphore_mem>>) {add = true}
      %dma_wait3A_868 = arith.constant 0 : i32
      %dma_wait3A_869 = arith.constant 0 : i32
      %dma_wait3A_870 = tpu.memref_slice %arg7[%run_scoped3A_783, %dma_wait3A_868, %dma_wait3A_869] : memref<2x8x1280xi32, #tpu.memory_space<vmem>> -> memref<1x8x1280xi32, #tpu.memory_space<vmem>>
      %dma_wait3A_871 = tpu.memref_squeeze %dma_wait3A_870 : memref<1x8x1280xi32, #tpu.memory_space<vmem>> -> memref<8x1280xi32, #tpu.memory_space<vmem>>
      %dma_wait3A_872 = arith.constant 0 : i32
      %dma_wait3A_873 = tpu.memref_slice %dma_wait3A_871[%run_scoped3A_784, %dma_wait3A_872] : memref<8x1280xi32, #tpu.memory_space<vmem>> -> memref<1x1280xi32, #tpu.memory_space<vmem>>
      %dma_wait3A_874 = tpu.memref_squeeze %dma_wait3A_873 : memref<1x1280xi32, #tpu.memory_space<vmem>> -> memref<1280xi32, #tpu.memory_space<vmem>>
      %dma_wait3A_875 = arith.constant 0 : i32
      %dma_wait3A_876 = tpu.memref_slice %arg13[%dma_wait3A_875] : memref<10240xf32, #tpu.memory_space<vmem_shared>> -> memref<10240xf32, #tpu.memory_space<vmem_shared>>
      tpu.wait_indirect_dma semaphore(%run_scoped3A_858 : memref<!tpu.dma_semaphore, #tpu.memory_space<semaphore_mem>>) src(%arg10 : memref<1280xf32, #tpu.memory_space<vmem>>) dst(%dma_wait3A_876 : memref<10240xf32, #tpu.memory_space<vmem_shared>>)
      tpu.yield
    }) : () -> ()
    %dma_start3A_785 = arith.constant 0 : i32
    %dma_start3A_786 = arith.constant 6 : i32
    %dma_start3A_787 = arith.constant 0 : i32
    %dma_start3A_788 = arith.constant 0 : i32
    %dma_start3A_789 = tpu.memref_slice %arg7[%dma_start3A_785, %dma_start3A_787, %dma_start3A_788] : memref<2x8x1280xi32, #tpu.memory_space<vmem>> -> memref<1x8x1280xi32, #tpu.memory_space<vmem>>
    %dma_start3A_790 = tpu.memref_squeeze %dma_start3A_789 : memref<1x8x1280xi32, #tpu.memory_space<vmem>> -> memref<8x1280xi32, #tpu.memory_space<vmem>>
    %dma_start3A_791 = arith.constant 0 : i32
    %dma_start3A_792 = tpu.memref_slice %dma_start3A_790[%dma_start3A_786, %dma_start3A_791] : memref<8x1280xi32, #tpu.memory_space<vmem>> -> memref<1x1280xi32, #tpu.memory_space<vmem>>
    %dma_start3A_793 = tpu.memref_squeeze %dma_start3A_792 : memref<1x1280xi32, #tpu.memory_space<vmem>> -> memref<1280xi32, #tpu.memory_space<vmem>>
    %dma_start3A_794 = arith.constant 0 : i32
    %dma_start3A_795 = arith.constant 0 : i32
    %dma_start3A_796 = tpu.memref_slice %arg2[%dma_start3A_794, %dma_start3A_795] : memref<10000x32xf32, #tpu.memory_space<hbm>> -> memref<10000x32xf32, #tpu.memory_space<hbm>>
    tpu.enqueue_indirect_dma source(%dma_start3A_796 : memref<10000x32xf32, #tpu.memory_space<hbm>>) target(%arg8 : memref<1280x32xf32, #tpu.memory_space<vmem>>) offsets(%dma_start3A_793 : memref<1280xi32, #tpu.memory_space<vmem>>) semaphore(%arg15 : memref<!tpu.dma_semaphore, #tpu.memory_space<semaphore_mem>>)
    %dma_wait3A_797 = arith.constant 0 : i32
    %dma_wait3A_798 = arith.constant 5 : i32
    %dma_wait3A_799 = arith.constant 0 : i32
    %dma_wait3A_800 = arith.constant 0 : i32
    %dma_wait3A_801 = tpu.memref_slice %arg7[%dma_wait3A_797, %dma_wait3A_799, %dma_wait3A_800] : memref<2x8x1280xi32, #tpu.memory_space<vmem>> -> memref<1x8x1280xi32, #tpu.memory_space<vmem>>
    %dma_wait3A_802 = tpu.memref_squeeze %dma_wait3A_801 : memref<1x8x1280xi32, #tpu.memory_space<vmem>> -> memref<8x1280xi32, #tpu.memory_space<vmem>>
    %dma_wait3A_803 = arith.constant 0 : i32
    %dma_wait3A_804 = tpu.memref_slice %dma_wait3A_802[%dma_wait3A_798, %dma_wait3A_803] : memref<8x1280xi32, #tpu.memory_space<vmem>> -> memref<1x1280xi32, #tpu.memory_space<vmem>>
    %dma_wait3A_805 = tpu.memref_squeeze %dma_wait3A_804 : memref<1x1280xi32, #tpu.memory_space<vmem>> -> memref<1280xi32, #tpu.memory_space<vmem>>
    %dma_wait3A_806 = arith.constant 0 : i32
    %dma_wait3A_807 = arith.constant 0 : i32
    %dma_wait3A_808 = tpu.memref_slice %arg2[%dma_wait3A_806, %dma_wait3A_807] : memref<10000x32xf32, #tpu.memory_space<hbm>> -> memref<10000x32xf32, #tpu.memory_space<hbm>>
    tpu.wait_indirect_dma semaphore(%arg16 : memref<!tpu.dma_semaphore, #tpu.memory_space<semaphore_mem>>) src(%dma_wait3A_808 : memref<10000x32xf32, #tpu.memory_space<hbm>>) dst(%arg9 : memref<1280x32xf32, #tpu.memory_space<vmem>>)
    %run_scoped3A_809 = arith.constant 1 : i32
    %run_scoped3A_810 = arith.constant 5 : i32
    "tpu.region"() ({
      %run_scoped3A_858 = tpu.sem_alloc : memref<!tpu.dma_semaphore, #tpu.memory_space<semaphore_mem>>
      %dma_start3A_859 = arith.constant 0 : i32
      %dma_start3A_860 = arith.constant 0 : i32
      %dma_start3A_861 = tpu.memref_slice %arg7[%run_scoped3A_809, %dma_start3A_859, %dma_start3A_860] : memref<2x8x1280xi32, #tpu.memory_space<vmem>> -> memref<1x8x1280xi32, #tpu.memory_space<vmem>>
      %dma_start3A_862 = tpu.memref_squeeze %dma_start3A_861 : memref<1x8x1280xi32, #tpu.memory_space<vmem>> -> memref<8x1280xi32, #tpu.memory_space<vmem>>
      %dma_start3A_863 = arith.constant 0 : i32
      %dma_start3A_864 = tpu.memref_slice %dma_start3A_862[%run_scoped3A_810, %dma_start3A_863] : memref<8x1280xi32, #tpu.memory_space<vmem>> -> memref<1x1280xi32, #tpu.memory_space<vmem>>
      %dma_start3A_865 = tpu.memref_squeeze %dma_start3A_864 : memref<1x1280xi32, #tpu.memory_space<vmem>> -> memref<1280xi32, #tpu.memory_space<vmem>>
      %dma_start3A_866 = arith.constant 0 : i32
      %dma_start3A_867 = arith.constant 0 : i32
      %dma_start3A_868 = tpu.memref_slice %arg12[%dma_start3A_866, %dma_start3A_867] : memref<10240x32xf32, #tpu.memory_space<vmem_shared>> -> memref<10240x32xf32, #tpu.memory_space<vmem_shared>>
      tpu.enqueue_indirect_dma source(%arg9 : memref<1280x32xf32, #tpu.memory_space<vmem>>) target(%dma_start3A_868 : memref<10240x32xf32, #tpu.memory_space<vmem_shared>>) offsets(%dma_start3A_865 : memref<1280xi32, #tpu.memory_space<vmem>>) semaphore(%run_scoped3A_858 : memref<!tpu.dma_semaphore, #tpu.memory_space<semaphore_mem>>) {add = true}
      %dma_wait3A_869 = arith.constant 0 : i32
      %dma_wait3A_870 = arith.constant 0 : i32
      %dma_wait3A_871 = tpu.memref_slice %arg7[%run_scoped3A_809, %dma_wait3A_869, %dma_wait3A_870] : memref<2x8x1280xi32, #tpu.memory_space<vmem>> -> memref<1x8x1280xi32, #tpu.memory_space<vmem>>
      %dma_wait3A_872 = tpu.memref_squeeze %dma_wait3A_871 : memref<1x8x1280xi32, #tpu.memory_space<vmem>> -> memref<8x1280xi32, #tpu.memory_space<vmem>>
      %dma_wait3A_873 = arith.constant 0 : i32
      %dma_wait3A_874 = tpu.memref_slice %dma_wait3A_872[%run_scoped3A_810, %dma_wait3A_873] : memref<8x1280xi32, #tpu.memory_space<vmem>> -> memref<1x1280xi32, #tpu.memory_space<vmem>>
      %dma_wait3A_875 = tpu.memref_squeeze %dma_wait3A_874 : memref<1x1280xi32, #tpu.memory_space<vmem>> -> memref<1280xi32, #tpu.memory_space<vmem>>
      %dma_wait3A_876 = arith.constant 0 : i32
      %dma_wait3A_877 = arith.constant 0 : i32
      %dma_wait3A_878 = tpu.memref_slice %arg12[%dma_wait3A_876, %dma_wait3A_877] : memref<10240x32xf32, #tpu.memory_space<vmem_shared>> -> memref<10240x32xf32, #tpu.memory_space<vmem_shared>>
      tpu.wait_indirect_dma semaphore(%run_scoped3A_858 : memref<!tpu.dma_semaphore, #tpu.memory_space<semaphore_mem>>) src(%arg9 : memref<1280x32xf32, #tpu.memory_space<vmem>>) dst(%dma_wait3A_878 : memref<10240x32xf32, #tpu.memory_space<vmem_shared>>)
      tpu.yield
    }) : () -> ()
    %run_scoped3A_811 = arith.constant 1 : i32
    %run_scoped3A_812 = arith.constant 5 : i32
    "tpu.region"() ({
      %run_scoped3A_858 = tpu.sem_alloc : memref<!tpu.dma_semaphore, #tpu.memory_space<semaphore_mem>>
      %dma_start3A_859 = arith.constant 0 : i32
      %dma_start3A_860 = arith.constant 0 : i32
      %dma_start3A_861 = tpu.memref_slice %arg7[%run_scoped3A_811, %dma_start3A_859, %dma_start3A_860] : memref<2x8x1280xi32, #tpu.memory_space<vmem>> -> memref<1x8x1280xi32, #tpu.memory_space<vmem>>
      %dma_start3A_862 = tpu.memref_squeeze %dma_start3A_861 : memref<1x8x1280xi32, #tpu.memory_space<vmem>> -> memref<8x1280xi32, #tpu.memory_space<vmem>>
      %dma_start3A_863 = arith.constant 0 : i32
      %dma_start3A_864 = tpu.memref_slice %dma_start3A_862[%run_scoped3A_812, %dma_start3A_863] : memref<8x1280xi32, #tpu.memory_space<vmem>> -> memref<1x1280xi32, #tpu.memory_space<vmem>>
      %dma_start3A_865 = tpu.memref_squeeze %dma_start3A_864 : memref<1x1280xi32, #tpu.memory_space<vmem>> -> memref<1280xi32, #tpu.memory_space<vmem>>
      %dma_start3A_866 = arith.constant 0 : i32
      %dma_start3A_867 = tpu.memref_slice %arg13[%dma_start3A_866] : memref<10240xf32, #tpu.memory_space<vmem_shared>> -> memref<10240xf32, #tpu.memory_space<vmem_shared>>
      tpu.enqueue_indirect_dma source(%arg10 : memref<1280xf32, #tpu.memory_space<vmem>>) target(%dma_start3A_867 : memref<10240xf32, #tpu.memory_space<vmem_shared>>) offsets(%dma_start3A_865 : memref<1280xi32, #tpu.memory_space<vmem>>) semaphore(%run_scoped3A_858 : memref<!tpu.dma_semaphore, #tpu.memory_space<semaphore_mem>>) {add = true}
      %dma_wait3A_868 = arith.constant 0 : i32
      %dma_wait3A_869 = arith.constant 0 : i32
      %dma_wait3A_870 = tpu.memref_slice %arg7[%run_scoped3A_811, %dma_wait3A_868, %dma_wait3A_869] : memref<2x8x1280xi32, #tpu.memory_space<vmem>> -> memref<1x8x1280xi32, #tpu.memory_space<vmem>>
      %dma_wait3A_871 = tpu.memref_squeeze %dma_wait3A_870 : memref<1x8x1280xi32, #tpu.memory_space<vmem>> -> memref<8x1280xi32, #tpu.memory_space<vmem>>
      %dma_wait3A_872 = arith.constant 0 : i32
      %dma_wait3A_873 = tpu.memref_slice %dma_wait3A_871[%run_scoped3A_812, %dma_wait3A_872] : memref<8x1280xi32, #tpu.memory_space<vmem>> -> memref<1x1280xi32, #tpu.memory_space<vmem>>
      %dma_wait3A_874 = tpu.memref_squeeze %dma_wait3A_873 : memref<1x1280xi32, #tpu.memory_space<vmem>> -> memref<1280xi32, #tpu.memory_space<vmem>>
      %dma_wait3A_875 = arith.constant 0 : i32
      %dma_wait3A_876 = tpu.memref_slice %arg13[%dma_wait3A_875] : memref<10240xf32, #tpu.memory_space<vmem_shared>> -> memref<10240xf32, #tpu.memory_space<vmem_shared>>
      tpu.wait_indirect_dma semaphore(%run_scoped3A_858 : memref<!tpu.dma_semaphore, #tpu.memory_space<semaphore_mem>>) src(%arg10 : memref<1280xf32, #tpu.memory_space<vmem>>) dst(%dma_wait3A_876 : memref<10240xf32, #tpu.memory_space<vmem_shared>>)
      tpu.yield
    }) : () -> ()
    %dma_start3A_813 = arith.constant 0 : i32
    %dma_start3A_814 = arith.constant 7 : i32
    %dma_start3A_815 = arith.constant 0 : i32
    %dma_start3A_816 = arith.constant 0 : i32
    %dma_start3A_817 = tpu.memref_slice %arg7[%dma_start3A_813, %dma_start3A_815, %dma_start3A_816] : memref<2x8x1280xi32, #tpu.memory_space<vmem>> -> memref<1x8x1280xi32, #tpu.memory_space<vmem>>
    %dma_start3A_818 = tpu.memref_squeeze %dma_start3A_817 : memref<1x8x1280xi32, #tpu.memory_space<vmem>> -> memref<8x1280xi32, #tpu.memory_space<vmem>>
    %dma_start3A_819 = arith.constant 0 : i32
    %dma_start3A_820 = tpu.memref_slice %dma_start3A_818[%dma_start3A_814, %dma_start3A_819] : memref<8x1280xi32, #tpu.memory_space<vmem>> -> memref<1x1280xi32, #tpu.memory_space<vmem>>
    %dma_start3A_821 = tpu.memref_squeeze %dma_start3A_820 : memref<1x1280xi32, #tpu.memory_space<vmem>> -> memref<1280xi32, #tpu.memory_space<vmem>>
    %dma_start3A_822 = arith.constant 0 : i32
    %dma_start3A_823 = arith.constant 0 : i32
    %dma_start3A_824 = tpu.memref_slice %arg2[%dma_start3A_822, %dma_start3A_823] : memref<10000x32xf32, #tpu.memory_space<hbm>> -> memref<10000x32xf32, #tpu.memory_space<hbm>>
    tpu.enqueue_indirect_dma source(%dma_start3A_824 : memref<10000x32xf32, #tpu.memory_space<hbm>>) target(%arg9 : memref<1280x32xf32, #tpu.memory_space<vmem>>) offsets(%dma_start3A_821 : memref<1280xi32, #tpu.memory_space<vmem>>) semaphore(%arg16 : memref<!tpu.dma_semaphore, #tpu.memory_space<semaphore_mem>>)
    %dma_wait3A_825 = arith.constant 0 : i32
    %dma_wait3A_826 = arith.constant 6 : i32
    %dma_wait3A_827 = arith.constant 0 : i32
    %dma_wait3A_828 = arith.constant 0 : i32
    %dma_wait3A_829 = tpu.memref_slice %arg7[%dma_wait3A_825, %dma_wait3A_827, %dma_wait3A_828] : memref<2x8x1280xi32, #tpu.memory_space<vmem>> -> memref<1x8x1280xi32, #tpu.memory_space<vmem>>
    %dma_wait3A_830 = tpu.memref_squeeze %dma_wait3A_829 : memref<1x8x1280xi32, #tpu.memory_space<vmem>> -> memref<8x1280xi32, #tpu.memory_space<vmem>>
    %dma_wait3A_831 = arith.constant 0 : i32
    %dma_wait3A_832 = tpu.memref_slice %dma_wait3A_830[%dma_wait3A_826, %dma_wait3A_831] : memref<8x1280xi32, #tpu.memory_space<vmem>> -> memref<1x1280xi32, #tpu.memory_space<vmem>>
    %dma_wait3A_833 = tpu.memref_squeeze %dma_wait3A_832 : memref<1x1280xi32, #tpu.memory_space<vmem>> -> memref<1280xi32, #tpu.memory_space<vmem>>
    %dma_wait3A_834 = arith.constant 0 : i32
    %dma_wait3A_835 = arith.constant 0 : i32
    %dma_wait3A_836 = tpu.memref_slice %arg2[%dma_wait3A_834, %dma_wait3A_835] : memref<10000x32xf32, #tpu.memory_space<hbm>> -> memref<10000x32xf32, #tpu.memory_space<hbm>>
    tpu.wait_indirect_dma semaphore(%arg15 : memref<!tpu.dma_semaphore, #tpu.memory_space<semaphore_mem>>) src(%dma_wait3A_836 : memref<10000x32xf32, #tpu.memory_space<hbm>>) dst(%arg8 : memref<1280x32xf32, #tpu.memory_space<vmem>>)
    %run_scoped3A_837 = arith.constant 1 : i32
    %run_scoped3A_838 = arith.constant 6 : i32
    "tpu.region"() ({
      %run_scoped3A_858 = tpu.sem_alloc : memref<!tpu.dma_semaphore, #tpu.memory_space<semaphore_mem>>
      %dma_start3A_859 = arith.constant 0 : i32
      %dma_start3A_860 = arith.constant 0 : i32
      %dma_start3A_861 = tpu.memref_slice %arg7[%run_scoped3A_837, %dma_start3A_859, %dma_start3A_860] : memref<2x8x1280xi32, #tpu.memory_space<vmem>> -> memref<1x8x1280xi32, #tpu.memory_space<vmem>>
      %dma_start3A_862 = tpu.memref_squeeze %dma_start3A_861 : memref<1x8x1280xi32, #tpu.memory_space<vmem>> -> memref<8x1280xi32, #tpu.memory_space<vmem>>
      %dma_start3A_863 = arith.constant 0 : i32
      %dma_start3A_864 = tpu.memref_slice %dma_start3A_862[%run_scoped3A_838, %dma_start3A_863] : memref<8x1280xi32, #tpu.memory_space<vmem>> -> memref<1x1280xi32, #tpu.memory_space<vmem>>
      %dma_start3A_865 = tpu.memref_squeeze %dma_start3A_864 : memref<1x1280xi32, #tpu.memory_space<vmem>> -> memref<1280xi32, #tpu.memory_space<vmem>>
      %dma_start3A_866 = arith.constant 0 : i32
      %dma_start3A_867 = arith.constant 0 : i32
      %dma_start3A_868 = tpu.memref_slice %arg12[%dma_start3A_866, %dma_start3A_867] : memref<10240x32xf32, #tpu.memory_space<vmem_shared>> -> memref<10240x32xf32, #tpu.memory_space<vmem_shared>>
      tpu.enqueue_indirect_dma source(%arg8 : memref<1280x32xf32, #tpu.memory_space<vmem>>) target(%dma_start3A_868 : memref<10240x32xf32, #tpu.memory_space<vmem_shared>>) offsets(%dma_start3A_865 : memref<1280xi32, #tpu.memory_space<vmem>>) semaphore(%run_scoped3A_858 : memref<!tpu.dma_semaphore, #tpu.memory_space<semaphore_mem>>) {add = true}
      %dma_wait3A_869 = arith.constant 0 : i32
      %dma_wait3A_870 = arith.constant 0 : i32
      %dma_wait3A_871 = tpu.memref_slice %arg7[%run_scoped3A_837, %dma_wait3A_869, %dma_wait3A_870] : memref<2x8x1280xi32, #tpu.memory_space<vmem>> -> memref<1x8x1280xi32, #tpu.memory_space<vmem>>
      %dma_wait3A_872 = tpu.memref_squeeze %dma_wait3A_871 : memref<1x8x1280xi32, #tpu.memory_space<vmem>> -> memref<8x1280xi32, #tpu.memory_space<vmem>>
      %dma_wait3A_873 = arith.constant 0 : i32
      %dma_wait3A_874 = tpu.memref_slice %dma_wait3A_872[%run_scoped3A_838, %dma_wait3A_873] : memref<8x1280xi32, #tpu.memory_space<vmem>> -> memref<1x1280xi32, #tpu.memory_space<vmem>>
      %dma_wait3A_875 = tpu.memref_squeeze %dma_wait3A_874 : memref<1x1280xi32, #tpu.memory_space<vmem>> -> memref<1280xi32, #tpu.memory_space<vmem>>
      %dma_wait3A_876 = arith.constant 0 : i32
      %dma_wait3A_877 = arith.constant 0 : i32
      %dma_wait3A_878 = tpu.memref_slice %arg12[%dma_wait3A_876, %dma_wait3A_877] : memref<10240x32xf32, #tpu.memory_space<vmem_shared>> -> memref<10240x32xf32, #tpu.memory_space<vmem_shared>>
      tpu.wait_indirect_dma semaphore(%run_scoped3A_858 : memref<!tpu.dma_semaphore, #tpu.memory_space<semaphore_mem>>) src(%arg8 : memref<1280x32xf32, #tpu.memory_space<vmem>>) dst(%dma_wait3A_878 : memref<10240x32xf32, #tpu.memory_space<vmem_shared>>)
      tpu.yield
    }) : () -> ()
    %run_scoped3A_839 = arith.constant 1 : i32
    %run_scoped3A_840 = arith.constant 6 : i32
    "tpu.region"() ({
      %run_scoped3A_858 = tpu.sem_alloc : memref<!tpu.dma_semaphore, #tpu.memory_space<semaphore_mem>>
      %dma_start3A_859 = arith.constant 0 : i32
      %dma_start3A_860 = arith.constant 0 : i32
      %dma_start3A_861 = tpu.memref_slice %arg7[%run_scoped3A_839, %dma_start3A_859, %dma_start3A_860] : memref<2x8x1280xi32, #tpu.memory_space<vmem>> -> memref<1x8x1280xi32, #tpu.memory_space<vmem>>
      %dma_start3A_862 = tpu.memref_squeeze %dma_start3A_861 : memref<1x8x1280xi32, #tpu.memory_space<vmem>> -> memref<8x1280xi32, #tpu.memory_space<vmem>>
      %dma_start3A_863 = arith.constant 0 : i32
      %dma_start3A_864 = tpu.memref_slice %dma_start3A_862[%run_scoped3A_840, %dma_start3A_863] : memref<8x1280xi32, #tpu.memory_space<vmem>> -> memref<1x1280xi32, #tpu.memory_space<vmem>>
      %dma_start3A_865 = tpu.memref_squeeze %dma_start3A_864 : memref<1x1280xi32, #tpu.memory_space<vmem>> -> memref<1280xi32, #tpu.memory_space<vmem>>
      %dma_start3A_866 = arith.constant 0 : i32
      %dma_start3A_867 = tpu.memref_slice %arg13[%dma_start3A_866] : memref<10240xf32, #tpu.memory_space<vmem_shared>> -> memref<10240xf32, #tpu.memory_space<vmem_shared>>
      tpu.enqueue_indirect_dma source(%arg10 : memref<1280xf32, #tpu.memory_space<vmem>>) target(%dma_start3A_867 : memref<10240xf32, #tpu.memory_space<vmem_shared>>) offsets(%dma_start3A_865 : memref<1280xi32, #tpu.memory_space<vmem>>) semaphore(%run_scoped3A_858 : memref<!tpu.dma_semaphore, #tpu.memory_space<semaphore_mem>>) {add = true}
      %dma_wait3A_868 = arith.constant 0 : i32
      %dma_wait3A_869 = arith.constant 0 : i32
      %dma_wait3A_870 = tpu.memref_slice %arg7[%run_scoped3A_839, %dma_wait3A_868, %dma_wait3A_869] : memref<2x8x1280xi32, #tpu.memory_space<vmem>> -> memref<1x8x1280xi32, #tpu.memory_space<vmem>>
      %dma_wait3A_871 = tpu.memref_squeeze %dma_wait3A_870 : memref<1x8x1280xi32, #tpu.memory_space<vmem>> -> memref<8x1280xi32, #tpu.memory_space<vmem>>
      %dma_wait3A_872 = arith.constant 0 : i32
      %dma_wait3A_873 = tpu.memref_slice %dma_wait3A_871[%run_scoped3A_840, %dma_wait3A_872] : memref<8x1280xi32, #tpu.memory_space<vmem>> -> memref<1x1280xi32, #tpu.memory_space<vmem>>
      %dma_wait3A_874 = tpu.memref_squeeze %dma_wait3A_873 : memref<1x1280xi32, #tpu.memory_space<vmem>> -> memref<1280xi32, #tpu.memory_space<vmem>>
      %dma_wait3A_875 = arith.constant 0 : i32
      %dma_wait3A_876 = tpu.memref_slice %arg13[%dma_wait3A_875] : memref<10240xf32, #tpu.memory_space<vmem_shared>> -> memref<10240xf32, #tpu.memory_space<vmem_shared>>
      tpu.wait_indirect_dma semaphore(%run_scoped3A_858 : memref<!tpu.dma_semaphore, #tpu.memory_space<semaphore_mem>>) src(%arg10 : memref<1280xf32, #tpu.memory_space<vmem>>) dst(%dma_wait3A_876 : memref<10240xf32, #tpu.memory_space<vmem_shared>>)
      tpu.yield
    }) : () -> ()
    %dma_wait3A_841 = arith.constant 0 : i32
    %dma_wait3A_842 = arith.constant 7 : i32
    %dma_wait3A_843 = arith.constant 0 : i32
    %dma_wait3A_844 = arith.constant 0 : i32
    %dma_wait3A_845 = tpu.memref_slice %arg7[%dma_wait3A_841, %dma_wait3A_843, %dma_wait3A_844] : memref<2x8x1280xi32, #tpu.memory_space<vmem>> -> memref<1x8x1280xi32, #tpu.memory_space<vmem>>
    %dma_wait3A_846 = tpu.memref_squeeze %dma_wait3A_845 : memref<1x8x1280xi32, #tpu.memory_space<vmem>> -> memref<8x1280xi32, #tpu.memory_space<vmem>>
    %dma_wait3A_847 = arith.constant 0 : i32
    %dma_wait3A_848 = tpu.memref_slice %dma_wait3A_846[%dma_wait3A_842, %dma_wait3A_847] : memref<8x1280xi32, #tpu.memory_space<vmem>> -> memref<1x1280xi32, #tpu.memory_space<vmem>>
    %dma_wait3A_849 = tpu.memref_squeeze %dma_wait3A_848 : memref<1x1280xi32, #tpu.memory_space<vmem>> -> memref<1280xi32, #tpu.memory_space<vmem>>
    %dma_wait3A_850 = arith.constant 0 : i32
    %dma_wait3A_851 = arith.constant 0 : i32
    %dma_wait3A_852 = tpu.memref_slice %arg2[%dma_wait3A_850, %dma_wait3A_851] : memref<10000x32xf32, #tpu.memory_space<hbm>> -> memref<10000x32xf32, #tpu.memory_space<hbm>>
    tpu.wait_indirect_dma semaphore(%arg16 : memref<!tpu.dma_semaphore, #tpu.memory_space<semaphore_mem>>) src(%dma_wait3A_852 : memref<10000x32xf32, #tpu.memory_space<hbm>>) dst(%arg9 : memref<1280x32xf32, #tpu.memory_space<vmem>>)
    %run_scoped3A_853 = arith.constant 1 : i32
    %run_scoped3A_854 = arith.constant 7 : i32
    "tpu.region"() ({
      %run_scoped3A_858 = tpu.sem_alloc : memref<!tpu.dma_semaphore, #tpu.memory_space<semaphore_mem>>
      %dma_start3A_859 = arith.constant 0 : i32
      %dma_start3A_860 = arith.constant 0 : i32
      %dma_start3A_861 = tpu.memref_slice %arg7[%run_scoped3A_853, %dma_start3A_859, %dma_start3A_860] : memref<2x8x1280xi32, #tpu.memory_space<vmem>> -> memref<1x8x1280xi32, #tpu.memory_space<vmem>>
      %dma_start3A_862 = tpu.memref_squeeze %dma_start3A_861 : memref<1x8x1280xi32, #tpu.memory_space<vmem>> -> memref<8x1280xi32, #tpu.memory_space<vmem>>
      %dma_start3A_863 = arith.constant 0 : i32
      %dma_start3A_864 = tpu.memref_slice %dma_start3A_862[%run_scoped3A_854, %dma_start3A_863] : memref<8x1280xi32, #tpu.memory_space<vmem>> -> memref<1x1280xi32, #tpu.memory_space<vmem>>
      %dma_start3A_865 = tpu.memref_squeeze %dma_start3A_864 : memref<1x1280xi32, #tpu.memory_space<vmem>> -> memref<1280xi32, #tpu.memory_space<vmem>>
      %dma_start3A_866 = arith.constant 0 : i32
      %dma_start3A_867 = arith.constant 0 : i32
      %dma_start3A_868 = tpu.memref_slice %arg12[%dma_start3A_866, %dma_start3A_867] : memref<10240x32xf32, #tpu.memory_space<vmem_shared>> -> memref<10240x32xf32, #tpu.memory_space<vmem_shared>>
      tpu.enqueue_indirect_dma source(%arg9 : memref<1280x32xf32, #tpu.memory_space<vmem>>) target(%dma_start3A_868 : memref<10240x32xf32, #tpu.memory_space<vmem_shared>>) offsets(%dma_start3A_865 : memref<1280xi32, #tpu.memory_space<vmem>>) semaphore(%run_scoped3A_858 : memref<!tpu.dma_semaphore, #tpu.memory_space<semaphore_mem>>) {add = true}
      %dma_wait3A_869 = arith.constant 0 : i32
      %dma_wait3A_870 = arith.constant 0 : i32
      %dma_wait3A_871 = tpu.memref_slice %arg7[%run_scoped3A_853, %dma_wait3A_869, %dma_wait3A_870] : memref<2x8x1280xi32, #tpu.memory_space<vmem>> -> memref<1x8x1280xi32, #tpu.memory_space<vmem>>
      %dma_wait3A_872 = tpu.memref_squeeze %dma_wait3A_871 : memref<1x8x1280xi32, #tpu.memory_space<vmem>> -> memref<8x1280xi32, #tpu.memory_space<vmem>>
      %dma_wait3A_873 = arith.constant 0 : i32
      %dma_wait3A_874 = tpu.memref_slice %dma_wait3A_872[%run_scoped3A_854, %dma_wait3A_873] : memref<8x1280xi32, #tpu.memory_space<vmem>> -> memref<1x1280xi32, #tpu.memory_space<vmem>>
      %dma_wait3A_875 = tpu.memref_squeeze %dma_wait3A_874 : memref<1x1280xi32, #tpu.memory_space<vmem>> -> memref<1280xi32, #tpu.memory_space<vmem>>
      %dma_wait3A_876 = arith.constant 0 : i32
      %dma_wait3A_877 = arith.constant 0 : i32
      %dma_wait3A_878 = tpu.memref_slice %arg12[%dma_wait3A_876, %dma_wait3A_877] : memref<10240x32xf32, #tpu.memory_space<vmem_shared>> -> memref<10240x32xf32, #tpu.memory_space<vmem_shared>>
      tpu.wait_indirect_dma semaphore(%run_scoped3A_858 : memref<!tpu.dma_semaphore, #tpu.memory_space<semaphore_mem>>) src(%arg9 : memref<1280x32xf32, #tpu.memory_space<vmem>>) dst(%dma_wait3A_878 : memref<10240x32xf32, #tpu.memory_space<vmem_shared>>)
      tpu.yield
    }) : () -> ()
    %run_scoped3A_855 = arith.constant 1 : i32
    %run_scoped3A_856 = arith.constant 7 : i32
    "tpu.region"() ({
      %run_scoped3A_858 = tpu.sem_alloc : memref<!tpu.dma_semaphore, #tpu.memory_space<semaphore_mem>>
      %dma_start3A_859 = arith.constant 0 : i32
      %dma_start3A_860 = arith.constant 0 : i32
      %dma_start3A_861 = tpu.memref_slice %arg7[%run_scoped3A_855, %dma_start3A_859, %dma_start3A_860] : memref<2x8x1280xi32, #tpu.memory_space<vmem>> -> memref<1x8x1280xi32, #tpu.memory_space<vmem>>
      %dma_start3A_862 = tpu.memref_squeeze %dma_start3A_861 : memref<1x8x1280xi32, #tpu.memory_space<vmem>> -> memref<8x1280xi32, #tpu.memory_space<vmem>>
      %dma_start3A_863 = arith.constant 0 : i32
      %dma_start3A_864 = tpu.memref_slice %dma_start3A_862[%run_scoped3A_856, %dma_start3A_863] : memref<8x1280xi32, #tpu.memory_space<vmem>> -> memref<1x1280xi32, #tpu.memory_space<vmem>>
      %dma_start3A_865 = tpu.memref_squeeze %dma_start3A_864 : memref<1x1280xi32, #tpu.memory_space<vmem>> -> memref<1280xi32, #tpu.memory_space<vmem>>
      %dma_start3A_866 = arith.constant 0 : i32
      %dma_start3A_867 = tpu.memref_slice %arg13[%dma_start3A_866] : memref<10240xf32, #tpu.memory_space<vmem_shared>> -> memref<10240xf32, #tpu.memory_space<vmem_shared>>
      tpu.enqueue_indirect_dma source(%arg10 : memref<1280xf32, #tpu.memory_space<vmem>>) target(%dma_start3A_867 : memref<10240xf32, #tpu.memory_space<vmem_shared>>) offsets(%dma_start3A_865 : memref<1280xi32, #tpu.memory_space<vmem>>) semaphore(%run_scoped3A_858 : memref<!tpu.dma_semaphore, #tpu.memory_space<semaphore_mem>>) {add = true}
      %dma_wait3A_868 = arith.constant 0 : i32
      %dma_wait3A_869 = arith.constant 0 : i32
      %dma_wait3A_870 = tpu.memref_slice %arg7[%run_scoped3A_855, %dma_wait3A_868, %dma_wait3A_869] : memref<2x8x1280xi32, #tpu.memory_space<vmem>> -> memref<1x8x1280xi32, #tpu.memory_space<vmem>>
      %dma_wait3A_871 = tpu.memref_squeeze %dma_wait3A_870 : memref<1x8x1280xi32, #tpu.memory_space<vmem>> -> memref<8x1280xi32, #tpu.memory_space<vmem>>
      %dma_wait3A_872 = arith.constant 0 : i32
      %dma_wait3A_873 = tpu.memref_slice %dma_wait3A_871[%run_scoped3A_856, %dma_wait3A_872] : memref<8x1280xi32, #tpu.memory_space<vmem>> -> memref<1x1280xi32, #tpu.memory_space<vmem>>
      %dma_wait3A_874 = tpu.memref_squeeze %dma_wait3A_873 : memref<1x1280xi32, #tpu.memory_space<vmem>> -> memref<1280xi32, #tpu.memory_space<vmem>>
      %dma_wait3A_875 = arith.constant 0 : i32
      %dma_wait3A_876 = tpu.memref_slice %arg13[%dma_wait3A_875] : memref<10240xf32, #tpu.memory_space<vmem_shared>> -> memref<10240xf32, #tpu.memory_space<vmem_shared>>
      tpu.wait_indirect_dma semaphore(%run_scoped3A_858 : memref<!tpu.dma_semaphore, #tpu.memory_space<semaphore_mem>>) src(%arg10 : memref<1280xf32, #tpu.memory_space<vmem>>) dst(%dma_wait3A_876 : memref<10240xf32, #tpu.memory_space<vmem_shared>>)
      tpu.yield
    }) : () -> ()
    %barrier3A_857 = arith.constant 0 : index
    tpu.barrier barrier_id(%barrier3A_857)
    "tpu.region"() ({
      %run_scoped3A_858 = tpu.sem_alloc : memref<!tpu.dma_semaphore, #tpu.memory_space<semaphore_mem>>
      %dma_start3A_859 = arith.constant 0 : i32
      %dma_start3A_860 = tpu.memref_slice %arg5[%arg0, %multiple_of3A, %dma_start3A_859] : memref<2x10240x32xf32, #tpu.memory_space<hbm>> -> memref<1x640x32xf32, #tpu.memory_space<hbm>>
      %dma_start3A_861 = tpu.memref_squeeze %dma_start3A_860 : memref<1x640x32xf32, #tpu.memory_space<hbm>> -> memref<640x32xf32, #tpu.memory_space<hbm>>
      %dma_start3A_862 = arith.constant 0 : i32
      %dma_start3A_863 = tpu.memref_slice %arg12[%multiple_of3A, %dma_start3A_862] : memref<10240x32xf32, #tpu.memory_space<vmem_shared>> -> memref<640x32xf32, #tpu.memory_space<vmem_shared>>
      tpu.enqueue_dma source(%dma_start3A_863 : memref<640x32xf32, #tpu.memory_space<vmem_shared>>) target(%dma_start3A_861 : memref<640x32xf32, #tpu.memory_space<hbm>>) target_semaphore(%run_scoped3A_858 : memref<!tpu.dma_semaphore, #tpu.memory_space<semaphore_mem>>)
      %dma_wait3A_864 = arith.constant 0 : i32
      %dma_wait3A_865 = tpu.memref_slice %arg5[%arg0, %multiple_of3A, %dma_wait3A_864] : memref<2x10240x32xf32, #tpu.memory_space<hbm>> -> memref<1x640x32xf32, #tpu.memory_space<hbm>>
      %dma_wait3A_866 = tpu.memref_squeeze %dma_wait3A_865 : memref<1x640x32xf32, #tpu.memory_space<hbm>> -> memref<640x32xf32, #tpu.memory_space<hbm>>
      %dma_wait3A_867 = arith.constant 0 : i32
      %dma_wait3A_868 = tpu.memref_slice %arg12[%multiple_of3A, %dma_wait3A_867] : memref<10240x32xf32, #tpu.memory_space<vmem_shared>> -> memref<640x32xf32, #tpu.memory_space<vmem_shared>>
      tpu.wait_dma2 semaphore(%run_scoped3A_858 : memref<!tpu.dma_semaphore, #tpu.memory_space<semaphore_mem>>) src(%dma_wait3A_868 : memref<640x32xf32, #tpu.memory_space<vmem_shared>>) dst(%dma_wait3A_866 : memref<640x32xf32, #tpu.memory_space<hbm>>)
      tpu.yield
    }) : () -> ()
    "tpu.region"() ({
      %run_scoped3A_858 = tpu.sem_alloc : memref<!tpu.dma_semaphore, #tpu.memory_space<semaphore_mem>>
      %dma_start3A_859 = tpu.memref_slice %arg6[%arg0, %multiple_of3A] : memref<2x10240xf32, #tpu.memory_space<hbm>> -> memref<1x640xf32, #tpu.memory_space<hbm>>
      %dma_start3A_860 = tpu.memref_squeeze %dma_start3A_859 : memref<1x640xf32, #tpu.memory_space<hbm>> -> memref<640xf32, #tpu.memory_space<hbm>>
      %dma_start3A_861 = tpu.memref_slice %arg13[%multiple_of3A] : memref<10240xf32, #tpu.memory_space<vmem_shared>> -> memref<640xf32, #tpu.memory_space<vmem_shared>>
      tpu.enqueue_dma source(%dma_start3A_861 : memref<640xf32, #tpu.memory_space<vmem_shared>>) target(%dma_start3A_860 : memref<640xf32, #tpu.memory_space<hbm>>) target_semaphore(%run_scoped3A_858 : memref<!tpu.dma_semaphore, #tpu.memory_space<semaphore_mem>>)
      %dma_wait3A_862 = tpu.memref_slice %arg6[%arg0, %multiple_of3A] : memref<2x10240xf32, #tpu.memory_space<hbm>> -> memref<1x640xf32, #tpu.memory_space<hbm>>
      %dma_wait3A_863 = tpu.memref_squeeze %dma_wait3A_862 : memref<1x640xf32, #tpu.memory_space<hbm>> -> memref<640xf32, #tpu.memory_space<hbm>>
      %dma_wait3A_864 = tpu.memref_slice %arg13[%multiple_of3A] : memref<10240xf32, #tpu.memory_space<vmem_shared>> -> memref<640xf32, #tpu.memory_space<vmem_shared>>
      tpu.wait_dma2 semaphore(%run_scoped3A_858 : memref<!tpu.dma_semaphore, #tpu.memory_space<semaphore_mem>>) src(%dma_wait3A_864 : memref<640xf32, #tpu.memory_space<vmem_shared>>) dst(%dma_wait3A_863 : memref<640xf32, #tpu.memory_space<hbm>>)
      tpu.yield
    }) : () -> ()
    return
  }
}

module attributes {stable_mosaic.version = 14 : i64} {
  func.func @_stage_a_kernel(%arg0: i32, %arg1: memref<5000x128xf32, #tpu.memory_space<vmem>>, %arg2: memref<128x32xf32, #tpu.memory_space<vmem>>, %arg3: memref<128x32xf32, #tpu.memory_space<vmem>>, %arg4: memref<5000x32xf32, #tpu.memory_space<vmem>>, %arg5: memref<5000x32xf32, #tpu.memory_space<vmem>>) attributes {dimension_semantics = [#tpu.dimension_semantics<arbitrary>], iteration_bounds = array<i64: 2>, scalar_prefetch = 0 : i64, scratch_operands = 0 : i64, tpu.core_type = #tpu.core_type<tc>, window_params = [{transform_indices = @transform_0, window_bounds = array<i64: 5000, 128>}, {pipeline_mode = #tpu.pipeline_mode<synchronous>, transform_indices = @transform_1, window_bounds = array<i64: 128, 32>}, {pipeline_mode = #tpu.pipeline_mode<synchronous>, transform_indices = @transform_2, window_bounds = array<i64: 128, 32>}, {transform_indices = @transform_3, window_bounds = array<i64: 5000, 32>}, {transform_indices = @transform_4, window_bounds = array<i64: 5000, 32>}]} {
    %get3A = arith.constant 0 : index
    %get3A_0 = arith.constant 0 : index
    %get3A_1 = vector.load %arg1[%get3A, %get3A_0] : memref<5000x128xf32, #tpu.memory_space<vmem>>, vector<5000x128xf32>
    %get3A_2 = arith.constant 0 : index
    %get3A_3 = arith.constant 0 : index
    %get3A_4 = vector.load %arg2[%get3A_2, %get3A_3] : memref<128x32xf32, #tpu.memory_space<vmem>>, vector<128x32xf32>
    %dot_general3A = arith.constant dense<0.000000e+00> : vector<5000x32xf32>
    %dot_general3A_5 = tpu.matmul %get3A_1, %get3A_4, %dot_general3A {dimension_numbers = #tpu.dot_dimension_numbers<[1], [0], [0], [1], [0, 0, 1, 1], [], []>, transpose_lhs_hint = false} : vector<5000x128xf32>, vector<128x32xf32>, vector<5000x32xf32> -> vector<5000x32xf32>
    %swap3A = arith.constant 0 : index
    %swap3A_6 = arith.constant 0 : index
    %swap3A_7 = vector.load %arg4[%swap3A, %swap3A_6] : memref<5000x32xf32, #tpu.memory_space<vmem>>, vector<5000x32xf32>
    tpu.vector_store %arg4[%swap3A, %swap3A_6], %dot_general3A_5 {strides = array<i32>} : memref<5000x32xf32, #tpu.memory_space<vmem>>, vector<5000x32xf32>,
    %get3A_8 = arith.constant 0 : index
    %get3A_9 = arith.constant 0 : index
    %get3A_10 = vector.load %arg3[%get3A_8, %get3A_9] : memref<128x32xf32, #tpu.memory_space<vmem>>, vector<128x32xf32>
    %dot_general3A_11 = arith.constant dense<0.000000e+00> : vector<5000x32xf32>
    %dot_general3A_12 = tpu.matmul %get3A_1, %get3A_10, %dot_general3A_11 {dimension_numbers = #tpu.dot_dimension_numbers<[1], [0], [0], [1], [0, 0, 1, 1], [], []>, transpose_lhs_hint = false} : vector<5000x128xf32>, vector<128x32xf32>, vector<5000x32xf32> -> vector<5000x32xf32>
    %swap3A_13 = arith.constant 0 : index
    %swap3A_14 = arith.constant 0 : index
    %swap3A_15 = vector.load %arg5[%swap3A_13, %swap3A_14] : memref<5000x32xf32, #tpu.memory_space<vmem>>, vector<5000x32xf32>
    tpu.vector_store %arg5[%swap3A_13, %swap3A_14], %dot_general3A_12 {strides = array<i32>} : memref<5000x32xf32, #tpu.memory_space<vmem>>, vector<5000x32xf32>,
    return
  }
  func.func @transform_0(%arg0: i32) -> (i32, i32) {
    %c0_i32 = arith.constant 0 : i32
    %c0_i32_0 = arith.constant 0 : i32
    return %arg0, %c0_i32 : i32, i32
  }
  func.func @transform_1(%arg0: i32) -> (i32, i32) {
    %c0_i32 = arith.constant 0 : i32
    %c0_i32_0 = arith.constant 0 : i32
    %c0_i32_1 = arith.constant 0 : i32
    return %c0_i32, %c0_i32_0 : i32, i32
  }
  func.func @transform_2(%arg0: i32) -> (i32, i32) {
    %c0_i32 = arith.constant 0 : i32
    %c0_i32_0 = arith.constant 0 : i32
    %c0_i32_1 = arith.constant 0 : i32
    return %c0_i32, %c0_i32_0 : i32, i32
  }
  func.func @transform_3(%arg0: i32) -> (i32, i32) {
    %c0_i32 = arith.constant 0 : i32
    %c0_i32_0 = arith.constant 0 : i32
    return %arg0, %c0_i32 : i32, i32
  }
  func.func @transform_4(%arg0: i32) -> (i32, i32) {
    %c0_i32 = arith.constant 0 : i32
    %c0_i32_0 = arith.constant 0 : i32
    return %arg0, %c0_i32 : i32, i32
  }
}

module attributes {stable_mosaic.version = 14 : i64} {
  func.func @_split_kernel(%arg0: i32, %arg1: memref<2x320000xi32, #tpu.memory_space<vmem>>, %arg2: memref<327680xi32, #tpu.memory_space<vmem>>, %arg3: memref<327680xi32, #tpu.memory_space<vmem>>) attributes {dimension_semantics = [#tpu.dimension_semantics<arbitrary>], iteration_bounds = array<i64: 1>, scalar_prefetch = 0 : i64, scratch_operands = 0 : i64, tpu.core_type = #tpu.core_type<tc>, window_params = [{pipeline_mode = #tpu.pipeline_mode<synchronous>, transform_indices = @transform_0, window_bounds = array<i64: 2, 320000>}, {pipeline_mode = #tpu.pipeline_mode<synchronous>, transform_indices = @transform_1, window_bounds = array<i64: 327680>}, {pipeline_mode = #tpu.pipeline_mode<synchronous>, transform_indices = @transform_2, window_bounds = array<i64: 327680>}]} {
    %get3A = arith.constant 0 : index
    %get3A_0 = arith.constant 0 : index
    %get3A_1 = vector.load %arg1[%get3A, %get3A_0] : memref<2x320000xi32, #tpu.memory_space<vmem>>, vector<2x320000xi32>
    %slice3A = vector.extract_strided_slice %get3A_1 {offsets = [0, 0], sizes = [1, 320000], strides = [1, 1]} : vector<2x320000xi32> to vector<1x320000xi32>
    %squeeze3A = vector.shape_cast %slice3A : vector<1x320000xi32> to vector<320000xi32>
    %swap3A = arith.constant 0 : index
    %swap3A_2 = vector.load %arg2[%swap3A] : memref<327680xi32, #tpu.memory_space<vmem>>, vector<320000xi32>
    tpu.vector_store %arg2[%swap3A], %squeeze3A {strides = array<i32>} : memref<327680xi32, #tpu.memory_space<vmem>>, vector<320000xi32>,
    %slice3A_3 = vector.extract_strided_slice %get3A_1 {offsets = [1, 0], sizes = [1, 320000], strides = [1, 1]} : vector<2x320000xi32> to vector<1x320000xi32>
    %squeeze3A_4 = vector.shape_cast %slice3A_3 : vector<1x320000xi32> to vector<320000xi32>
    %swap3A_5 = arith.constant 0 : index
    %swap3A_6 = vector.load %arg3[%swap3A_5] : memref<327680xi32, #tpu.memory_space<vmem>>, vector<320000xi32>
    tpu.vector_store %arg3[%swap3A_5], %squeeze3A_4 {strides = array<i32>} : memref<327680xi32, #tpu.memory_space<vmem>>, vector<320000xi32>,
    %iota3A = tpu.iota {dimensions = array<i32: 1>} : vector<1x7680xi32>
    %iota3A_7 = vector.shape_cast %iota3A : vector<1x7680xi32> to vector<7680xi32>
    %jit3A = arith.constant 240 : i32
    %eq3A = arith.constant 0 : i32
    %eq3A_8 = arith.cmpi eq, %jit3A, %eq3A : i32
    %jit3A_9 = arith.constant 1 : i32
    %select_n3A = arith.select %eq3A_8, %jit3A_9, %jit3A : i32
    %rem3A = vector.broadcast %select_n3A : i32 to vector<7680xi32>
    %rem3A_10 = arith.remsi %iota3A_7, %rem3A : vector<7680xi32>
    %ne3A = arith.constant 0 : i32
    %ne3A_11 = vector.broadcast %ne3A : i32 to vector<7680xi32>
    %ne3A_12 = arith.cmpi ne, %rem3A_10, %ne3A_11 : vector<7680xi32>
    %lt3A = arith.constant 0 : i32
    %lt3A_13 = vector.broadcast %lt3A : i32 to vector<7680xi32>
    %lt3A_14 = arith.cmpi slt, %rem3A_10, %lt3A_13 : vector<7680xi32>
    %lt3A_15 = arith.constant 0 : i32
    %lt3A_16 = arith.cmpi slt, %select_n3A, %lt3A_15 : i32
    %ne3A_17 = vector.broadcast %lt3A_16 : i1 to vector<7680xi1>
    %ne3A_18 = vector.broadcast %ne3A_17 : vector<7680xi1> to vector<7680xi1>
    %ne3A_19 = arith.xori %lt3A_14, %ne3A_18 : vector<7680xi1>
    %and3A = arith.andi %ne3A_19, %ne3A_12 : vector<7680xi1>
    %add3A = vector.broadcast %select_n3A : i32 to vector<7680xi32>
    %add3A_20 = arith.addi %rem3A_10, %add3A : vector<7680xi32>
    %select_n3A_21 = arith.select %and3A, %add3A_20, %rem3A_10 : vector<7680xi1>, vector<7680xi32>
    %swap3A_22 = arith.constant 320000 : index
    %swap3A_23 = vector.load %arg2[%swap3A_22] : memref<327680xi32, #tpu.memory_space<vmem>>, vector<7680xi32>
    tpu.vector_store %arg2[%swap3A_22], %select_n3A_21 {strides = array<i32>} : memref<327680xi32, #tpu.memory_space<vmem>>, vector<7680xi32>,
    %add3A_24 = arith.constant 10000 : i32
    %add3A_25 = vector.broadcast %add3A_24 : i32 to vector<7680xi32>
    %add3A_26 = arith.addi %add3A_25, %select_n3A_21 : vector<7680xi32>
    %swap3A_27 = arith.constant 320000 : index
    %swap3A_28 = vector.load %arg3[%swap3A_27] : memref<327680xi32, #tpu.memory_space<vmem>>, vector<7680xi32>
    tpu.vector_store %arg3[%swap3A_27], %add3A_26 {strides = array<i32>} : memref<327680xi32, #tpu.memory_space<vmem>>, vector<7680xi32>,
    return
  }
  func.func @transform_0(%arg0: i32) -> (i32, i32) {
    %c0_i32 = arith.constant 0 : i32
    %c0_i32_0 = arith.constant 0 : i32
    %c0_i32_1 = arith.constant 0 : i32
    return %c0_i32, %c0_i32_0 : i32, i32
  }
  func.func @transform_1(%arg0: i32) -> i32 {
    %c0_i32 = arith.constant 0 : i32
    %c0_i32_0 = arith.constant 0 : i32
    return %c0_i32 : i32
  }
  func.func @transform_2(%arg0: i32) -> i32 {
    %c0_i32 = arith.constant 0 : i32
    %c0_i32_0 = arith.constant 0 : i32
    return %c0_i32 : i32
  }
}

module attributes {stable_mosaic.version = 14 : i64} {
  func.func @_stage_c_kernel(%arg0: i32, %arg1: memref<5000x32xf32, #tpu.memory_space<vmem>>, %arg2: memref<2x5000x32xf32, #tpu.memory_space<vmem>>, %arg3: memref<5000x1xf32, #tpu.memory_space<vmem>>, %arg4: memref<5000x1xf32, #tpu.memory_space<vmem>>, %arg5: memref<1x32xf32, #tpu.memory_space<vmem>>, %arg6: memref<32x40xf32, #tpu.memory_space<vmem>>, %arg7: memref<5000x32xf32, #tpu.memory_space<vmem>>, %arg8: memref<5000x40xf32, #tpu.memory_space<vmem>>, %arg9: memref<5000x1xf32, #tpu.memory_space<vmem>>) attributes {dimension_semantics = [#tpu.dimension_semantics<arbitrary>], iteration_bounds = array<i64: 2>, scalar_prefetch = 0 : i64, scratch_operands = 0 : i64, tpu.core_type = #tpu.core_type<tc>, window_params = [{transform_indices = @transform_0, window_bounds = array<i64: 5000, 32>}, {transform_indices = @transform_1, window_bounds = array<i64: 2, 5000, 32>}, {transform_indices = @transform_2, window_bounds = array<i64: 5000, 1>}, {transform_indices = @transform_3, window_bounds = array<i64: 5000, 1>}, {pipeline_mode = #tpu.pipeline_mode<synchronous>, transform_indices = @transform_4, window_bounds = array<i64: 1, 32>}, {pipeline_mode = #tpu.pipeline_mode<synchronous>, transform_indices = @transform_5, window_bounds = array<i64: 32, 40>}, {transform_indices = @transform_6, window_bounds = array<i64: 5000, 32>}, {transform_indices = @transform_7, window_bounds = array<i64: 5000, 40>}, {transform_indices = @transform_8, window_bounds = array<i64: 5000, 1>}]} {
    %get3A = arith.constant 0 : index
    %get3A_0 = arith.constant 0 : index
    %get3A_1 = vector.load %arg3[%get3A, %get3A_0] : memref<5000x1xf32, #tpu.memory_space<vmem>>, vector<5000x1xf32>
    %get3A_2 = arith.constant 0 : index
    %get3A_3 = arith.constant 0 : index
    %get3A_4 = vector.load %arg4[%get3A_2, %get3A_3] : memref<5000x1xf32, #tpu.memory_space<vmem>>, vector<5000x1xf32>
    %add3A = arith.addf %get3A_1, %get3A_4 : vector<5000x1xf32>
    %max3A = arith.constant 1.000000e+00 : f32
    %max3A_5 = vector.broadcast %max3A : f32 to vector<5000x1xf32>
    %max3A_6 = arith.maximumf %add3A, %max3A_5 : vector<5000x1xf32>
    %div3A = arith.constant 1.000000e+00 : f32
    %div3A_7 = vector.broadcast %div3A : f32 to vector<5000x1xf32>
    %div3A_8 = arith.divf %div3A_7, %max3A_6 : vector<5000x1xf32>
    %get3A_9 = arith.constant 0 : index
    %get3A_10 = arith.constant 0 : index
    %get3A_11 = vector.load %arg1[%get3A_9, %get3A_10] : memref<5000x32xf32, #tpu.memory_space<vmem>>, vector<5000x32xf32>
    %get3A_12 = arith.constant 0 : index
    %get3A_13 = arith.constant 0 : index
    %get3A_14 = arith.constant 0 : index
    %get3A_15 = vector.load %arg2[%get3A_12, %get3A_13, %get3A_14] : memref<2x5000x32xf32, #tpu.memory_space<vmem>>, vector<1x5000x32xf32>
    %get3A_16 = vector.shape_cast %get3A_15 : vector<1x5000x32xf32> to vector<5000x32xf32>
    %get3A_17 = arith.constant 1 : index
    %get3A_18 = arith.constant 0 : index
    %get3A_19 = arith.constant 0 : index
    %get3A_20 = vector.load %arg2[%get3A_17, %get3A_18, %get3A_19] : memref<2x5000x32xf32, #tpu.memory_space<vmem>>, vector<1x5000x32xf32>
    %get3A_21 = vector.shape_cast %get3A_20 : vector<1x5000x32xf32> to vector<5000x32xf32>
    %add3A_22 = arith.addf %get3A_16, %get3A_21 : vector<5000x32xf32>
    %mul3A = vector.broadcast %div3A_8 : vector<5000x1xf32> to vector<5000x32xf32>
    %mul3A_23 = arith.mulf %add3A_22, %mul3A : vector<5000x32xf32>
    %add3A_24 = arith.addf %get3A_11, %mul3A_23 : vector<5000x32xf32>
    %get3A_25 = arith.constant 0 : index
    %get3A_26 = arith.constant 0 : index
    %get3A_27 = vector.load %arg5[%get3A_25, %get3A_26] : memref<1x32xf32, #tpu.memory_space<vmem>>, vector<1x32xf32>
    %add3A_28 = vector.broadcast %get3A_27 : vector<1x32xf32> to vector<5000x32xf32>
    %add3A_29 = arith.addf %add3A_24, %add3A_28 : vector<5000x32xf32>
    %max3A_30 = arith.constant 0.000000e+00 : f32
    %max3A_31 = vector.broadcast %max3A_30 : f32 to vector<5000x32xf32>
    %max3A_32 = arith.maximumf %add3A_29, %max3A_31 : vector<5000x32xf32>
    %swap3A = arith.constant 0 : index
    %swap3A_33 = arith.constant 0 : index
    %swap3A_34 = vector.load %arg7[%swap3A, %swap3A_33] : memref<5000x32xf32, #tpu.memory_space<vmem>>, vector<5000x32xf32>
    tpu.vector_store %arg7[%swap3A, %swap3A_33], %max3A_32 {strides = array<i32>} : memref<5000x32xf32, #tpu.memory_space<vmem>>, vector<5000x32xf32>,
    %get3A_35 = arith.constant 0 : index
    %get3A_36 = arith.constant 0 : index
    %get3A_37 = vector.load %arg6[%get3A_35, %get3A_36] : memref<32x40xf32, #tpu.memory_space<vmem>>, vector<32x40xf32>
    %dot_general3A = arith.constant dense<0.000000e+00> : vector<5000x40xf32>
    %dot_general3A_38 = tpu.matmul %max3A_32, %get3A_37, %dot_general3A {dimension_numbers = #tpu.dot_dimension_numbers<[1], [0], [0], [1], [0, 0, 1, 1], [], []>, transpose_lhs_hint = false} : vector<5000x32xf32>, vector<32x40xf32>, vector<5000x40xf32> -> vector<5000x40xf32>
    %swap3A_39 = arith.constant 0 : index
    %swap3A_40 = arith.constant 0 : index
    %swap3A_41 = vector.load %arg8[%swap3A_39, %swap3A_40] : memref<5000x40xf32, #tpu.memory_space<vmem>>, vector<5000x40xf32>
    tpu.vector_store %arg8[%swap3A_39, %swap3A_40], %dot_general3A_38 {strides = array<i32>} : memref<5000x40xf32, #tpu.memory_space<vmem>>, vector<5000x40xf32>,
    %swap3A_42 = arith.constant 0 : index
    %swap3A_43 = arith.constant 0 : index
    %swap3A_44 = vector.load %arg9[%swap3A_42, %swap3A_43] : memref<5000x1xf32, #tpu.memory_space<vmem>>, vector<5000x1xf32>
    tpu.vector_store %arg9[%swap3A_42, %swap3A_43], %div3A_8 {strides = array<i32>} : memref<5000x1xf32, #tpu.memory_space<vmem>>, vector<5000x1xf32>,
    return
  }
  func.func @transform_0(%arg0: i32) -> (i32, i32) {
    %c0_i32 = arith.constant 0 : i32
    %c0_i32_0 = arith.constant 0 : i32
    return %arg0, %c0_i32 : i32, i32
  }
  func.func @transform_1(%arg0: i32) -> (i32, i32, i32) {
    %c0_i32 = arith.constant 0 : i32
    %c0_i32_0 = arith.constant 0 : i32
    %c0_i32_1 = arith.constant 0 : i32
    return %c0_i32, %arg0, %c0_i32_0 : i32, i32, i32
  }
  func.func @transform_2(%arg0: i32) -> (i32, i32) {
    %c0_i32 = arith.constant 0 : i32
    %c0_i32_0 = arith.constant 0 : i32
    return %arg0, %c0_i32 : i32, i32
  }
  func.func @transform_3(%arg0: i32) -> (i32, i32) {
    %c0_i32 = arith.constant 0 : i32
    %c0_i32_0 = arith.constant 0 : i32
    return %arg0, %c0_i32 : i32, i32
  }
  func.func @transform_4(%arg0: i32) -> (i32, i32) {
    %c0_i32 = arith.constant 0 : i32
    %c0_i32_0 = arith.constant 0 : i32
    %c0_i32_1 = arith.constant 0 : i32
    return %c0_i32, %c0_i32_0 : i32, i32
  }
  func.func @transform_5(%arg0: i32) -> (i32, i32) {
    %c0_i32 = arith.constant 0 : i32
    %c0_i32_0 = arith.constant 0 : i32
    %c0_i32_1 = arith.constant 0 : i32
    return %c0_i32, %c0_i32_0 : i32, i32
  }
  func.func @transform_6(%arg0: i32) -> (i32, i32) {
    %c0_i32 = arith.constant 0 : i32
    %c0_i32_0 = arith.constant 0 : i32
    return %arg0, %c0_i32 : i32, i32
  }
  func.func @transform_7(%arg0: i32) -> (i32, i32) {
    %c0_i32 = arith.constant 0 : i32
    %c0_i32_0 = arith.constant 0 : i32
    return %arg0, %c0_i32 : i32, i32
  }
  func.func @transform_8(%arg0: i32) -> (i32, i32) {
    %c0_i32 = arith.constant 0 : i32
    %c0_i32_0 = arith.constant 0 : i32
    return %arg0, %c0_i32 : i32, i32
  }
}

module attributes {stable_mosaic.version = 14 : i64} {
  func.func @_stage_e_kernel(%arg0: i32, %arg1: memref<5000x40xf32, #tpu.memory_space<vmem>>, %arg2: memref<2x5000x32xf32, #tpu.memory_space<vmem>>, %arg3: memref<5000x1xf32, #tpu.memory_space<vmem>>, %arg4: memref<32x40xf32, #tpu.memory_space<vmem>>, %arg5: memref<1x40xf32, #tpu.memory_space<vmem>>, %arg6: memref<5000x40xf32, #tpu.memory_space<vmem>>) attributes {dimension_semantics = [#tpu.dimension_semantics<arbitrary>], iteration_bounds = array<i64: 2>, scalar_prefetch = 0 : i64, scratch_operands = 0 : i64, tpu.core_type = #tpu.core_type<tc>, window_params = [{transform_indices = @transform_0, window_bounds = array<i64: 5000, 40>}, {transform_indices = @transform_1, window_bounds = array<i64: 2, 5000, 32>}, {transform_indices = @transform_2, window_bounds = array<i64: 5000, 1>}, {pipeline_mode = #tpu.pipeline_mode<synchronous>, transform_indices = @transform_3, window_bounds = array<i64: 32, 40>}, {pipeline_mode = #tpu.pipeline_mode<synchronous>, transform_indices = @transform_4, window_bounds = array<i64: 1, 40>}, {transform_indices = @transform_5, window_bounds = array<i64: 5000, 40>}]} {
    %get3A = arith.constant 0 : index
    %get3A_0 = arith.constant 0 : index
    %get3A_1 = arith.constant 0 : index
    %get3A_2 = vector.load %arg2[%get3A, %get3A_0, %get3A_1] : memref<2x5000x32xf32, #tpu.memory_space<vmem>>, vector<1x5000x32xf32>
    %get3A_3 = vector.shape_cast %get3A_2 : vector<1x5000x32xf32> to vector<5000x32xf32>
    %get3A_4 = arith.constant 1 : index
    %get3A_5 = arith.constant 0 : index
    %get3A_6 = arith.constant 0 : index
    %get3A_7 = vector.load %arg2[%get3A_4, %get3A_5, %get3A_6] : memref<2x5000x32xf32, #tpu.memory_space<vmem>>, vector<1x5000x32xf32>
    %get3A_8 = vector.shape_cast %get3A_7 : vector<1x5000x32xf32> to vector<5000x32xf32>
    %add3A = arith.addf %get3A_3, %get3A_8 : vector<5000x32xf32>
    %get3A_9 = arith.constant 0 : index
    %get3A_10 = arith.constant 0 : index
    %get3A_11 = vector.load %arg3[%get3A_9, %get3A_10] : memref<5000x1xf32, #tpu.memory_space<vmem>>, vector<5000x1xf32>
    %mul3A = vector.broadcast %get3A_11 : vector<5000x1xf32> to vector<5000x32xf32>
    %mul3A_12 = arith.mulf %add3A, %mul3A : vector<5000x32xf32>
    %get3A_13 = arith.constant 0 : index
    %get3A_14 = arith.constant 0 : index
    %get3A_15 = vector.load %arg1[%get3A_13, %get3A_14] : memref<5000x40xf32, #tpu.memory_space<vmem>>, vector<5000x40xf32>
    %get3A_16 = arith.constant 0 : index
    %get3A_17 = arith.constant 0 : index
    %get3A_18 = vector.load %arg4[%get3A_16, %get3A_17] : memref<32x40xf32, #tpu.memory_space<vmem>>, vector<32x40xf32>
    %dot_general3A = arith.constant dense<0.000000e+00> : vector<5000x40xf32>
    %dot_general3A_19 = tpu.matmul %mul3A_12, %get3A_18, %dot_general3A {dimension_numbers = #tpu.dot_dimension_numbers<[1], [0], [0], [1], [0, 0, 1, 1], [], []>, transpose_lhs_hint = false} : vector<5000x32xf32>, vector<32x40xf32>, vector<5000x40xf32> -> vector<5000x40xf32>
    %add3A_20 = arith.addf %get3A_15, %dot_general3A_19 : vector<5000x40xf32>
    %get3A_21 = arith.constant 0 : index
    %get3A_22 = arith.constant 0 : index
    %get3A_23 = vector.load %arg5[%get3A_21, %get3A_22] : memref<1x40xf32, #tpu.memory_space<vmem>>, vector<1x40xf32>
    %add3A_24 = vector.broadcast %get3A_23 : vector<1x40xf32> to vector<5000x40xf32>
    %add3A_25 = arith.addf %add3A_20, %add3A_24 : vector<5000x40xf32>
    %reduce_max3A = arith.constant dense<0xFF800000> : vector<5000xf32>
    %reduce_max3A_26 = vector.multi_reduction <maximumf>, %add3A_25, %reduce_max3A [1] : vector<5000x40xf32> to vector<5000xf32>
    %broadcast_in_dim3A = vector.shape_cast %reduce_max3A_26 : vector<5000xf32> to vector<5000x1xf32>
    %sub3A = vector.broadcast %broadcast_in_dim3A : vector<5000x1xf32> to vector<5000x40xf32>
    %sub3A_27 = arith.subf %add3A_25, %sub3A : vector<5000x40xf32>
    %exp3A = math.exp %sub3A_27 : vector<5000x40xf32>
    %reduce_sum3A = arith.constant dense<0.000000e+00> : vector<5000xf32>
    %reduce_sum3A_28 = vector.multi_reduction <add>, %exp3A, %reduce_sum3A [1] : vector<5000x40xf32> to vector<5000xf32>
    %broadcast_in_dim3A_29 = vector.shape_cast %reduce_sum3A_28 : vector<5000xf32> to vector<5000x1xf32>
    %log3A = math.log %broadcast_in_dim3A_29 : vector<5000x1xf32>
    %add3A_30 = arith.addf %broadcast_in_dim3A, %log3A : vector<5000x1xf32>
    %sub3A_31 = vector.broadcast %add3A_30 : vector<5000x1xf32> to vector<5000x40xf32>
    %sub3A_32 = arith.subf %add3A_25, %sub3A_31 : vector<5000x40xf32>
    %swap3A = arith.constant 0 : index
    %swap3A_33 = arith.constant 0 : index
    %swap3A_34 = vector.load %arg6[%swap3A, %swap3A_33] : memref<5000x40xf32, #tpu.memory_space<vmem>>, vector<5000x40xf32>
    tpu.vector_store %arg6[%swap3A, %swap3A_33], %sub3A_32 {strides = array<i32>} : memref<5000x40xf32, #tpu.memory_space<vmem>>, vector<5000x40xf32>,
    return
  }
  func.func @transform_0(%arg0: i32) -> (i32, i32) {
    %c0_i32 = arith.constant 0 : i32
    %c0_i32_0 = arith.constant 0 : i32
    return %arg0, %c0_i32 : i32, i32
  }
  func.func @transform_1(%arg0: i32) -> (i32, i32, i32) {
    %c0_i32 = arith.constant 0 : i32
    %c0_i32_0 = arith.constant 0 : i32
    %c0_i32_1 = arith.constant 0 : i32
    return %c0_i32, %arg0, %c0_i32_0 : i32, i32, i32
  }
  func.func @transform_2(%arg0: i32) -> (i32, i32) {
    %c0_i32 = arith.constant 0 : i32
    %c0_i32_0 = arith.constant 0 : i32
    return %arg0, %c0_i32 : i32, i32
  }
  func.func @transform_3(%arg0: i32) -> (i32, i32) {
    %c0_i32 = arith.constant 0 : i32
    %c0_i32_0 = arith.constant 0 : i32
    %c0_i32_1 = arith.constant 0 : i32
    return %c0_i32, %c0_i32_0 : i32, i32
  }
  func.func @transform_4(%arg0: i32) -> (i32, i32) {
    %c0_i32 = arith.constant 0 : i32
    %c0_i32_0 = arith.constant 0 : i32
    %c0_i32_1 = arith.constant 0 : i32
    return %c0_i32, %c0_i32_0 : i32, i32
  }
  func.func @transform_5(%arg0: i32) -> (i32, i32) {
    %c0_i32 = arith.constant 0 : i32
    %c0_i32_0 = arith.constant 0 : i32
    return %arg0, %c0_i32 : i32, i32
  }
}

</mosaic_0001>

<sc_bundles>
// kernel: kernel.11.cloned.1.call-start
scs
__scs_entry_jumppad:
0x0: {  	(pc) =	sbr.rel $0x88, $3  }
0x1: {  	(tag) =	ssettag $0x0;
	lr =	simm.s32 $0x1  }
0x2: {  	[smem:$0x3F99] =	sst lr;
	_ =	strace $0xD0000000  }
0x3: {  	_ = 	snop  }
0x4: {  	_ = 	snop  }
0x5: {  	_ = 	snop  }
0x6: {  	_ = 	snop  }
0x7: {  	_ = 	snop  }
__scs_overlays_trampoline_lowered:
0x8: {  	[smem:$0x3FA8] =	sst s0  }
0x9: {  	[smem:$0x3FA9] =	sst s1  }
0xa: {  	[smem:$0x3FAA] =	sst s2  }
0xb: {  	[smem:$0x3FAB] =	sst s3  }
0xc: {  	[smem:$0x3FAC] =	sst s4  }
0xd: {  	[smem:$0x3FAD] =	sst s5  }
0xe: {  	[smem:$0x3FAE] =	sst s6  }
0xf: {  	[smem:$0x3FAF] =	sst s7  }
0x10: {  	[smem:$0x3FB0] =	sst s8  }
0x11: {  	[smem:$0x3FB1] =	sst s9;
	s0 =	simm.s32 @!p0 $0x0  }
0x12: {  	s1 =	sld [smem:$0x3F97];
	s0 =	simm.s32 @p0 $0x1  }
0x13: {  	[smem:$0x3FB2] =	sst s0;
	s0 =	simm.s32 @!p1 $0x0  }
0x14: {  	s2 =	sld [smem:$0x3F96];
	s0 =	simm.s32 @p1 $0x1  }
0x15: {  	[smem:$0x3FB3] =	sst s0;
	s0 =	simm.s32 @!p2 $0x0  }
0x16: {  	s3 =	sld [smem:$0x3FDB];
	s0 =	simm.s32 @p2 $0x1  }
0x17: {  	s4 =	simm.s32 $0x1BF5;
	[smem:$0x3FB5] =	sst s0  }
0x18: {  	s0 =	sld [smem:$0x3F98];
	_ =	swait.ge [sflag:s4], $0x0  }
0x19: {  	s7 =	sld [smem:$0x3F99]  }
0x1a: {  	s8 =	sadd.s32 $0xFFFFE003, lr  }
0x1b: {  	s9 =	sadd.s32 $0xFFFFFEF7, lr;
	s5 =	simm.s32 $0xFFFFFFFF;
	p2 =	slt.u32 s8, $0xFFFFF086  }
0x1c: {  	p1 =	slt.u32 s9, $0xF7A;
	s5 =	simm.s32 @!p2 $0x0  }
0x1d: {  	s5 =	simm.s32 @p1 $0x1;
	p0 =	seq.s32 s7, s2  }
0x1e: {  	s7 =	smul.u32 @!p0 $0xF7A, s2;
	p2 =	seq.s32 @!p0 s5, $0x0  }
0x1f: {  	s9 =	smul.u32 $0xF7A, s1;
	s8 =	simm.s32 @!p0 $0x1BF5;
	p2 =	por !p2, p0  }
0x20: {  	[sflag:s8] =	ssyncset.s32 @!p0 $0xFFFFF086;
	s6 =	sadd.s32 @!p0 s3, s7;
	s7 =	simm.s32 @!p0 $0x108  }
0x21: {  	s3 =	sadd.s32 s3, s9;
	s6 =	sadd.s32 @!p0 $0x88, s6;
	s7 =	simm.s32 @p2 $0x1082  }
0x22: {  	[simem:s7], [sflag:s8] =	dma.local @!p0 [hbm:s6], $0xF7A  }
0x23: {  	s9 =	sor.u32 $0xD0000000, s2;
	s6 =	simm.s32 $0x108;
	_ =	swait.ge @!p0 [sflag:s8], $0x0  }
0x24: {  	s3 =	sadd.s32 $0x88, s3;
	s6 =	simm.s32 @!p1 $0x1082;
	[sflag:s4] =	ssyncset.s32 $0xFFFFF086  }
0x25: {  	[simem:s6], [sflag:s4] =	dma.local [hbm:s3], $0xF7A  }
0x26: {  	[smem:$0x3F99] =	sst s1;
	(tag) =	ssettag s2;
	_ =	strace s9  }
0x27: {  	s1 =	sld [smem:$0x3FA9]  }
0x28: {  	s2 =	sld [smem:$0x3FAA]  }
0x29: {  	s4 =	sld [smem:$0x3FAC]  }
0x2a: {  	p0 =	seq.s32 s5, $0x0;
	s5 =	sld [smem:$0x3FAD]  }
0x2b: {  	s6 =	sld [smem:$0x3FAE]  }
0x2c: {  	s7 =	sld [smem:$0x3FAF]  }
0x2d: {  	s3 =	simm.s32 $0x108;
	s8 =	sld [smem:$0x3FB0]  }
0x2e: {  	s3 =	simm.s32 @!p0 $0x1082;
	s9 =	sld [smem:$0x3FB1]  }
0x2f: {  	lr =	sadd.s32 s0, s3;
	s0 =	sld [smem:$0x3FA8]  }
0x30: {  	s3 =	sld [smem:$0x3FAB]  }
0x31: {  	[smem:$0x3FB4] =	sst s10  }
0x32: {  	s10 =	sld [smem:$0x3FB2];
	_ =	sdelay $0x3  }
0x33: {  	p0 =	seq.s32 s10, $0x1;
	s10 =	sld [smem:$0x3FB4];
	_ =	sdelay $0x3  }
0x34: {  	[smem:$0x3FB4] =	sst s10  }
0x35: {  	s10 =	sld [smem:$0x3FB3];
	_ =	sdelay $0x3  }
0x36: {  	p1 =	seq.s32 s10, $0x1;
	s10 =	sld [smem:$0x3FB4];
	_ =	sdelay $0x3  }
0x37: {  	[smem:$0x3FB4] =	sst s10  }
0x38: {  	s10 =	sld [smem:$0x3FB5]  }
0x39: {  	_ = 	snop;
	(pc) =	sbr.ind lr, $3  }
0x3a: {  	_ = 	snop  }
0x3b: {  	_ = 	snop  }
0x3c: {  	p2 =	seq.s32 s10, $0x1;
	s10 =	sld [smem:$0x3FB4]  }
0x3d: {  	_ =	shalt  }
0x3e: {  	_ =	shalt  }
0x3f: {  	_ =	shalt  }
0x40: {  	_ =	shalt  }
0x41: {  	_ =	shalt  }
0x42: {  	_ =	shalt  }
0x43: {  	_ =	shalt  }
0x44: {  	_ =	shalt  }
0x45: {  	_ =	shalt  }
0x46: {  	_ =	shalt  }
0x47: {  	_ =	shalt  }
0x48: {  	_ =	shalt  }
0x49: {  	_ =	shalt  }
0x4a: {  	_ =	shalt  }
0x4b: {  	_ =	shalt  }
0x4c: {  	_ =	shalt  }
0x4d: {  	_ =	shalt  }
0x4e: {  	_ =	shalt  }
0x4f: {  	_ =	shalt  }
0x50: {  	_ =	shalt  }
0x51: {  	_ =	shalt  }
0x52: {  	_ =	shalt  }
0x53: {  	_ =	shalt  }
0x54: {  	_ =	shalt  }
0x55: {  	_ =	shalt  }
0x56: {  	_ =	shalt  }
0x57: {  	_ =	shalt  }
0x58: {  	_ =	shalt  }
0x59: {  	_ =	shalt  }
0x5a: {  	_ =	shalt  }
0x5b: {  	_ =	shalt  }
0x5c: {  	_ =	shalt  }
0x5d: {  	_ =	shalt  }
0x5e: {  	_ =	shalt  }
0x5f: {  	_ =	shalt  }
0x60: {  	_ =	shalt  }
0x61: {  	_ =	shalt  }
0x62: {  	_ =	shalt  }
0x63: {  	_ =	shalt  }
0x64: {  	_ =	shalt  }
0x65: {  	_ =	shalt  }
0x66: {  	_ =	shalt  }
0x67: {  	_ =	shalt  }
0x68: {  	_ =	shalt  }
0x69: {  	_ =	shalt  }
0x6a: {  	_ =	shalt  }
0x6b: {  	_ =	shalt  }
0x6c: {  	_ =	shalt  }
0x6d: {  	_ =	shalt  }
0x6e: {  	_ =	shalt  }
0x6f: {  	_ =	shalt  }
0x70: {  	_ =	shalt  }
0x71: {  	_ =	shalt  }
0x72: {  	_ =	shalt  }
0x73: {  	_ =	shalt  }
0x74: {  	_ =	shalt  }
0x75: {  	_ =	shalt  }
0x76: {  	_ =	shalt  }
0x77: {  	_ =	shalt  }
0x78: {  	_ =	shalt  }
0x79: {  	_ =	shalt  }
0x7a: {  	_ =	shalt  }
0x7b: {  	_ =	shalt  }
0x7c: {  	_ =	shalt  }
0x7d: {  	_ =	shalt  }
0x7e: {  	_ =	shalt  }
0x7f: {  	_ =	shalt  }
0x80: {  	_ =	shalt  }
0x81: {  	_ =	shalt  }
0x82: {  	_ =	shalt  }
0x83: {  	_ =	shalt  }
0x84: {  	_ =	shalt  }
0x85: {  	_ =	shalt  }
0x86: {  	_ =	shalt  }
0x87: {  	_ =	shalt  }
.Lfunc_end0:
.L_simem_size_0:
called_computation.1_lowered:
.L_overlay_start_0:
0x88: {  	s2 =	sld [smem:$0x3FD9]  }
0x89: {  	s3 =	sld [smem:$0x3FFE];
	_ =	sdelay $0x1  }
0x8a: {  	s1 =	srdreg.scid  }
0x8b: {  	s0 =	sand.u32 $0x1, s1  }
0x8c: {  	s17 =	sshll.u32 s0, $0xA;
	s2 =	sadd.s32 s3, s2  }
0x8d: {  	s2 =	sadd.s32 s2, s17  }
0x8e: {  	[smem:$0x3FC0] =	sst s2  }
0x8f: {  	_ = 	snop  }
0x90: {  	s2 =	sld [smem:$0x3FD0];
	(tm) =	ssettm $0x1  }
0x91: {  	s18 =	sld [smem:$0x3FFB];
	_ =	sdelay $0x3  }
0x92: {  	_ =	strace s18  }
0x93: {  	s3 =	sld [smem:$0x3FFC];
	_ =	sdelay $0x3  }
0x94: {  	_ =	strace s3  }
0x95: {  	s3 =	sld [smem:$0x3FFD];
	_ =	sdelay $0x3  }
0x96: {  	_ =	strace s3  }
0x97: {  	_ =	strace $0x8FFFFFFF  }
0x98: {  	s19 =	sld [smem:$0x3FDB];
	_ =	sdelay $0x1  }
0x99: {  	s4 =	simm.s32 $_scs_section_size  }
0x9a: {  	s5 =	simm.s32 $_size__tile_overlayer_lowered;
	s6 =	simm.s32 $_tile_overlayer_lowered  }
0x9b: {  	s22 =	simm.s32 $0x1BFF;
	s21 =	sshll.u32 s6, $0x1;
	s3 =	sadd.s32 s4, s19  }
0x9c: {  	s7 =	simm.s32 $0x0;
	s20 =	sshll.u32 s5, $0x1;
	s5 =	sadd.s32 s21, s3  }
0x9d: {  	[timem:s7], [sflag:s22] =	dma.local [hbm:s5], s20  }
0x9e: {  	_ =	swait.ge [sflag:s22], s20  }
0x9f: {  	s4 =	ssub.s32 $0x0, s20;
	[sflag:s22] =	ssyncset.done $0x0  }
0xa0: {  	[sflag:s22] =	ssyncadd.s32 s4;
	_ =	sdelay $0x1  }
0xa1: {  	s23 =	simm.s32 $0x1B8B  }
0xa2: {  	_ =	swait.ge [sflag:s23], $0x1  }
0xa3: {  	[sflag:s23] =	ssyncset.done $0x0  }
0xa4: {  	s25 =	simm.s32 $0x1B8E;
	s24 =	sld [smem:$0x3FFE];
	[sflag:s23] =	ssyncadd.s32 $0xFFFFFFFF  }
0xa5: {  	s26 =	simm.s32 $execute0_lowered;
	[smem:$0x3FD2] =	sst s25  }
0xa6: {  	s5 =	sshll.u32 s26, $0x1;
	_ =	strace $0x80000049;
	[dreg:$0x1] =	wrdreg $0xFFFFFFFF  }
0xa7: {  	s28 =	simm.s32 $_size_execute0_lowered;
	s3 =	sadd.s32 s3, s5;
	[dreg:$0x0] =	wrdreg $0x0  }
0xa8: {  	s5 =	sshll.u32 s28, $0x1;
	[dreg:$0x2] =	wrdreg s3  }
0xa9: {  	[dreg:$0x3] =	wrdreg s5  }
0xaa: {  	[dreg:$0x4] =	wrdreg $0xC0  }
0xab: {  	_ =	task [dreg:s7], $0x5FFFF  }
0xac: {  	[dreg:$0x1] =	wrdreg $0xFFFFFFFF  }
0xad: {  	[dreg:$0x0] =	wrdreg $0x60  }
0xae: {  	[dreg:$0x2] =	wrdreg s24  }
0xaf: {  	[dreg:$0x3] =	wrdreg s2  }
0xb0: {  	[dreg:$0x4] =	wrdreg $0x190000  }
0xb1: {  	[dreg:$0x5] =	wrdreg $0x9  }
0xb2: {  	_ =	task.clear_ibuf [dreg:s7], $0x6FFFF;
	_ =	strace $0x90000049  }
0xb3: {  	s29 =	simm.s32 $0x9;
	_ =	strace $0x8000004B  }
0xb4: {  	_ =	swait.ge [sflag:s29], $0x1  }
0xb5: {  	[sflag:s29] =	ssyncadd.s32 $0xFFFFFFFF  }
0xb6: {  	_ =	strace $0x9000004B  }
0xb7: {  	_ =	sfence  }
0xb8: {  	s30 =	sld [smem:$0x0];
	_ =	sdelay $0x2  }
0xb9: {  	s31 =	sshll.u32 s1, $0xD;
	s1 =	sshrl.u32 s1, $0x2  }
0xba: {  	s3 =	sand.u32 $0x4000, s31;
	s1 =	sadd.s32 s1, s30  }
0xbb: {  	s0 =	sor.u32 s3, s0;
	s1 =	sshll.u32 s1, $0x11  }
0xbc: {  	s0 =	sor.u32 s1, s0  }
0xbd: {  	s0 =	sadd.s32 $0x8F2B, s0  }
0xbe: {  	[sflag:s0] =	ssyncadd.remote.s32 $0x1  }
0xbf: {  	_ =	sfence.sel $0xFFFF  }
0xc0: {  	[dreg:$0x0] =	wrdreg $0xFFFFFFFF;
	(pc) =	sbr.abs _section_cstart, $3  }
0xc1: {  	[dreg:$0x1] =	wrdreg $0xFFFFFFFF  }
0xc2: {  	_ =	task.clear_ibuf [dreg:s7], $0x2FFFF;
	_ =	strace $0x9FFFFFFF  }
0xc3: {  	(tm) =	ssettm $0x7FFFFFFF  }
tec
execute0_lowered:
.L_overlay_start_1:
0x0: {  	(tag) =	ssettag $0x1  }
0x1: {  	s0 =	rddreg [dreg:$0x0]  }
0x2: {  	s1 =	rddreg [dreg:$0x1]  }
0x3: {  	s2 =	rddreg [dreg:$0x2]  }
0x4: {  	s4 =	srdreg.scid;
	s9 =	stileid.u32  }
0x5: {  	s3 =	simm.s32 $0x0;
	s28 =	simm.s32 $0xA00;
	s29 =	simm.s32 $0x3200  }
0x6: {  	s30 =	simm.s32 $0xF00;
	s31 =	simm.s32 $0x3700;
	s11 =	simm.s32 $0x5000  }
0x7: {  	s5 =	sand.u32 $0x1, s4;
	s6 =	smul.u32 $0x5000, s9;
	[smem:$0x7FF] =	sst s3  }
0x8: {  	s4 =	sadd.s32 $0xC600, s0;
	s12 =	sadd.s32 $0x2600, s0;
	s8 =	sshll.u32 s5, $0x4  }
0x9: {  	s7 =	smul.u32 $0x50000, s5;
	s5 =	ssub.s32 $0x2, s5;
	s8 =	sor.u32 s9, s8  }
0xa: {  	_ =	strace $0x8000004A;
	s10 =	sshrl.u32 s5, $0x1;
	s8 =	smul.u32 $0x2800, s8  }
0xb: {  	s9 =	simm.s32 $0x2300;
	s7 =	sadd.s32 s6, s7;
	s5 =	ssub.s32 s5, s10  }
0xc: {  	s10 =	simm.s32 $0x4B00;
	s7 =	sshrl.u32 s7, $0x3;
	s13 =	sshrl.u32 s8, $0x3  }
0xd: {  	s0 =	sadd.s32 s7, s0;
	s8 =	sadd.s32 s1, s13;
	s14 =	sadd.s32 s12, s13  }
0xe: {  	s15 =	sor.u32 $0xA0, s13;
	s17 =	sadd.s32 $0x140, s13;
	[dreg:$0x4] =	wrdreg s8  }
0xf: {  	s19 =	sadd.s32 $0x1E0, s13;
	[dreg:$0x5] =	wrdreg s14;
	s16 =	sadd.s32 s1, s15  }
0x10: {  	s21 =	sadd.s32 $0x280, s13;
	s8 =	sadd.s32 s12, s15;
	[dreg:$0x6] =	wrdreg s16  }
0x11: {  	s23 =	sadd.s32 $0x320, s13;
	s18 =	sadd.s32 s1, s17;
	[dreg:$0x7] =	wrdreg s8  }
0x12: {  	s25 =	sadd.s32 $0x3C0, s13;
	s20 =	sadd.s32 s1, s19;
	[dreg:$0x8] =	wrdreg s18  }
0x13: {  	s7 =	sadd.s32 $0x460, s13;
	s22 =	sadd.s32 s1, s21;
	[dreg:$0xa] =	wrdreg s20  }
0x14: {  	s13 =	simm.s32 $0x1;
	s24 =	sadd.s32 s1, s23;
	[dreg:$0xc] =	wrdreg s22  }
0x15: {  	s26 =	sadd.s32 s1, s25;
	s1 =	sadd.s32 s1, s7;
	[dreg:$0xe] =	wrdreg s24  }
0x16: {  	s14 =	simm.s32 $0xF000;
	s15 =	simm.s32 $0x2;
	[dreg:$0x10] =	wrdreg s26  }
0x17: {  	s8 =	sadd.s32 s12, s17;
	[dreg:$0x12] =	wrdreg s1;
	s20 =	sadd.s32 s12, s7  }
0x18: {  	s22 =	sadd.s32 $0x16400, s0;
	s24 =	simm.s32 $0x2800;
	s26 =	simm.s32 $0x2D00  }
0x19: {  	s0 =	simm.s32 $0x1400;
	s1 =	simm.s32 $0x3C00;
	s7 =	simm.s32 $0x1E00  }
0x1a: {  	s16 =	simm.s32 $0x3;
	[dreg:$0x9] =	wrdreg s8;
	s8 =	sadd.s32 s12, s19  }
0x1b: {  	s17 =	simm.s32 $0x0;
	[dreg:$0xb] =	wrdreg s8;
	s8 =	sadd.s32 s12, s21  }
0x1c: {  	s21 =	sadd.s32 s6, s2;
	s6 =	simm.s32 $0x4100;
	[dreg:$0xd] =	wrdreg s8  }
0x1d: {  	s8 =	sadd.s32 s12, s23;
	s23 =	smax.u32 s5, $0x1;
	s5 =	simm.s32 $0x1900  }
0x1e: {  	[dreg:$0xf] =	wrdreg s8;
	s8 =	sadd.s32 s12, s25;
	s25 =	simm.s32 $0x500  }
0x1f: {  	v0 =	vimm.f32 $0.0e+00;
	s12 =	simm.s32 $0x4;
	[dreg:$0x11] =	wrdreg s8;
	s8 =	simm.s32 $0x4600  }
.LBB2_1:
0x20: {  	s18 =	rddreg [dreg:$0x4]  }
0x21: {  	[tilespmem:s3], [sflag:$0x1] =	stream.linear.gather [hbm4b:s18+s3], $0x500, $0x38;
	[tilespmem:$0x1E000] =	vst v63  }
0x22: {  	s19 =	rddreg [dreg:$0x5]  }
0x23: {  	[tilespmem:s24], [sflag:$0x1] =	stream.linear.gather [hbm4b:s19+s3], $0x500, $0x38;
	[tilespmem:$0x1E000] =	vst v63  }
0x24: {  	s19 =	rddreg [dreg:$0x6]  }
0x25: {  	[tilespmem:s25], [sflag:$0x1] =	stream.linear.gather [hbm4b:s19+s3], $0x500, $0x38;
	[tilespmem:$0x1E000] =	vst v63  }
0x26: {  	s19 =	rddreg [dreg:$0x7]  }
0x27: {  	[tilespmem:s26], [sflag:$0x1] =	stream.linear.gather [hbm4b:s19+s3], $0x500, $0x38;
	[tilespmem:$0x1E000] =	vst v63  }
0x28: {  	s19 =	rddreg [dreg:$0x8]  }
0x29: {  	[tilespmem:s28], [sflag:$0x1] =	stream.linear.gather [hbm4b:s19+s3], $0x500, $0x38;
	[tilespmem:$0x1E000] =	vst v63  }
0x2a: {  	s19 =	rddreg [dreg:$0x9]  }
0x2b: {  	[tilespmem:s29], [sflag:$0x1] =	stream.linear.gather [hbm4b:s19+s3], $0x500, $0x38;
	[tilespmem:$0x1E000] =	vst v63  }
0x2c: {  	s19 =	rddreg [dreg:$0xa]  }
0x2d: {  	[tilespmem:s30], [sflag:$0x1] =	stream.linear.gather [hbm4b:s19+s3], $0x500, $0x38;
	[tilespmem:$0x1E000] =	vst v63  }
0x2e: {  	s19 =	rddreg [dreg:$0xb]  }
0x2f: {  	[tilespmem:s31], [sflag:$0x1] =	stream.linear.gather [hbm4b:s19+s3], $0x500, $0x38;
	[tilespmem:$0x1E000] =	vst v63  }
0x30: {  	s19 =	rddreg [dreg:$0xc]  }
0x31: {  	[tilespmem:s0], [sflag:$0x1] =	stream.linear.gather [hbm4b:s19+s3], $0x500, $0x38;
	[tilespmem:$0x1E000] =	vst v63  }
0x32: {  	s19 =	rddreg [dreg:$0xd]  }
0x33: {  	[tilespmem:s1], [sflag:$0x1] =	stream.linear.gather [hbm4b:s19+s3], $0x500, $0x38;
	[tilespmem:$0x1E000] =	vst v63  }
0x34: {  	s19 =	rddreg [dreg:$0xe]  }
0x35: {  	[tilespmem:s5], [sflag:$0x1] =	stream.linear.gather [hbm4b:s19+s3], $0x500, $0x38;
	[tilespmem:$0x1E000] =	vst v63  }
0x36: {  	s19 =	rddreg [dreg:$0xf]  }
0x37: {  	[tilespmem:s6], [sflag:$0x1] =	stream.linear.gather [hbm4b:s19+s3], $0x500, $0x38;
	[tilespmem:$0x1E000] =	vst v63  }
0x38: {  	s19 =	rddreg [dreg:$0x10]  }
0x39: {  	[tilespmem:s7], [sflag:$0x1] =	stream.linear.gather [hbm4b:s19+s3], $0x500, $0x38;
	[tilespmem:$0x1E000] =	vst v63  }
0x3a: {  	s19 =	rddreg [dreg:$0x11]  }
0x3b: {  	[tilespmem:s8], [sflag:$0x1] =	stream.linear.gather [hbm4b:s19+s3], $0x500, $0x38;
	[tilespmem:$0x1E000] =	vst v63  }
0x3c: {  	s19 =	rddreg [dreg:$0x12]  }
0x3d: {  	[tilespmem:s9], [sflag:$0x1] =	stream.linear.gather [hbm4b:s19+s3], $0x500, $0x38;
	[tilespmem:$0x1E000] =	vst v63  }
0x3e: {  	s18 =	simm.s32 $0x0;
	s19 =	simm.s32 $0x200  }
0x3f: {  	[tilespmem:s10], [sflag:$0x1] =	stream.linear.gather [hbm4b:s20+s3], $0x500, $0x38;
	[tilespmem:$0x1E000] =	vst v63  }
.LBB2_2:
0x40: {  	p0 =	sne.s32 s19, $0x13E00;
	[tilespmem:s18+$0x5070] =	vst v0  }
0x41: {  	[tilespmem:s18+$0x5000] =	vst v0  }
0x42: {  	[tilespmem:s18+$0x5010] =	vst v0  }
.Ltmp0:
0x43: {  	[tilespmem:s18+$0x5020] =	vst v0;
	(pc) =	sbr.rel @p0 .LBB2_2-.Ltmp0, $4  }
0x44: {  	[tilespmem:s18+$0x5030] =	vst v0  }
0x45: {  	[tilespmem:s18+$0x5040] =	vst v0  }
0x46: {  	[tilespmem:s18+$0x5050] =	vst v0  }
0x47: {  	[tilespmem:s18+$0x5060] =	vst v0;
	s18 =	sshra.s32 s19, $0x2;
	s19 =	sadd.s32 $0x200, s19  }
0x48: {  	[tilespmem:s18+$0x5070] =	vst v0  }
0x49: {  	[tilespmem:s18+$0x5000] =	vst v0  }
0x4a: {  	[tilespmem:s18+$0x5010] =	vst v0  }
0x4b: {  	[tilespmem:s18+$0x5020] =	vst v0  }
0x4c: {  	[tilespmem:s18+$0x5030] =	vst v0  }
0x4d: {  	[tilespmem:s18+$0x5040] =	vst v0  }
0x4e: {  	[tilespmem:s18+$0x5050] =	vst v0  }
0x4f: {  	[tilespmem:s18+$0x5060] =	vst v0  }
0x50: {  	[spmem:s21] =	stream.linear.scatter [tilespmem:s11], [sflag:$0x4], $0x5000, $0x38;
	[tilespmem:$0x1E000] =	vst v63  }
0x51: {  	_ =	swait.ge [sflag:s12], $0x5000  }
0x52: {  	[sflag:s12] =	ssyncset.done $0x0  }
0x53: {  	[sflag:s12] =	ssyncadd.s32 $0xFFFFB000  }
0x54: {  	[bflag:$0x0] =	sbarrier.arrive $0xFFFF  }
0x55: {  	_ =	swait.ge [sflag:s13], $0x500  }
0x56: {  	[sflag:s13] =	ssyncset.done $0x0  }
0x57: {  	[sflag:s13] =	ssyncadd.s32 $0xFFFFFB00  }
0x58: {  	_ =	swait.ge [sflag:s13], $0x500  }
0x59: {  	[sflag:s13] =	ssyncset.done $0x0  }
0x5a: {  	[sflag:s13] =	ssyncadd.s32 $0xFFFFFB00  }
0x5b: {  	_ =	swait.ge [sflag:s13], $0x500  }
0x5c: {  	[sflag:s13] =	ssyncset.done $0x0  }
0x5d: {  	[sflag:s13] =	ssyncadd.s32 $0xFFFFFB00  }
0x5e: {  	_ =	swait.ge [sflag:s13], $0x500  }
0x5f: {  	[sflag:s13] =	ssyncset.done $0x0  }
0x60: {  	[sflag:s13] =	ssyncadd.s32 $0xFFFFFB00  }
0x61: {  	_ =	swait.ge [sflag:s13], $0x500  }
0x62: {  	[sflag:s13] =	ssyncset.done $0x0  }
0x63: {  	[sflag:s13] =	ssyncadd.s32 $0xFFFFFB00  }
0x64: {  	_ =	swait.ge [sflag:s13], $0x500  }
0x65: {  	[sflag:s13] =	ssyncset.done $0x0  }
0x66: {  	[sflag:s13] =	ssyncadd.s32 $0xFFFFFB00  }
0x67: {  	_ =	swait.ge [sflag:s13], $0x500  }
0x68: {  	[sflag:s13] =	ssyncset.done $0x0  }
0x69: {  	[sflag:s13] =	ssyncadd.s32 $0xFFFFFB00  }
0x6a: {  	_ =	swait.ge [sflag:s13], $0x500  }
0x6b: {  	[sflag:s13] =	ssyncset.done $0x0  }
0x6c: {  	[sflag:s13] =	ssyncadd.s32 $0xFFFFFB00  }
0x6d: {  	_ =	swait.ge [sflag:s13], $0x500  }
0x6e: {  	[sflag:s13] =	ssyncset.done $0x0  }
0x6f: {  	[sflag:s13] =	ssyncadd.s32 $0xFFFFFB00  }
0x70: {  	_ =	swait.ge [sflag:s13], $0x500  }
0x71: {  	[sflag:s13] =	ssyncset.done $0x0  }
0x72: {  	[sflag:s13] =	ssyncadd.s32 $0xFFFFFB00  }
0x73: {  	_ =	swait.ge [sflag:s13], $0x500  }
0x74: {  	[sflag:s13] =	ssyncset.done $0x0  }
0x75: {  	[sflag:s13] =	ssyncadd.s32 $0xFFFFFB00  }
0x76: {  	_ =	swait.ge [sflag:s13], $0x500  }
0x77: {  	[sflag:s13] =	ssyncset.done $0x0  }
0x78: {  	[sflag:s13] =	ssyncadd.s32 $0xFFFFFB00  }
0x79: {  	_ =	swait.ge [sflag:s13], $0x500  }
0x7a: {  	[sflag:s13] =	ssyncset.done $0x0  }
0x7b: {  	[sflag:s13] =	ssyncadd.s32 $0xFFFFFB00  }
0x7c: {  	_ =	swait.ge [sflag:s13], $0x500  }
0x7d: {  	[sflag:s13] =	ssyncset.done $0x0  }
0x7e: {  	[sflag:s13] =	ssyncadd.s32 $0xFFFFFB00  }
0x7f: {  	_ =	swait.ge [sflag:s13], $0x500  }
0x80: {  	[sflag:s13] =	ssyncset.done $0x0  }
0x81: {  	[sflag:s13] =	ssyncadd.s32 $0xFFFFFB00  }
0x82: {  	_ =	swait.ge [sflag:s13], $0x500  }
0x83: {  	[sflag:s13] =	ssyncset.done $0x0  }
0x84: {  	[sflag:s13] =	ssyncadd.s32 $0xFFFFFB00  }
0x85: {  	[tilespmem:s11], [sflag:$0x2] =	stream.indirect.gather [hbm4b:s4+s25], $0x20, s3, s25, $0xb8;
	[tilespmem:$0x1E000] =	vst v63  }
0x86: {  	_ = 	snop  }
0x87: {  	[tilespmem:s14], [sflag:$0x3] =	stream.indirect.gather [hbm4b:s4+s25], $0x20, s25, s25, $0xb8;
	[tilespmem:$0x1E000] =	vst v63  }
0x88: {  	_ =	swait.ge [sflag:s15], $0xA000  }
0x89: {  	[sflag:s15] =	ssyncset.done $0x0  }
0x8a: {  	[sflag:s15] =	ssyncadd.s32 $0xFFFF6000  }
0x8b: {  	[spmem:s2] =	stream.indirect.scatter.add.f32 [tilespmem:s11], [sflag:$0x4], $0x20, s24, s25, $0xb8;
	[tilespmem:$0x1E000] =	vst v63  }
0x8c: {  	_ =	swait.ge [sflag:s12], $0xA000  }
0x8d: {  	[sflag:s12] =	ssyncset.done $0x0  }
0x8e: {  	[sflag:s12] =	ssyncadd.s32 $0xFFFF6000  }
0x8f: {  	[tilespmem:s11], [sflag:$0x2] =	stream.indirect.gather [hbm4b:s4+s25], $0x20, s28, s25, $0xb8;
	[tilespmem:$0x1E000] =	vst v63  }
0x90: {  	_ =	swait.ge [sflag:s16], $0xA000  }
0x91: {  	[sflag:s16] =	ssyncset.done $0x0  }
0x92: {  	[sflag:s16] =	ssyncadd.s32 $0xFFFF6000  }
0x93: {  	[spmem:s2] =	stream.indirect.scatter.add.f32 [tilespmem:s14], [sflag:$0x4], $0x20, s26, s25, $0xb8;
	[tilespmem:$0x1E000] =	vst v63  }
0x94: {  	_ =	swait.ge [sflag:s12], $0xA000  }
0x95: {  	[sflag:s12] =	ssyncset.done $0x0  }
0x96: {  	[sflag:s12] =	ssyncadd.s32 $0xFFFF6000  }
0x97: {  	[tilespmem:s14], [sflag:$0x3] =	stream.indirect.gather [hbm4b:s4+s25], $0x20, s30, s25, $0xb8;
	[tilespmem:$0x1E000] =	vst v63  }
0x98: {  	_ =	swait.ge [sflag:s15], $0xA000  }
0x99: {  	[sflag:s15] =	ssyncset.done $0x0  }
0x9a: {  	[sflag:s15] =	ssyncadd.s32 $0xFFFF6000  }
0x9b: {  	[spmem:s2] =	stream.indirect.scatter.add.f32 [tilespmem:s11], [sflag:$0x4], $0x20, s29, s25, $0xb8;
	[tilespmem:$0x1E000] =	vst v63  }
0x9c: {  	_ =	swait.ge [sflag:s12], $0xA000  }
0x9d: {  	[sflag:s12] =	ssyncset.done $0x0  }
0x9e: {  	[sflag:s12] =	ssyncadd.s32 $0xFFFF6000  }
0x9f: {  	[tilespmem:s11], [sflag:$0x2] =	stream.indirect.gather [hbm4b:s4+s25], $0x20, s0, s25, $0xb8;
	[tilespmem:$0x1E000] =	vst v63  }
0xa0: {  	_ =	swait.ge [sflag:s16], $0xA000  }
0xa1: {  	[sflag:s16] =	ssyncset.done $0x0  }
0xa2: {  	[sflag:s16] =	ssyncadd.s32 $0xFFFF6000  }
0xa3: {  	[spmem:s2] =	stream.indirect.scatter.add.f32 [tilespmem:s14], [sflag:$0x4], $0x20, s31, s25, $0xb8;
	[tilespmem:$0x1E000] =	vst v63  }
0xa4: {  	_ =	swait.ge [sflag:s12], $0xA000  }
0xa5: {  	[sflag:s12] =	ssyncset.done $0x0  }
0xa6: {  	[sflag:s12] =	ssyncadd.s32 $0xFFFF6000  }
0xa7: {  	[tilespmem:s14], [sflag:$0x3] =	stream.indirect.gather [hbm4b:s4+s25], $0x20, s5, s25, $0xb8;
	[tilespmem:$0x1E000] =	vst v63  }
0xa8: {  	_ =	swait.ge [sflag:s15], $0xA000  }
0xa9: {  	[sflag:s15] =	ssyncset.done $0x0  }
0xaa: {  	[sflag:s15] =	ssyncadd.s32 $0xFFFF6000  }
0xab: {  	[spmem:s2] =	stream.indirect.scatter.add.f32 [tilespmem:s11], [sflag:$0x4], $0x20, s1, s25, $0xb8;
	[tilespmem:$0x1E000] =	vst v63  }
0xac: {  	_ =	swait.ge [sflag:s12], $0xA000  }
0xad: {  	[sflag:s12] =	ssyncset.done $0x0  }
0xae: {  	[sflag:s12] =	ssyncadd.s32 $0xFFFF6000  }
0xaf: {  	[tilespmem:s11], [sflag:$0x2] =	stream.indirect.gather [hbm4b:s4+s25], $0x20, s7, s25, $0xb8;
	[tilespmem:$0x1E000] =	vst v63  }
0xb0: {  	_ =	swait.ge [sflag:s16], $0xA000  }
0xb1: {  	[sflag:s16] =	ssyncset.done $0x0  }
0xb2: {  	[sflag:s16] =	ssyncadd.s32 $0xFFFF6000  }
0xb3: {  	[spmem:s2] =	stream.indirect.scatter.add.f32 [tilespmem:s14], [sflag:$0x4], $0x20, s6, s25, $0xb8;
	[tilespmem:$0x1E000] =	vst v63  }
0xb4: {  	_ =	swait.ge [sflag:s12], $0xA000  }
0xb5: {  	[sflag:s12] =	ssyncset.done $0x0  }
0xb6: {  	[sflag:s12] =	ssyncadd.s32 $0xFFFF6000  }
0xb7: {  	[tilespmem:s14], [sflag:$0x3] =	stream.indirect.gather [hbm4b:s4+s25], $0x20, s9, s25, $0xb8;
	[tilespmem:$0x1E000] =	vst v63  }
0xb8: {  	_ =	swait.ge [sflag:s15], $0xA000  }
0xb9: {  	[sflag:s15] =	ssyncset.done $0x0  }
0xba: {  	[sflag:s15] =	ssyncadd.s32 $0xFFFF6000  }
0xbb: {  	[spmem:s2] =	stream.indirect.scatter.add.f32 [tilespmem:s11], [sflag:$0x4], $0x20, s8, s25, $0xb8;
	[tilespmem:$0x1E000] =	vst v63  }
0xbc: {  	_ =	swait.ge [sflag:s12], $0xA000  }
0xbd: {  	[sflag:s12] =	ssyncset.done $0x0  }
0xbe: {  	[sflag:s12] =	ssyncadd.s32 $0xFFFF6000  }
0xbf: {  	_ =	swait.ge [sflag:s16], $0xA000  }
0xc0: {  	[sflag:s16] =	ssyncset.done $0x0  }
0xc1: {  	[sflag:s16] =	ssyncadd.s32 $0xFFFF6000  }
0xc2: {  	[spmem:s2] =	stream.indirect.scatter.add.f32 [tilespmem:s14], [sflag:$0x4], $0x20, s10, s25, $0xb8;
	[tilespmem:$0x1E000] =	vst v63  }
0xc3: {  	s19 =	stileid.u32;
	_ =	swait.ge [sflag:s12], $0xA000  }
0xc4: {  	s17 =	sadd.s32 $0x1, s17;
	s18 =	sshll.u32 s19, $0x6;
	[sflag:s12] =	ssyncset.done $0x0  }
0xc5: {  	s19 =	sshrl.u32 s21, $0x3;
	p0 =	sne.s32 s17, s23;
	[sflag:s12] =	ssyncadd.s32 $0xFFFF6000  }
.Ltmp1:
0xc6: {  	s18 =	sor.u32 $0x1C04, s18;
	[bflag:$0x0] =	sbarrier.arrive $0xFFFF;
	(pc) =	sbr.rel @p0 .LBB2_1-.Ltmp1, $4  }
0xc7: {  	[hbm:s22], [sflag:s18] =	dma.local [spmem:s19], $0xA00  }
0xc8: {  	_ =	swait.ge [sflag:s12], $0xA00  }
0xc9: {  	[sflag:s12] =	ssyncset.done $0x0  }
0xca: {  	[sflag:s12] =	ssyncadd.s32 $0xFFFFF600  }
0xcb: {  	_ =	sfence.sel $0x180000  }
0xcc: {  	[bflag:$0x0] =	sbarrier.arrive $0xFFFF  }
0xcd: {  	_ =	strace $0x9000004A  }
0xce: {  	s0 =	stileid.u32;
	[bflag:$0x2] =	sbarrier.arrive $0xFFFF  }
0xcf: {  	p0 =	sne.s32 s0, $0x0;
	s0 =	rddreg [dreg:$0x3]  }
0xd0: {  	s0 =	sadd.s32 @!p0 $0x100000, s0  }
0xd1: {  	[sflag:s0] =	ssyncadd.tile.s32 @!p0 $0x1;
	_ =	shalt  }
.Lfunc_end2:
_tile_overlayer_lowered:
.L_overlay_start_2:
0xd2: {  	(tag) =	ssettag $0x2  }
0xd3: {  	s0 =	rddreg [dreg:$0x0];
	s2 =	stileid.u32  }
0xd4: {  	s1 =	rddreg [dreg:$0x1];
	p0 =	sne.s32 s2, $0x0  }
0xd5: {  	s3 =	rddreg [dreg:$0x2];
	[bflag:$0x3] =	sbarrier.arrive $0xFFFF;
	s2 =	simm.s32 @!p0 $0x1C04  }
0xd6: {  	[timem:s3], [sflag:s2] =	dma.local @!p0 [hbm:s0], s1  }
0xd7: {  	s0 =	simm.s32 @!p0 $0x4  }
0xd8: {  	_ =	swait.ge @!p0 [sflag:s0], s1  }
0xd9: {  	s1 =	ssub.s32 @!p0 $0x0, s1;
	[sflag:s0] =	ssyncset.done @!p0 $0x0  }
0xda: {  	[sflag:s0] =	ssyncadd.s32 @!p0 s1  }
0xdb: {  	[bflag:$0x3] =	sbarrier.arrive $0xFFFF  }
0xdc: {  	_ =	shalt  }

// kernel: kernel.8.cloned.1.call-start
scs
__scs_entry_jumppad:
0x0: {  	(pc) =	sbr.rel $0x88, $3  }
0x1: {  	(tag) =	ssettag $0x0;
	lr =	simm.s32 $0x1  }
0x2: {  	[smem:$0x3F99] =	sst lr;
	_ =	strace $0xD0000000  }
0x3: {  	_ = 	snop  }
0x4: {  	_ = 	snop  }
0x5: {  	_ = 	snop  }
0x6: {  	_ = 	snop  }
0x7: {  	_ = 	snop  }
__scs_overlays_trampoline_lowered:
0x8: {  	[smem:$0x3FA8] =	sst s0  }
0x9: {  	[smem:$0x3FA9] =	sst s1  }
0xa: {  	[smem:$0x3FAA] =	sst s2  }
0xb: {  	[smem:$0x3FAB] =	sst s3  }
0xc: {  	[smem:$0x3FAC] =	sst s4  }
0xd: {  	[smem:$0x3FAD] =	sst s5  }
0xe: {  	[smem:$0x3FAE] =	sst s6  }
0xf: {  	[smem:$0x3FAF] =	sst s7  }
0x10: {  	[smem:$0x3FB0] =	sst s8  }
0x11: {  	[smem:$0x3FB1] =	sst s9;
	s0 =	simm.s32 @!p0 $0x0  }
0x12: {  	s1 =	sld [smem:$0x3F97];
	s0 =	simm.s32 @p0 $0x1  }
0x13: {  	[smem:$0x3FB2] =	sst s0;
	s0 =	simm.s32 @!p1 $0x0  }
0x14: {  	s2 =	sld [smem:$0x3F96];
	s0 =	simm.s32 @p1 $0x1  }
0x15: {  	[smem:$0x3FB3] =	sst s0;
	s0 =	simm.s32 @!p2 $0x0  }
0x16: {  	s3 =	sld [smem:$0x3FDB];
	s0 =	simm.s32 @p2 $0x1  }
0x17: {  	s4 =	simm.s32 $0x1BF5;
	[smem:$0x3FB5] =	sst s0  }
0x18: {  	s0 =	sld [smem:$0x3F98];
	_ =	swait.ge [sflag:s4], $0x0  }
0x19: {  	s7 =	sld [smem:$0x3F99]  }
0x1a: {  	s8 =	sadd.s32 $0xFFFFE003, lr  }
0x1b: {  	s9 =	sadd.s32 $0xFFFFFEF7, lr;
	s5 =	simm.s32 $0xFFFFFFFF;
	p2 =	slt.u32 s8, $0xFFFFF086  }
0x1c: {  	p1 =	slt.u32 s9, $0xF7A;
	s5 =	simm.s32 @!p2 $0x0  }
0x1d: {  	s5 =	simm.s32 @p1 $0x1;
	p0 =	seq.s32 s7, s2  }
0x1e: {  	s7 =	smul.u32 @!p0 $0xF7A, s2;
	p2 =	seq.s32 @!p0 s5, $0x0  }
0x1f: {  	s9 =	smul.u32 $0xF7A, s1;
	s8 =	simm.s32 @!p0 $0x1BF5;
	p2 =	por !p2, p0  }
0x20: {  	[sflag:s8] =	ssyncset.s32 @!p0 $0xFFFFF086;
	s6 =	sadd.s32 @!p0 s3, s7;
	s7 =	simm.s32 @!p0 $0x108  }
0x21: {  	s3 =	sadd.s32 s3, s9;
	s6 =	sadd.s32 @!p0 $0x88, s6;
	s7 =	simm.s32 @p2 $0x1082  }
0x22: {  	[simem:s7], [sflag:s8] =	dma.local @!p0 [hbm:s6], $0xF7A  }
0x23: {  	s9 =	sor.u32 $0xD0000000, s2;
	s6 =	simm.s32 $0x108;
	_ =	swait.ge @!p0 [sflag:s8], $0x0  }
0x24: {  	s3 =	sadd.s32 $0x88, s3;
	s6 =	simm.s32 @!p1 $0x1082;
	[sflag:s4] =	ssyncset.s32 $0xFFFFF086  }
0x25: {  	[simem:s6], [sflag:s4] =	dma.local [hbm:s3], $0xF7A  }
0x26: {  	[smem:$0x3F99] =	sst s1;
	(tag) =	ssettag s2;
	_ =	strace s9  }
0x27: {  	s1 =	sld [smem:$0x3FA9]  }
0x28: {  	s2 =	sld [smem:$0x3FAA]  }
0x29: {  	s4 =	sld [smem:$0x3FAC]  }
0x2a: {  	p0 =	seq.s32 s5, $0x0;
	s5 =	sld [smem:$0x3FAD]  }
0x2b: {  	s6 =	sld [smem:$0x3FAE]  }
0x2c: {  	s7 =	sld [smem:$0x3FAF]  }
0x2d: {  	s3 =	simm.s32 $0x108;
	s8 =	sld [smem:$0x3FB0]  }
0x2e: {  	s3 =	simm.s32 @!p0 $0x1082;
	s9 =	sld [smem:$0x3FB1]  }
0x2f: {  	lr =	sadd.s32 s0, s3;
	s0 =	sld [smem:$0x3FA8]  }
0x30: {  	s3 =	sld [smem:$0x3FAB]  }
0x31: {  	[smem:$0x3FB4] =	sst s10  }
0x32: {  	s10 =	sld [smem:$0x3FB2];
	_ =	sdelay $0x3  }
0x33: {  	p0 =	seq.s32 s10, $0x1;
	s10 =	sld [smem:$0x3FB4];
	_ =	sdelay $0x3  }
0x34: {  	[smem:$0x3FB4] =	sst s10  }
0x35: {  	s10 =	sld [smem:$0x3FB3];
	_ =	sdelay $0x3  }
0x36: {  	p1 =	seq.s32 s10, $0x1;
	s10 =	sld [smem:$0x3FB4];
	_ =	sdelay $0x3  }
0x37: {  	[smem:$0x3FB4] =	sst s10  }
0x38: {  	s10 =	sld [smem:$0x3FB5]  }
0x39: {  	_ = 	snop;
	(pc) =	sbr.ind lr, $3  }
0x3a: {  	_ = 	snop  }
0x3b: {  	_ = 	snop  }
0x3c: {  	p2 =	seq.s32 s10, $0x1;
	s10 =	sld [smem:$0x3FB4]  }
0x3d: {  	_ =	shalt  }
0x3e: {  	_ =	shalt  }
0x3f: {  	_ =	shalt  }
0x40: {  	_ =	shalt  }
0x41: {  	_ =	shalt  }
0x42: {  	_ =	shalt  }
0x43: {  	_ =	shalt  }
0x44: {  	_ =	shalt  }
0x45: {  	_ =	shalt  }
0x46: {  	_ =	shalt  }
0x47: {  	_ =	shalt  }
0x48: {  	_ =	shalt  }
0x49: {  	_ =	shalt  }
0x4a: {  	_ =	shalt  }
0x4b: {  	_ =	shalt  }
0x4c: {  	_ =	shalt  }
0x4d: {  	_ =	shalt  }
0x4e: {  	_ =	shalt  }
0x4f: {  	_ =	shalt  }
0x50: {  	_ =	shalt  }
0x51: {  	_ =	shalt  }
0x52: {  	_ =	shalt  }
0x53: {  	_ =	shalt  }
0x54: {  	_ =	shalt  }
0x55: {  	_ =	shalt  }
0x56: {  	_ =	shalt  }
0x57: {  	_ =	shalt  }
0x58: {  	_ =	shalt  }
0x59: {  	_ =	shalt  }
0x5a: {  	_ =	shalt  }
0x5b: {  	_ =	shalt  }
0x5c: {  	_ =	shalt  }
0x5d: {  	_ =	shalt  }
0x5e: {  	_ =	shalt  }
0x5f: {  	_ =	shalt  }
0x60: {  	_ =	shalt  }
0x61: {  	_ =	shalt  }
0x62: {  	_ =	shalt  }
0x63: {  	_ =	shalt  }
0x64: {  	_ =	shalt  }
0x65: {  	_ =	shalt  }
0x66: {  	_ =	shalt  }
0x67: {  	_ =	shalt  }
0x68: {  	_ =	shalt  }
0x69: {  	_ =	shalt  }
0x6a: {  	_ =	shalt  }
0x6b: {  	_ =	shalt  }
0x6c: {  	_ =	shalt  }
0x6d: {  	_ =	shalt  }
0x6e: {  	_ =	shalt  }
0x6f: {  	_ =	shalt  }
0x70: {  	_ =	shalt  }
0x71: {  	_ =	shalt  }
0x72: {  	_ =	shalt  }
0x73: {  	_ =	shalt  }
0x74: {  	_ =	shalt  }
0x75: {  	_ =	shalt  }
0x76: {  	_ =	shalt  }
0x77: {  	_ =	shalt  }
0x78: {  	_ =	shalt  }
0x79: {  	_ =	shalt  }
0x7a: {  	_ =	shalt  }
0x7b: {  	_ =	shalt  }
0x7c: {  	_ =	shalt  }
0x7d: {  	_ =	shalt  }
0x7e: {  	_ =	shalt  }
0x7f: {  	_ =	shalt  }
0x80: {  	_ =	shalt  }
0x81: {  	_ =	shalt  }
0x82: {  	_ =	shalt  }
0x83: {  	_ =	shalt  }
0x84: {  	_ =	shalt  }
0x85: {  	_ =	shalt  }
0x86: {  	_ =	shalt  }
0x87: {  	_ =	shalt  }
.Lfunc_end0:
.L_simem_size_0:
called_computation_lowered:
.L_overlay_start_0:
0x88: {  	s2 =	sld [smem:$0x3FD9]  }
0x89: {  	s3 =	sld [smem:$0x3FFE];
	_ =	sdelay $0x1  }
0x8a: {  	s1 =	srdreg.scid  }
0x8b: {  	s0 =	sand.u32 $0x1, s1  }
0x8c: {  	s17 =	sshll.u32 s0, $0xA;
	s2 =	sadd.s32 s3, s2  }
0x8d: {  	s2 =	sadd.s32 s2, s17  }
0x8e: {  	[smem:$0x3FC0] =	sst s2  }
0x8f: {  	_ = 	snop  }
0x90: {  	s2 =	sld [smem:$0x3FD0];
	(tm) =	ssettm $0x1  }
0x91: {  	s18 =	sld [smem:$0x3FFB];
	_ =	sdelay $0x3  }
0x92: {  	_ =	strace s18  }
0x93: {  	s3 =	sld [smem:$0x3FFC];
	_ =	sdelay $0x3  }
0x94: {  	_ =	strace s3  }
0x95: {  	s3 =	sld [smem:$0x3FFD];
	_ =	sdelay $0x3  }
0x96: {  	_ =	strace s3  }
0x97: {  	_ =	strace $0x8FFFFFFF  }
0x98: {  	s19 =	sld [smem:$0x3FDB];
	_ =	sdelay $0x1  }
0x99: {  	s4 =	simm.s32 $_scs_section_size  }
0x9a: {  	s5 =	simm.s32 $_size__tile_overlayer_lowered;
	s6 =	simm.s32 $_tile_overlayer_lowered  }
0x9b: {  	s22 =	simm.s32 $0x1BFF;
	s21 =	sshll.u32 s6, $0x1;
	s3 =	sadd.s32 s4, s19  }
0x9c: {  	s7 =	simm.s32 $0x0;
	s20 =	sshll.u32 s5, $0x1;
	s5 =	sadd.s32 s21, s3  }
0x9d: {  	[timem:s7], [sflag:s22] =	dma.local [hbm:s5], s20  }
0x9e: {  	_ =	swait.ge [sflag:s22], s20  }
0x9f: {  	s4 =	ssub.s32 $0x0, s20;
	[sflag:s22] =	ssyncset.done $0x0  }
0xa0: {  	[sflag:s22] =	ssyncadd.s32 s4;
	_ =	sdelay $0x1  }
0xa1: {  	s23 =	simm.s32 $0x1B8B  }
0xa2: {  	_ =	swait.ge [sflag:s23], $0x1  }
0xa3: {  	[sflag:s23] =	ssyncset.done $0x0  }
0xa4: {  	s25 =	simm.s32 $0x1B8E;
	s24 =	sld [smem:$0x3FFE];
	[sflag:s23] =	ssyncadd.s32 $0xFFFFFFFF  }
0xa5: {  	s26 =	simm.s32 $execute0_lowered;
	[smem:$0x3FD2] =	sst s25  }
0xa6: {  	s5 =	sshll.u32 s26, $0x1;
	_ =	strace $0x80000046;
	[dreg:$0x1] =	wrdreg $0xFFFFFFFF  }
0xa7: {  	s28 =	simm.s32 $_size_execute0_lowered;
	s3 =	sadd.s32 s3, s5;
	[dreg:$0x0] =	wrdreg $0x0  }
0xa8: {  	s5 =	sshll.u32 s28, $0x1;
	[dreg:$0x2] =	wrdreg s3  }
0xa9: {  	[dreg:$0x3] =	wrdreg s5  }
0xaa: {  	[dreg:$0x4] =	wrdreg $0xC0  }
0xab: {  	_ =	task [dreg:s7], $0x5FFFF  }
0xac: {  	[dreg:$0x1] =	wrdreg $0xFFFFFFFF  }
0xad: {  	[dreg:$0x0] =	wrdreg $0x60  }
0xae: {  	[dreg:$0x2] =	wrdreg s24  }
0xaf: {  	[dreg:$0x3] =	wrdreg s2  }
0xb0: {  	[dreg:$0x4] =	wrdreg $0x197800  }
0xb1: {  	[dreg:$0x5] =	wrdreg $0x1E7800  }
0xb2: {  	[dreg:$0x6] =	wrdreg $0x9  }
0xb3: {  	_ =	task.clear_ibuf [dreg:s7], $0x7FFFF;
	_ =	strace $0x90000046  }
0xb4: {  	s29 =	simm.s32 $0x9;
	_ =	strace $0x80000048  }
0xb5: {  	_ =	swait.ge [sflag:s29], $0x1  }
0xb6: {  	[sflag:s29] =	ssyncadd.s32 $0xFFFFFFFF  }
0xb7: {  	_ =	strace $0x90000048  }
0xb8: {  	_ =	sfence  }
0xb9: {  	s30 =	sld [smem:$0x0];
	_ =	sdelay $0x2  }
0xba: {  	s31 =	sshll.u32 s1, $0xD;
	s1 =	sshrl.u32 s1, $0x2  }
0xbb: {  	s3 =	sand.u32 $0x4000, s31;
	s1 =	sadd.s32 s1, s30  }
0xbc: {  	s0 =	sor.u32 s3, s0;
	s1 =	sshll.u32 s1, $0x11  }
0xbd: {  	s0 =	sor.u32 s1, s0  }
0xbe: {  	s0 =	sadd.s32 $0x8F2B, s0  }
0xbf: {  	[sflag:s0] =	ssyncadd.remote.s32 $0x1  }
0xc0: {  	_ =	sfence.sel $0xFFFF  }
0xc1: {  	[dreg:$0x0] =	wrdreg $0xFFFFFFFF;
	(pc) =	sbr.abs _section_cstart, $3  }
0xc2: {  	[dreg:$0x1] =	wrdreg $0xFFFFFFFF  }
0xc3: {  	_ =	task.clear_ibuf [dreg:s7], $0x2FFFF;
	_ =	strace $0x9FFFFFFF  }
0xc4: {  	(tm) =	ssettm $0x7FFFFFFF  }
0xc5: {  	_ =	shalt  }
tec
execute0_lowered:
.L_overlay_start_1:
0x0: {  	(tag) =	ssettag $0x1  }
0x1: {  	s0 =	srdreg.scid  }
0x2: {  	s3 =	rddreg [dreg:$0x0];
	s10 =	stileid.u32  }
0x3: {  	s4 =	rddreg [dreg:$0x1];
	s0 =	sand.u32 $0x1, s0;
	s5 =	smul.u32 $0x5000, s10  }
0x4: {  	s1 =	rddreg [dreg:$0x2];
	s28 =	simm.s32 $0x2800;
	s6 =	smul.u32 $0x50000, s0  }
0x5: {  	s2 =	sshll.u32 s0, $0x4;
	s8 =	ssub.s32 $0x2, s0;
	s0 =	smul.u32 $0x2800, s0  }
0x6: {  	s29 =	simm.s32 $0x500;
	s7 =	sor.u32 s10, s2;
	s10 =	smul.u32 $0x280, s10  }
0x7: {  	s30 =	simm.s32 $0x2D00;
	s11 =	sshrl.u32 s8, $0x1;
	s7 =	smul.u32 $0x2800, s7  }
0x8: {  	s9 =	sadd.s32 $0x2600, s3;
	s2 =	rddreg [dreg:$0x3];
	s8 =	ssub.s32 s8, s11  }
0x9: {  	s25 =	sadd.s32 s5, s6;
	s0 =	sadd.s32 s10, s0;
	s7 =	sshrl.u32 s7, $0x3  }
0xa: {  	s6 =	simm.s32 $0x1900;
	s0 =	sshrl.u32 s0, $0x3;
	s31 =	sadd.s32 s4, s7  }
0xb: {  	s12 =	sadd.s32 s9, s7;
	s13 =	sor.u32 $0xA0, s7;
	s14 =	sadd.s32 $0x140, s7  }
0xc: {  	s16 =	sadd.s32 $0x1E0, s7;
	s18 =	sadd.s32 $0x280, s7;
	[dreg:$0x5] =	wrdreg s31  }
0xd: {  	s20 =	sadd.s32 $0x320, s7;
	[dreg:$0x6] =	wrdreg s12;
	s12 =	sadd.s32 s4, s13  }
0xe: {  	s22 =	sadd.s32 $0x3C0, s7;
	s11 =	sadd.s32 s9, s13;
	[dreg:$0x7] =	wrdreg s12  }
0xf: {  	s7 =	sadd.s32 $0x460, s7;
	s15 =	sadd.s32 s4, s14;
	[dreg:$0x8] =	wrdreg s11  }
0x10: {  	s0 =	sadd.s32 s0, s3;
	s17 =	sadd.s32 s4, s16;
	[dreg:$0x9] =	wrdreg s15  }
0x11: {  	s19 =	sadd.s32 s4, s18;
	s21 =	sadd.s32 s4, s20;
	[dreg:$0xb] =	wrdreg s17  }
0x12: {  	s23 =	sadd.s32 s4, s22;
	s4 =	sadd.s32 s4, s7;
	[dreg:$0xd] =	wrdreg s19  }
0x13: {  	s24 =	sadd.s32 s9, s7;
	s0 =	sadd.s32 $0x16400, s0;
	[dreg:$0xf] =	wrdreg s21  }
0x14: {  	s31 =	smax.u32 s8, $0x1;
	s7 =	simm.s32 $0x4100;
	[dreg:$0x11] =	wrdreg s23  }
0x15: {  	s8 =	simm.s32 $0x1E00;
	s13 =	simm.s32 $0x4;
	[dreg:$0x13] =	wrdreg s4  }
0x16: {  	s11 =	sadd.s32 s9, s14;
	[dreg:$0x14] =	wrdreg s24;
	s4 =	sshrl.u32 s25, $0x3  }
0x17: {  	s21 =	sadd.s32 $0xC600, s3;
	s23 =	sadd.s32 s10, s2;
	s19 =	simm.s32 $0x3200  }
0x18: {  	s10 =	simm.s32 $0x2300;
	s12 =	simm.s32 $0x5000;
	s14 =	simm.s32 $0x1  }
0x19: {  	s15 =	simm.s32 $0xF000;
	s17 =	simm.s32 $0x19000;
	s24 =	simm.s32 $0x0  }
0x1a: {  	[dreg:$0xa] =	wrdreg s11;
	s11 =	sadd.s32 s9, s16;
	s4 =	sadd.s32 s4, s3  }
0x1b: {  	s3 =	simm.s32 $0x3700;
	[dreg:$0xc] =	wrdreg s11;
	s11 =	sadd.s32 s9, s18  }
0x1c: {  	s16 =	simm.s32 $0x2;
	[dreg:$0xe] =	wrdreg s11;
	s11 =	sadd.s32 s9, s20  }
0x1d: {  	s26 =	sadd.s32 $0x16E00, s4;
	s20 =	simm.s32 $0x0;
	[dreg:$0x10] =	wrdreg s11  }
0x1e: {  	s4 =	simm.s32 $0x1400;
	s11 =	sadd.s32 s9, s22;
	[smem:$0x7FF] =	sst s20  }
0x1f: {  	s18 =	simm.s32 $0x3;
	s22 =	sadd.s32 s5, s1;
	[dreg:$0x12] =	wrdreg s11  }
0x20: {  	s5 =	simm.s32 $0x3C00;
	_ =	strace $0x80000047;
	[dreg:$0x15] =	wrdreg s26  }
0x21: {  	s9 =	simm.s32 $0x4600;
	s11 =	simm.s32 $0x4B00;
	[dreg:$0x16] =	wrdreg s0  }
0x22: {  	v0 =	vimm.f32 $0.0e+00;
	v1 =	vimm.f32 $1.000000000e+00;
	[dreg:$0x17] =	wrdreg s31;
	s26 =	simm.s32 $0xA00;
	s0 =	simm.s32 $0xF00  }
.LBB2_1:
0x23: {  	s25 =	rddreg [dreg:$0x5]  }
0x24: {  	[tilespmem:s20], [sflag:$0x1] =	stream.linear.gather [hbm4b:s25+s20], $0x500, $0x38;
	[tilespmem:$0x1EA00] =	vst v63  }
0x25: {  	s25 =	rddreg [dreg:$0x6]  }
0x26: {  	[tilespmem:s28], [sflag:$0x1] =	stream.linear.gather [hbm4b:s25+s20], $0x500, $0x38;
	[tilespmem:$0x1EA00] =	vst v63  }
0x27: {  	s25 =	rddreg [dreg:$0x7]  }
0x28: {  	[tilespmem:s29], [sflag:$0x1] =	stream.linear.gather [hbm4b:s25+s20], $0x500, $0x38;
	[tilespmem:$0x1EA00] =	vst v63  }
0x29: {  	s25 =	rddreg [dreg:$0x8]  }
0x2a: {  	[tilespmem:s30], [sflag:$0x1] =	stream.linear.gather [hbm4b:s25+s20], $0x500, $0x38;
	[tilespmem:$0x1EA00] =	vst v63  }
0x2b: {  	s25 =	rddreg [dreg:$0x9]  }
0x2c: {  	[tilespmem:s26], [sflag:$0x1] =	stream.linear.gather [hbm4b:s25+s20], $0x500, $0x38;
	[tilespmem:$0x1EA00] =	vst v63  }
0x2d: {  	s25 =	rddreg [dreg:$0xa]  }
0x2e: {  	[tilespmem:s19], [sflag:$0x1] =	stream.linear.gather [hbm4b:s25+s20], $0x500, $0x38;
	[tilespmem:$0x1EA00] =	vst v63  }
0x2f: {  	s25 =	rddreg [dreg:$0xb]  }
0x30: {  	[tilespmem:s0], [sflag:$0x1] =	stream.linear.gather [hbm4b:s25+s20], $0x500, $0x38;
	[tilespmem:$0x1EA00] =	vst v63  }
0x31: {  	s25 =	rddreg [dreg:$0xc]  }
0x32: {  	[tilespmem:s3], [sflag:$0x1] =	stream.linear.gather [hbm4b:s25+s20], $0x500, $0x38;
	[tilespmem:$0x1EA00] =	vst v63  }
0x33: {  	s25 =	rddreg [dreg:$0xd]  }
0x34: {  	[tilespmem:s4], [sflag:$0x1] =	stream.linear.gather [hbm4b:s25+s20], $0x500, $0x38;
	[tilespmem:$0x1EA00] =	vst v63  }
0x35: {  	s25 =	rddreg [dreg:$0xe]  }
0x36: {  	[tilespmem:s5], [sflag:$0x1] =	stream.linear.gather [hbm4b:s25+s20], $0x500, $0x38;
	[tilespmem:$0x1EA00] =	vst v63  }
0x37: {  	s25 =	rddreg [dreg:$0xf]  }
0x38: {  	[tilespmem:s6], [sflag:$0x1] =	stream.linear.gather [hbm4b:s25+s20], $0x500, $0x38;
	[tilespmem:$0x1EA00] =	vst v63  }
0x39: {  	s25 =	rddreg [dreg:$0x10]  }
0x3a: {  	[tilespmem:s7], [sflag:$0x1] =	stream.linear.gather [hbm4b:s25+s20], $0x500, $0x38;
	[tilespmem:$0x1EA00] =	vst v63  }
0x3b: {  	s25 =	rddreg [dreg:$0x11]  }
0x3c: {  	[tilespmem:s8], [sflag:$0x1] =	stream.linear.gather [hbm4b:s25+s20], $0x500, $0x38;
	[tilespmem:$0x1EA00] =	vst v63  }
0x3d: {  	s25 =	rddreg [dreg:$0x12]  }
0x3e: {  	[tilespmem:s9], [sflag:$0x1] =	stream.linear.gather [hbm4b:s25+s20], $0x500, $0x38;
	[tilespmem:$0x1EA00] =	vst v63  }
0x3f: {  	s25 =	rddreg [dreg:$0x13]  }
0x40: {  	[tilespmem:s10], [sflag:$0x1] =	stream.linear.gather [hbm4b:s25+s20], $0x500, $0x38;
	[tilespmem:$0x1EA00] =	vst v63  }
0x41: {  	s25 =	rddreg [dreg:$0x14]  }
0x42: {  	[tilespmem:s11], [sflag:$0x1] =	stream.linear.gather [hbm4b:s25+s20], $0x500, $0x38;
	[tilespmem:$0x1EA00] =	vst v63  }
0x43: {  	s31 =	simm.s32 $0x0;
	s25 =	simm.s32 $0x200  }
.LBB2_2:
0x44: {  	p0 =	sne.s32 s25, $0x13E00;
	[tilespmem:s31+$0x5070] =	vst v0  }
0x45: {  	[tilespmem:s31+$0x5000] =	vst v0  }
0x46: {  	[tilespmem:s31+$0x5010] =	vst v0  }
.Ltmp0:
0x47: {  	[tilespmem:s31+$0x5020] =	vst v0;
	(pc) =	sbr.rel @p0 .LBB2_2-.Ltmp0, $4  }
0x48: {  	[tilespmem:s31+$0x5030] =	vst v0  }
0x49: {  	[tilespmem:s31+$0x5040] =	vst v0  }
0x4a: {  	[tilespmem:s31+$0x5050] =	vst v0  }
0x4b: {  	[tilespmem:s31+$0x5060] =	vst v0;
	s31 =	sshra.s32 s25, $0x2;
	s25 =	sadd.s32 $0x200, s25  }
0x4c: {  	[tilespmem:s31+$0x5070] =	vst v0  }
0x4d: {  	[tilespmem:s31+$0x5000] =	vst v0  }
0x4e: {  	[tilespmem:s31+$0x5010] =	vst v0  }
0x4f: {  	[tilespmem:s31+$0x5020] =	vst v0  }
0x50: {  	[tilespmem:s31+$0x5030] =	vst v0  }
0x51: {  	[tilespmem:s31+$0x5040] =	vst v0  }
0x52: {  	[tilespmem:s31+$0x5050] =	vst v0  }
0x53: {  	[tilespmem:s31+$0x5060] =	vst v0  }
0x54: {  	[spmem:s22] =	stream.linear.scatter [tilespmem:s12], [sflag:$0x4], $0x5000, $0x38;
	[tilespmem:$0x1EA00] =	vst v63  }
0x55: {  	_ =	swait.ge [sflag:s13], $0x5000  }
0x56: {  	[sflag:s13] =	ssyncset.done $0x0  }
0x57: {  	s25 =	simm.s32 $0x40;
	s31 =	simm.s32 $0x0;
	[sflag:s13] =	ssyncadd.s32 $0xFFFFB000  }
.LBB2_4:
0x58: {  	p0 =	sne.s32 s25, $0x13C0;
	[tilespmem:s31+$0x19000] =	vst v1;
	s31 =	smov.u32 s25;
	s25 =	sadd.s32 $0x40, s25  }
.Ltmp1:
0x59: {  	(pc) =	sbr.rel @p0 .LBB2_4-.Ltmp1, $2  }
0x5a: {  	_ =	sdelay $0x2  }
0x5b: {  	s31 =	sshra.s32 s31, $0x2  }
0x5c: {  	[tilespmem:s31+$0x19000] =	vst v1  }
0x5d: {  	[tilespmem:$0x19500] =	vst v0  }
0x5e: {  	[tilespmem:$0x19510] =	vst v0  }
0x5f: {  	[tilespmem:$0x19520] =	vst v0  }
0x60: {  	[tilespmem:$0x19530] =	vst v0  }
0x61: {  	[tilespmem:$0x19540] =	vst v0  }
0x62: {  	[tilespmem:$0x19550] =	vst v0  }
0x63: {  	[tilespmem:$0x19560] =	vst v0  }
0x64: {  	[tilespmem:$0x19570] =	vst v0  }
0x65: {  	[tilespmem:$0x19580] =	vst v0  }
0x66: {  	[tilespmem:$0x19590] =	vst v0  }
0x67: {  	[tilespmem:$0x195A0] =	vst v0  }
0x68: {  	[tilespmem:$0x195B0] =	vst v0  }
0x69: {  	[tilespmem:$0x195C0] =	vst v0  }
0x6a: {  	[tilespmem:$0x195D0] =	vst v0  }
0x6b: {  	[tilespmem:$0x195E0] =	vst v0  }
0x6c: {  	[tilespmem:$0x195F0] =	vst v0  }
0x6d: {  	[tilespmem:$0x19600] =	vst v0  }
0x6e: {  	[tilespmem:$0x19610] =	vst v0  }
0x6f: {  	[tilespmem:$0x19620] =	vst v0  }
0x70: {  	[tilespmem:$0x19630] =	vst v0  }
0x71: {  	[tilespmem:$0x19640] =	vst v0  }
0x72: {  	[tilespmem:$0x19650] =	vst v0  }
0x73: {  	[tilespmem:$0x19660] =	vst v0  }
0x74: {  	[tilespmem:$0x19670] =	vst v0  }
0x75: {  	[tilespmem:$0x19680] =	vst v0  }
0x76: {  	[tilespmem:$0x19690] =	vst v0  }
0x77: {  	[tilespmem:$0x196A0] =	vst v0  }
0x78: {  	[tilespmem:$0x196B0] =	vst v0  }
0x79: {  	[tilespmem:$0x196C0] =	vst v0  }
0x7a: {  	[tilespmem:$0x196D0] =	vst v0  }
0x7b: {  	[tilespmem:$0x196E0] =	vst v0  }
0x7c: {  	[tilespmem:$0x196F0] =	vst v0  }
0x7d: {  	[tilespmem:$0x19700] =	vst v0  }
0x7e: {  	[tilespmem:$0x19710] =	vst v0  }
0x7f: {  	[tilespmem:$0x19720] =	vst v0  }
0x80: {  	[tilespmem:$0x19730] =	vst v0  }
0x81: {  	[tilespmem:$0x19740] =	vst v0  }
0x82: {  	[tilespmem:$0x19750] =	vst v0  }
0x83: {  	[tilespmem:$0x19760] =	vst v0  }
0x84: {  	s25 =	simm.s32 $0x19500;
	[tilespmem:$0x19770] =	vst v0  }
0x85: {  	[spmem:s23] =	stream.linear.scatter [tilespmem:s25], [sflag:$0x4], $0x280, $0x38;
	[tilespmem:$0x1EA00] =	vst v63  }
0x86: {  	_ =	swait.ge [sflag:s13], $0x280  }
0x87: {  	[sflag:s13] =	ssyncset.done $0x0  }
0x88: {  	[sflag:s13] =	ssyncadd.s32 $0xFFFFFD80  }
0x89: {  	[bflag:$0x0] =	sbarrier.arrive $0xFFFF  }
0x8a: {  	_ =	swait.ge [sflag:s14], $0x500  }
0x8b: {  	[sflag:s14] =	ssyncset.done $0x0  }
0x8c: {  	[sflag:s14] =	ssyncadd.s32 $0xFFFFFB00  }
0x8d: {  	_ =	swait.ge [sflag:s14], $0x500  }
0x8e: {  	[sflag:s14] =	ssyncset.done $0x0  }
0x8f: {  	[sflag:s14] =	ssyncadd.s32 $0xFFFFFB00  }
0x90: {  	_ =	swait.ge [sflag:s14], $0x500  }
0x91: {  	[sflag:s14] =	ssyncset.done $0x0  }
0x92: {  	[sflag:s14] =	ssyncadd.s32 $0xFFFFFB00  }
0x93: {  	_ =	swait.ge [sflag:s14], $0x500  }
0x94: {  	[sflag:s14] =	ssyncset.done $0x0  }
0x95: {  	[sflag:s14] =	ssyncadd.s32 $0xFFFFFB00  }
0x96: {  	_ =	swait.ge [sflag:s14], $0x500  }
0x97: {  	[sflag:s14] =	ssyncset.done $0x0  }
0x98: {  	[sflag:s14] =	ssyncadd.s32 $0xFFFFFB00  }
0x99: {  	_ =	swait.ge [sflag:s14], $0x500  }
0x9a: {  	[sflag:s14] =	ssyncset.done $0x0  }
0x9b: {  	[sflag:s14] =	ssyncadd.s32 $0xFFFFFB00  }
0x9c: {  	_ =	swait.ge [sflag:s14], $0x500  }
0x9d: {  	[sflag:s14] =	ssyncset.done $0x0  }
0x9e: {  	[sflag:s14] =	ssyncadd.s32 $0xFFFFFB00  }
0x9f: {  	_ =	swait.ge [sflag:s14], $0x500  }
0xa0: {  	[sflag:s14] =	ssyncset.done $0x0  }
0xa1: {  	[sflag:s14] =	ssyncadd.s32 $0xFFFFFB00  }
0xa2: {  	_ =	swait.ge [sflag:s14], $0x500  }
0xa3: {  	[sflag:s14] =	ssyncset.done $0x0  }
0xa4: {  	[sflag:s14] =	ssyncadd.s32 $0xFFFFFB00  }
0xa5: {  	_ =	swait.ge [sflag:s14], $0x500  }
0xa6: {  	[sflag:s14] =	ssyncset.done $0x0  }
0xa7: {  	[sflag:s14] =	ssyncadd.s32 $0xFFFFFB00  }
0xa8: {  	_ =	swait.ge [sflag:s14], $0x500  }
0xa9: {  	[sflag:s14] =	ssyncset.done $0x0  }
0xaa: {  	[sflag:s14] =	ssyncadd.s32 $0xFFFFFB00  }
0xab: {  	_ =	swait.ge [sflag:s14], $0x500  }
0xac: {  	[sflag:s14] =	ssyncset.done $0x0  }
0xad: {  	[sflag:s14] =	ssyncadd.s32 $0xFFFFFB00  }
0xae: {  	_ =	swait.ge [sflag:s14], $0x500  }
0xaf: {  	[sflag:s14] =	ssyncset.done $0x0  }
0xb0: {  	[sflag:s14] =	ssyncadd.s32 $0xFFFFFB00  }
0xb1: {  	_ =	swait.ge [sflag:s14], $0x500  }
0xb2: {  	[sflag:s14] =	ssyncset.done $0x0  }
0xb3: {  	[sflag:s14] =	ssyncadd.s32 $0xFFFFFB00  }
0xb4: {  	_ =	swait.ge [sflag:s14], $0x500  }
0xb5: {  	[sflag:s14] =	ssyncset.done $0x0  }
0xb6: {  	[sflag:s14] =	ssyncadd.s32 $0xFFFFFB00  }
0xb7: {  	_ =	swait.ge [sflag:s14], $0x500  }
0xb8: {  	[sflag:s14] =	ssyncset.done $0x0  }
0xb9: {  	[sflag:s14] =	ssyncadd.s32 $0xFFFFFB00  }
0xba: {  	[tilespmem:s12], [sflag:$0x2] =	stream.indirect.gather [hbm4b:s21+s29], $0x20, s20, s29, $0xb8;
	[tilespmem:$0x1EA00] =	vst v63  }
0xbb: {  	_ = 	snop  }
0xbc: {  	[tilespmem:s15], [sflag:$0x3] =	stream.indirect.gather [hbm4b:s21+s29], $0x20, s29, s29, $0xb8;
	[tilespmem:$0x1EA00] =	vst v63  }
0xbd: {  	_ =	swait.ge [sflag:s16], $0xA000  }
0xbe: {  	[sflag:s16] =	ssyncset.done $0x0  }
0xbf: {  	[sflag:s16] =	ssyncadd.s32 $0xFFFF6000  }
0xc0: {  	[spmem:s1] =	stream.indirect.scatter.add.f32 [tilespmem:s12], [sflag:$0x4], $0x20, s28, s29, $0xb8;
	[tilespmem:$0x1EA00] =	vst v63  }
0xc1: {  	_ =	swait.ge [sflag:s13], $0xA000  }
0xc2: {  	[sflag:s13] =	ssyncset.done $0x0  }
0xc3: {  	[sflag:s13] =	ssyncadd.s32 $0xFFFF6000  }
0xc4: {  	[spmem:s2] =	stream.indirect.scatter.add.f32 [tilespmem:s17], [sflag:$0x4], $0x1, s28, s29, $0xb8;
	[tilespmem:$0x1EA00] =	vst v63  }
0xc5: {  	_ =	swait.ge [sflag:s13], $0x500  }
0xc6: {  	[sflag:s13] =	ssyncset.done $0x0  }
0xc7: {  	[sflag:s13] =	ssyncadd.s32 $0xFFFFFB00  }
0xc8: {  	[tilespmem:s12], [sflag:$0x2] =	stream.indirect.gather [hbm4b:s21+s29], $0x20, s26, s29, $0xb8;
	[tilespmem:$0x1EA00] =	vst v63  }
0xc9: {  	_ =	swait.ge [sflag:s18], $0xA000  }
0xca: {  	[sflag:s18] =	ssyncset.done $0x0  }
0xcb: {  	[sflag:s18] =	ssyncadd.s32 $0xFFFF6000  }
0xcc: {  	[spmem:s1] =	stream.indirect.scatter.add.f32 [tilespmem:s15], [sflag:$0x4], $0x20, s30, s29, $0xb8;
	[tilespmem:$0x1EA00] =	vst v63  }
0xcd: {  	_ =	swait.ge [sflag:s13], $0xA000  }
0xce: {  	[sflag:s13] =	ssyncset.done $0x0  }
0xcf: {  	[sflag:s13] =	ssyncadd.s32 $0xFFFF6000  }
0xd0: {  	[spmem:s2] =	stream.indirect.scatter.add.f32 [tilespmem:s17], [sflag:$0x4], $0x1, s30, s29, $0xb8;
	[tilespmem:$0x1EA00] =	vst v63  }
0xd1: {  	_ =	swait.ge [sflag:s13], $0x500  }
0xd2: {  	[sflag:s13] =	ssyncset.done $0x0  }
0xd3: {  	[sflag:s13] =	ssyncadd.s32 $0xFFFFFB00  }
0xd4: {  	[tilespmem:s15], [sflag:$0x3] =	stream.indirect.gather [hbm4b:s21+s29], $0x20, s0, s29, $0xb8;
	[tilespmem:$0x1EA00] =	vst v63  }
0xd5: {  	_ =	swait.ge [sflag:s16], $0xA000  }
0xd6: {  	[sflag:s16] =	ssyncset.done $0x0  }
0xd7: {  	[sflag:s16] =	ssyncadd.s32 $0xFFFF6000  }
0xd8: {  	[spmem:s1] =	stream.indirect.scatter.add.f32 [tilespmem:s12], [sflag:$0x4], $0x20, s19, s29, $0xb8;
	[tilespmem:$0x1EA00] =	vst v63  }
0xd9: {  	_ =	swait.ge [sflag:s13], $0xA000  }
0xda: {  	[sflag:s13] =	ssyncset.done $0x0  }
0xdb: {  	[sflag:s13] =	ssyncadd.s32 $0xFFFF6000  }
0xdc: {  	[spmem:s2] =	stream.indirect.scatter.add.f32 [tilespmem:s17], [sflag:$0x4], $0x1, s19, s29, $0xb8;
	[tilespmem:$0x1EA00] =	vst v63  }
0xdd: {  	_ =	swait.ge [sflag:s13], $0x500  }
0xde: {  	[sflag:s13] =	ssyncset.done $0x0  }
0xdf: {  	[sflag:s13] =	ssyncadd.s32 $0xFFFFFB00  }
0xe0: {  	[tilespmem:s12], [sflag:$0x2] =	stream.indirect.gather [hbm4b:s21+s29], $0x20, s4, s29, $0xb8;
	[tilespmem:$0x1EA00] =	vst v63  }
0xe1: {  	_ =	swait.ge [sflag:s18], $0xA000  }
0xe2: {  	[sflag:s18] =	ssyncset.done $0x0  }
0xe3: {  	[sflag:s18] =	ssyncadd.s32 $0xFFFF6000  }
0xe4: {  	[spmem:s1] =	stream.indirect.scatter.add.f32 [tilespmem:s15], [sflag:$0x4], $0x20, s3, s29, $0xb8;
	[tilespmem:$0x1EA00] =	vst v63  }
0xe5: {  	_ =	swait.ge [sflag:s13], $0xA000  }
0xe6: {  	[sflag:s13] =	ssyncset.done $0x0  }
0xe7: {  	[sflag:s13] =	ssyncadd.s32 $0xFFFF6000  }
0xe8: {  	[spmem:s2] =	stream.indirect.scatter.add.f32 [tilespmem:s17], [sflag:$0x4], $0x1, s3, s29, $0xb8;
	[tilespmem:$0x1EA00] =	vst v63  }
0xe9: {  	_ =	swait.ge [sflag:s13], $0x500  }
0xea: {  	[sflag:s13] =	ssyncset.done $0x0  }
0xeb: {  	[sflag:s13] =	ssyncadd.s32 $0xFFFFFB00  }
0xec: {  	[tilespmem:s15], [sflag:$0x3] =	stream.indirect.gather [hbm4b:s21+s29], $0x20, s6, s29, $0xb8;
	[tilespmem:$0x1EA00] =	vst v63  }
0xed: {  	_ =	swait.ge [sflag:s16], $0xA000  }
0xee: {  	[sflag:s16] =	ssyncset.done $0x0  }
0xef: {  	[sflag:s16] =	ssyncadd.s32 $0xFFFF6000  }
0xf0: {  	[spmem:s1] =	stream.indirect.scatter.add.f32 [tilespmem:s12], [sflag:$0x4], $0x20, s5, s29, $0xb8;
	[tilespmem:$0x1EA00] =	vst v63  }
0xf1: {  	_ =	swait.ge [sflag:s13], $0xA000  }
0xf2: {  	[sflag:s13] =	ssyncset.done $0x0  }
0xf3: {  	[sflag:s13] =	ssyncadd.s32 $0xFFFF6000  }
0xf4: {  	[spmem:s2] =	stream.indirect.scatter.add.f32 [tilespmem:s17], [sflag:$0x4], $0x1, s5, s29, $0xb8;
	[tilespmem:$0x1EA00] =	vst v63  }
0xf5: {  	_ =	swait.ge [sflag:s13], $0x500  }
0xf6: {  	[sflag:s13] =	ssyncset.done $0x0  }
0xf7: {  	[sflag:s13] =	ssyncadd.s32 $0xFFFFFB00  }
0xf8: {  	[tilespmem:s12], [sflag:$0x2] =	stream.indirect.gather [hbm4b:s21+s29], $0x20, s8, s29, $0xb8;
	[tilespmem:$0x1EA00] =	vst v63  }
0xf9: {  	_ =	swait.ge [sflag:s18], $0xA000  }
0xfa: {  	[sflag:s18] =	ssyncset.done $0x0  }
0xfb: {  	[sflag:s18] =	ssyncadd.s32 $0xFFFF6000  }
0xfc: {  	[spmem:s1] =	stream.indirect.scatter.add.f32 [tilespmem:s15], [sflag:$0x4], $0x20, s7, s29, $0xb8;
	[tilespmem:$0x1EA00] =	vst v63  }
0xfd: {  	_ =	swait.ge [sflag:s13], $0xA000  }
0xfe: {  	[sflag:s13] =	ssyncset.done $0x0  }
0xff: {  	[sflag:s13] =	ssyncadd.s32 $0xFFFF6000  }
0x100: {  	[spmem:s2] =	stream.indirect.scatter.add.f32 [tilespmem:s17], [sflag:$0x4], $0x1, s7, s29, $0xb8;
	[tilespmem:$0x1EA00] =	vst v63  }
0x101: {  	_ =	swait.ge [sflag:s13], $0x500  }
0x102: {  	[sflag:s13] =	ssyncset.done $0x0  }
0x103: {  	[sflag:s13] =	ssyncadd.s32 $0xFFFFFB00  }
0x104: {  	[tilespmem:s15], [sflag:$0x3] =	stream.indirect.gather [hbm4b:s21+s29], $0x20, s10, s29, $0xb8;
	[tilespmem:$0x1EA00] =	vst v63  }
0x105: {  	_ =	swait.ge [sflag:s16], $0xA000  }
0x106: {  	[sflag:s16] =	ssyncset.done $0x0  }
0x107: {  	[sflag:s16] =	ssyncadd.s32 $0xFFFF6000  }
0x108: {  	[spmem:s1] =	stream.indirect.scatter.add.f32 [tilespmem:s12], [sflag:$0x4], $0x20, s9, s29, $0xb8;
	[tilespmem:$0x1EA00] =	vst v63  }
0x109: {  	_ =	swait.ge [sflag:s13], $0xA000  }
0x10a: {  	[sflag:s13] =	ssyncset.done $0x0  }
0x10b: {  	[sflag:s13] =	ssyncadd.s32 $0xFFFF6000  }
0x10c: {  	[spmem:s2] =	stream.indirect.scatter.add.f32 [tilespmem:s17], [sflag:$0x4], $0x1, s9, s29, $0xb8;
	[tilespmem:$0x1EA00] =	vst v63  }
0x10d: {  	_ =	swait.ge [sflag:s13], $0x500  }
0x10e: {  	[sflag:s13] =	ssyncset.done $0x0  }
0x10f: {  	[sflag:s13] =	ssyncadd.s32 $0xFFFFFB00  }
0x110: {  	_ =	swait.ge [sflag:s18], $0xA000  }
0x111: {  	[sflag:s18] =	ssyncset.done $0x0  }
0x112: {  	[sflag:s18] =	ssyncadd.s32 $0xFFFF6000  }
0x113: {  	[spmem:s1] =	stream.indirect.scatter.add.f32 [tilespmem:s15], [sflag:$0x4], $0x20, s11, s29, $0xb8;
	[tilespmem:$0x1EA00] =	vst v63  }
0x114: {  	_ =	swait.ge [sflag:s13], $0xA000  }
0x115: {  	[sflag:s13] =	ssyncset.done $0x0  }
0x116: {  	[sflag:s13] =	ssyncadd.s32 $0xFFFF6000  }
0x117: {  	[spmem:s2] =	stream.indirect.scatter.add.f32 [tilespmem:s17], [sflag:$0x4], $0x1, s11, s29, $0xb8;
	[tilespmem:$0x1EA00] =	vst v63  }
0x118: {  	_ =	swait.ge [sflag:s13], $0x500  }
0x119: {  	[sflag:s13] =	ssyncset.done $0x0  }
0x11a: {  	s26 =	stileid.u32;
	[sflag:s13] =	ssyncadd.s32 $0xFFFFFB00  }
0x11b: {  	s25 =	sshll.u32 s26, $0x6;
	[bflag:$0x0] =	sbarrier.arrive $0xFFFF  }
0x11c: {  	s31 =	sshrl.u32 s22, $0x3;
	s25 =	sor.u32 $0x1C04, s25;
	s26 =	rddreg [dreg:$0x15]  }
0x11d: {  	[hbm:s26], [sflag:s25] =	dma.local [spmem:s31], $0xA00  }
0x11e: {  	_ =	swait.ge [sflag:s13], $0xA00  }
0x11f: {  	[sflag:s13] =	ssyncset.done $0x0  }
0x120: {  	s31 =	sshrl.u32 s23, $0x3;
	s26 =	rddreg [dreg:$0x16];
	[sflag:s13] =	ssyncadd.s32 $0xFFFFF600  }
0x121: {  	[hbm:s26], [sflag:s25] =	dma.local [spmem:s31], $0x50  }
0x122: {  	_ =	swait.ge [sflag:s13], $0x50  }
0x123: {  	s24 =	sadd.s32 $0x1, s24;
	s31 =	rddreg [dreg:$0x17]  }
0x124: {  	p0 =	sne.s32 s24, s31  }
.Ltmp2:
0x125: {  	_ = 	snop;
	(pc) =	sbr.rel @p0 .LBB2_1-.Ltmp2, $3  }
0x126: {  	_ =	sdelay $0x1  }
0x127: {  	[sflag:s13] =	ssyncset.done $0x0  }
0x128: {  	s26 =	simm.s32 $0xA00;
	[sflag:s13] =	ssyncadd.s32 $0xFFFFFFB0  }
0x129: {  	_ =	sfence.sel $0x180000  }
0x12a: {  	[bflag:$0x0] =	sbarrier.arrive $0xFFFF  }
0x12b: {  	_ =	strace $0x90000047  }
0x12c: {  	s0 =	stileid.u32;
	[bflag:$0x2] =	sbarrier.arrive $0xFFFF  }
0x12d: {  	p0 =	sne.s32 s0, $0x0;
	s0 =	rddreg [dreg:$0x4]  }
0x12e: {  	s0 =	sadd.s32 @!p0 $0x100000, s0  }
0x12f: {  	[sflag:s0] =	ssyncadd.tile.s32 @!p0 $0x1;
	_ =	shalt  }
.Lfunc_end2:
_tile_overlayer_lowered:
.L_overlay_start_2:
0x130: {  	(tag) =	ssettag $0x2  }
0x131: {  	s0 =	rddreg [dreg:$0x0];
	s2 =	stileid.u32  }
0x132: {  	s1 =	rddreg [dreg:$0x1];
	p0 =	sne.s32 s2, $0x0  }
0x133: {  	s3 =	rddreg [dreg:$0x2];
	[bflag:$0x3] =	sbarrier.arrive $0xFFFF;
	s2 =	simm.s32 @!p0 $0x1C04  }
0x134: {  	[timem:s3], [sflag:s2] =	dma.local @!p0 [hbm:s0], s1  }
0x135: {  	s0 =	simm.s32 @!p0 $0x4  }
0x136: {  	_ =	swait.ge @!p0 [sflag:s0], s1  }
0x137: {  	s1 =	ssub.s32 @!p0 $0x0, s1;
	[sflag:s0] =	ssyncset.done @!p0 $0x0  }
0x138: {  	[sflag:s0] =	ssyncadd.s32 @!p0 s1  }
0x139: {  	[bflag:$0x3] =	sbarrier.arrive $0xFFFF  }
0x13a: {  	_ =	shalt  }

</sc_bundles>
